<compile_context>
chip_gen: v7x
topology: tpu7x:2x2x1
jax: 0.10.2.dev20260603
libtpu: 0.0.44.dev20260713+nightly
codegen_flags: <defaults>
</compile_context>

<pallas_src>
import functools

import jax
import jax.numpy as jnp
from jax import lax
from jax.experimental import pallas as pl
from jax.experimental.pallas import tpu as pltpu
from jax.experimental.pallas import tpu_sc as plsc

B, N, DIM = 4, 4096, 1024
K = 1024
LH = DIM // 2
HH = DIM * 4
RT = B * N
PK = B * K
BT1 = 1024
BT2 = 512
NLANES = 16
NV = N // NLANES
NTILES = 32
_SQRT_HALF = 0.7071067811865476


def _gelu(h):
    return 0.5 * h * (1.0 + lax.erf(h * _SQRT_HALF))


def _rms(x, gamma_row, scale):
    ss = jnp.sum(x * x, axis=1, keepdims=True)
    return x * (scale / jnp.maximum(jnp.sqrt(ss), 1e-12)) * gamma_row


def _light_body(x_ref, rt_ref, g_ref, w1_ref, b1_ref, w2_ref, b2_ref,
                out_ref, sc_ref):
    x = x_ref[...]
    sc_ref[...] = jnp.dot(x, rt_ref[...], preferred_element_type=jnp.float32)
    normed = _rms(x, g_ref[...], DIM ** 0.5)
    h = jnp.dot(normed.astype(jnp.bfloat16), w1_ref[...],
                preferred_element_type=jnp.float32)
    h = _gelu(h + b1_ref[...])
    out_ref[...] = jnp.dot(h.astype(jnp.bfloat16), w2_ref[...],
                           preferred_element_type=jnp.float32) + b2_ref[...]


def _light_call(xf, rtp, g2, w1, b12, w2, b22):
    g = RT // BT1
    return pl.pallas_call(
        _light_body,
        grid=(g,),
        in_specs=[
            pl.BlockSpec((BT1, DIM), lambda i: (i, 0)),
            pl.BlockSpec((DIM, 128), lambda i: (0, 0)),
            pl.BlockSpec((1, DIM), lambda i: (0, 0)),
            pl.BlockSpec((DIM, LH), lambda i: (0, 0)),
            pl.BlockSpec((1, LH), lambda i: (0, 0)),
            pl.BlockSpec((LH, DIM), lambda i: (0, 0)),
            pl.BlockSpec((1, DIM), lambda i: (0, 0)),
        ],
        out_specs=[
            pl.BlockSpec((BT1, DIM), lambda i: (i, 0)),
            pl.BlockSpec((BT1, 128), lambda i: (i, 0)),
        ],
        out_shape=[
            jax.ShapeDtypeStruct((RT, DIM), jnp.float32),
            jax.ShapeDtypeStruct((RT, 128), jnp.float32),
        ],
    )(xf, rtp, g2, w1, b12, w2, b22)


def _heavy_body(p_ref, g_ref, w1_ref, b1_ref, w2_ref, b2_ref, out_ref):
    x = p_ref[...]
    normed = _rms(x, g_ref[...], DIM ** 0.5)
    h = jnp.dot(normed.astype(jnp.bfloat16), w1_ref[...],
                preferred_element_type=jnp.float32)
    h = _gelu(h + b1_ref[...])
    out_ref[...] = jnp.dot(h.astype(jnp.bfloat16), w2_ref[...],
                           preferred_element_type=jnp.float32) + b2_ref[...]


def _heavy_call(packed, g2, w1, b12, w2, b22):
    g = PK // BT2
    return pl.pallas_call(
        _heavy_body,
        grid=(g,),
        in_specs=[
            pl.BlockSpec((BT2, DIM), lambda i: (i, 0)),
            pl.BlockSpec((1, DIM), lambda i: (0, 0)),
            pl.BlockSpec((DIM, HH), lambda i: (0, 0)),
            pl.BlockSpec((1, HH), lambda i: (0, 0)),
            pl.BlockSpec((HH, DIM), lambda i: (0, 0)),
            pl.BlockSpec((1, DIM), lambda i: (0, 0)),
        ],
        out_specs=pl.BlockSpec((BT2, DIM), lambda i: (i, 0)),
        out_shape=jax.ShapeDtypeStruct((PK, DIM), jnp.float32),
    )(packed, g2, w1, b12, w2, b22)


def _wid():
    return lax.axis_index("s") * 2 + lax.axis_index("c")


_SC_PARAMS = pltpu.CompilerParams(needs_layout_passes=False)


def _make_topk(mesh):
    return functools.partial(
        pl.kernel,
        mesh=mesh,
        compiler_params=_SC_PARAMS,
        out_type=jax.ShapeDtypeStruct((PK,), jnp.int32),
        scratch_types=[pltpu.VMEM((N,), jnp.float32),
                       pltpu.VMEM((N,), jnp.uint32),
                       pltpu.VMEM((K,), jnp.int32)],
    )(_topk_body)


def _topk_body(scores_hbm, idx_hbm, sv, kv, idxv):
    wid = _wid()

    @pl.when(wid < B)
    def _():
        b = wid
        pltpu.sync_copy(scores_hbm.at[pl.ds(b * N, N)], sv)

        def conv(j, _):
            bits = lax.bitcast_convert_type(sv[pl.ds(j * NLANES, NLANES)],
                                            jnp.uint32)
            key = jnp.where(bits >> 31 != 0, ~bits,
                            bits | jnp.uint32(0x80000000))
            kv[pl.ds(j * NLANES, NLANES)] = key
            return 0

        lax.fori_loop(0, NV, conv, 0, unroll=4)

        def bs(i, carry):
            lo, bitv = carry
            cand = lo | bitv

            def cnt(j, acc):
                m = kv[pl.ds(j * NLANES, NLANES)] >= cand
                return acc + jnp.where(m, 1, 0)

            acc = lax.fori_loop(0, NV, cnt, jnp.zeros((NLANES,), jnp.int32),
                                unroll=8)
            npass = plsc.all_reduce_population_count(plsc.cumsum(acc) >= K)
            lo = jnp.where(npass > 0, cand, lo)
            return lo, bitv >> jnp.uint32(1)

        t, _unused = lax.fori_loop(
            0, 32, bs,
            (jnp.zeros((NLANES,), jnp.uint32),
             jnp.full((NLANES,), 0x80000000, jnp.uint32)))

        def pass_a(j, cur):
            k16 = kv[pl.ds(j * NLANES, NLANES)]
            m = k16 > t
            pos = cur + plsc.cumsum(jnp.where(m, 1, 0)) - 1
            tok = j * NLANES + lax.iota(jnp.int32, NLANES)
            plsc.store_scatter(idxv, [pos], b * N + tok, mask=m)
            return cur + plsc.all_reduce_population_count(m)

        c1 = lax.fori_loop(0, NV, pass_a, jnp.zeros((NLANES,), jnp.int32),
                           unroll=4)

        def pass_b(j, cur):
            k16 = kv[pl.ds(j * NLANES, NLANES)]
            m = k16 == t
            pos = cur + plsc.cumsum(jnp.where(m, 1, 0)) - 1
            mv = m & (pos < K)
            tok = j * NLANES + lax.iota(jnp.int32, NLANES)
            plsc.store_scatter(idxv, [pos], b * N + tok, mask=mv)
            return cur + plsc.all_reduce_population_count(m)

        lax.fori_loop(0, NV, pass_b, c1, unroll=4)

        pltpu.sync_copy(idxv, idx_hbm.at[pl.ds(b * K, K)])


_PGT = PK // NTILES
_GCH = 32
_GNCH = _PGT // _GCH


def _make_gather(mesh):
    return functools.partial(
        pl.kernel,
        mesh=mesh,
        out_type=jax.ShapeDtypeStruct((PK, DIM), jnp.float32),
        scratch_types=[pltpu.VMEM((_PGT,), jnp.int32),
                       pltpu.VMEM((_GCH, DIM), jnp.float32),
                       pltpu.VMEM((_GCH, DIM), jnp.float32),
                       pltpu.SemaphoreType.DMA,
                       pltpu.SemaphoreType.DMA,
                       pltpu.SemaphoreType.DMA,
                       pltpu.SemaphoreType.DMA],
    )(_gather_body)


def _gather_body(xf_hbm, idx_hbm, packed_hbm, idxv, rows0, rows1,
                 sg0, sg1, sw0, sw1):
    base = _wid() * _PGT
    sets = ((rows0, sg0, sw0), (rows1, sg1, sw1))
    pend = [None, None]
    wb = [None, None]
    pltpu.sync_copy(idx_hbm.at[pl.ds(base, _PGT)], idxv)
    for c in range(_GNCH + 1):
        if c < _GNCH:
            rows, sg, sw = sets[c % 2]
            if wb[c % 2] is not None:
                wb[c % 2].wait()
            pend[c % 2] = pltpu.async_copy(
                xf_hbm.at[idxv.at[pl.ds(c * _GCH, _GCH)]], rows, sg)
        if c >= 1:
            d = c - 1
            rows, sg, sw = sets[d % 2]
            pend[d % 2].wait()
            wb[d % 2] = pltpu.async_copy(
                rows, packed_hbm.at[pl.ds(base + d * _GCH, _GCH)], sw)
    wb[0].wait()
    wb[1].wait()


_RPP = PK // NTILES
_RCH = 16
_RNCH = _RPP // _RCH
_RVPC = _RCH * DIM // NLANES


def _make_rmw(mesh):
    return functools.partial(
        pl.kernel,
        mesh=mesh,
        out_type=(),
        scratch_types=[pltpu.VMEM((_RCH, DIM), jnp.float32),
                       pltpu.VMEM((_RCH, DIM), jnp.float32),
                       pltpu.VMEM((_RCH,), jnp.int32),
                       pltpu.VMEM((_RCH, DIM), jnp.float32),
                       pltpu.VMEM((_RCH, DIM), jnp.float32),
                       pltpu.VMEM((_RCH,), jnp.int32),
                       pltpu.SemaphoreType.DMA,
                       pltpu.SemaphoreType.DMA,
                       pltpu.SemaphoreType.DMA,
                       pltpu.SemaphoreType.DMA,
                       pltpu.SemaphoreType.DMA,
                       pltpu.SemaphoreType.DMA],
    )(_rmw_body)


def _rmw_body(out_hbm, routed_hbm, idx_hbm,
              gbuf0, rbuf0, idxc0, gbuf1, rbuf1, idxc1,
              sem_g0, sem_r0, sem_w0, sem_g1, sem_r1, sem_w1):
    base = _wid() * _RPP
    sets = ((gbuf0, rbuf0, idxc0, sem_g0, sem_r0, sem_w0),
            (gbuf1, rbuf1, idxc1, sem_g1, sem_r1, sem_w1))
    pend = [None, None]
    wb = [None, None]

    for c in range(_RNCH + 1):
        if c < _RNCH:
            gb, rb, ic, sg, sr, sw = sets[c % 2]
            st = base + c * _RCH
            if wb[c % 2] is not None:
                wb[c % 2].wait()
            pltpu.sync_copy(idx_hbm.at[pl.ds(st, _RCH)], ic)
            h_g = pltpu.async_copy(out_hbm.at[ic], gb, sg)
            h_r = pltpu.async_copy(routed_hbm.at[pl.ds(st, _RCH)], rb, sr)
            pend[c % 2] = (h_g, h_r)
        if c >= 1:
            d = c - 1
            gb, rb, ic, sg, sr, sw = sets[d % 2]
            h_g, h_r = pend[d % 2]
            h_g.wait()
            h_r.wait()

            def add16(t, _):
                r = t // (DIM // NLANES)
                jj = t % (DIM // NLANES)
                s = (r, pl.ds(jj * NLANES, NLANES))
                gb[s] = gb[s] + rb[s]
                return 0

            lax.fori_loop(0, _RVPC, add16, 0, unroll=8)
            wb[d % 2] = pltpu.async_copy(gb, out_hbm.at[ic], sw)
    wb[0].wait()
    wb[1].wait()


@functools.cache
def _sc_kernels():
    mesh = plsc.VectorSubcoreMesh(core_axis_name="c", subcore_axis_name="s")
    return _make_topk(mesh), _make_gather(mesh), _make_rmw(mesh)


def kernel(x, routing_token, gamma_light, w1_light, b1_light, w2_light,
           b2_light, gamma_heavy, w1_heavy, b1_heavy, w2_heavy, b2_heavy):
    _topk, _gather, _rmw = _sc_kernels()
    xf = x.reshape(RT, DIM)
    rtp = jnp.zeros((DIM, 128), jnp.float32).at[:, 0].set(routing_token)
    light_out, s128 = _light_call(
        xf, rtp, gamma_light.reshape(1, DIM),
        w1_light.astype(jnp.bfloat16), b1_light.reshape(1, LH),
        w2_light.astype(jnp.bfloat16), b2_light.reshape(1, DIM))
    scores = s128[:, 0]
    idx = _topk(scores)
    packed = _gather(xf, idx)
    routed = _heavy_call(
        packed, gamma_heavy.reshape(1, DIM), w1_heavy.astype(jnp.bfloat16),
        b1_heavy.reshape(1, HH), w2_heavy.astype(jnp.bfloat16),
        b2_heavy.reshape(1, DIM))
    out_ref = jax.new_ref(light_out)
    _rmw(out_ref, routed, idx)
    return out_ref[...].reshape(B, N, DIM)

# --- scband reference (transcript-rebuilt; emitter-appended) ---
"""Pipeline reference for scband-conditional-routed-feed-forward-55044300865625 (READ-ONLY COPY).

The authoritative reference and input builder live on the scoring server;
editing this copy changes nothing except your own understanding.
"""

import jax, jax.numpy as jnp
import numpy as np

B, N, DIM = 4, 4096, 1024
NUM_HEAVY_TOKENS = 1024
LIGHT_HIDDEN = int(DIM * 0.5)
HEAVY_HIDDEN = int(DIM * 4)


def setup_inputs(seed: int = 0) -> dict:
    key = jax.random.key(seed)
    ks = jax.random.split(key, 12)
    inp = {}
    inp['x'] = jax.random.normal(ks[0], (B, N, DIM), dtype=jnp.float32)
    inp['routing_token'] = jax.random.normal(ks[1], (DIM,), dtype=jnp.float32)
    inp['gamma_light'] = jnp.ones((DIM,), dtype=jnp.float32)
    inp['w1_light'] = jax.random.normal(ks[2], (DIM, LIGHT_HIDDEN), dtype=jnp.float32) * (1.0 / np.sqrt(DIM))
    inp['b1_light'] = jnp.zeros((LIGHT_HIDDEN,), dtype=jnp.float32)
    inp['w2_light'] = jax.random.normal(ks[3], (LIGHT_HIDDEN, DIM), dtype=jnp.float32) * (1.0 / np.sqrt(LIGHT_HIDDEN))
    inp['b2_light'] = jnp.zeros((DIM,), dtype=jnp.float32)
    inp['gamma_heavy'] = jnp.ones((DIM,), dtype=jnp.float32)
    inp['w1_heavy'] = jax.random.normal(ks[4], (DIM, HEAVY_HIDDEN), dtype=jnp.float32) * (1.0 / np.sqrt(DIM))
    inp['b1_heavy'] = jnp.zeros((HEAVY_HIDDEN,), dtype=jnp.float32)
    inp['w2_heavy'] = jax.random.normal(ks[5], (HEAVY_HIDDEN, DIM), dtype=jnp.float32) * (1.0 / np.sqrt(HEAVY_HIDDEN))
    inp['b2_heavy'] = jnp.zeros((DIM,), dtype=jnp.float32)
    return inp


def _rmsnorm(t, gamma):
    scale = t.shape[-1] ** 0.5
    normed = t / jnp.maximum(jnp.linalg.norm(t, axis=-1, keepdims=True), 1e-12)
    return normed * scale * gamma


def _ff(t, gamma, w1, b1, w2, b2):
    h = _rmsnorm(t, gamma)
    h = h @ w1 + b1
    h = jax.nn.gelu(h, approximate=False)
    return h @ w2 + b2


def reference(x, routing_token, gamma_light, w1_light, b1_light, w2_light, b2_light,
              gamma_heavy, w1_heavy, b1_heavy, w2_heavy, b2_heavy):
    num_tokens = NUM_HEAVY_TOKENS
    b = x.shape[0]

    # light branch on all tokens
    light_out = _ff(x, gamma_light, w1_light, b1_light, w2_light, b2_light)

    # DifferentiableTopKRouter (cum_softmax), single routing token, no mask, temperature=1.0
    scores = jnp.einsum('bnd,d->bn', x, routing_token)
    idx = jnp.argsort(scores, axis=-1)  # ascending, matches torch.sort
    sorted_scores = jnp.take_along_axis(scores, idx, axis=-1)
    sorted_scores = sorted_scores - jax.lax.stop_gradient(
        jnp.max(sorted_scores, axis=-1, keepdims=True))
    exp_scores = jnp.exp(sorted_scores)
    cum_softmax = exp_scores / jnp.clip(jnp.cumsum(exp_scores, axis=-1), 1e-6, None)
    selected_scores = cum_softmax[:, -num_tokens:]
    selected_indices = idx[:, -num_tokens:]
    # straight-through: value -> 1.0, gradient flows through selected_scores
    selected_scores = selected_scores + jax.lax.stop_gradient(1.0 - selected_scores)

    batch_range = jnp.arange(b)[:, None]
    routed_tokens = x[batch_range, selected_indices]  # gather [b, k, d]
    routed_out = _ff(routed_tokens, gamma_heavy, w1_heavy, b1_heavy, w2_heavy, b2_heavy)
    routed_out = routed_out * selected_scores[..., None]

    # scatter-add heavy outputs back onto light outputs
    out = light_out.at[batch_range, selected_indices].add(routed_out)
    return out

if __name__ == "__main__":
    import jax
    _d = setup_inputs()
    print(jax.jit(kernel)(*tuple(_d.values())))

</pallas_src>

<mosaic_0001>
#map = affine_map<(d0, d1) -> (0, 0)>
#map1 = affine_map<(d0, d1) -> (0)>
module attributes {stable_mosaic.version = 14 : i64} {
  func.func @_gather_body(%arg0: i32, %arg1: i32, %arg2: memref<16384x1024xf32, #tpu.memory_space<hbm>>, %arg3: memref<4096xi32, #tpu.memory_space<hbm>>, %arg4: memref<4096x1024xf32, #tpu.memory_space<hbm>>, %arg5: memref<128xi32, #tpu.memory_space<vmem>>, %arg6: memref<32x1024xf32, #tpu.memory_space<vmem>>, %arg7: memref<32x1024xf32, #tpu.memory_space<vmem>>, %arg8: memref<!tpu.dma_semaphore, #tpu.memory_space<semaphore_mem>>, %arg9: memref<!tpu.dma_semaphore, #tpu.memory_space<semaphore_mem>>, %arg10: memref<!tpu.dma_semaphore, #tpu.memory_space<semaphore_mem>>, %arg11: memref<!tpu.dma_semaphore, #tpu.memory_space<semaphore_mem>>) attributes {dimension_semantics = [#tpu.dimension_semantics<core_parallel>, #tpu.dimension_semantics<subcore_parallel>], iteration_bounds = array<i64: 2, 16>, scalar_prefetch = 0 : i64, scratch_operands = 7 : i64, tpu.core_type = #tpu.core_type<sc_vector_subcore>, window_params = [{transform_indices = #map}, {transform_indices = #map1}, {transform_indices = #map}]} {
    %mul3A = arith.constant 2 : i32
    %mul3A_0 = arith.muli %arg1, %mul3A : i32
    %add3A = arith.addi %mul3A_0, %arg0 : i32
    %mul3A_1 = arith.constant 128 : i32
    %mul3A_2 = arith.muli %add3A, %mul3A_1 : i32
    "tpu.region"() ({
      %run_scoped3A = tpu.sem_alloc : memref<!tpu.dma_semaphore, #tpu.memory_space<semaphore_mem>>
      %dma_start3A_81 = tpu.memref_slice %arg3[%mul3A_2] : memref<4096xi32, #tpu.memory_space<hbm>> -> memref<128xi32, #tpu.memory_space<hbm>>
      %dma_start3A_82 = tpu.memref_slice %arg3[%mul3A_2] : memref<4096xi32, #tpu.memory_space<hbm>> -> memref<128xi32, #tpu.memory_space<hbm>>
      tpu.enqueue_dma source(%dma_start3A_82 : memref<128xi32, #tpu.memory_space<hbm>>) target(%arg5 : memref<128xi32, #tpu.memory_space<vmem>>) target_semaphore(%run_scoped3A : memref<!tpu.dma_semaphore, #tpu.memory_space<semaphore_mem>>)
      %dma_wait3A_83 = tpu.memref_slice %arg3[%mul3A_2] : memref<4096xi32, #tpu.memory_space<hbm>> -> memref<128xi32, #tpu.memory_space<hbm>>
      %dma_wait3A_84 = tpu.memref_slice %arg3[%mul3A_2] : memref<4096xi32, #tpu.memory_space<hbm>> -> memref<128xi32, #tpu.memory_space<hbm>>
      tpu.wait_dma2 semaphore(%run_scoped3A : memref<!tpu.dma_semaphore, #tpu.memory_space<semaphore_mem>>) src(%dma_wait3A_84 : memref<128xi32, #tpu.memory_space<hbm>>) dst(%arg5 : memref<128xi32, #tpu.memory_space<vmem>>)
      tpu.yield
    }) : () -> ()
    %dma_start3A = arith.constant 0 : i32
    %dma_start3A_3 = tpu.memref_slice %arg5[%dma_start3A] : memref<128xi32, #tpu.memory_space<vmem>> -> memref<32xi32, #tpu.memory_space<vmem>>
    %dma_start3A_4 = arith.constant 0 : i32
    %dma_start3A_5 = arith.constant 0 : i32
    %dma_start3A_6 = tpu.memref_slice %arg2[%dma_start3A_4, %dma_start3A_5] : memref<16384x1024xf32, #tpu.memory_space<hbm>> -> memref<16384x1024xf32, #tpu.memory_space<hbm>>
    tpu.enqueue_indirect_dma source(%dma_start3A_6 : memref<16384x1024xf32, #tpu.memory_space<hbm>>) target(%arg6 : memref<32x1024xf32, #tpu.memory_space<vmem>>) offsets(%dma_start3A_3 : memref<32xi32, #tpu.memory_space<vmem>>) semaphore(%arg8 : memref<!tpu.dma_semaphore, #tpu.memory_space<semaphore_mem>>)
    %dma_start3A_7 = arith.constant 32 : i32
    %dma_start3A_8 = tpu.memref_slice %arg5[%dma_start3A_7] : memref<128xi32, #tpu.memory_space<vmem>> -> memref<32xi32, #tpu.memory_space<vmem>>
    %dma_start3A_9 = arith.constant 0 : i32
    %dma_start3A_10 = arith.constant 0 : i32
    %dma_start3A_11 = tpu.memref_slice %arg2[%dma_start3A_9, %dma_start3A_10] : memref<16384x1024xf32, #tpu.memory_space<hbm>> -> memref<16384x1024xf32, #tpu.memory_space<hbm>>
    tpu.enqueue_indirect_dma source(%dma_start3A_11 : memref<16384x1024xf32, #tpu.memory_space<hbm>>) target(%arg7 : memref<32x1024xf32, #tpu.memory_space<vmem>>) offsets(%dma_start3A_8 : memref<32xi32, #tpu.memory_space<vmem>>) semaphore(%arg9 : memref<!tpu.dma_semaphore, #tpu.memory_space<semaphore_mem>>)
    %dma_wait3A = arith.constant 0 : i32
    %dma_wait3A_12 = tpu.memref_slice %arg5[%dma_wait3A] : memref<128xi32, #tpu.memory_space<vmem>> -> memref<32xi32, #tpu.memory_space<vmem>>
    %dma_wait3A_13 = arith.constant 0 : i32
    %dma_wait3A_14 = arith.constant 0 : i32
    %dma_wait3A_15 = tpu.memref_slice %arg2[%dma_wait3A_13, %dma_wait3A_14] : memref<16384x1024xf32, #tpu.memory_space<hbm>> -> memref<16384x1024xf32, #tpu.memory_space<hbm>>
    tpu.wait_indirect_dma semaphore(%arg8 : memref<!tpu.dma_semaphore, #tpu.memory_space<semaphore_mem>>) src(%dma_wait3A_15 : memref<16384x1024xf32, #tpu.memory_space<hbm>>) dst(%arg6 : memref<32x1024xf32, #tpu.memory_space<vmem>>)
    %add3A_16 = arith.constant 0 : i32
    %add3A_17 = arith.addi %mul3A_2, %add3A_16 : i32
    %dma_start3A_18 = arith.constant 0 : i32
    %dma_start3A_19 = tpu.memref_slice %arg4[%add3A_17, %dma_start3A_18] : memref<4096x1024xf32, #tpu.memory_space<hbm>> -> memref<32x1024xf32, #tpu.memory_space<hbm>>
    %dma_start3A_20 = arith.constant 0 : i32
    %dma_start3A_21 = tpu.memref_slice %arg4[%add3A_17, %dma_start3A_20] : memref<4096x1024xf32, #tpu.memory_space<hbm>> -> memref<32x1024xf32, #tpu.memory_space<hbm>>
    tpu.enqueue_dma source(%arg6 : memref<32x1024xf32, #tpu.memory_space<vmem>>) target(%dma_start3A_21 : memref<32x1024xf32, #tpu.memory_space<hbm>>) target_semaphore(%arg10 : memref<!tpu.dma_semaphore, #tpu.memory_space<semaphore_mem>>)
    %dma_wait3A_22 = arith.constant 0 : i32
    %dma_wait3A_23 = tpu.memref_slice %arg4[%add3A_17, %dma_wait3A_22] : memref<4096x1024xf32, #tpu.memory_space<hbm>> -> memref<32x1024xf32, #tpu.memory_space<hbm>>
    %dma_wait3A_24 = arith.constant 0 : i32
    %dma_wait3A_25 = tpu.memref_slice %arg4[%add3A_17, %dma_wait3A_24] : memref<4096x1024xf32, #tpu.memory_space<hbm>> -> memref<32x1024xf32, #tpu.memory_space<hbm>>
    tpu.wait_dma2 semaphore(%arg10 : memref<!tpu.dma_semaphore, #tpu.memory_space<semaphore_mem>>) src(%arg6 : memref<32x1024xf32, #tpu.memory_space<vmem>>) dst(%dma_wait3A_25 : memref<32x1024xf32, #tpu.memory_space<hbm>>)
    %dma_start3A_26 = arith.constant 64 : i32
    %dma_start3A_27 = tpu.memref_slice %arg5[%dma_start3A_26] : memref<128xi32, #tpu.memory_space<vmem>> -> memref<32xi32, #tpu.memory_space<vmem>>
    %dma_start3A_28 = arith.constant 0 : i32
    %dma_start3A_29 = arith.constant 0 : i32
    %dma_start3A_30 = tpu.memref_slice %arg2[%dma_start3A_28, %dma_start3A_29] : memref<16384x1024xf32, #tpu.memory_space<hbm>> -> memref<16384x1024xf32, #tpu.memory_space<hbm>>
    tpu.enqueue_indirect_dma source(%dma_start3A_30 : memref<16384x1024xf32, #tpu.memory_space<hbm>>) target(%arg6 : memref<32x1024xf32, #tpu.memory_space<vmem>>) offsets(%dma_start3A_27 : memref<32xi32, #tpu.memory_space<vmem>>) semaphore(%arg8 : memref<!tpu.dma_semaphore, #tpu.memory_space<semaphore_mem>>)
    %dma_wait3A_31 = arith.constant 32 : i32
    %dma_wait3A_32 = tpu.memref_slice %arg5[%dma_wait3A_31] : memref<128xi32, #tpu.memory_space<vmem>> -> memref<32xi32, #tpu.memory_space<vmem>>
    %dma_wait3A_33 = arith.constant 0 : i32
    %dma_wait3A_34 = arith.constant 0 : i32
    %dma_wait3A_35 = tpu.memref_slice %arg2[%dma_wait3A_33, %dma_wait3A_34] : memref<16384x1024xf32, #tpu.memory_space<hbm>> -> memref<16384x1024xf32, #tpu.memory_space<hbm>>
    tpu.wait_indirect_dma semaphore(%arg9 : memref<!tpu.dma_semaphore, #tpu.memory_space<semaphore_mem>>) src(%dma_wait3A_35 : memref<16384x1024xf32, #tpu.memory_space<hbm>>) dst(%arg7 : memref<32x1024xf32, #tpu.memory_space<vmem>>)
    %add3A_36 = arith.constant 32 : i32
    %add3A_37 = arith.addi %mul3A_2, %add3A_36 : i32
    %dma_start3A_38 = arith.constant 0 : i32
    %dma_start3A_39 = tpu.memref_slice %arg4[%add3A_37, %dma_start3A_38] : memref<4096x1024xf32, #tpu.memory_space<hbm>> -> memref<32x1024xf32, #tpu.memory_space<hbm>>
    %dma_start3A_40 = arith.constant 0 : i32
    %dma_start3A_41 = tpu.memref_slice %arg4[%add3A_37, %dma_start3A_40] : memref<4096x1024xf32, #tpu.memory_space<hbm>> -> memref<32x1024xf32, #tpu.memory_space<hbm>>
    tpu.enqueue_dma source(%arg7 : memref<32x1024xf32, #tpu.memory_space<vmem>>) target(%dma_start3A_41 : memref<32x1024xf32, #tpu.memory_space<hbm>>) target_semaphore(%arg11 : memref<!tpu.dma_semaphore, #tpu.memory_space<semaphore_mem>>)
    %dma_wait3A_42 = arith.constant 0 : i32
    %dma_wait3A_43 = tpu.memref_slice %arg4[%add3A_37, %dma_wait3A_42] : memref<4096x1024xf32, #tpu.memory_space<hbm>> -> memref<32x1024xf32, #tpu.memory_space<hbm>>
    %dma_wait3A_44 = arith.constant 0 : i32
    %dma_wait3A_45 = tpu.memref_slice %arg4[%add3A_37, %dma_wait3A_44] : memref<4096x1024xf32, #tpu.memory_space<hbm>> -> memref<32x1024xf32, #tpu.memory_space<hbm>>
    tpu.wait_dma2 semaphore(%arg11 : memref<!tpu.dma_semaphore, #tpu.memory_space<semaphore_mem>>) src(%arg7 : memref<32x1024xf32, #tpu.memory_space<vmem>>) dst(%dma_wait3A_45 : memref<32x1024xf32, #tpu.memory_space<hbm>>)
    %dma_start3A_46 = arith.constant 96 : i32
    %dma_start3A_47 = tpu.memref_slice %arg5[%dma_start3A_46] : memref<128xi32, #tpu.memory_space<vmem>> -> memref<32xi32, #tpu.memory_space<vmem>>
    %dma_start3A_48 = arith.constant 0 : i32
    %dma_start3A_49 = arith.constant 0 : i32
    %dma_start3A_50 = tpu.memref_slice %arg2[%dma_start3A_48, %dma_start3A_49] : memref<16384x1024xf32, #tpu.memory_space<hbm>> -> memref<16384x1024xf32, #tpu.memory_space<hbm>>
    tpu.enqueue_indirect_dma source(%dma_start3A_50 : memref<16384x1024xf32, #tpu.memory_space<hbm>>) target(%arg7 : memref<32x1024xf32, #tpu.memory_space<vmem>>) offsets(%dma_start3A_47 : memref<32xi32, #tpu.memory_space<vmem>>) semaphore(%arg9 : memref<!tpu.dma_semaphore, #tpu.memory_space<semaphore_mem>>)
    %dma_wait3A_51 = arith.constant 64 : i32
    %dma_wait3A_52 = tpu.memref_slice %arg5[%dma_wait3A_51] : memref<128xi32, #tpu.memory_space<vmem>> -> memref<32xi32, #tpu.memory_space<vmem>>
    %dma_wait3A_53 = arith.constant 0 : i32
    %dma_wait3A_54 = arith.constant 0 : i32
    %dma_wait3A_55 = tpu.memref_slice %arg2[%dma_wait3A_53, %dma_wait3A_54] : memref<16384x1024xf32, #tpu.memory_space<hbm>> -> memref<16384x1024xf32, #tpu.memory_space<hbm>>
    tpu.wait_indirect_dma semaphore(%arg8 : memref<!tpu.dma_semaphore, #tpu.memory_space<semaphore_mem>>) src(%dma_wait3A_55 : memref<16384x1024xf32, #tpu.memory_space<hbm>>) dst(%arg6 : memref<32x1024xf32, #tpu.memory_space<vmem>>)
    %add3A_56 = arith.constant 64 : i32
    %add3A_57 = arith.addi %mul3A_2, %add3A_56 : i32
    %dma_start3A_58 = arith.constant 0 : i32
    %dma_start3A_59 = tpu.memref_slice %arg4[%add3A_57, %dma_start3A_58] : memref<4096x1024xf32, #tpu.memory_space<hbm>> -> memref<32x1024xf32, #tpu.memory_space<hbm>>
    %dma_start3A_60 = arith.constant 0 : i32
    %dma_start3A_61 = tpu.memref_slice %arg4[%add3A_57, %dma_start3A_60] : memref<4096x1024xf32, #tpu.memory_space<hbm>> -> memref<32x1024xf32, #tpu.memory_space<hbm>>
    tpu.enqueue_dma source(%arg6 : memref<32x1024xf32, #tpu.memory_space<vmem>>) target(%dma_start3A_61 : memref<32x1024xf32, #tpu.memory_space<hbm>>) target_semaphore(%arg10 : memref<!tpu.dma_semaphore, #tpu.memory_space<semaphore_mem>>)
    %dma_wait3A_62 = arith.constant 96 : i32
    %dma_wait3A_63 = tpu.memref_slice %arg5[%dma_wait3A_62] : memref<128xi32, #tpu.memory_space<vmem>> -> memref<32xi32, #tpu.memory_space<vmem>>
    %dma_wait3A_64 = arith.constant 0 : i32
    %dma_wait3A_65 = arith.constant 0 : i32
    %dma_wait3A_66 = tpu.memref_slice %arg2[%dma_wait3A_64, %dma_wait3A_65] : memref<16384x1024xf32, #tpu.memory_space<hbm>> -> memref<16384x1024xf32, #tpu.memory_space<hbm>>
    tpu.wait_indirect_dma semaphore(%arg9 : memref<!tpu.dma_semaphore, #tpu.memory_space<semaphore_mem>>) src(%dma_wait3A_66 : memref<16384x1024xf32, #tpu.memory_space<hbm>>) dst(%arg7 : memref<32x1024xf32, #tpu.memory_space<vmem>>)
    %add3A_67 = arith.constant 96 : i32
    %add3A_68 = arith.addi %mul3A_2, %add3A_67 : i32
    %dma_start3A_69 = arith.constant 0 : i32
    %dma_start3A_70 = tpu.memref_slice %arg4[%add3A_68, %dma_start3A_69] : memref<4096x1024xf32, #tpu.memory_space<hbm>> -> memref<32x1024xf32, #tpu.memory_space<hbm>>
    %dma_start3A_71 = arith.constant 0 : i32
    %dma_start3A_72 = tpu.memref_slice %arg4[%add3A_68, %dma_start3A_71] : memref<4096x1024xf32, #tpu.memory_space<hbm>> -> memref<32x1024xf32, #tpu.memory_space<hbm>>
    tpu.enqueue_dma source(%arg7 : memref<32x1024xf32, #tpu.memory_space<vmem>>) target(%dma_start3A_72 : memref<32x1024xf32, #tpu.memory_space<hbm>>) target_semaphore(%arg11 : memref<!tpu.dma_semaphore, #tpu.memory_space<semaphore_mem>>)
    %dma_wait3A_73 = arith.constant 0 : i32
    %dma_wait3A_74 = tpu.memref_slice %arg4[%add3A_57, %dma_wait3A_73] : memref<4096x1024xf32, #tpu.memory_space<hbm>> -> memref<32x1024xf32, #tpu.memory_space<hbm>>
    %dma_wait3A_75 = arith.constant 0 : i32
    %dma_wait3A_76 = tpu.memref_slice %arg4[%add3A_57, %dma_wait3A_75] : memref<4096x1024xf32, #tpu.memory_space<hbm>> -> memref<32x1024xf32, #tpu.memory_space<hbm>>
    tpu.wait_dma2 semaphore(%arg10 : memref<!tpu.dma_semaphore, #tpu.memory_space<semaphore_mem>>) src(%arg6 : memref<32x1024xf32, #tpu.memory_space<vmem>>) dst(%dma_wait3A_76 : memref<32x1024xf32, #tpu.memory_space<hbm>>)
    %dma_wait3A_77 = arith.constant 0 : i32
    %dma_wait3A_78 = tpu.memref_slice %arg4[%add3A_68, %dma_wait3A_77] : memref<4096x1024xf32, #tpu.memory_space<hbm>> -> memref<32x1024xf32, #tpu.memory_space<hbm>>
    %dma_wait3A_79 = arith.constant 0 : i32
    %dma_wait3A_80 = tpu.memref_slice %arg4[%add3A_68, %dma_wait3A_79] : memref<4096x1024xf32, #tpu.memory_space<hbm>> -> memref<32x1024xf32, #tpu.memory_space<hbm>>
    tpu.wait_dma2 semaphore(%arg11 : memref<!tpu.dma_semaphore, #tpu.memory_space<semaphore_mem>>) src(%arg7 : memref<32x1024xf32, #tpu.memory_space<vmem>>) dst(%dma_wait3A_80 : memref<32x1024xf32, #tpu.memory_space<hbm>>)
    return
  }
}

#map = affine_map<(d0, d1) -> (0, 0)>
#map1 = affine_map<(d0, d1) -> (0)>
module attributes {stable_mosaic.version = 14 : i64} {
  func.func @new_body(%arg0: i32, %arg1: i32, %arg2: memref<16384x1024xf32, #tpu.memory_space<hbm>>, %arg3: memref<4096x1024xf32, #tpu.memory_space<hbm>>, %arg4: memref<4096xi32, #tpu.memory_space<hbm>>, %arg5: memref<16384x1024xf32, #tpu.memory_space<hbm>>, %arg6: memref<16x1024xf32, #tpu.memory_space<vmem>>, %arg7: memref<16x1024xf32, #tpu.memory_space<vmem>>, %arg8: memref<16xi32, #tpu.memory_space<vmem>>, %arg9: memref<16x1024xf32, #tpu.memory_space<vmem>>, %arg10: memref<16x1024xf32, #tpu.memory_space<vmem>>, %arg11: memref<16xi32, #tpu.memory_space<vmem>>, %arg12: memref<!tpu.dma_semaphore, #tpu.memory_space<semaphore_mem>>, %arg13: memref<!tpu.dma_semaphore, #tpu.memory_space<semaphore_mem>>, %arg14: memref<!tpu.dma_semaphore, #tpu.memory_space<semaphore_mem>>, %arg15: memref<!tpu.dma_semaphore, #tpu.memory_space<semaphore_mem>>, %arg16: memref<!tpu.dma_semaphore, #tpu.memory_space<semaphore_mem>>, %arg17: memref<!tpu.dma_semaphore, #tpu.memory_space<semaphore_mem>>) attributes {dimension_semantics = [#tpu.dimension_semantics<core_parallel>, #tpu.dimension_semantics<subcore_parallel>], iteration_bounds = array<i64: 2, 16>, scalar_prefetch = 0 : i64, scratch_operands = 12 : i64, tpu.core_type = #tpu.core_type<sc_vector_subcore>, window_params = [{transform_indices = #map}, {transform_indices = #map}, {transform_indices = #map1}, {transform_indices = #map}]} {
    %mul3A = arith.constant 2 : i32
    %mul3A_0 = arith.muli %arg1, %mul3A : i32
    %add3A = arith.addi %mul3A_0, %arg0 : i32
    %mul3A_1 = arith.constant 128 : i32
    %mul3A_2 = arith.muli %add3A, %mul3A_1 : i32
    %add3A_3 = arith.constant 0 : i32
    %add3A_4 = arith.addi %mul3A_2, %add3A_3 : i32
    "tpu.region"() ({
      %run_scoped3A = tpu.sem_alloc : memref<!tpu.dma_semaphore, #tpu.memory_space<semaphore_mem>>
      %dma_start3A_232 = tpu.memref_slice %arg4[%add3A_4] : memref<4096xi32, #tpu.memory_space<hbm>> -> memref<16xi32, #tpu.memory_space<hbm>>
      %dma_start3A_233 = tpu.memref_slice %arg4[%add3A_4] : memref<4096xi32, #tpu.memory_space<hbm>> -> memref<16xi32, #tpu.memory_space<hbm>>
      tpu.enqueue_dma source(%dma_start3A_233 : memref<16xi32, #tpu.memory_space<hbm>>) target(%arg8 : memref<16xi32, #tpu.memory_space<vmem>>) target_semaphore(%run_scoped3A : memref<!tpu.dma_semaphore, #tpu.memory_space<semaphore_mem>>)
      %dma_wait3A_234 = tpu.memref_slice %arg4[%add3A_4] : memref<4096xi32, #tpu.memory_space<hbm>> -> memref<16xi32, #tpu.memory_space<hbm>>
      %dma_wait3A_235 = tpu.memref_slice %arg4[%add3A_4] : memref<4096xi32, #tpu.memory_space<hbm>> -> memref<16xi32, #tpu.memory_space<hbm>>
      tpu.wait_dma2 semaphore(%run_scoped3A : memref<!tpu.dma_semaphore, #tpu.memory_space<semaphore_mem>>) src(%dma_wait3A_235 : memref<16xi32, #tpu.memory_space<hbm>>) dst(%arg8 : memref<16xi32, #tpu.memory_space<vmem>>)
      tpu.yield
    }) : () -> ()
    %dma_start3A = arith.constant 0 : i32
    %dma_start3A_5 = arith.constant 0 : i32
    %dma_start3A_6 = tpu.memref_slice %arg2[%dma_start3A, %dma_start3A_5] : memref<16384x1024xf32, #tpu.memory_space<hbm>> -> memref<16384x1024xf32, #tpu.memory_space<hbm>>
    tpu.enqueue_indirect_dma source(%dma_start3A_6 : memref<16384x1024xf32, #tpu.memory_space<hbm>>) target(%arg6 : memref<16x1024xf32, #tpu.memory_space<vmem>>) offsets(%arg8 : memref<16xi32, #tpu.memory_space<vmem>>) semaphore(%arg12 : memref<!tpu.dma_semaphore, #tpu.memory_space<semaphore_mem>>)
    %dma_start3A_7 = arith.constant 0 : i32
    %dma_start3A_8 = tpu.memref_slice %arg3[%add3A_4, %dma_start3A_7] : memref<4096x1024xf32, #tpu.memory_space<hbm>> -> memref<16x1024xf32, #tpu.memory_space<hbm>>
    %dma_start3A_9 = arith.constant 0 : i32
    %dma_start3A_10 = tpu.memref_slice %arg3[%add3A_4, %dma_start3A_9] : memref<4096x1024xf32, #tpu.memory_space<hbm>> -> memref<16x1024xf32, #tpu.memory_space<hbm>>
    tpu.enqueue_dma source(%dma_start3A_10 : memref<16x1024xf32, #tpu.memory_space<hbm>>) target(%arg7 : memref<16x1024xf32, #tpu.memory_space<vmem>>) target_semaphore(%arg13 : memref<!tpu.dma_semaphore, #tpu.memory_space<semaphore_mem>>)
    %add3A_11 = arith.constant 16 : i32
    %add3A_12 = arith.addi %mul3A_2, %add3A_11 : i32
    "tpu.region"() ({
      %run_scoped3A = tpu.sem_alloc : memref<!tpu.dma_semaphore, #tpu.memory_space<semaphore_mem>>
      %dma_start3A_232 = tpu.memref_slice %arg4[%add3A_12] : memref<4096xi32, #tpu.memory_space<hbm>> -> memref<16xi32, #tpu.memory_space<hbm>>
      %dma_start3A_233 = tpu.memref_slice %arg4[%add3A_12] : memref<4096xi32, #tpu.memory_space<hbm>> -> memref<16xi32, #tpu.memory_space<hbm>>
      tpu.enqueue_dma source(%dma_start3A_233 : memref<16xi32, #tpu.memory_space<hbm>>) target(%arg11 : memref<16xi32, #tpu.memory_space<vmem>>) target_semaphore(%run_scoped3A : memref<!tpu.dma_semaphore, #tpu.memory_space<semaphore_mem>>)
      %dma_wait3A_234 = tpu.memref_slice %arg4[%add3A_12] : memref<4096xi32, #tpu.memory_space<hbm>> -> memref<16xi32, #tpu.memory_space<hbm>>
      %dma_wait3A_235 = tpu.memref_slice %arg4[%add3A_12] : memref<4096xi32, #tpu.memory_space<hbm>> -> memref<16xi32, #tpu.memory_space<hbm>>
      tpu.wait_dma2 semaphore(%run_scoped3A : memref<!tpu.dma_semaphore, #tpu.memory_space<semaphore_mem>>) src(%dma_wait3A_235 : memref<16xi32, #tpu.memory_space<hbm>>) dst(%arg11 : memref<16xi32, #tpu.memory_space<vmem>>)
      tpu.yield
    }) : () -> ()
    %dma_start3A_13 = arith.constant 0 : i32
    %dma_start3A_14 = arith.constant 0 : i32
    %dma_start3A_15 = tpu.memref_slice %arg2[%dma_start3A_13, %dma_start3A_14] : memref<16384x1024xf32, #tpu.memory_space<hbm>> -> memref<16384x1024xf32, #tpu.memory_space<hbm>>
    tpu.enqueue_indirect_dma source(%dma_start3A_15 : memref<16384x1024xf32, #tpu.memory_space<hbm>>) target(%arg9 : memref<16x1024xf32, #tpu.memory_space<vmem>>) offsets(%arg11 : memref<16xi32, #tpu.memory_space<vmem>>) semaphore(%arg15 : memref<!tpu.dma_semaphore, #tpu.memory_space<semaphore_mem>>)
    %dma_start3A_16 = arith.constant 0 : i32
    %dma_start3A_17 = tpu.memref_slice %arg3[%add3A_12, %dma_start3A_16] : memref<4096x1024xf32, #tpu.memory_space<hbm>> -> memref<16x1024xf32, #tpu.memory_space<hbm>>
    %dma_start3A_18 = arith.constant 0 : i32
    %dma_start3A_19 = tpu.memref_slice %arg3[%add3A_12, %dma_start3A_18] : memref<4096x1024xf32, #tpu.memory_space<hbm>> -> memref<16x1024xf32, #tpu.memory_space<hbm>>
    tpu.enqueue_dma source(%dma_start3A_19 : memref<16x1024xf32, #tpu.memory_space<hbm>>) target(%arg10 : memref<16x1024xf32, #tpu.memory_space<vmem>>) target_semaphore(%arg16 : memref<!tpu.dma_semaphore, #tpu.memory_space<semaphore_mem>>)
    %dma_wait3A = arith.constant 0 : i32
    %dma_wait3A_20 = arith.constant 0 : i32
    %dma_wait3A_21 = tpu.memref_slice %arg2[%dma_wait3A, %dma_wait3A_20] : memref<16384x1024xf32, #tpu.memory_space<hbm>> -> memref<16384x1024xf32, #tpu.memory_space<hbm>>
    tpu.wait_indirect_dma semaphore(%arg12 : memref<!tpu.dma_semaphore, #tpu.memory_space<semaphore_mem>>) src(%dma_wait3A_21 : memref<16384x1024xf32, #tpu.memory_space<hbm>>) dst(%arg6 : memref<16x1024xf32, #tpu.memory_space<vmem>>)
    %dma_wait3A_22 = arith.constant 0 : i32
    %dma_wait3A_23 = tpu.memref_slice %arg3[%add3A_4, %dma_wait3A_22] : memref<4096x1024xf32, #tpu.memory_space<hbm>> -> memref<16x1024xf32, #tpu.memory_space<hbm>>
    %dma_wait3A_24 = arith.constant 0 : i32
    %dma_wait3A_25 = tpu.memref_slice %arg3[%add3A_4, %dma_wait3A_24] : memref<4096x1024xf32, #tpu.memory_space<hbm>> -> memref<16x1024xf32, #tpu.memory_space<hbm>>
    tpu.wait_dma2 semaphore(%arg13 : memref<!tpu.dma_semaphore, #tpu.memory_space<semaphore_mem>>) src(%dma_wait3A_25 : memref<16x1024xf32, #tpu.memory_space<hbm>>) dst(%arg7 : memref<16x1024xf32, #tpu.memory_space<vmem>>)
    %scan3A = arith.constant 0 : i32
    %scan3A_26 = arith.constant 0 : i32
    %scan3A_27 = arith.constant 1024 : i32
    %scan3A_28 = arith.addi %scan3A_26, %scan3A_27 : i32
    %scan3A_29 = arith.constant 8 : i32
    %scan3A_30 = scf.for %scan3A_232 = %scan3A_26 to %scan3A_28 step %scan3A_29 iter_args(%scan3A_233 = %scan3A) -> (i32)  : i32 {
      %jit3A = arith.constant 64 : i32
      %div3A = arith.divsi %scan3A_232, %jit3A : i32
      %sign3A = arith.constant 0 : i32
      %sign3A_234 = arith.cmpi sgt, %scan3A_232, %sign3A : i32
      %sign3A_235 = arith.extui %sign3A_234 : i1 to i32
      %sign3A_236 = arith.constant 0 : i32
      %sign3A_237 = arith.cmpi slt, %scan3A_232, %sign3A_236 : i32
      %sign3A_238 = arith.extui %sign3A_237 : i1 to i32
      %sign3A_239 = arith.subi %sign3A_235, %sign3A_238 : i32
      %sign3A_240 = arith.constant 0 : i32
      %sign3A_241 = arith.cmpi sgt, %jit3A, %sign3A_240 : i32
      %sign3A_242 = arith.extui %sign3A_241 : i1 to i32
      %sign3A_243 = arith.constant 0 : i32
      %sign3A_244 = arith.cmpi slt, %jit3A, %sign3A_243 : i32
      %sign3A_245 = arith.extui %sign3A_244 : i1 to i32
      %sign3A_246 = arith.subi %sign3A_242, %sign3A_245 : i32
      %ne3A = arith.cmpi ne, %sign3A_239, %sign3A_246 : i32
      %rem3A = arith.remsi %scan3A_232, %jit3A : i32
      %ne3A_247 = arith.constant 0 : i32
      %ne3A_248 = arith.cmpi ne, %rem3A, %ne3A_247 : i32
      %and3A = arith.andi %ne3A, %ne3A_248 : i1
      %sub3A = arith.constant 1 : i32
      %sub3A_249 = arith.subi %div3A, %sub3A : i32
      %select_n3A = arith.select %and3A, %sub3A_249, %div3A : i32
      %jit3A_250 = arith.constant 64 : i32
      %eq3A = arith.constant 0 : i32
      %eq3A_251 = arith.cmpi eq, %jit3A_250, %eq3A : i32
      %jit3A_252 = arith.constant 1 : i32
      %select_n3A_253 = arith.select %eq3A_251, %jit3A_252, %jit3A_250 : i32
      %rem3A_254 = arith.remsi %scan3A_232, %select_n3A_253 : i32
      %ne3A_255 = arith.constant 0 : i32
      %ne3A_256 = arith.cmpi ne, %rem3A_254, %ne3A_255 : i32
      %lt3A = arith.constant 0 : i32
      %lt3A_257 = arith.cmpi slt, %rem3A_254, %lt3A : i32
      %lt3A_258 = arith.constant 0 : i32
      %lt3A_259 = arith.cmpi slt, %select_n3A_253, %lt3A_258 : i32
      %ne3A_260 = arith.xori %lt3A_257, %lt3A_259 : i1
      %and3A_261 = arith.andi %ne3A_260, %ne3A_256 : i1
      %add3A_262 = arith.addi %rem3A_254, %select_n3A_253 : i32
      %select_n3A_263 = arith.select %and3A_261, %add3A_262, %rem3A_254 : i32
      %mul3A_264 = arith.constant 16 : i32
      %mul3A_265 = arith.muli %select_n3A_263, %mul3A_264 : i32
      %get3A = arith.index_cast %select_n3A : i32 to index
      %get3A_266 = arith.index_cast %mul3A_265 : i32 to index
      %get3A_267 = tpu.vector_load %arg6[%get3A, %get3A_266] {strides = array<i32>} : memref<16x1024xf32, #tpu.memory_space<vmem>>, vector<1x16xf32>,
      %get3A_268 = vector.shape_cast %get3A_267 : vector<1x16xf32> to vector<16xf32>
      %get3A_269 = arith.index_cast %select_n3A : i32 to index
      %get3A_270 = arith.index_cast %mul3A_265 : i32 to index
      %get3A_271 = tpu.vector_load %arg7[%get3A_269, %get3A_270] {strides = array<i32>} : memref<16x1024xf32, #tpu.memory_space<vmem>>, vector<1x16xf32>,
      %get3A_272 = vector.shape_cast %get3A_271 : vector<1x16xf32> to vector<16xf32>
      %add3A_273 = arith.addf %get3A_268, %get3A_272 : vector<16xf32>
      %swap3A = arith.index_cast %select_n3A : i32 to index
      %swap3A_274 = arith.index_cast %mul3A_265 : i32 to index
      %swap3A_275 = tpu.vector_load %arg6[%swap3A, %swap3A_274] {strides = array<i32>} : memref<16x1024xf32, #tpu.memory_space<vmem>>, vector<1x16xf32>,
      %swap3A_276 = vector.shape_cast %swap3A_275 : vector<1x16xf32> to vector<16xf32>
      %swap3A_277 = vector.shape_cast %add3A_273 : vector<16xf32> to vector<1x16xf32>
      tpu.vector_store %arg6[%swap3A, %swap3A_274], %swap3A_277 {strides = array<i32>} : memref<16x1024xf32, #tpu.memory_space<vmem>>, vector<1x16xf32>,
      %scan3A_278 = arith.constant 0 : i32
      %scan3A_279 = arith.constant 1 : i32
      %scan3A_280 = arith.addi %scan3A_232, %scan3A_279 : i32
      %jit3A_281 = arith.constant 64 : i32
      %div3A_282 = arith.divsi %scan3A_280, %jit3A_281 : i32
      %sign3A_283 = arith.constant 0 : i32
      %sign3A_284 = arith.cmpi sgt, %scan3A_280, %sign3A_283 : i32
      %sign3A_285 = arith.extui %sign3A_284 : i1 to i32
      %sign3A_286 = arith.constant 0 : i32
      %sign3A_287 = arith.cmpi slt, %scan3A_280, %sign3A_286 : i32
      %sign3A_288 = arith.extui %sign3A_287 : i1 to i32
      %sign3A_289 = arith.subi %sign3A_285, %sign3A_288 : i32
      %sign3A_290 = arith.constant 0 : i32
      %sign3A_291 = arith.cmpi sgt, %jit3A_281, %sign3A_290 : i32
      %sign3A_292 = arith.extui %sign3A_291 : i1 to i32
      %sign3A_293 = arith.constant 0 : i32
      %sign3A_294 = arith.cmpi slt, %jit3A_281, %sign3A_293 : i32
      %sign3A_295 = arith.extui %sign3A_294 : i1 to i32
      %sign3A_296 = arith.subi %sign3A_292, %sign3A_295 : i32
      %ne3A_297 = arith.cmpi ne, %sign3A_289, %sign3A_296 : i32
      %rem3A_298 = arith.remsi %scan3A_280, %jit3A_281 : i32
      %ne3A_299 = arith.constant 0 : i32
      %ne3A_300 = arith.cmpi ne, %rem3A_298, %ne3A_299 : i32
      %and3A_301 = arith.andi %ne3A_297, %ne3A_300 : i1
      %sub3A_302 = arith.constant 1 : i32
      %sub3A_303 = arith.subi %div3A_282, %sub3A_302 : i32
      %select_n3A_304 = arith.select %and3A_301, %sub3A_303, %div3A_282 : i32
      %jit3A_305 = arith.constant 64 : i32
      %eq3A_306 = arith.constant 0 : i32
      %eq3A_307 = arith.cmpi eq, %jit3A_305, %eq3A_306 : i32
      %jit3A_308 = arith.constant 1 : i32
      %select_n3A_309 = arith.select %eq3A_307, %jit3A_308, %jit3A_305 : i32
      %rem3A_310 = arith.remsi %scan3A_280, %select_n3A_309 : i32
      %ne3A_311 = arith.constant 0 : i32
      %ne3A_312 = arith.cmpi ne, %rem3A_310, %ne3A_311 : i32
      %lt3A_313 = arith.constant 0 : i32
      %lt3A_314 = arith.cmpi slt, %rem3A_310, %lt3A_313 : i32
      %lt3A_315 = arith.constant 0 : i32
      %lt3A_316 = arith.cmpi slt, %select_n3A_309, %lt3A_315 : i32
      %ne3A_317 = arith.xori %lt3A_314, %lt3A_316 : i1
      %and3A_318 = arith.andi %ne3A_317, %ne3A_312 : i1
      %add3A_319 = arith.addi %rem3A_310, %select_n3A_309 : i32
      %select_n3A_320 = arith.select %and3A_318, %add3A_319, %rem3A_310 : i32
      %mul3A_321 = arith.constant 16 : i32
      %mul3A_322 = arith.muli %select_n3A_320, %mul3A_321 : i32
      %get3A_323 = arith.index_cast %select_n3A_304 : i32 to index
      %get3A_324 = arith.index_cast %mul3A_322 : i32 to index
      %get3A_325 = tpu.vector_load %arg6[%get3A_323, %get3A_324] {strides = array<i32>} : memref<16x1024xf32, #tpu.memory_space<vmem>>, vector<1x16xf32>,
      %get3A_326 = vector.shape_cast %get3A_325 : vector<1x16xf32> to vector<16xf32>
      %get3A_327 = arith.index_cast %select_n3A_304 : i32 to index
      %get3A_328 = arith.index_cast %mul3A_322 : i32 to index
      %get3A_329 = tpu.vector_load %arg7[%get3A_327, %get3A_328] {strides = array<i32>} : memref<16x1024xf32, #tpu.memory_space<vmem>>, vector<1x16xf32>,
      %get3A_330 = vector.shape_cast %get3A_329 : vector<1x16xf32> to vector<16xf32>
      %add3A_331 = arith.addf %get3A_326, %get3A_330 : vector<16xf32>
      %swap3A_332 = arith.index_cast %select_n3A_304 : i32 to index
      %swap3A_333 = arith.index_cast %mul3A_322 : i32 to index
      %swap3A_334 = tpu.vector_load %arg6[%swap3A_332, %swap3A_333] {strides = array<i32>} : memref<16x1024xf32, #tpu.memory_space<vmem>>, vector<1x16xf32>,
      %swap3A_335 = vector.shape_cast %swap3A_334 : vector<1x16xf32> to vector<16xf32>
      %swap3A_336 = vector.shape_cast %add3A_331 : vector<16xf32> to vector<1x16xf32>
      tpu.vector_store %arg6[%swap3A_332, %swap3A_333], %swap3A_336 {strides = array<i32>} : memref<16x1024xf32, #tpu.memory_space<vmem>>, vector<1x16xf32>,
      %scan3A_337 = arith.constant 0 : i32
      %scan3A_338 = arith.constant 2 : i32
      %scan3A_339 = arith.addi %scan3A_232, %scan3A_338 : i32
      %jit3A_340 = arith.constant 64 : i32
      %div3A_341 = arith.divsi %scan3A_339, %jit3A_340 : i32
      %sign3A_342 = arith.constant 0 : i32
      %sign3A_343 = arith.cmpi sgt, %scan3A_339, %sign3A_342 : i32
      %sign3A_344 = arith.extui %sign3A_343 : i1 to i32
      %sign3A_345 = arith.constant 0 : i32
      %sign3A_346 = arith.cmpi slt, %scan3A_339, %sign3A_345 : i32
      %sign3A_347 = arith.extui %sign3A_346 : i1 to i32
      %sign3A_348 = arith.subi %sign3A_344, %sign3A_347 : i32
      %sign3A_349 = arith.constant 0 : i32
      %sign3A_350 = arith.cmpi sgt, %jit3A_340, %sign3A_349 : i32
      %sign3A_351 = arith.extui %sign3A_350 : i1 to i32
      %sign3A_352 = arith.constant 0 : i32
      %sign3A_353 = arith.cmpi slt, %jit3A_340, %sign3A_352 : i32
      %sign3A_354 = arith.extui %sign3A_353 : i1 to i32
      %sign3A_355 = arith.subi %sign3A_351, %sign3A_354 : i32
      %ne3A_356 = arith.cmpi ne, %sign3A_348, %sign3A_355 : i32
      %rem3A_357 = arith.remsi %scan3A_339, %jit3A_340 : i32
      %ne3A_358 = arith.constant 0 : i32
      %ne3A_359 = arith.cmpi ne, %rem3A_357, %ne3A_358 : i32
      %and3A_360 = arith.andi %ne3A_356, %ne3A_359 : i1
      %sub3A_361 = arith.constant 1 : i32
      %sub3A_362 = arith.subi %div3A_341, %sub3A_361 : i32
      %select_n3A_363 = arith.select %and3A_360, %sub3A_362, %div3A_341 : i32
      %jit3A_364 = arith.constant 64 : i32
      %eq3A_365 = arith.constant 0 : i32
      %eq3A_366 = arith.cmpi eq, %jit3A_364, %eq3A_365 : i32
      %jit3A_367 = arith.constant 1 : i32
      %select_n3A_368 = arith.select %eq3A_366, %jit3A_367, %jit3A_364 : i32
      %rem3A_369 = arith.remsi %scan3A_339, %select_n3A_368 : i32
      %ne3A_370 = arith.constant 0 : i32
      %ne3A_371 = arith.cmpi ne, %rem3A_369, %ne3A_370 : i32
      %lt3A_372 = arith.constant 0 : i32
      %lt3A_373 = arith.cmpi slt, %rem3A_369, %lt3A_372 : i32
      %lt3A_374 = arith.constant 0 : i32
      %lt3A_375 = arith.cmpi slt, %select_n3A_368, %lt3A_374 : i32
      %ne3A_376 = arith.xori %lt3A_373, %lt3A_375 : i1
      %and3A_377 = arith.andi %ne3A_376, %ne3A_371 : i1
      %add3A_378 = arith.addi %rem3A_369, %select_n3A_368 : i32
      %select_n3A_379 = arith.select %and3A_377, %add3A_378, %rem3A_369 : i32
      %mul3A_380 = arith.constant 16 : i32
      %mul3A_381 = arith.muli %select_n3A_379, %mul3A_380 : i32
      %get3A_382 = arith.index_cast %select_n3A_363 : i32 to index
      %get3A_383 = arith.index_cast %mul3A_381 : i32 to index
      %get3A_384 = tpu.vector_load %arg6[%get3A_382, %get3A_383] {strides = array<i32>} : memref<16x1024xf32, #tpu.memory_space<vmem>>, vector<1x16xf32>,
      %get3A_385 = vector.shape_cast %get3A_384 : vector<1x16xf32> to vector<16xf32>
      %get3A_386 = arith.index_cast %select_n3A_363 : i32 to index
      %get3A_387 = arith.index_cast %mul3A_381 : i32 to index
      %get3A_388 = tpu.vector_load %arg7[%get3A_386, %get3A_387] {strides = array<i32>} : memref<16x1024xf32, #tpu.memory_space<vmem>>, vector<1x16xf32>,
      %get3A_389 = vector.shape_cast %get3A_388 : vector<1x16xf32> to vector<16xf32>
      %add3A_390 = arith.addf %get3A_385, %get3A_389 : vector<16xf32>
      %swap3A_391 = arith.index_cast %select_n3A_363 : i32 to index
      %swap3A_392 = arith.index_cast %mul3A_381 : i32 to index
      %swap3A_393 = tpu.vector_load %arg6[%swap3A_391, %swap3A_392] {strides = array<i32>} : memref<16x1024xf32, #tpu.memory_space<vmem>>, vector<1x16xf32>,
      %swap3A_394 = vector.shape_cast %swap3A_393 : vector<1x16xf32> to vector<16xf32>
      %swap3A_395 = vector.shape_cast %add3A_390 : vector<16xf32> to vector<1x16xf32>
      tpu.vector_store %arg6[%swap3A_391, %swap3A_392], %swap3A_395 {strides = array<i32>} : memref<16x1024xf32, #tpu.memory_space<vmem>>, vector<1x16xf32>,
      %scan3A_396 = arith.constant 0 : i32
      %scan3A_397 = arith.constant 3 : i32
      %scan3A_398 = arith.addi %scan3A_232, %scan3A_397 : i32
      %jit3A_399 = arith.constant 64 : i32
      %div3A_400 = arith.divsi %scan3A_398, %jit3A_399 : i32
      %sign3A_401 = arith.constant 0 : i32
      %sign3A_402 = arith.cmpi sgt, %scan3A_398, %sign3A_401 : i32
      %sign3A_403 = arith.extui %sign3A_402 : i1 to i32
      %sign3A_404 = arith.constant 0 : i32
      %sign3A_405 = arith.cmpi slt, %scan3A_398, %sign3A_404 : i32
      %sign3A_406 = arith.extui %sign3A_405 : i1 to i32
      %sign3A_407 = arith.subi %sign3A_403, %sign3A_406 : i32
      %sign3A_408 = arith.constant 0 : i32
      %sign3A_409 = arith.cmpi sgt, %jit3A_399, %sign3A_408 : i32
      %sign3A_410 = arith.extui %sign3A_409 : i1 to i32
      %sign3A_411 = arith.constant 0 : i32
      %sign3A_412 = arith.cmpi slt, %jit3A_399, %sign3A_411 : i32
      %sign3A_413 = arith.extui %sign3A_412 : i1 to i32
      %sign3A_414 = arith.subi %sign3A_410, %sign3A_413 : i32
      %ne3A_415 = arith.cmpi ne, %sign3A_407, %sign3A_414 : i32
      %rem3A_416 = arith.remsi %scan3A_398, %jit3A_399 : i32
      %ne3A_417 = arith.constant 0 : i32
      %ne3A_418 = arith.cmpi ne, %rem3A_416, %ne3A_417 : i32
      %and3A_419 = arith.andi %ne3A_415, %ne3A_418 : i1
      %sub3A_420 = arith.constant 1 : i32
      %sub3A_421 = arith.subi %div3A_400, %sub3A_420 : i32
      %select_n3A_422 = arith.select %and3A_419, %sub3A_421, %div3A_400 : i32
      %jit3A_423 = arith.constant 64 : i32
      %eq3A_424 = arith.constant 0 : i32
      %eq3A_425 = arith.cmpi eq, %jit3A_423, %eq3A_424 : i32
      %jit3A_426 = arith.constant 1 : i32
      %select_n3A_427 = arith.select %eq3A_425, %jit3A_426, %jit3A_423 : i32
      %rem3A_428 = arith.remsi %scan3A_398, %select_n3A_427 : i32
      %ne3A_429 = arith.constant 0 : i32
      %ne3A_430 = arith.cmpi ne, %rem3A_428, %ne3A_429 : i32
      %lt3A_431 = arith.constant 0 : i32
      %lt3A_432 = arith.cmpi slt, %rem3A_428, %lt3A_431 : i32
      %lt3A_433 = arith.constant 0 : i32
      %lt3A_434 = arith.cmpi slt, %select_n3A_427, %lt3A_433 : i32
      %ne3A_435 = arith.xori %lt3A_432, %lt3A_434 : i1
      %and3A_436 = arith.andi %ne3A_435, %ne3A_430 : i1
      %add3A_437 = arith.addi %rem3A_428, %select_n3A_427 : i32
      %select_n3A_438 = arith.select %and3A_436, %add3A_437, %rem3A_428 : i32
      %mul3A_439 = arith.constant 16 : i32
      %mul3A_440 = arith.muli %select_n3A_438, %mul3A_439 : i32
      %get3A_441 = arith.index_cast %select_n3A_422 : i32 to index
      %get3A_442 = arith.index_cast %mul3A_440 : i32 to index
      %get3A_443 = tpu.vector_load %arg6[%get3A_441, %get3A_442] {strides = array<i32>} : memref<16x1024xf32, #tpu.memory_space<vmem>>, vector<1x16xf32>,
      %get3A_444 = vector.shape_cast %get3A_443 : vector<1x16xf32> to vector<16xf32>
      %get3A_445 = arith.index_cast %select_n3A_422 : i32 to index
      %get3A_446 = arith.index_cast %mul3A_440 : i32 to index
      %get3A_447 = tpu.vector_load %arg7[%get3A_445, %get3A_446] {strides = array<i32>} : memref<16x1024xf32, #tpu.memory_space<vmem>>, vector<1x16xf32>,
      %get3A_448 = vector.shape_cast %get3A_447 : vector<1x16xf32> to vector<16xf32>
      %add3A_449 = arith.addf %get3A_444, %get3A_448 : vector<16xf32>
      %swap3A_450 = arith.index_cast %select_n3A_422 : i32 to index
      %swap3A_451 = arith.index_cast %mul3A_440 : i32 to index
      %swap3A_452 = tpu.vector_load %arg6[%swap3A_450, %swap3A_451] {strides = array<i32>} : memref<16x1024xf32, #tpu.memory_space<vmem>>, vector<1x16xf32>,
      %swap3A_453 = vector.shape_cast %swap3A_452 : vector<1x16xf32> to vector<16xf32>
      %swap3A_454 = vector.shape_cast %add3A_449 : vector<16xf32> to vector<1x16xf32>
      tpu.vector_store %arg6[%swap3A_450, %swap3A_451], %swap3A_454 {strides = array<i32>} : memref<16x1024xf32, #tpu.memory_space<vmem>>, vector<1x16xf32>,
      %scan3A_455 = arith.constant 0 : i32
      %scan3A_456 = arith.constant 4 : i32
      %scan3A_457 = arith.addi %scan3A_232, %scan3A_456 : i32
      %jit3A_458 = arith.constant 64 : i32
      %div3A_459 = arith.divsi %scan3A_457, %jit3A_458 : i32
      %sign3A_460 = arith.constant 0 : i32
      %sign3A_461 = arith.cmpi sgt, %scan3A_457, %sign3A_460 : i32
      %sign3A_462 = arith.extui %sign3A_461 : i1 to i32
      %sign3A_463 = arith.constant 0 : i32
      %sign3A_464 = arith.cmpi slt, %scan3A_457, %sign3A_463 : i32
      %sign3A_465 = arith.extui %sign3A_464 : i1 to i32
      %sign3A_466 = arith.subi %sign3A_462, %sign3A_465 : i32
      %sign3A_467 = arith.constant 0 : i32
      %sign3A_468 = arith.cmpi sgt, %jit3A_458, %sign3A_467 : i32
      %sign3A_469 = arith.extui %sign3A_468 : i1 to i32
      %sign3A_470 = arith.constant 0 : i32
      %sign3A_471 = arith.cmpi slt, %jit3A_458, %sign3A_470 : i32
      %sign3A_472 = arith.extui %sign3A_471 : i1 to i32
      %sign3A_473 = arith.subi %sign3A_469, %sign3A_472 : i32
      %ne3A_474 = arith.cmpi ne, %sign3A_466, %sign3A_473 : i32
      %rem3A_475 = arith.remsi %scan3A_457, %jit3A_458 : i32
      %ne3A_476 = arith.constant 0 : i32
      %ne3A_477 = arith.cmpi ne, %rem3A_475, %ne3A_476 : i32
      %and3A_478 = arith.andi %ne3A_474, %ne3A_477 : i1
      %sub3A_479 = arith.constant 1 : i32
      %sub3A_480 = arith.subi %div3A_459, %sub3A_479 : i32
      %select_n3A_481 = arith.select %and3A_478, %sub3A_480, %div3A_459 : i32
      %jit3A_482 = arith.constant 64 : i32
      %eq3A_483 = arith.constant 0 : i32
      %eq3A_484 = arith.cmpi eq, %jit3A_482, %eq3A_483 : i32
      %jit3A_485 = arith.constant 1 : i32
      %select_n3A_486 = arith.select %eq3A_484, %jit3A_485, %jit3A_482 : i32
      %rem3A_487 = arith.remsi %scan3A_457, %select_n3A_486 : i32
      %ne3A_488 = arith.constant 0 : i32
      %ne3A_489 = arith.cmpi ne, %rem3A_487, %ne3A_488 : i32
      %lt3A_490 = arith.constant 0 : i32
      %lt3A_491 = arith.cmpi slt, %rem3A_487, %lt3A_490 : i32
      %lt3A_492 = arith.constant 0 : i32
      %lt3A_493 = arith.cmpi slt, %select_n3A_486, %lt3A_492 : i32
      %ne3A_494 = arith.xori %lt3A_491, %lt3A_493 : i1
      %and3A_495 = arith.andi %ne3A_494, %ne3A_489 : i1
      %add3A_496 = arith.addi %rem3A_487, %select_n3A_486 : i32
      %select_n3A_497 = arith.select %and3A_495, %add3A_496, %rem3A_487 : i32
      %mul3A_498 = arith.constant 16 : i32
      %mul3A_499 = arith.muli %select_n3A_497, %mul3A_498 : i32
      %get3A_500 = arith.index_cast %select_n3A_481 : i32 to index
      %get3A_501 = arith.index_cast %mul3A_499 : i32 to index
      %get3A_502 = tpu.vector_load %arg6[%get3A_500, %get3A_501] {strides = array<i32>} : memref<16x1024xf32, #tpu.memory_space<vmem>>, vector<1x16xf32>,
      %get3A_503 = vector.shape_cast %get3A_502 : vector<1x16xf32> to vector<16xf32>
      %get3A_504 = arith.index_cast %select_n3A_481 : i32 to index
      %get3A_505 = arith.index_cast %mul3A_499 : i32 to index
      %get3A_506 = tpu.vector_load %arg7[%get3A_504, %get3A_505] {strides = array<i32>} : memref<16x1024xf32, #tpu.memory_space<vmem>>, vector<1x16xf32>,
      %get3A_507 = vector.shape_cast %get3A_506 : vector<1x16xf32> to vector<16xf32>
      %add3A_508 = arith.addf %get3A_503, %get3A_507 : vector<16xf32>
      %swap3A_509 = arith.index_cast %select_n3A_481 : i32 to index
      %swap3A_510 = arith.index_cast %mul3A_499 : i32 to index
      %swap3A_511 = tpu.vector_load %arg6[%swap3A_509, %swap3A_510] {strides = array<i32>} : memref<16x1024xf32, #tpu.memory_space<vmem>>, vector<1x16xf32>,
      %swap3A_512 = vector.shape_cast %swap3A_511 : vector<1x16xf32> to vector<16xf32>
      %swap3A_513 = vector.shape_cast %add3A_508 : vector<16xf32> to vector<1x16xf32>
      tpu.vector_store %arg6[%swap3A_509, %swap3A_510], %swap3A_513 {strides = array<i32>} : memref<16x1024xf32, #tpu.memory_space<vmem>>, vector<1x16xf32>,
      %scan3A_514 = arith.constant 0 : i32
      %scan3A_515 = arith.constant 5 : i32
      %scan3A_516 = arith.addi %scan3A_232, %scan3A_515 : i32
      %jit3A_517 = arith.constant 64 : i32
      %div3A_518 = arith.divsi %scan3A_516, %jit3A_517 : i32
      %sign3A_519 = arith.constant 0 : i32
      %sign3A_520 = arith.cmpi sgt, %scan3A_516, %sign3A_519 : i32
      %sign3A_521 = arith.extui %sign3A_520 : i1 to i32
      %sign3A_522 = arith.constant 0 : i32
      %sign3A_523 = arith.cmpi slt, %scan3A_516, %sign3A_522 : i32
      %sign3A_524 = arith.extui %sign3A_523 : i1 to i32
      %sign3A_525 = arith.subi %sign3A_521, %sign3A_524 : i32
      %sign3A_526 = arith.constant 0 : i32
      %sign3A_527 = arith.cmpi sgt, %jit3A_517, %sign3A_526 : i32
      %sign3A_528 = arith.extui %sign3A_527 : i1 to i32
      %sign3A_529 = arith.constant 0 : i32
      %sign3A_530 = arith.cmpi slt, %jit3A_517, %sign3A_529 : i32
      %sign3A_531 = arith.extui %sign3A_530 : i1 to i32
      %sign3A_532 = arith.subi %sign3A_528, %sign3A_531 : i32
      %ne3A_533 = arith.cmpi ne, %sign3A_525, %sign3A_532 : i32
      %rem3A_534 = arith.remsi %scan3A_516, %jit3A_517 : i32
      %ne3A_535 = arith.constant 0 : i32
      %ne3A_536 = arith.cmpi ne, %rem3A_534, %ne3A_535 : i32
      %and3A_537 = arith.andi %ne3A_533, %ne3A_536 : i1
      %sub3A_538 = arith.constant 1 : i32
      %sub3A_539 = arith.subi %div3A_518, %sub3A_538 : i32
      %select_n3A_540 = arith.select %and3A_537, %sub3A_539, %div3A_518 : i32
      %jit3A_541 = arith.constant 64 : i32
      %eq3A_542 = arith.constant 0 : i32
      %eq3A_543 = arith.cmpi eq, %jit3A_541, %eq3A_542 : i32
      %jit3A_544 = arith.constant 1 : i32
      %select_n3A_545 = arith.select %eq3A_543, %jit3A_544, %jit3A_541 : i32
      %rem3A_546 = arith.remsi %scan3A_516, %select_n3A_545 : i32
      %ne3A_547 = arith.constant 0 : i32
      %ne3A_548 = arith.cmpi ne, %rem3A_546, %ne3A_547 : i32
      %lt3A_549 = arith.constant 0 : i32
      %lt3A_550 = arith.cmpi slt, %rem3A_546, %lt3A_549 : i32
      %lt3A_551 = arith.constant 0 : i32
      %lt3A_552 = arith.cmpi slt, %select_n3A_545, %lt3A_551 : i32
      %ne3A_553 = arith.xori %lt3A_550, %lt3A_552 : i1
      %and3A_554 = arith.andi %ne3A_553, %ne3A_548 : i1
      %add3A_555 = arith.addi %rem3A_546, %select_n3A_545 : i32
      %select_n3A_556 = arith.select %and3A_554, %add3A_555, %rem3A_546 : i32
      %mul3A_557 = arith.constant 16 : i32
      %mul3A_558 = arith.muli %select_n3A_556, %mul3A_557 : i32
      %get3A_559 = arith.index_cast %select_n3A_540 : i32 to index
      %get3A_560 = arith.index_cast %mul3A_558 : i32 to index
      %get3A_561 = tpu.vector_load %arg6[%get3A_559, %get3A_560] {strides = array<i32>} : memref<16x1024xf32, #tpu.memory_space<vmem>>, vector<1x16xf32>,
      %get3A_562 = vector.shape_cast %get3A_561 : vector<1x16xf32> to vector<16xf32>
      %get3A_563 = arith.index_cast %select_n3A_540 : i32 to index
      %get3A_564 = arith.index_cast %mul3A_558 : i32 to index
      %get3A_565 = tpu.vector_load %arg7[%get3A_563, %get3A_564] {strides = array<i32>} : memref<16x1024xf32, #tpu.memory_space<vmem>>, vector<1x16xf32>,
      %get3A_566 = vector.shape_cast %get3A_565 : vector<1x16xf32> to vector<16xf32>
      %add3A_567 = arith.addf %get3A_562, %get3A_566 : vector<16xf32>
      %swap3A_568 = arith.index_cast %select_n3A_540 : i32 to index
      %swap3A_569 = arith.index_cast %mul3A_558 : i32 to index
      %swap3A_570 = tpu.vector_load %arg6[%swap3A_568, %swap3A_569] {strides = array<i32>} : memref<16x1024xf32, #tpu.memory_space<vmem>>, vector<1x16xf32>,
      %swap3A_571 = vector.shape_cast %swap3A_570 : vector<1x16xf32> to vector<16xf32>
      %swap3A_572 = vector.shape_cast %add3A_567 : vector<16xf32> to vector<1x16xf32>
      tpu.vector_store %arg6[%swap3A_568, %swap3A_569], %swap3A_572 {strides = array<i32>} : memref<16x1024xf32, #tpu.memory_space<vmem>>, vector<1x16xf32>,
      %scan3A_573 = arith.constant 0 : i32
      %scan3A_574 = arith.constant 6 : i32
      %scan3A_575 = arith.addi %scan3A_232, %scan3A_574 : i32
      %jit3A_576 = arith.constant 64 : i32
      %div3A_577 = arith.divsi %scan3A_575, %jit3A_576 : i32
      %sign3A_578 = arith.constant 0 : i32
      %sign3A_579 = arith.cmpi sgt, %scan3A_575, %sign3A_578 : i32
      %sign3A_580 = arith.extui %sign3A_579 : i1 to i32
      %sign3A_581 = arith.constant 0 : i32
      %sign3A_582 = arith.cmpi slt, %scan3A_575, %sign3A_581 : i32
      %sign3A_583 = arith.extui %sign3A_582 : i1 to i32
      %sign3A_584 = arith.subi %sign3A_580, %sign3A_583 : i32
      %sign3A_585 = arith.constant 0 : i32
      %sign3A_586 = arith.cmpi sgt, %jit3A_576, %sign3A_585 : i32
      %sign3A_587 = arith.extui %sign3A_586 : i1 to i32
      %sign3A_588 = arith.constant 0 : i32
      %sign3A_589 = arith.cmpi slt, %jit3A_576, %sign3A_588 : i32
      %sign3A_590 = arith.extui %sign3A_589 : i1 to i32
      %sign3A_591 = arith.subi %sign3A_587, %sign3A_590 : i32
      %ne3A_592 = arith.cmpi ne, %sign3A_584, %sign3A_591 : i32
      %rem3A_593 = arith.remsi %scan3A_575, %jit3A_576 : i32
      %ne3A_594 = arith.constant 0 : i32
      %ne3A_595 = arith.cmpi ne, %rem3A_593, %ne3A_594 : i32
      %and3A_596 = arith.andi %ne3A_592, %ne3A_595 : i1
      %sub3A_597 = arith.constant 1 : i32
      %sub3A_598 = arith.subi %div3A_577, %sub3A_597 : i32
      %select_n3A_599 = arith.select %and3A_596, %sub3A_598, %div3A_577 : i32
      %jit3A_600 = arith.constant 64 : i32
      %eq3A_601 = arith.constant 0 : i32
      %eq3A_602 = arith.cmpi eq, %jit3A_600, %eq3A_601 : i32
      %jit3A_603 = arith.constant 1 : i32
      %select_n3A_604 = arith.select %eq3A_602, %jit3A_603, %jit3A_600 : i32
      %rem3A_605 = arith.remsi %scan3A_575, %select_n3A_604 : i32
      %ne3A_606 = arith.constant 0 : i32
      %ne3A_607 = arith.cmpi ne, %rem3A_605, %ne3A_606 : i32
      %lt3A_608 = arith.constant 0 : i32
      %lt3A_609 = arith.cmpi slt, %rem3A_605, %lt3A_608 : i32
      %lt3A_610 = arith.constant 0 : i32
      %lt3A_611 = arith.cmpi slt, %select_n3A_604, %lt3A_610 : i32
      %ne3A_612 = arith.xori %lt3A_609, %lt3A_611 : i1
      %and3A_613 = arith.andi %ne3A_612, %ne3A_607 : i1
      %add3A_614 = arith.addi %rem3A_605, %select_n3A_604 : i32
      %select_n3A_615 = arith.select %and3A_613, %add3A_614, %rem3A_605 : i32
      %mul3A_616 = arith.constant 16 : i32
      %mul3A_617 = arith.muli %select_n3A_615, %mul3A_616 : i32
      %get3A_618 = arith.index_cast %select_n3A_599 : i32 to index
      %get3A_619 = arith.index_cast %mul3A_617 : i32 to index
      %get3A_620 = tpu.vector_load %arg6[%get3A_618, %get3A_619] {strides = array<i32>} : memref<16x1024xf32, #tpu.memory_space<vmem>>, vector<1x16xf32>,
      %get3A_621 = vector.shape_cast %get3A_620 : vector<1x16xf32> to vector<16xf32>
      %get3A_622 = arith.index_cast %select_n3A_599 : i32 to index
      %get3A_623 = arith.index_cast %mul3A_617 : i32 to index
      %get3A_624 = tpu.vector_load %arg7[%get3A_622, %get3A_623] {strides = array<i32>} : memref<16x1024xf32, #tpu.memory_space<vmem>>, vector<1x16xf32>,
      %get3A_625 = vector.shape_cast %get3A_624 : vector<1x16xf32> to vector<16xf32>
      %add3A_626 = arith.addf %get3A_621, %get3A_625 : vector<16xf32>
      %swap3A_627 = arith.index_cast %select_n3A_599 : i32 to index
      %swap3A_628 = arith.index_cast %mul3A_617 : i32 to index
      %swap3A_629 = tpu.vector_load %arg6[%swap3A_627, %swap3A_628] {strides = array<i32>} : memref<16x1024xf32, #tpu.memory_space<vmem>>, vector<1x16xf32>,
      %swap3A_630 = vector.shape_cast %swap3A_629 : vector<1x16xf32> to vector<16xf32>
      %swap3A_631 = vector.shape_cast %add3A_626 : vector<16xf32> to vector<1x16xf32>
      tpu.vector_store %arg6[%swap3A_627, %swap3A_628], %swap3A_631 {strides = array<i32>} : memref<16x1024xf32, #tpu.memory_space<vmem>>, vector<1x16xf32>,
      %scan3A_632 = arith.constant 0 : i32
      %scan3A_633 = arith.constant 7 : i32
      %scan3A_634 = arith.addi %scan3A_232, %scan3A_633 : i32
      %jit3A_635 = arith.constant 64 : i32
      %div3A_636 = arith.divsi %scan3A_634, %jit3A_635 : i32
      %sign3A_637 = arith.constant 0 : i32
      %sign3A_638 = arith.cmpi sgt, %scan3A_634, %sign3A_637 : i32
      %sign3A_639 = arith.extui %sign3A_638 : i1 to i32
      %sign3A_640 = arith.constant 0 : i32
      %sign3A_641 = arith.cmpi slt, %scan3A_634, %sign3A_640 : i32
      %sign3A_642 = arith.extui %sign3A_641 : i1 to i32
      %sign3A_643 = arith.subi %sign3A_639, %sign3A_642 : i32
      %sign3A_644 = arith.constant 0 : i32
      %sign3A_645 = arith.cmpi sgt, %jit3A_635, %sign3A_644 : i32
      %sign3A_646 = arith.extui %sign3A_645 : i1 to i32
      %sign3A_647 = arith.constant 0 : i32
      %sign3A_648 = arith.cmpi slt, %jit3A_635, %sign3A_647 : i32
      %sign3A_649 = arith.extui %sign3A_648 : i1 to i32
      %sign3A_650 = arith.subi %sign3A_646, %sign3A_649 : i32
      %ne3A_651 = arith.cmpi ne, %sign3A_643, %sign3A_650 : i32
      %rem3A_652 = arith.remsi %scan3A_634, %jit3A_635 : i32
      %ne3A_653 = arith.constant 0 : i32
      %ne3A_654 = arith.cmpi ne, %rem3A_652, %ne3A_653 : i32
      %and3A_655 = arith.andi %ne3A_651, %ne3A_654 : i1
      %sub3A_656 = arith.constant 1 : i32
      %sub3A_657 = arith.subi %div3A_636, %sub3A_656 : i32
      %select_n3A_658 = arith.select %and3A_655, %sub3A_657, %div3A_636 : i32
      %jit3A_659 = arith.constant 64 : i32
      %eq3A_660 = arith.constant 0 : i32
      %eq3A_661 = arith.cmpi eq, %jit3A_659, %eq3A_660 : i32
      %jit3A_662 = arith.constant 1 : i32
      %select_n3A_663 = arith.select %eq3A_661, %jit3A_662, %jit3A_659 : i32
      %rem3A_664 = arith.remsi %scan3A_634, %select_n3A_663 : i32
      %ne3A_665 = arith.constant 0 : i32
      %ne3A_666 = arith.cmpi ne, %rem3A_664, %ne3A_665 : i32
      %lt3A_667 = arith.constant 0 : i32
      %lt3A_668 = arith.cmpi slt, %rem3A_664, %lt3A_667 : i32
      %lt3A_669 = arith.constant 0 : i32
      %lt3A_670 = arith.cmpi slt, %select_n3A_663, %lt3A_669 : i32
      %ne3A_671 = arith.xori %lt3A_668, %lt3A_670 : i1
      %and3A_672 = arith.andi %ne3A_671, %ne3A_666 : i1
      %add3A_673 = arith.addi %rem3A_664, %select_n3A_663 : i32
      %select_n3A_674 = arith.select %and3A_672, %add3A_673, %rem3A_664 : i32
      %mul3A_675 = arith.constant 16 : i32
      %mul3A_676 = arith.muli %select_n3A_674, %mul3A_675 : i32
      %get3A_677 = arith.index_cast %select_n3A_658 : i32 to index
      %get3A_678 = arith.index_cast %mul3A_676 : i32 to index
      %get3A_679 = tpu.vector_load %arg6[%get3A_677, %get3A_678] {strides = array<i32>} : memref<16x1024xf32, #tpu.memory_space<vmem>>, vector<1x16xf32>,
      %get3A_680 = vector.shape_cast %get3A_679 : vector<1x16xf32> to vector<16xf32>
      %get3A_681 = arith.index_cast %select_n3A_658 : i32 to index
      %get3A_682 = arith.index_cast %mul3A_676 : i32 to index
      %get3A_683 = tpu.vector_load %arg7[%get3A_681, %get3A_682] {strides = array<i32>} : memref<16x1024xf32, #tpu.memory_space<vmem>>, vector<1x16xf32>,
      %get3A_684 = vector.shape_cast %get3A_683 : vector<1x16xf32> to vector<16xf32>
      %add3A_685 = arith.addf %get3A_680, %get3A_684 : vector<16xf32>
      %swap3A_686 = arith.index_cast %select_n3A_658 : i32 to index
      %swap3A_687 = arith.index_cast %mul3A_676 : i32 to index
      %swap3A_688 = tpu.vector_load %arg6[%swap3A_686, %swap3A_687] {strides = array<i32>} : memref<16x1024xf32, #tpu.memory_space<vmem>>, vector<1x16xf32>,
      %swap3A_689 = vector.shape_cast %swap3A_688 : vector<1x16xf32> to vector<16xf32>
      %swap3A_690 = vector.shape_cast %add3A_685 : vector<16xf32> to vector<1x16xf32>
      tpu.vector_store %arg6[%swap3A_686, %swap3A_687], %swap3A_690 {strides = array<i32>} : memref<16x1024xf32, #tpu.memory_space<vmem>>, vector<1x16xf32>,
      %scan3A_691 = arith.constant 0 : i32
      scf.yield %scan3A_691 : i32
    }
    %scan3A_31 = arith.constant 1024 : i32
    %dma_start3A_32 = arith.constant 0 : i32
    %dma_start3A_33 = arith.constant 0 : i32
    %dma_start3A_34 = tpu.memref_slice %arg2[%dma_start3A_32, %dma_start3A_33] : memref<16384x1024xf32, #tpu.memory_space<hbm>> -> memref<16384x1024xf32, #tpu.memory_space<hbm>>
    tpu.enqueue_indirect_dma source(%arg6 : memref<16x1024xf32, #tpu.memory_space<vmem>>) target(%dma_start3A_34 : memref<16384x1024xf32, #tpu.memory_space<hbm>>) offsets(%arg8 : memref<16xi32, #tpu.memory_space<vmem>>) semaphore(%arg14 : memref<!tpu.dma_semaphore, #tpu.memory_space<semaphore_mem>>)
    %add3A_35 = arith.constant 32 : i32
    %add3A_36 = arith.addi %mul3A_2, %add3A_35 : i32
    %dma_wait3A_37 = arith.constant 0 : i32
    %dma_wait3A_38 = arith.constant 0 : i32
    %dma_wait3A_39 = tpu.memref_slice %arg2[%dma_wait3A_37, %dma_wait3A_38] : memref<16384x1024xf32, #tpu.memory_space<hbm>> -> memref<16384x1024xf32, #tpu.memory_space<hbm>>
    tpu.wait_indirect_dma semaphore(%arg14 : memref<!tpu.dma_semaphore, #tpu.memory_space<semaphore_mem>>) src(%arg6 : memref<16x1024xf32, #tpu.memory_space<vmem>>) dst(%dma_wait3A_39 : memref<16384x1024xf32, #tpu.memory_space<hbm>>)
    "tpu.region"() ({
      %run_scoped3A = tpu.sem_alloc : memref<!tpu.dma_semaphore, #tpu.memory_space<semaphore_mem>>
      %dma_start3A_232 = tpu.memref_slice %arg4[%add3A_36] : memref<4096xi32, #tpu.memory_space<hbm>> -> memref<16xi32, #tpu.memory_space<hbm>>
      %dma_start3A_233 = tpu.memref_slice %arg4[%add3A_36] : memref<4096xi32, #tpu.memory_space<hbm>> -> memref<16xi32, #tpu.memory_space<hbm>>
      tpu.enqueue_dma source(%dma_start3A_233 : memref<16xi32, #tpu.memory_space<hbm>>) target(%arg8 : memref<16xi32, #tpu.memory_space<vmem>>) target_semaphore(%run_scoped3A : memref<!tpu.dma_semaphore, #tpu.memory_space<semaphore_mem>>)
      %dma_wait3A_234 = tpu.memref_slice %arg4[%add3A_36] : memref<4096xi32, #tpu.memory_space<hbm>> -> memref<16xi32, #tpu.memory_space<hbm>>
      %dma_wait3A_235 = tpu.memref_slice %arg4[%add3A_36] : memref<4096xi32, #tpu.memory_space<hbm>> -> memref<16xi32, #tpu.memory_space<hbm>>
      tpu.wait_dma2 semaphore(%run_scoped3A : memref<!tpu.dma_semaphore, #tpu.memory_space<semaphore_mem>>) src(%dma_wait3A_235 : memref<16xi32, #tpu.memory_space<hbm>>) dst(%arg8 : memref<16xi32, #tpu.memory_space<vmem>>)
      tpu.yield
    }) : () -> ()
    %dma_start3A_40 = arith.constant 0 : i32
    %dma_start3A_41 = arith.constant 0 : i32
    %dma_start3A_42 = tpu.memref_slice %arg2[%dma_start3A_40, %dma_start3A_41] : memref<16384x1024xf32, #tpu.memory_space<hbm>> -> memref<16384x1024xf32, #tpu.memory_space<hbm>>
    tpu.enqueue_indirect_dma source(%dma_start3A_42 : memref<16384x1024xf32, #tpu.memory_space<hbm>>) target(%arg6 : memref<16x1024xf32, #tpu.memory_space<vmem>>) offsets(%arg8 : memref<16xi32, #tpu.memory_space<vmem>>) semaphore(%arg12 : memref<!tpu.dma_semaphore, #tpu.memory_space<semaphore_mem>>)
    %dma_start3A_43 = arith.constant 0 : i32
    %dma_start3A_44 = tpu.memref_slice %arg3[%add3A_36, %dma_start3A_43] : memref<4096x1024xf32, #tpu.memory_space<hbm>> -> memref<16x1024xf32, #tpu.memory_space<hbm>>
    %dma_start3A_45 = arith.constant 0 : i32
    %dma_start3A_46 = tpu.memref_slice %arg3[%add3A_36, %dma_start3A_45] : memref<4096x1024xf32, #tpu.memory_space<hbm>> -> memref<16x1024xf32, #tpu.memory_space<hbm>>
    tpu.enqueue_dma source(%dma_start3A_46 : memref<16x1024xf32, #tpu.memory_space<hbm>>) target(%arg7 : memref<16x1024xf32, #tpu.memory_space<vmem>>) target_semaphore(%arg13 : memref<!tpu.dma_semaphore, #tpu.memory_space<semaphore_mem>>)
    %dma_wait3A_47 = arith.constant 0 : i32
    %dma_wait3A_48 = arith.constant 0 : i32
    %dma_wait3A_49 = tpu.memref_slice %arg2[%dma_wait3A_47, %dma_wait3A_48] : memref<16384x1024xf32, #tpu.memory_space<hbm>> -> memref<16384x1024xf32, #tpu.memory_space<hbm>>
    tpu.wait_indirect_dma semaphore(%arg15 : memref<!tpu.dma_semaphore, #tpu.memory_space<semaphore_mem>>) src(%dma_wait3A_49 : memref<16384x1024xf32, #tpu.memory_space<hbm>>) dst(%arg9 : memref<16x1024xf32, #tpu.memory_space<vmem>>)
    %dma_wait3A_50 = arith.constant 0 : i32
    %dma_wait3A_51 = tpu.memref_slice %arg3[%add3A_12, %dma_wait3A_50] : memref<4096x1024xf32, #tpu.memory_space<hbm>> -> memref<16x1024xf32, #tpu.memory_space<hbm>>
    %dma_wait3A_52 = arith.constant 0 : i32
    %dma_wait3A_53 = tpu.memref_slice %arg3[%add3A_12, %dma_wait3A_52] : memref<4096x1024xf32, #tpu.memory_space<hbm>> -> memref<16x1024xf32, #tpu.memory_space<hbm>>
    tpu.wait_dma2 semaphore(%arg16 : memref<!tpu.dma_semaphore, #tpu.memory_space<semaphore_mem>>) src(%dma_wait3A_53 : memref<16x1024xf32, #tpu.memory_space<hbm>>) dst(%arg10 : memref<16x1024xf32, #tpu.memory_space<vmem>>)
    %scan3A_54 = arith.constant 0 : i32
    %scan3A_55 = arith.constant 0 : i32
    %scan3A_56 = arith.constant 1024 : i32
    %scan3A_57 = arith.addi %scan3A_55, %scan3A_56 : i32
    %scan3A_58 = arith.constant 8 : i32
    %scan3A_59 = scf.for %scan3A_232 = %scan3A_55 to %scan3A_57 step %scan3A_58 iter_args(%scan3A_233 = %scan3A_54) -> (i32)  : i32 {
      %jit3A = arith.constant 64 : i32
      %div3A = arith.divsi %scan3A_232, %jit3A : i32
      %sign3A = arith.constant 0 : i32
      %sign3A_234 = arith.cmpi sgt, %scan3A_232, %sign3A : i32
      %sign3A_235 = arith.extui %sign3A_234 : i1 to i32
      %sign3A_236 = arith.constant 0 : i32
      %sign3A_237 = arith.cmpi slt, %scan3A_232, %sign3A_236 : i32
      %sign3A_238 = arith.extui %sign3A_237 : i1 to i32
      %sign3A_239 = arith.subi %sign3A_235, %sign3A_238 : i32
      %sign3A_240 = arith.constant 0 : i32
      %sign3A_241 = arith.cmpi sgt, %jit3A, %sign3A_240 : i32
      %sign3A_242 = arith.extui %sign3A_241 : i1 to i32
      %sign3A_243 = arith.constant 0 : i32
      %sign3A_244 = arith.cmpi slt, %jit3A, %sign3A_243 : i32
      %sign3A_245 = arith.extui %sign3A_244 : i1 to i32
      %sign3A_246 = arith.subi %sign3A_242, %sign3A_245 : i32
      %ne3A = arith.cmpi ne, %sign3A_239, %sign3A_246 : i32
      %rem3A = arith.remsi %scan3A_232, %jit3A : i32
      %ne3A_247 = arith.constant 0 : i32
      %ne3A_248 = arith.cmpi ne, %rem3A, %ne3A_247 : i32
      %and3A = arith.andi %ne3A, %ne3A_248 : i1
      %sub3A = arith.constant 1 : i32
      %sub3A_249 = arith.subi %div3A, %sub3A : i32
      %select_n3A = arith.select %and3A, %sub3A_249, %div3A : i32
      %jit3A_250 = arith.constant 64 : i32
      %eq3A = arith.constant 0 : i32
      %eq3A_251 = arith.cmpi eq, %jit3A_250, %eq3A : i32
      %jit3A_252 = arith.constant 1 : i32
      %select_n3A_253 = arith.select %eq3A_251, %jit3A_252, %jit3A_250 : i32
      %rem3A_254 = arith.remsi %scan3A_232, %select_n3A_253 : i32
      %ne3A_255 = arith.constant 0 : i32
      %ne3A_256 = arith.cmpi ne, %rem3A_254, %ne3A_255 : i32
      %lt3A = arith.constant 0 : i32
      %lt3A_257 = arith.cmpi slt, %rem3A_254, %lt3A : i32
      %lt3A_258 = arith.constant 0 : i32
      %lt3A_259 = arith.cmpi slt, %select_n3A_253, %lt3A_258 : i32
      %ne3A_260 = arith.xori %lt3A_257, %lt3A_259 : i1
      %and3A_261 = arith.andi %ne3A_260, %ne3A_256 : i1
      %add3A_262 = arith.addi %rem3A_254, %select_n3A_253 : i32
      %select_n3A_263 = arith.select %and3A_261, %add3A_262, %rem3A_254 : i32
      %mul3A_264 = arith.constant 16 : i32
      %mul3A_265 = arith.muli %select_n3A_263, %mul3A_264 : i32
      %get3A = arith.index_cast %select_n3A : i32 to index
      %get3A_266 = arith.index_cast %mul3A_265 : i32 to index
      %get3A_267 = tpu.vector_load %arg9[%get3A, %get3A_266] {strides = array<i32>} : memref<16x1024xf32, #tpu.memory_space<vmem>>, vector<1x16xf32>,
      %get3A_268 = vector.shape_cast %get3A_267 : vector<1x16xf32> to vector<16xf32>
      %get3A_269 = arith.index_cast %select_n3A : i32 to index
      %get3A_270 = arith.index_cast %mul3A_265 : i32 to index
      %get3A_271 = tpu.vector_load %arg10[%get3A_269, %get3A_270] {strides = array<i32>} : memref<16x1024xf32, #tpu.memory_space<vmem>>, vector<1x16xf32>,
      %get3A_272 = vector.shape_cast %get3A_271 : vector<1x16xf32> to vector<16xf32>
      %add3A_273 = arith.addf %get3A_268, %get3A_272 : vector<16xf32>
      %swap3A = arith.index_cast %select_n3A : i32 to index
      %swap3A_274 = arith.index_cast %mul3A_265 : i32 to index
      %swap3A_275 = tpu.vector_load %arg9[%swap3A, %swap3A_274] {strides = array<i32>} : memref<16x1024xf32, #tpu.memory_space<vmem>>, vector<1x16xf32>,
      %swap3A_276 = vector.shape_cast %swap3A_275 : vector<1x16xf32> to vector<16xf32>
      %swap3A_277 = vector.shape_cast %add3A_273 : vector<16xf32> to vector<1x16xf32>
      tpu.vector_store %arg9[%swap3A, %swap3A_274], %swap3A_277 {strides = array<i32>} : memref<16x1024xf32, #tpu.memory_space<vmem>>, vector<1x16xf32>,
      %scan3A_278 = arith.constant 0 : i32
      %scan3A_279 = arith.constant 1 : i32
      %scan3A_280 = arith.addi %scan3A_232, %scan3A_279 : i32
      %jit3A_281 = arith.constant 64 : i32
      %div3A_282 = arith.divsi %scan3A_280, %jit3A_281 : i32
      %sign3A_283 = arith.constant 0 : i32
      %sign3A_284 = arith.cmpi sgt, %scan3A_280, %sign3A_283 : i32
      %sign3A_285 = arith.extui %sign3A_284 : i1 to i32
      %sign3A_286 = arith.constant 0 : i32
      %sign3A_287 = arith.cmpi slt, %scan3A_280, %sign3A_286 : i32
      %sign3A_288 = arith.extui %sign3A_287 : i1 to i32
      %sign3A_289 = arith.subi %sign3A_285, %sign3A_288 : i32
      %sign3A_290 = arith.constant 0 : i32
      %sign3A_291 = arith.cmpi sgt, %jit3A_281, %sign3A_290 : i32
      %sign3A_292 = arith.extui %sign3A_291 : i1 to i32
      %sign3A_293 = arith.constant 0 : i32
      %sign3A_294 = arith.cmpi slt, %jit3A_281, %sign3A_293 : i32
      %sign3A_295 = arith.extui %sign3A_294 : i1 to i32
      %sign3A_296 = arith.subi %sign3A_292, %sign3A_295 : i32
      %ne3A_297 = arith.cmpi ne, %sign3A_289, %sign3A_296 : i32
      %rem3A_298 = arith.remsi %scan3A_280, %jit3A_281 : i32
      %ne3A_299 = arith.constant 0 : i32
      %ne3A_300 = arith.cmpi ne, %rem3A_298, %ne3A_299 : i32
      %and3A_301 = arith.andi %ne3A_297, %ne3A_300 : i1
      %sub3A_302 = arith.constant 1 : i32
      %sub3A_303 = arith.subi %div3A_282, %sub3A_302 : i32
      %select_n3A_304 = arith.select %and3A_301, %sub3A_303, %div3A_282 : i32
      %jit3A_305 = arith.constant 64 : i32
      %eq3A_306 = arith.constant 0 : i32
      %eq3A_307 = arith.cmpi eq, %jit3A_305, %eq3A_306 : i32
      %jit3A_308 = arith.constant 1 : i32
      %select_n3A_309 = arith.select %eq3A_307, %jit3A_308, %jit3A_305 : i32
      %rem3A_310 = arith.remsi %scan3A_280, %select_n3A_309 : i32
      %ne3A_311 = arith.constant 0 : i32
      %ne3A_312 = arith.cmpi ne, %rem3A_310, %ne3A_311 : i32
      %lt3A_313 = arith.constant 0 : i32
      %lt3A_314 = arith.cmpi slt, %rem3A_310, %lt3A_313 : i32
      %lt3A_315 = arith.constant 0 : i32
      %lt3A_316 = arith.cmpi slt, %select_n3A_309, %lt3A_315 : i32
      %ne3A_317 = arith.xori %lt3A_314, %lt3A_316 : i1
      %and3A_318 = arith.andi %ne3A_317, %ne3A_312 : i1
      %add3A_319 = arith.addi %rem3A_310, %select_n3A_309 : i32
      %select_n3A_320 = arith.select %and3A_318, %add3A_319, %rem3A_310 : i32
      %mul3A_321 = arith.constant 16 : i32
      %mul3A_322 = arith.muli %select_n3A_320, %mul3A_321 : i32
      %get3A_323 = arith.index_cast %select_n3A_304 : i32 to index
      %get3A_324 = arith.index_cast %mul3A_322 : i32 to index
      %get3A_325 = tpu.vector_load %arg9[%get3A_323, %get3A_324] {strides = array<i32>} : memref<16x1024xf32, #tpu.memory_space<vmem>>, vector<1x16xf32>,
      %get3A_326 = vector.shape_cast %get3A_325 : vector<1x16xf32> to vector<16xf32>
      %get3A_327 = arith.index_cast %select_n3A_304 : i32 to index
      %get3A_328 = arith.index_cast %mul3A_322 : i32 to index
      %get3A_329 = tpu.vector_load %arg10[%get3A_327, %get3A_328] {strides = array<i32>} : memref<16x1024xf32, #tpu.memory_space<vmem>>, vector<1x16xf32>,
      %get3A_330 = vector.shape_cast %get3A_329 : vector<1x16xf32> to vector<16xf32>
      %add3A_331 = arith.addf %get3A_326, %get3A_330 : vector<16xf32>
      %swap3A_332 = arith.index_cast %select_n3A_304 : i32 to index
      %swap3A_333 = arith.index_cast %mul3A_322 : i32 to index
      %swap3A_334 = tpu.vector_load %arg9[%swap3A_332, %swap3A_333] {strides = array<i32>} : memref<16x1024xf32, #tpu.memory_space<vmem>>, vector<1x16xf32>,
      %swap3A_335 = vector.shape_cast %swap3A_334 : vector<1x16xf32> to vector<16xf32>
      %swap3A_336 = vector.shape_cast %add3A_331 : vector<16xf32> to vector<1x16xf32>
      tpu.vector_store %arg9[%swap3A_332, %swap3A_333], %swap3A_336 {strides = array<i32>} : memref<16x1024xf32, #tpu.memory_space<vmem>>, vector<1x16xf32>,
      %scan3A_337 = arith.constant 0 : i32
      %scan3A_338 = arith.constant 2 : i32
      %scan3A_339 = arith.addi %scan3A_232, %scan3A_338 : i32
      %jit3A_340 = arith.constant 64 : i32
      %div3A_341 = arith.divsi %scan3A_339, %jit3A_340 : i32
      %sign3A_342 = arith.constant 0 : i32
      %sign3A_343 = arith.cmpi sgt, %scan3A_339, %sign3A_342 : i32
      %sign3A_344 = arith.extui %sign3A_343 : i1 to i32
      %sign3A_345 = arith.constant 0 : i32
      %sign3A_346 = arith.cmpi slt, %scan3A_339, %sign3A_345 : i32
      %sign3A_347 = arith.extui %sign3A_346 : i1 to i32
      %sign3A_348 = arith.subi %sign3A_344, %sign3A_347 : i32
      %sign3A_349 = arith.constant 0 : i32
      %sign3A_350 = arith.cmpi sgt, %jit3A_340, %sign3A_349 : i32
      %sign3A_351 = arith.extui %sign3A_350 : i1 to i32
      %sign3A_352 = arith.constant 0 : i32
      %sign3A_353 = arith.cmpi slt, %jit3A_340, %sign3A_352 : i32
      %sign3A_354 = arith.extui %sign3A_353 : i1 to i32
      %sign3A_355 = arith.subi %sign3A_351, %sign3A_354 : i32
      %ne3A_356 = arith.cmpi ne, %sign3A_348, %sign3A_355 : i32
      %rem3A_357 = arith.remsi %scan3A_339, %jit3A_340 : i32
      %ne3A_358 = arith.constant 0 : i32
      %ne3A_359 = arith.cmpi ne, %rem3A_357, %ne3A_358 : i32
      %and3A_360 = arith.andi %ne3A_356, %ne3A_359 : i1
      %sub3A_361 = arith.constant 1 : i32
      %sub3A_362 = arith.subi %div3A_341, %sub3A_361 : i32
      %select_n3A_363 = arith.select %and3A_360, %sub3A_362, %div3A_341 : i32
      %jit3A_364 = arith.constant 64 : i32
      %eq3A_365 = arith.constant 0 : i32
      %eq3A_366 = arith.cmpi eq, %jit3A_364, %eq3A_365 : i32
      %jit3A_367 = arith.constant 1 : i32
      %select_n3A_368 = arith.select %eq3A_366, %jit3A_367, %jit3A_364 : i32
      %rem3A_369 = arith.remsi %scan3A_339, %select_n3A_368 : i32
      %ne3A_370 = arith.constant 0 : i32
      %ne3A_371 = arith.cmpi ne, %rem3A_369, %ne3A_370 : i32
      %lt3A_372 = arith.constant 0 : i32
      %lt3A_373 = arith.cmpi slt, %rem3A_369, %lt3A_372 : i32
      %lt3A_374 = arith.constant 0 : i32
      %lt3A_375 = arith.cmpi slt, %select_n3A_368, %lt3A_374 : i32
      %ne3A_376 = arith.xori %lt3A_373, %lt3A_375 : i1
      %and3A_377 = arith.andi %ne3A_376, %ne3A_371 : i1
      %add3A_378 = arith.addi %rem3A_369, %select_n3A_368 : i32
      %select_n3A_379 = arith.select %and3A_377, %add3A_378, %rem3A_369 : i32
      %mul3A_380 = arith.constant 16 : i32
      %mul3A_381 = arith.muli %select_n3A_379, %mul3A_380 : i32
      %get3A_382 = arith.index_cast %select_n3A_363 : i32 to index
      %get3A_383 = arith.index_cast %mul3A_381 : i32 to index
      %get3A_384 = tpu.vector_load %arg9[%get3A_382, %get3A_383] {strides = array<i32>} : memref<16x1024xf32, #tpu.memory_space<vmem>>, vector<1x16xf32>,
      %get3A_385 = vector.shape_cast %get3A_384 : vector<1x16xf32> to vector<16xf32>
      %get3A_386 = arith.index_cast %select_n3A_363 : i32 to index
      %get3A_387 = arith.index_cast %mul3A_381 : i32 to index
      %get3A_388 = tpu.vector_load %arg10[%get3A_386, %get3A_387] {strides = array<i32>} : memref<16x1024xf32, #tpu.memory_space<vmem>>, vector<1x16xf32>,
      %get3A_389 = vector.shape_cast %get3A_388 : vector<1x16xf32> to vector<16xf32>
      %add3A_390 = arith.addf %get3A_385, %get3A_389 : vector<16xf32>
      %swap3A_391 = arith.index_cast %select_n3A_363 : i32 to index
      %swap3A_392 = arith.index_cast %mul3A_381 : i32 to index
      %swap3A_393 = tpu.vector_load %arg9[%swap3A_391, %swap3A_392] {strides = array<i32>} : memref<16x1024xf32, #tpu.memory_space<vmem>>, vector<1x16xf32>,
      %swap3A_394 = vector.shape_cast %swap3A_393 : vector<1x16xf32> to vector<16xf32>
      %swap3A_395 = vector.shape_cast %add3A_390 : vector<16xf32> to vector<1x16xf32>
      tpu.vector_store %arg9[%swap3A_391, %swap3A_392], %swap3A_395 {strides = array<i32>} : memref<16x1024xf32, #tpu.memory_space<vmem>>, vector<1x16xf32>,
      %scan3A_396 = arith.constant 0 : i32
      %scan3A_397 = arith.constant 3 : i32
      %scan3A_398 = arith.addi %scan3A_232, %scan3A_397 : i32
      %jit3A_399 = arith.constant 64 : i32
      %div3A_400 = arith.divsi %scan3A_398, %jit3A_399 : i32
      %sign3A_401 = arith.constant 0 : i32
      %sign3A_402 = arith.cmpi sgt, %scan3A_398, %sign3A_401 : i32
      %sign3A_403 = arith.extui %sign3A_402 : i1 to i32
      %sign3A_404 = arith.constant 0 : i32
      %sign3A_405 = arith.cmpi slt, %scan3A_398, %sign3A_404 : i32
      %sign3A_406 = arith.extui %sign3A_405 : i1 to i32
      %sign3A_407 = arith.subi %sign3A_403, %sign3A_406 : i32
      %sign3A_408 = arith.constant 0 : i32
      %sign3A_409 = arith.cmpi sgt, %jit3A_399, %sign3A_408 : i32
      %sign3A_410 = arith.extui %sign3A_409 : i1 to i32
      %sign3A_411 = arith.constant 0 : i32
      %sign3A_412 = arith.cmpi slt, %jit3A_399, %sign3A_411 : i32
      %sign3A_413 = arith.extui %sign3A_412 : i1 to i32
      %sign3A_414 = arith.subi %sign3A_410, %sign3A_413 : i32
      %ne3A_415 = arith.cmpi ne, %sign3A_407, %sign3A_414 : i32
      %rem3A_416 = arith.remsi %scan3A_398, %jit3A_399 : i32
      %ne3A_417 = arith.constant 0 : i32
      %ne3A_418 = arith.cmpi ne, %rem3A_416, %ne3A_417 : i32
      %and3A_419 = arith.andi %ne3A_415, %ne3A_418 : i1
      %sub3A_420 = arith.constant 1 : i32
      %sub3A_421 = arith.subi %div3A_400, %sub3A_420 : i32
      %select_n3A_422 = arith.select %and3A_419, %sub3A_421, %div3A_400 : i32
      %jit3A_423 = arith.constant 64 : i32
      %eq3A_424 = arith.constant 0 : i32
      %eq3A_425 = arith.cmpi eq, %jit3A_423, %eq3A_424 : i32
      %jit3A_426 = arith.constant 1 : i32
      %select_n3A_427 = arith.select %eq3A_425, %jit3A_426, %jit3A_423 : i32
      %rem3A_428 = arith.remsi %scan3A_398, %select_n3A_427 : i32
      %ne3A_429 = arith.constant 0 : i32
      %ne3A_430 = arith.cmpi ne, %rem3A_428, %ne3A_429 : i32
      %lt3A_431 = arith.constant 0 : i32
      %lt3A_432 = arith.cmpi slt, %rem3A_428, %lt3A_431 : i32
      %lt3A_433 = arith.constant 0 : i32
      %lt3A_434 = arith.cmpi slt, %select_n3A_427, %lt3A_433 : i32
      %ne3A_435 = arith.xori %lt3A_432, %lt3A_434 : i1
      %and3A_436 = arith.andi %ne3A_435, %ne3A_430 : i1
      %add3A_437 = arith.addi %rem3A_428, %select_n3A_427 : i32
      %select_n3A_438 = arith.select %and3A_436, %add3A_437, %rem3A_428 : i32
      %mul3A_439 = arith.constant 16 : i32
      %mul3A_440 = arith.muli %select_n3A_438, %mul3A_439 : i32
      %get3A_441 = arith.index_cast %select_n3A_422 : i32 to index
      %get3A_442 = arith.index_cast %mul3A_440 : i32 to index
      %get3A_443 = tpu.vector_load %arg9[%get3A_441, %get3A_442] {strides = array<i32>} : memref<16x1024xf32, #tpu.memory_space<vmem>>, vector<1x16xf32>,
      %get3A_444 = vector.shape_cast %get3A_443 : vector<1x16xf32> to vector<16xf32>
      %get3A_445 = arith.index_cast %select_n3A_422 : i32 to index
      %get3A_446 = arith.index_cast %mul3A_440 : i32 to index
      %get3A_447 = tpu.vector_load %arg10[%get3A_445, %get3A_446] {strides = array<i32>} : memref<16x1024xf32, #tpu.memory_space<vmem>>, vector<1x16xf32>,
      %get3A_448 = vector.shape_cast %get3A_447 : vector<1x16xf32> to vector<16xf32>
      %add3A_449 = arith.addf %get3A_444, %get3A_448 : vector<16xf32>
      %swap3A_450 = arith.index_cast %select_n3A_422 : i32 to index
      %swap3A_451 = arith.index_cast %mul3A_440 : i32 to index
      %swap3A_452 = tpu.vector_load %arg9[%swap3A_450, %swap3A_451] {strides = array<i32>} : memref<16x1024xf32, #tpu.memory_space<vmem>>, vector<1x16xf32>,
      %swap3A_453 = vector.shape_cast %swap3A_452 : vector<1x16xf32> to vector<16xf32>
      %swap3A_454 = vector.shape_cast %add3A_449 : vector<16xf32> to vector<1x16xf32>
      tpu.vector_store %arg9[%swap3A_450, %swap3A_451], %swap3A_454 {strides = array<i32>} : memref<16x1024xf32, #tpu.memory_space<vmem>>, vector<1x16xf32>,
      %scan3A_455 = arith.constant 0 : i32
      %scan3A_456 = arith.constant 4 : i32
      %scan3A_457 = arith.addi %scan3A_232, %scan3A_456 : i32
      %jit3A_458 = arith.constant 64 : i32
      %div3A_459 = arith.divsi %scan3A_457, %jit3A_458 : i32
      %sign3A_460 = arith.constant 0 : i32
      %sign3A_461 = arith.cmpi sgt, %scan3A_457, %sign3A_460 : i32
      %sign3A_462 = arith.extui %sign3A_461 : i1 to i32
      %sign3A_463 = arith.constant 0 : i32
      %sign3A_464 = arith.cmpi slt, %scan3A_457, %sign3A_463 : i32
      %sign3A_465 = arith.extui %sign3A_464 : i1 to i32
      %sign3A_466 = arith.subi %sign3A_462, %sign3A_465 : i32
      %sign3A_467 = arith.constant 0 : i32
      %sign3A_468 = arith.cmpi sgt, %jit3A_458, %sign3A_467 : i32
      %sign3A_469 = arith.extui %sign3A_468 : i1 to i32
      %sign3A_470 = arith.constant 0 : i32
      %sign3A_471 = arith.cmpi slt, %jit3A_458, %sign3A_470 : i32
      %sign3A_472 = arith.extui %sign3A_471 : i1 to i32
      %sign3A_473 = arith.subi %sign3A_469, %sign3A_472 : i32
      %ne3A_474 = arith.cmpi ne, %sign3A_466, %sign3A_473 : i32
      %rem3A_475 = arith.remsi %scan3A_457, %jit3A_458 : i32
      %ne3A_476 = arith.constant 0 : i32
      %ne3A_477 = arith.cmpi ne, %rem3A_475, %ne3A_476 : i32
      %and3A_478 = arith.andi %ne3A_474, %ne3A_477 : i1
      %sub3A_479 = arith.constant 1 : i32
      %sub3A_480 = arith.subi %div3A_459, %sub3A_479 : i32
      %select_n3A_481 = arith.select %and3A_478, %sub3A_480, %div3A_459 : i32
      %jit3A_482 = arith.constant 64 : i32
      %eq3A_483 = arith.constant 0 : i32
      %eq3A_484 = arith.cmpi eq, %jit3A_482, %eq3A_483 : i32
      %jit3A_485 = arith.constant 1 : i32
      %select_n3A_486 = arith.select %eq3A_484, %jit3A_485, %jit3A_482 : i32
      %rem3A_487 = arith.remsi %scan3A_457, %select_n3A_486 : i32
      %ne3A_488 = arith.constant 0 : i32
      %ne3A_489 = arith.cmpi ne, %rem3A_487, %ne3A_488 : i32
      %lt3A_490 = arith.constant 0 : i32
      %lt3A_491 = arith.cmpi slt, %rem3A_487, %lt3A_490 : i32
      %lt3A_492 = arith.constant 0 : i32
      %lt3A_493 = arith.cmpi slt, %select_n3A_486, %lt3A_492 : i32
      %ne3A_494 = arith.xori %lt3A_491, %lt3A_493 : i1
      %and3A_495 = arith.andi %ne3A_494, %ne3A_489 : i1
      %add3A_496 = arith.addi %rem3A_487, %select_n3A_486 : i32
      %select_n3A_497 = arith.select %and3A_495, %add3A_496, %rem3A_487 : i32
      %mul3A_498 = arith.constant 16 : i32
      %mul3A_499 = arith.muli %select_n3A_497, %mul3A_498 : i32
      %get3A_500 = arith.index_cast %select_n3A_481 : i32 to index
      %get3A_501 = arith.index_cast %mul3A_499 : i32 to index
      %get3A_502 = tpu.vector_load %arg9[%get3A_500, %get3A_501] {strides = array<i32>} : memref<16x1024xf32, #tpu.memory_space<vmem>>, vector<1x16xf32>,
      %get3A_503 = vector.shape_cast %get3A_502 : vector<1x16xf32> to vector<16xf32>
      %get3A_504 = arith.index_cast %select_n3A_481 : i32 to index
      %get3A_505 = arith.index_cast %mul3A_499 : i32 to index
      %get3A_506 = tpu.vector_load %arg10[%get3A_504, %get3A_505] {strides = array<i32>} : memref<16x1024xf32, #tpu.memory_space<vmem>>, vector<1x16xf32>,
      %get3A_507 = vector.shape_cast %get3A_506 : vector<1x16xf32> to vector<16xf32>
      %add3A_508 = arith.addf %get3A_503, %get3A_507 : vector<16xf32>
      %swap3A_509 = arith.index_cast %select_n3A_481 : i32 to index
      %swap3A_510 = arith.index_cast %mul3A_499 : i32 to index
      %swap3A_511 = tpu.vector_load %arg9[%swap3A_509, %swap3A_510] {strides = array<i32>} : memref<16x1024xf32, #tpu.memory_space<vmem>>, vector<1x16xf32>,
      %swap3A_512 = vector.shape_cast %swap3A_511 : vector<1x16xf32> to vector<16xf32>
      %swap3A_513 = vector.shape_cast %add3A_508 : vector<16xf32> to vector<1x16xf32>
      tpu.vector_store %arg9[%swap3A_509, %swap3A_510], %swap3A_513 {strides = array<i32>} : memref<16x1024xf32, #tpu.memory_space<vmem>>, vector<1x16xf32>,
      %scan3A_514 = arith.constant 0 : i32
      %scan3A_515 = arith.constant 5 : i32
      %scan3A_516 = arith.addi %scan3A_232, %scan3A_515 : i32
      %jit3A_517 = arith.constant 64 : i32
      %div3A_518 = arith.divsi %scan3A_516, %jit3A_517 : i32
      %sign3A_519 = arith.constant 0 : i32
      %sign3A_520 = arith.cmpi sgt, %scan3A_516, %sign3A_519 : i32
      %sign3A_521 = arith.extui %sign3A_520 : i1 to i32
      %sign3A_522 = arith.constant 0 : i32
      %sign3A_523 = arith.cmpi slt, %scan3A_516, %sign3A_522 : i32
      %sign3A_524 = arith.extui %sign3A_523 : i1 to i32
      %sign3A_525 = arith.subi %sign3A_521, %sign3A_524 : i32
      %sign3A_526 = arith.constant 0 : i32
      %sign3A_527 = arith.cmpi sgt, %jit3A_517, %sign3A_526 : i32
      %sign3A_528 = arith.extui %sign3A_527 : i1 to i32
      %sign3A_529 = arith.constant 0 : i32
      %sign3A_530 = arith.cmpi slt, %jit3A_517, %sign3A_529 : i32
      %sign3A_531 = arith.extui %sign3A_530 : i1 to i32
      %sign3A_532 = arith.subi %sign3A_528, %sign3A_531 : i32
      %ne3A_533 = arith.cmpi ne, %sign3A_525, %sign3A_532 : i32
      %rem3A_534 = arith.remsi %scan3A_516, %jit3A_517 : i32
      %ne3A_535 = arith.constant 0 : i32
      %ne3A_536 = arith.cmpi ne, %rem3A_534, %ne3A_535 : i32
      %and3A_537 = arith.andi %ne3A_533, %ne3A_536 : i1
      %sub3A_538 = arith.constant 1 : i32
      %sub3A_539 = arith.subi %div3A_518, %sub3A_538 : i32
      %select_n3A_540 = arith.select %and3A_537, %sub3A_539, %div3A_518 : i32
      %jit3A_541 = arith.constant 64 : i32
      %eq3A_542 = arith.constant 0 : i32
      %eq3A_543 = arith.cmpi eq, %jit3A_541, %eq3A_542 : i32
      %jit3A_544 = arith.constant 1 : i32
      %select_n3A_545 = arith.select %eq3A_543, %jit3A_544, %jit3A_541 : i32
      %rem3A_546 = arith.remsi %scan3A_516, %select_n3A_545 : i32
      %ne3A_547 = arith.constant 0 : i32
      %ne3A_548 = arith.cmpi ne, %rem3A_546, %ne3A_547 : i32
      %lt3A_549 = arith.constant 0 : i32
      %lt3A_550 = arith.cmpi slt, %rem3A_546, %lt3A_549 : i32
      %lt3A_551 = arith.constant 0 : i32
      %lt3A_552 = arith.cmpi slt, %select_n3A_545, %lt3A_551 : i32
      %ne3A_553 = arith.xori %lt3A_550, %lt3A_552 : i1
      %and3A_554 = arith.andi %ne3A_553, %ne3A_548 : i1
      %add3A_555 = arith.addi %rem3A_546, %select_n3A_545 : i32
      %select_n3A_556 = arith.select %and3A_554, %add3A_555, %rem3A_546 : i32
      %mul3A_557 = arith.constant 16 : i32
      %mul3A_558 = arith.muli %select_n3A_556, %mul3A_557 : i32
      %get3A_559 = arith.index_cast %select_n3A_540 : i32 to index
      %get3A_560 = arith.index_cast %mul3A_558 : i32 to index
      %get3A_561 = tpu.vector_load %arg9[%get3A_559, %get3A_560] {strides = array<i32>} : memref<16x1024xf32, #tpu.memory_space<vmem>>, vector<1x16xf32>,
      %get3A_562 = vector.shape_cast %get3A_561 : vector<1x16xf32> to vector<16xf32>
      %get3A_563 = arith.index_cast %select_n3A_540 : i32 to index
      %get3A_564 = arith.index_cast %mul3A_558 : i32 to index
      %get3A_565 = tpu.vector_load %arg10[%get3A_563, %get3A_564] {strides = array<i32>} : memref<16x1024xf32, #tpu.memory_space<vmem>>, vector<1x16xf32>,
      %get3A_566 = vector.shape_cast %get3A_565 : vector<1x16xf32> to vector<16xf32>
      %add3A_567 = arith.addf %get3A_562, %get3A_566 : vector<16xf32>
      %swap3A_568 = arith.index_cast %select_n3A_540 : i32 to index
      %swap3A_569 = arith.index_cast %mul3A_558 : i32 to index
      %swap3A_570 = tpu.vector_load %arg9[%swap3A_568, %swap3A_569] {strides = array<i32>} : memref<16x1024xf32, #tpu.memory_space<vmem>>, vector<1x16xf32>,
      %swap3A_571 = vector.shape_cast %swap3A_570 : vector<1x16xf32> to vector<16xf32>
      %swap3A_572 = vector.shape_cast %add3A_567 : vector<16xf32> to vector<1x16xf32>
      tpu.vector_store %arg9[%swap3A_568, %swap3A_569], %swap3A_572 {strides = array<i32>} : memref<16x1024xf32, #tpu.memory_space<vmem>>, vector<1x16xf32>,
      %scan3A_573 = arith.constant 0 : i32
      %scan3A_574 = arith.constant 6 : i32
      %scan3A_575 = arith.addi %scan3A_232, %scan3A_574 : i32
      %jit3A_576 = arith.constant 64 : i32
      %div3A_577 = arith.divsi %scan3A_575, %jit3A_576 : i32
      %sign3A_578 = arith.constant 0 : i32
      %sign3A_579 = arith.cmpi sgt, %scan3A_575, %sign3A_578 : i32
      %sign3A_580 = arith.extui %sign3A_579 : i1 to i32
      %sign3A_581 = arith.constant 0 : i32
      %sign3A_582 = arith.cmpi slt, %scan3A_575, %sign3A_581 : i32
      %sign3A_583 = arith.extui %sign3A_582 : i1 to i32
      %sign3A_584 = arith.subi %sign3A_580, %sign3A_583 : i32
      %sign3A_585 = arith.constant 0 : i32
      %sign3A_586 = arith.cmpi sgt, %jit3A_576, %sign3A_585 : i32
      %sign3A_587 = arith.extui %sign3A_586 : i1 to i32
      %sign3A_588 = arith.constant 0 : i32
      %sign3A_589 = arith.cmpi slt, %jit3A_576, %sign3A_588 : i32
      %sign3A_590 = arith.extui %sign3A_589 : i1 to i32
      %sign3A_591 = arith.subi %sign3A_587, %sign3A_590 : i32
      %ne3A_592 = arith.cmpi ne, %sign3A_584, %sign3A_591 : i32
      %rem3A_593 = arith.remsi %scan3A_575, %jit3A_576 : i32
      %ne3A_594 = arith.constant 0 : i32
      %ne3A_595 = arith.cmpi ne, %rem3A_593, %ne3A_594 : i32
      %and3A_596 = arith.andi %ne3A_592, %ne3A_595 : i1
      %sub3A_597 = arith.constant 1 : i32
      %sub3A_598 = arith.subi %div3A_577, %sub3A_597 : i32
      %select_n3A_599 = arith.select %and3A_596, %sub3A_598, %div3A_577 : i32
      %jit3A_600 = arith.constant 64 : i32
      %eq3A_601 = arith.constant 0 : i32
      %eq3A_602 = arith.cmpi eq, %jit3A_600, %eq3A_601 : i32
      %jit3A_603 = arith.constant 1 : i32
      %select_n3A_604 = arith.select %eq3A_602, %jit3A_603, %jit3A_600 : i32
      %rem3A_605 = arith.remsi %scan3A_575, %select_n3A_604 : i32
      %ne3A_606 = arith.constant 0 : i32
      %ne3A_607 = arith.cmpi ne, %rem3A_605, %ne3A_606 : i32
      %lt3A_608 = arith.constant 0 : i32
      %lt3A_609 = arith.cmpi slt, %rem3A_605, %lt3A_608 : i32
      %lt3A_610 = arith.constant 0 : i32
      %lt3A_611 = arith.cmpi slt, %select_n3A_604, %lt3A_610 : i32
      %ne3A_612 = arith.xori %lt3A_609, %lt3A_611 : i1
      %and3A_613 = arith.andi %ne3A_612, %ne3A_607 : i1
      %add3A_614 = arith.addi %rem3A_605, %select_n3A_604 : i32
      %select_n3A_615 = arith.select %and3A_613, %add3A_614, %rem3A_605 : i32
      %mul3A_616 = arith.constant 16 : i32
      %mul3A_617 = arith.muli %select_n3A_615, %mul3A_616 : i32
      %get3A_618 = arith.index_cast %select_n3A_599 : i32 to index
      %get3A_619 = arith.index_cast %mul3A_617 : i32 to index
      %get3A_620 = tpu.vector_load %arg9[%get3A_618, %get3A_619] {strides = array<i32>} : memref<16x1024xf32, #tpu.memory_space<vmem>>, vector<1x16xf32>,
      %get3A_621 = vector.shape_cast %get3A_620 : vector<1x16xf32> to vector<16xf32>
      %get3A_622 = arith.index_cast %select_n3A_599 : i32 to index
      %get3A_623 = arith.index_cast %mul3A_617 : i32 to index
      %get3A_624 = tpu.vector_load %arg10[%get3A_622, %get3A_623] {strides = array<i32>} : memref<16x1024xf32, #tpu.memory_space<vmem>>, vector<1x16xf32>,
      %get3A_625 = vector.shape_cast %get3A_624 : vector<1x16xf32> to vector<16xf32>
      %add3A_626 = arith.addf %get3A_621, %get3A_625 : vector<16xf32>
      %swap3A_627 = arith.index_cast %select_n3A_599 : i32 to index
      %swap3A_628 = arith.index_cast %mul3A_617 : i32 to index
      %swap3A_629 = tpu.vector_load %arg9[%swap3A_627, %swap3A_628] {strides = array<i32>} : memref<16x1024xf32, #tpu.memory_space<vmem>>, vector<1x16xf32>,
      %swap3A_630 = vector.shape_cast %swap3A_629 : vector<1x16xf32> to vector<16xf32>
      %swap3A_631 = vector.shape_cast %add3A_626 : vector<16xf32> to vector<1x16xf32>
      tpu.vector_store %arg9[%swap3A_627, %swap3A_628], %swap3A_631 {strides = array<i32>} : memref<16x1024xf32, #tpu.memory_space<vmem>>, vector<1x16xf32>,
      %scan3A_632 = arith.constant 0 : i32
      %scan3A_633 = arith.constant 7 : i32
      %scan3A_634 = arith.addi %scan3A_232, %scan3A_633 : i32
      %jit3A_635 = arith.constant 64 : i32
      %div3A_636 = arith.divsi %scan3A_634, %jit3A_635 : i32
      %sign3A_637 = arith.constant 0 : i32
      %sign3A_638 = arith.cmpi sgt, %scan3A_634, %sign3A_637 : i32
      %sign3A_639 = arith.extui %sign3A_638 : i1 to i32
      %sign3A_640 = arith.constant 0 : i32
      %sign3A_641 = arith.cmpi slt, %scan3A_634, %sign3A_640 : i32
      %sign3A_642 = arith.extui %sign3A_641 : i1 to i32
      %sign3A_643 = arith.subi %sign3A_639, %sign3A_642 : i32
      %sign3A_644 = arith.constant 0 : i32
      %sign3A_645 = arith.cmpi sgt, %jit3A_635, %sign3A_644 : i32
      %sign3A_646 = arith.extui %sign3A_645 : i1 to i32
      %sign3A_647 = arith.constant 0 : i32
      %sign3A_648 = arith.cmpi slt, %jit3A_635, %sign3A_647 : i32
      %sign3A_649 = arith.extui %sign3A_648 : i1 to i32
      %sign3A_650 = arith.subi %sign3A_646, %sign3A_649 : i32
      %ne3A_651 = arith.cmpi ne, %sign3A_643, %sign3A_650 : i32
      %rem3A_652 = arith.remsi %scan3A_634, %jit3A_635 : i32
      %ne3A_653 = arith.constant 0 : i32
      %ne3A_654 = arith.cmpi ne, %rem3A_652, %ne3A_653 : i32
      %and3A_655 = arith.andi %ne3A_651, %ne3A_654 : i1
      %sub3A_656 = arith.constant 1 : i32
      %sub3A_657 = arith.subi %div3A_636, %sub3A_656 : i32
      %select_n3A_658 = arith.select %and3A_655, %sub3A_657, %div3A_636 : i32
      %jit3A_659 = arith.constant 64 : i32
      %eq3A_660 = arith.constant 0 : i32
      %eq3A_661 = arith.cmpi eq, %jit3A_659, %eq3A_660 : i32
      %jit3A_662 = arith.constant 1 : i32
      %select_n3A_663 = arith.select %eq3A_661, %jit3A_662, %jit3A_659 : i32
      %rem3A_664 = arith.remsi %scan3A_634, %select_n3A_663 : i32
      %ne3A_665 = arith.constant 0 : i32
      %ne3A_666 = arith.cmpi ne, %rem3A_664, %ne3A_665 : i32
      %lt3A_667 = arith.constant 0 : i32
      %lt3A_668 = arith.cmpi slt, %rem3A_664, %lt3A_667 : i32
      %lt3A_669 = arith.constant 0 : i32
      %lt3A_670 = arith.cmpi slt, %select_n3A_663, %lt3A_669 : i32
      %ne3A_671 = arith.xori %lt3A_668, %lt3A_670 : i1
      %and3A_672 = arith.andi %ne3A_671, %ne3A_666 : i1
      %add3A_673 = arith.addi %rem3A_664, %select_n3A_663 : i32
      %select_n3A_674 = arith.select %and3A_672, %add3A_673, %rem3A_664 : i32
      %mul3A_675 = arith.constant 16 : i32
      %mul3A_676 = arith.muli %select_n3A_674, %mul3A_675 : i32
      %get3A_677 = arith.index_cast %select_n3A_658 : i32 to index
      %get3A_678 = arith.index_cast %mul3A_676 : i32 to index
      %get3A_679 = tpu.vector_load %arg9[%get3A_677, %get3A_678] {strides = array<i32>} : memref<16x1024xf32, #tpu.memory_space<vmem>>, vector<1x16xf32>,
      %get3A_680 = vector.shape_cast %get3A_679 : vector<1x16xf32> to vector<16xf32>
      %get3A_681 = arith.index_cast %select_n3A_658 : i32 to index
      %get3A_682 = arith.index_cast %mul3A_676 : i32 to index
      %get3A_683 = tpu.vector_load %arg10[%get3A_681, %get3A_682] {strides = array<i32>} : memref<16x1024xf32, #tpu.memory_space<vmem>>, vector<1x16xf32>,
      %get3A_684 = vector.shape_cast %get3A_683 : vector<1x16xf32> to vector<16xf32>
      %add3A_685 = arith.addf %get3A_680, %get3A_684 : vector<16xf32>
      %swap3A_686 = arith.index_cast %select_n3A_658 : i32 to index
      %swap3A_687 = arith.index_cast %mul3A_676 : i32 to index
      %swap3A_688 = tpu.vector_load %arg9[%swap3A_686, %swap3A_687] {strides = array<i32>} : memref<16x1024xf32, #tpu.memory_space<vmem>>, vector<1x16xf32>,
      %swap3A_689 = vector.shape_cast %swap3A_688 : vector<1x16xf32> to vector<16xf32>
      %swap3A_690 = vector.shape_cast %add3A_685 : vector<16xf32> to vector<1x16xf32>
      tpu.vector_store %arg9[%swap3A_686, %swap3A_687], %swap3A_690 {strides = array<i32>} : memref<16x1024xf32, #tpu.memory_space<vmem>>, vector<1x16xf32>,
      %scan3A_691 = arith.constant 0 : i32
      scf.yield %scan3A_691 : i32
    }
    %scan3A_60 = arith.constant 1024 : i32
    %dma_start3A_61 = arith.constant 0 : i32
    %dma_start3A_62 = arith.constant 0 : i32
    %dma_start3A_63 = tpu.memref_slice %arg2[%dma_start3A_61, %dma_start3A_62] : memref<16384x1024xf32, #tpu.memory_space<hbm>> -> memref<16384x1024xf32, #tpu.memory_space<hbm>>
    tpu.enqueue_indirect_dma source(%arg9 : memref<16x1024xf32, #tpu.memory_space<vmem>>) target(%dma_start3A_63 : memref<16384x1024xf32, #tpu.memory_space<hbm>>) offsets(%arg11 : memref<16xi32, #tpu.memory_space<vmem>>) semaphore(%arg17 : memref<!tpu.dma_semaphore, #tpu.memory_space<semaphore_mem>>)
    %add3A_64 = arith.constant 48 : i32
    %add3A_65 = arith.addi %mul3A_2, %add3A_64 : i32
    %dma_wait3A_66 = arith.constant 0 : i32
    %dma_wait3A_67 = arith.constant 0 : i32
    %dma_wait3A_68 = tpu.memref_slice %arg2[%dma_wait3A_66, %dma_wait3A_67] : memref<16384x1024xf32, #tpu.memory_space<hbm>> -> memref<16384x1024xf32, #tpu.memory_space<hbm>>
    tpu.wait_indirect_dma semaphore(%arg17 : memref<!tpu.dma_semaphore, #tpu.memory_space<semaphore_mem>>) src(%arg9 : memref<16x1024xf32, #tpu.memory_space<vmem>>) dst(%dma_wait3A_68 : memref<16384x1024xf32, #tpu.memory_space<hbm>>)
    "tpu.region"() ({
      %run_scoped3A = tpu.sem_alloc : memref<!tpu.dma_semaphore, #tpu.memory_space<semaphore_mem>>
      %dma_start3A_232 = tpu.memref_slice %arg4[%add3A_65] : memref<4096xi32, #tpu.memory_space<hbm>> -> memref<16xi32, #tpu.memory_space<hbm>>
      %dma_start3A_233 = tpu.memref_slice %arg4[%add3A_65] : memref<4096xi32, #tpu.memory_space<hbm>> -> memref<16xi32, #tpu.memory_space<hbm>>
      tpu.enqueue_dma source(%dma_start3A_233 : memref<16xi32, #tpu.memory_space<hbm>>) target(%arg11 : memref<16xi32, #tpu.memory_space<vmem>>) target_semaphore(%run_scoped3A : memref<!tpu.dma_semaphore, #tpu.memory_space<semaphore_mem>>)
      %dma_wait3A_234 = tpu.memref_slice %arg4[%add3A_65] : memref<4096xi32, #tpu.memory_space<hbm>> -> memref<16xi32, #tpu.memory_space<hbm>>
      %dma_wait3A_235 = tpu.memref_slice %arg4[%add3A_65] : memref<4096xi32, #tpu.memory_space<hbm>> -> memref<16xi32, #tpu.memory_space<hbm>>
      tpu.wait_dma2 semaphore(%run_scoped3A : memref<!tpu.dma_semaphore, #tpu.memory_space<semaphore_mem>>) src(%dma_wait3A_235 : memref<16xi32, #tpu.memory_space<hbm>>) dst(%arg11 : memref<16xi32, #tpu.memory_space<vmem>>)
      tpu.yield
    }) : () -> ()
    %dma_start3A_69 = arith.constant 0 : i32
    %dma_start3A_70 = arith.constant 0 : i32
    %dma_start3A_71 = tpu.memref_slice %arg2[%dma_start3A_69, %dma_start3A_70] : memref<16384x1024xf32, #tpu.memory_space<hbm>> -> memref<16384x1024xf32, #tpu.memory_space<hbm>>
    tpu.enqueue_indirect_dma source(%dma_start3A_71 : memref<16384x1024xf32, #tpu.memory_space<hbm>>) target(%arg9 : memref<16x1024xf32, #tpu.memory_space<vmem>>) offsets(%arg11 : memref<16xi32, #tpu.memory_space<vmem>>) semaphore(%arg15 : memref<!tpu.dma_semaphore, #tpu.memory_space<semaphore_mem>>)
    %dma_start3A_72 = arith.constant 0 : i32
    %dma_start3A_73 = tpu.memref_slice %arg3[%add3A_65, %dma_start3A_72] : memref<4096x1024xf32, #tpu.memory_space<hbm>> -> memref<16x1024xf32, #tpu.memory_space<hbm>>
    %dma_start3A_74 = arith.constant 0 : i32
    %dma_start3A_75 = tpu.memref_slice %arg3[%add3A_65, %dma_start3A_74] : memref<4096x1024xf32, #tpu.memory_space<hbm>> -> memref<16x1024xf32, #tpu.memory_space<hbm>>
    tpu.enqueue_dma source(%dma_start3A_75 : memref<16x1024xf32, #tpu.memory_space<hbm>>) target(%arg10 : memref<16x1024xf32, #tpu.memory_space<vmem>>) target_semaphore(%arg16 : memref<!tpu.dma_semaphore, #tpu.memory_space<semaphore_mem>>)
    %dma_wait3A_76 = arith.constant 0 : i32
    %dma_wait3A_77 = arith.constant 0 : i32
    %dma_wait3A_78 = tpu.memref_slice %arg2[%dma_wait3A_76, %dma_wait3A_77] : memref<16384x1024xf32, #tpu.memory_space<hbm>> -> memref<16384x1024xf32, #tpu.memory_space<hbm>>
    tpu.wait_indirect_dma semaphore(%arg12 : memref<!tpu.dma_semaphore, #tpu.memory_space<semaphore_mem>>) src(%dma_wait3A_78 : memref<16384x1024xf32, #tpu.memory_space<hbm>>) dst(%arg6 : memref<16x1024xf32, #tpu.memory_space<vmem>>)
    %dma_wait3A_79 = arith.constant 0 : i32
    %dma_wait3A_80 = tpu.memref_slice %arg3[%add3A_36, %dma_wait3A_79] : memref<4096x1024xf32, #tpu.memory_space<hbm>> -> memref<16x1024xf32, #tpu.memory_space<hbm>>
    %dma_wait3A_81 = arith.constant 0 : i32
    %dma_wait3A_82 = tpu.memref_slice %arg3[%add3A_36, %dma_wait3A_81] : memref<4096x1024xf32, #tpu.memory_space<hbm>> -> memref<16x1024xf32, #tpu.memory_space<hbm>>
    tpu.wait_dma2 semaphore(%arg13 : memref<!tpu.dma_semaphore, #tpu.memory_space<semaphore_mem>>) src(%dma_wait3A_82 : memref<16x1024xf32, #tpu.memory_space<hbm>>) dst(%arg7 : memref<16x1024xf32, #tpu.memory_space<vmem>>)
    %scan3A_83 = arith.constant 0 : i32
    %scan3A_84 = arith.constant 0 : i32
    %scan3A_85 = arith.constant 1024 : i32
    %scan3A_86 = arith.addi %scan3A_84, %scan3A_85 : i32
    %scan3A_87 = arith.constant 8 : i32
    %scan3A_88 = scf.for %scan3A_232 = %scan3A_84 to %scan3A_86 step %scan3A_87 iter_args(%scan3A_233 = %scan3A_83) -> (i32)  : i32 {
      %jit3A = arith.constant 64 : i32
      %div3A = arith.divsi %scan3A_232, %jit3A : i32
      %sign3A = arith.constant 0 : i32
      %sign3A_234 = arith.cmpi sgt, %scan3A_232, %sign3A : i32
      %sign3A_235 = arith.extui %sign3A_234 : i1 to i32
      %sign3A_236 = arith.constant 0 : i32
      %sign3A_237 = arith.cmpi slt, %scan3A_232, %sign3A_236 : i32
      %sign3A_238 = arith.extui %sign3A_237 : i1 to i32
      %sign3A_239 = arith.subi %sign3A_235, %sign3A_238 : i32
      %sign3A_240 = arith.constant 0 : i32
      %sign3A_241 = arith.cmpi sgt, %jit3A, %sign3A_240 : i32
      %sign3A_242 = arith.extui %sign3A_241 : i1 to i32
      %sign3A_243 = arith.constant 0 : i32
      %sign3A_244 = arith.cmpi slt, %jit3A, %sign3A_243 : i32
      %sign3A_245 = arith.extui %sign3A_244 : i1 to i32
      %sign3A_246 = arith.subi %sign3A_242, %sign3A_245 : i32
      %ne3A = arith.cmpi ne, %sign3A_239, %sign3A_246 : i32
      %rem3A = arith.remsi %scan3A_232, %jit3A : i32
      %ne3A_247 = arith.constant 0 : i32
      %ne3A_248 = arith.cmpi ne, %rem3A, %ne3A_247 : i32
      %and3A = arith.andi %ne3A, %ne3A_248 : i1
      %sub3A = arith.constant 1 : i32
      %sub3A_249 = arith.subi %div3A, %sub3A : i32
      %select_n3A = arith.select %and3A, %sub3A_249, %div3A : i32
      %jit3A_250 = arith.constant 64 : i32
      %eq3A = arith.constant 0 : i32
      %eq3A_251 = arith.cmpi eq, %jit3A_250, %eq3A : i32
      %jit3A_252 = arith.constant 1 : i32
      %select_n3A_253 = arith.select %eq3A_251, %jit3A_252, %jit3A_250 : i32
      %rem3A_254 = arith.remsi %scan3A_232, %select_n3A_253 : i32
      %ne3A_255 = arith.constant 0 : i32
      %ne3A_256 = arith.cmpi ne, %rem3A_254, %ne3A_255 : i32
      %lt3A = arith.constant 0 : i32
      %lt3A_257 = arith.cmpi slt, %rem3A_254, %lt3A : i32
      %lt3A_258 = arith.constant 0 : i32
      %lt3A_259 = arith.cmpi slt, %select_n3A_253, %lt3A_258 : i32
      %ne3A_260 = arith.xori %lt3A_257, %lt3A_259 : i1
      %and3A_261 = arith.andi %ne3A_260, %ne3A_256 : i1
      %add3A_262 = arith.addi %rem3A_254, %select_n3A_253 : i32
      %select_n3A_263 = arith.select %and3A_261, %add3A_262, %rem3A_254 : i32
      %mul3A_264 = arith.constant 16 : i32
      %mul3A_265 = arith.muli %select_n3A_263, %mul3A_264 : i32
      %get3A = arith.index_cast %select_n3A : i32 to index
      %get3A_266 = arith.index_cast %mul3A_265 : i32 to index
      %get3A_267 = tpu.vector_load %arg6[%get3A, %get3A_266] {strides = array<i32>} : memref<16x1024xf32, #tpu.memory_space<vmem>>, vector<1x16xf32>,
      %get3A_268 = vector.shape_cast %get3A_267 : vector<1x16xf32> to vector<16xf32>
      %get3A_269 = arith.index_cast %select_n3A : i32 to index
      %get3A_270 = arith.index_cast %mul3A_265 : i32 to index
      %get3A_271 = tpu.vector_load %arg7[%get3A_269, %get3A_270] {strides = array<i32>} : memref<16x1024xf32, #tpu.memory_space<vmem>>, vector<1x16xf32>,
      %get3A_272 = vector.shape_cast %get3A_271 : vector<1x16xf32> to vector<16xf32>
      %add3A_273 = arith.addf %get3A_268, %get3A_272 : vector<16xf32>
      %swap3A = arith.index_cast %select_n3A : i32 to index
      %swap3A_274 = arith.index_cast %mul3A_265 : i32 to index
      %swap3A_275 = tpu.vector_load %arg6[%swap3A, %swap3A_274] {strides = array<i32>} : memref<16x1024xf32, #tpu.memory_space<vmem>>, vector<1x16xf32>,
      %swap3A_276 = vector.shape_cast %swap3A_275 : vector<1x16xf32> to vector<16xf32>
      %swap3A_277 = vector.shape_cast %add3A_273 : vector<16xf32> to vector<1x16xf32>
      tpu.vector_store %arg6[%swap3A, %swap3A_274], %swap3A_277 {strides = array<i32>} : memref<16x1024xf32, #tpu.memory_space<vmem>>, vector<1x16xf32>,
      %scan3A_278 = arith.constant 0 : i32
      %scan3A_279 = arith.constant 1 : i32
      %scan3A_280 = arith.addi %scan3A_232, %scan3A_279 : i32
      %jit3A_281 = arith.constant 64 : i32
      %div3A_282 = arith.divsi %scan3A_280, %jit3A_281 : i32
      %sign3A_283 = arith.constant 0 : i32
      %sign3A_284 = arith.cmpi sgt, %scan3A_280, %sign3A_283 : i32
      %sign3A_285 = arith.extui %sign3A_284 : i1 to i32
      %sign3A_286 = arith.constant 0 : i32
      %sign3A_287 = arith.cmpi slt, %scan3A_280, %sign3A_286 : i32
      %sign3A_288 = arith.extui %sign3A_287 : i1 to i32
      %sign3A_289 = arith.subi %sign3A_285, %sign3A_288 : i32
      %sign3A_290 = arith.constant 0 : i32
      %sign3A_291 = arith.cmpi sgt, %jit3A_281, %sign3A_290 : i32
      %sign3A_292 = arith.extui %sign3A_291 : i1 to i32
      %sign3A_293 = arith.constant 0 : i32
      %sign3A_294 = arith.cmpi slt, %jit3A_281, %sign3A_293 : i32
      %sign3A_295 = arith.extui %sign3A_294 : i1 to i32
      %sign3A_296 = arith.subi %sign3A_292, %sign3A_295 : i32
      %ne3A_297 = arith.cmpi ne, %sign3A_289, %sign3A_296 : i32
      %rem3A_298 = arith.remsi %scan3A_280, %jit3A_281 : i32
      %ne3A_299 = arith.constant 0 : i32
      %ne3A_300 = arith.cmpi ne, %rem3A_298, %ne3A_299 : i32
      %and3A_301 = arith.andi %ne3A_297, %ne3A_300 : i1
      %sub3A_302 = arith.constant 1 : i32
      %sub3A_303 = arith.subi %div3A_282, %sub3A_302 : i32
      %select_n3A_304 = arith.select %and3A_301, %sub3A_303, %div3A_282 : i32
      %jit3A_305 = arith.constant 64 : i32
      %eq3A_306 = arith.constant 0 : i32
      %eq3A_307 = arith.cmpi eq, %jit3A_305, %eq3A_306 : i32
      %jit3A_308 = arith.constant 1 : i32
      %select_n3A_309 = arith.select %eq3A_307, %jit3A_308, %jit3A_305 : i32
      %rem3A_310 = arith.remsi %scan3A_280, %select_n3A_309 : i32
      %ne3A_311 = arith.constant 0 : i32
      %ne3A_312 = arith.cmpi ne, %rem3A_310, %ne3A_311 : i32
      %lt3A_313 = arith.constant 0 : i32
      %lt3A_314 = arith.cmpi slt, %rem3A_310, %lt3A_313 : i32
      %lt3A_315 = arith.constant 0 : i32
      %lt3A_316 = arith.cmpi slt, %select_n3A_309, %lt3A_315 : i32
      %ne3A_317 = arith.xori %lt3A_314, %lt3A_316 : i1
      %and3A_318 = arith.andi %ne3A_317, %ne3A_312 : i1
      %add3A_319 = arith.addi %rem3A_310, %select_n3A_309 : i32
      %select_n3A_320 = arith.select %and3A_318, %add3A_319, %rem3A_310 : i32
      %mul3A_321 = arith.constant 16 : i32
      %mul3A_322 = arith.muli %select_n3A_320, %mul3A_321 : i32
      %get3A_323 = arith.index_cast %select_n3A_304 : i32 to index
      %get3A_324 = arith.index_cast %mul3A_322 : i32 to index
      %get3A_325 = tpu.vector_load %arg6[%get3A_323, %get3A_324] {strides = array<i32>} : memref<16x1024xf32, #tpu.memory_space<vmem>>, vector<1x16xf32>,
      %get3A_326 = vector.shape_cast %get3A_325 : vector<1x16xf32> to vector<16xf32>
      %get3A_327 = arith.index_cast %select_n3A_304 : i32 to index
      %get3A_328 = arith.index_cast %mul3A_322 : i32 to index
      %get3A_329 = tpu.vector_load %arg7[%get3A_327, %get3A_328] {strides = array<i32>} : memref<16x1024xf32, #tpu.memory_space<vmem>>, vector<1x16xf32>,
      %get3A_330 = vector.shape_cast %get3A_329 : vector<1x16xf32> to vector<16xf32>
      %add3A_331 = arith.addf %get3A_326, %get3A_330 : vector<16xf32>
      %swap3A_332 = arith.index_cast %select_n3A_304 : i32 to index
      %swap3A_333 = arith.index_cast %mul3A_322 : i32 to index
      %swap3A_334 = tpu.vector_load %arg6[%swap3A_332, %swap3A_333] {strides = array<i32>} : memref<16x1024xf32, #tpu.memory_space<vmem>>, vector<1x16xf32>,
      %swap3A_335 = vector.shape_cast %swap3A_334 : vector<1x16xf32> to vector<16xf32>
      %swap3A_336 = vector.shape_cast %add3A_331 : vector<16xf32> to vector<1x16xf32>
      tpu.vector_store %arg6[%swap3A_332, %swap3A_333], %swap3A_336 {strides = array<i32>} : memref<16x1024xf32, #tpu.memory_space<vmem>>, vector<1x16xf32>,
      %scan3A_337 = arith.constant 0 : i32
      %scan3A_338 = arith.constant 2 : i32
      %scan3A_339 = arith.addi %scan3A_232, %scan3A_338 : i32
      %jit3A_340 = arith.constant 64 : i32
      %div3A_341 = arith.divsi %scan3A_339, %jit3A_340 : i32
      %sign3A_342 = arith.constant 0 : i32
      %sign3A_343 = arith.cmpi sgt, %scan3A_339, %sign3A_342 : i32
      %sign3A_344 = arith.extui %sign3A_343 : i1 to i32
      %sign3A_345 = arith.constant 0 : i32
      %sign3A_346 = arith.cmpi slt, %scan3A_339, %sign3A_345 : i32
      %sign3A_347 = arith.extui %sign3A_346 : i1 to i32
      %sign3A_348 = arith.subi %sign3A_344, %sign3A_347 : i32
      %sign3A_349 = arith.constant 0 : i32
      %sign3A_350 = arith.cmpi sgt, %jit3A_340, %sign3A_349 : i32
      %sign3A_351 = arith.extui %sign3A_350 : i1 to i32
      %sign3A_352 = arith.constant 0 : i32
      %sign3A_353 = arith.cmpi slt, %jit3A_340, %sign3A_352 : i32
      %sign3A_354 = arith.extui %sign3A_353 : i1 to i32
      %sign3A_355 = arith.subi %sign3A_351, %sign3A_354 : i32
      %ne3A_356 = arith.cmpi ne, %sign3A_348, %sign3A_355 : i32
      %rem3A_357 = arith.remsi %scan3A_339, %jit3A_340 : i32
      %ne3A_358 = arith.constant 0 : i32
      %ne3A_359 = arith.cmpi ne, %rem3A_357, %ne3A_358 : i32
      %and3A_360 = arith.andi %ne3A_356, %ne3A_359 : i1
      %sub3A_361 = arith.constant 1 : i32
      %sub3A_362 = arith.subi %div3A_341, %sub3A_361 : i32
      %select_n3A_363 = arith.select %and3A_360, %sub3A_362, %div3A_341 : i32
      %jit3A_364 = arith.constant 64 : i32
      %eq3A_365 = arith.constant 0 : i32
      %eq3A_366 = arith.cmpi eq, %jit3A_364, %eq3A_365 : i32
      %jit3A_367 = arith.constant 1 : i32
      %select_n3A_368 = arith.select %eq3A_366, %jit3A_367, %jit3A_364 : i32
      %rem3A_369 = arith.remsi %scan3A_339, %select_n3A_368 : i32
      %ne3A_370 = arith.constant 0 : i32
      %ne3A_371 = arith.cmpi ne, %rem3A_369, %ne3A_370 : i32
      %lt3A_372 = arith.constant 0 : i32
      %lt3A_373 = arith.cmpi slt, %rem3A_369, %lt3A_372 : i32
      %lt3A_374 = arith.constant 0 : i32
      %lt3A_375 = arith.cmpi slt, %select_n3A_368, %lt3A_374 : i32
      %ne3A_376 = arith.xori %lt3A_373, %lt3A_375 : i1
      %and3A_377 = arith.andi %ne3A_376, %ne3A_371 : i1
      %add3A_378 = arith.addi %rem3A_369, %select_n3A_368 : i32
      %select_n3A_379 = arith.select %and3A_377, %add3A_378, %rem3A_369 : i32
      %mul3A_380 = arith.constant 16 : i32
      %mul3A_381 = arith.muli %select_n3A_379, %mul3A_380 : i32
      %get3A_382 = arith.index_cast %select_n3A_363 : i32 to index
      %get3A_383 = arith.index_cast %mul3A_381 : i32 to index
      %get3A_384 = tpu.vector_load %arg6[%get3A_382, %get3A_383] {strides = array<i32>} : memref<16x1024xf32, #tpu.memory_space<vmem>>, vector<1x16xf32>,
      %get3A_385 = vector.shape_cast %get3A_384 : vector<1x16xf32> to vector<16xf32>
      %get3A_386 = arith.index_cast %select_n3A_363 : i32 to index
      %get3A_387 = arith.index_cast %mul3A_381 : i32 to index
      %get3A_388 = tpu.vector_load %arg7[%get3A_386, %get3A_387] {strides = array<i32>} : memref<16x1024xf32, #tpu.memory_space<vmem>>, vector<1x16xf32>,
      %get3A_389 = vector.shape_cast %get3A_388 : vector<1x16xf32> to vector<16xf32>
      %add3A_390 = arith.addf %get3A_385, %get3A_389 : vector<16xf32>
      %swap3A_391 = arith.index_cast %select_n3A_363 : i32 to index
      %swap3A_392 = arith.index_cast %mul3A_381 : i32 to index
      %swap3A_393 = tpu.vector_load %arg6[%swap3A_391, %swap3A_392] {strides = array<i32>} : memref<16x1024xf32, #tpu.memory_space<vmem>>, vector<1x16xf32>,
      %swap3A_394 = vector.shape_cast %swap3A_393 : vector<1x16xf32> to vector<16xf32>
      %swap3A_395 = vector.shape_cast %add3A_390 : vector<16xf32> to vector<1x16xf32>
      tpu.vector_store %arg6[%swap3A_391, %swap3A_392], %swap3A_395 {strides = array<i32>} : memref<16x1024xf32, #tpu.memory_space<vmem>>, vector<1x16xf32>,
      %scan3A_396 = arith.constant 0 : i32
      %scan3A_397 = arith.constant 3 : i32
      %scan3A_398 = arith.addi %scan3A_232, %scan3A_397 : i32
      %jit3A_399 = arith.constant 64 : i32
      %div3A_400 = arith.divsi %scan3A_398, %jit3A_399 : i32
      %sign3A_401 = arith.constant 0 : i32
      %sign3A_402 = arith.cmpi sgt, %scan3A_398, %sign3A_401 : i32
      %sign3A_403 = arith.extui %sign3A_402 : i1 to i32
      %sign3A_404 = arith.constant 0 : i32
      %sign3A_405 = arith.cmpi slt, %scan3A_398, %sign3A_404 : i32
      %sign3A_406 = arith.extui %sign3A_405 : i1 to i32
      %sign3A_407 = arith.subi %sign3A_403, %sign3A_406 : i32
      %sign3A_408 = arith.constant 0 : i32
      %sign3A_409 = arith.cmpi sgt, %jit3A_399, %sign3A_408 : i32
      %sign3A_410 = arith.extui %sign3A_409 : i1 to i32
      %sign3A_411 = arith.constant 0 : i32
      %sign3A_412 = arith.cmpi slt, %jit3A_399, %sign3A_411 : i32
      %sign3A_413 = arith.extui %sign3A_412 : i1 to i32
      %sign3A_414 = arith.subi %sign3A_410, %sign3A_413 : i32
      %ne3A_415 = arith.cmpi ne, %sign3A_407, %sign3A_414 : i32
      %rem3A_416 = arith.remsi %scan3A_398, %jit3A_399 : i32
      %ne3A_417 = arith.constant 0 : i32
      %ne3A_418 = arith.cmpi ne, %rem3A_416, %ne3A_417 : i32
      %and3A_419 = arith.andi %ne3A_415, %ne3A_418 : i1
      %sub3A_420 = arith.constant 1 : i32
      %sub3A_421 = arith.subi %div3A_400, %sub3A_420 : i32
      %select_n3A_422 = arith.select %and3A_419, %sub3A_421, %div3A_400 : i32
      %jit3A_423 = arith.constant 64 : i32
      %eq3A_424 = arith.constant 0 : i32
      %eq3A_425 = arith.cmpi eq, %jit3A_423, %eq3A_424 : i32
      %jit3A_426 = arith.constant 1 : i32
      %select_n3A_427 = arith.select %eq3A_425, %jit3A_426, %jit3A_423 : i32
      %rem3A_428 = arith.remsi %scan3A_398, %select_n3A_427 : i32
      %ne3A_429 = arith.constant 0 : i32
      %ne3A_430 = arith.cmpi ne, %rem3A_428, %ne3A_429 : i32
      %lt3A_431 = arith.constant 0 : i32
      %lt3A_432 = arith.cmpi slt, %rem3A_428, %lt3A_431 : i32
      %lt3A_433 = arith.constant 0 : i32
      %lt3A_434 = arith.cmpi slt, %select_n3A_427, %lt3A_433 : i32
      %ne3A_435 = arith.xori %lt3A_432, %lt3A_434 : i1
      %and3A_436 = arith.andi %ne3A_435, %ne3A_430 : i1
      %add3A_437 = arith.addi %rem3A_428, %select_n3A_427 : i32
      %select_n3A_438 = arith.select %and3A_436, %add3A_437, %rem3A_428 : i32
      %mul3A_439 = arith.constant 16 : i32
      %mul3A_440 = arith.muli %select_n3A_438, %mul3A_439 : i32
      %get3A_441 = arith.index_cast %select_n3A_422 : i32 to index
      %get3A_442 = arith.index_cast %mul3A_440 : i32 to index
      %get3A_443 = tpu.vector_load %arg6[%get3A_441, %get3A_442] {strides = array<i32>} : memref<16x1024xf32, #tpu.memory_space<vmem>>, vector<1x16xf32>,
      %get3A_444 = vector.shape_cast %get3A_443 : vector<1x16xf32> to vector<16xf32>
      %get3A_445 = arith.index_cast %select_n3A_422 : i32 to index
      %get3A_446 = arith.index_cast %mul3A_440 : i32 to index
      %get3A_447 = tpu.vector_load %arg7[%get3A_445, %get3A_446] {strides = array<i32>} : memref<16x1024xf32, #tpu.memory_space<vmem>>, vector<1x16xf32>,
      %get3A_448 = vector.shape_cast %get3A_447 : vector<1x16xf32> to vector<16xf32>
      %add3A_449 = arith.addf %get3A_444, %get3A_448 : vector<16xf32>
      %swap3A_450 = arith.index_cast %select_n3A_422 : i32 to index
      %swap3A_451 = arith.index_cast %mul3A_440 : i32 to index
      %swap3A_452 = tpu.vector_load %arg6[%swap3A_450, %swap3A_451] {strides = array<i32>} : memref<16x1024xf32, #tpu.memory_space<vmem>>, vector<1x16xf32>,
      %swap3A_453 = vector.shape_cast %swap3A_452 : vector<1x16xf32> to vector<16xf32>
      %swap3A_454 = vector.shape_cast %add3A_449 : vector<16xf32> to vector<1x16xf32>
      tpu.vector_store %arg6[%swap3A_450, %swap3A_451], %swap3A_454 {strides = array<i32>} : memref<16x1024xf32, #tpu.memory_space<vmem>>, vector<1x16xf32>,
      %scan3A_455 = arith.constant 0 : i32
      %scan3A_456 = arith.constant 4 : i32
      %scan3A_457 = arith.addi %scan3A_232, %scan3A_456 : i32
      %jit3A_458 = arith.constant 64 : i32
      %div3A_459 = arith.divsi %scan3A_457, %jit3A_458 : i32
      %sign3A_460 = arith.constant 0 : i32
      %sign3A_461 = arith.cmpi sgt, %scan3A_457, %sign3A_460 : i32
      %sign3A_462 = arith.extui %sign3A_461 : i1 to i32
      %sign3A_463 = arith.constant 0 : i32
      %sign3A_464 = arith.cmpi slt, %scan3A_457, %sign3A_463 : i32
      %sign3A_465 = arith.extui %sign3A_464 : i1 to i32
      %sign3A_466 = arith.subi %sign3A_462, %sign3A_465 : i32
      %sign3A_467 = arith.constant 0 : i32
      %sign3A_468 = arith.cmpi sgt, %jit3A_458, %sign3A_467 : i32
      %sign3A_469 = arith.extui %sign3A_468 : i1 to i32
      %sign3A_470 = arith.constant 0 : i32
      %sign3A_471 = arith.cmpi slt, %jit3A_458, %sign3A_470 : i32
      %sign3A_472 = arith.extui %sign3A_471 : i1 to i32
      %sign3A_473 = arith.subi %sign3A_469, %sign3A_472 : i32
      %ne3A_474 = arith.cmpi ne, %sign3A_466, %sign3A_473 : i32
      %rem3A_475 = arith.remsi %scan3A_457, %jit3A_458 : i32
      %ne3A_476 = arith.constant 0 : i32
      %ne3A_477 = arith.cmpi ne, %rem3A_475, %ne3A_476 : i32
      %and3A_478 = arith.andi %ne3A_474, %ne3A_477 : i1
      %sub3A_479 = arith.constant 1 : i32
      %sub3A_480 = arith.subi %div3A_459, %sub3A_479 : i32
      %select_n3A_481 = arith.select %and3A_478, %sub3A_480, %div3A_459 : i32
      %jit3A_482 = arith.constant 64 : i32
      %eq3A_483 = arith.constant 0 : i32
      %eq3A_484 = arith.cmpi eq, %jit3A_482, %eq3A_483 : i32
      %jit3A_485 = arith.constant 1 : i32
      %select_n3A_486 = arith.select %eq3A_484, %jit3A_485, %jit3A_482 : i32
      %rem3A_487 = arith.remsi %scan3A_457, %select_n3A_486 : i32
      %ne3A_488 = arith.constant 0 : i32
      %ne3A_489 = arith.cmpi ne, %rem3A_487, %ne3A_488 : i32
      %lt3A_490 = arith.constant 0 : i32
      %lt3A_491 = arith.cmpi slt, %rem3A_487, %lt3A_490 : i32
      %lt3A_492 = arith.constant 0 : i32
      %lt3A_493 = arith.cmpi slt, %select_n3A_486, %lt3A_492 : i32
      %ne3A_494 = arith.xori %lt3A_491, %lt3A_493 : i1
      %and3A_495 = arith.andi %ne3A_494, %ne3A_489 : i1
      %add3A_496 = arith.addi %rem3A_487, %select_n3A_486 : i32
      %select_n3A_497 = arith.select %and3A_495, %add3A_496, %rem3A_487 : i32
      %mul3A_498 = arith.constant 16 : i32
      %mul3A_499 = arith.muli %select_n3A_497, %mul3A_498 : i32
      %get3A_500 = arith.index_cast %select_n3A_481 : i32 to index
      %get3A_501 = arith.index_cast %mul3A_499 : i32 to index
      %get3A_502 = tpu.vector_load %arg6[%get3A_500, %get3A_501] {strides = array<i32>} : memref<16x1024xf32, #tpu.memory_space<vmem>>, vector<1x16xf32>,
      %get3A_503 = vector.shape_cast %get3A_502 : vector<1x16xf32> to vector<16xf32>
      %get3A_504 = arith.index_cast %select_n3A_481 : i32 to index
      %get3A_505 = arith.index_cast %mul3A_499 : i32 to index
      %get3A_506 = tpu.vector_load %arg7[%get3A_504, %get3A_505] {strides = array<i32>} : memref<16x1024xf32, #tpu.memory_space<vmem>>, vector<1x16xf32>,
      %get3A_507 = vector.shape_cast %get3A_506 : vector<1x16xf32> to vector<16xf32>
      %add3A_508 = arith.addf %get3A_503, %get3A_507 : vector<16xf32>
      %swap3A_509 = arith.index_cast %select_n3A_481 : i32 to index
      %swap3A_510 = arith.index_cast %mul3A_499 : i32 to index
      %swap3A_511 = tpu.vector_load %arg6[%swap3A_509, %swap3A_510] {strides = array<i32>} : memref<16x1024xf32, #tpu.memory_space<vmem>>, vector<1x16xf32>,
      %swap3A_512 = vector.shape_cast %swap3A_511 : vector<1x16xf32> to vector<16xf32>
      %swap3A_513 = vector.shape_cast %add3A_508 : vector<16xf32> to vector<1x16xf32>
      tpu.vector_store %arg6[%swap3A_509, %swap3A_510], %swap3A_513 {strides = array<i32>} : memref<16x1024xf32, #tpu.memory_space<vmem>>, vector<1x16xf32>,
      %scan3A_514 = arith.constant 0 : i32
      %scan3A_515 = arith.constant 5 : i32
      %scan3A_516 = arith.addi %scan3A_232, %scan3A_515 : i32
      %jit3A_517 = arith.constant 64 : i32
      %div3A_518 = arith.divsi %scan3A_516, %jit3A_517 : i32
      %sign3A_519 = arith.constant 0 : i32
      %sign3A_520 = arith.cmpi sgt, %scan3A_516, %sign3A_519 : i32
      %sign3A_521 = arith.extui %sign3A_520 : i1 to i32
      %sign3A_522 = arith.constant 0 : i32
      %sign3A_523 = arith.cmpi slt, %scan3A_516, %sign3A_522 : i32
      %sign3A_524 = arith.extui %sign3A_523 : i1 to i32
      %sign3A_525 = arith.subi %sign3A_521, %sign3A_524 : i32
      %sign3A_526 = arith.constant 0 : i32
      %sign3A_527 = arith.cmpi sgt, %jit3A_517, %sign3A_526 : i32
      %sign3A_528 = arith.extui %sign3A_527 : i1 to i32
      %sign3A_529 = arith.constant 0 : i32
      %sign3A_530 = arith.cmpi slt, %jit3A_517, %sign3A_529 : i32
      %sign3A_531 = arith.extui %sign3A_530 : i1 to i32
      %sign3A_532 = arith.subi %sign3A_528, %sign3A_531 : i32
      %ne3A_533 = arith.cmpi ne, %sign3A_525, %sign3A_532 : i32
      %rem3A_534 = arith.remsi %scan3A_516, %jit3A_517 : i32
      %ne3A_535 = arith.constant 0 : i32
      %ne3A_536 = arith.cmpi ne, %rem3A_534, %ne3A_535 : i32
      %and3A_537 = arith.andi %ne3A_533, %ne3A_536 : i1
      %sub3A_538 = arith.constant 1 : i32
      %sub3A_539 = arith.subi %div3A_518, %sub3A_538 : i32
      %select_n3A_540 = arith.select %and3A_537, %sub3A_539, %div3A_518 : i32
      %jit3A_541 = arith.constant 64 : i32
      %eq3A_542 = arith.constant 0 : i32
      %eq3A_543 = arith.cmpi eq, %jit3A_541, %eq3A_542 : i32
      %jit3A_544 = arith.constant 1 : i32
      %select_n3A_545 = arith.select %eq3A_543, %jit3A_544, %jit3A_541 : i32
      %rem3A_546 = arith.remsi %scan3A_516, %select_n3A_545 : i32
      %ne3A_547 = arith.constant 0 : i32
      %ne3A_548 = arith.cmpi ne, %rem3A_546, %ne3A_547 : i32
      %lt3A_549 = arith.constant 0 : i32
      %lt3A_550 = arith.cmpi slt, %rem3A_546, %lt3A_549 : i32
      %lt3A_551 = arith.constant 0 : i32
      %lt3A_552 = arith.cmpi slt, %select_n3A_545, %lt3A_551 : i32
      %ne3A_553 = arith.xori %lt3A_550, %lt3A_552 : i1
      %and3A_554 = arith.andi %ne3A_553, %ne3A_548 : i1
      %add3A_555 = arith.addi %rem3A_546, %select_n3A_545 : i32
      %select_n3A_556 = arith.select %and3A_554, %add3A_555, %rem3A_546 : i32
      %mul3A_557 = arith.constant 16 : i32
      %mul3A_558 = arith.muli %select_n3A_556, %mul3A_557 : i32
      %get3A_559 = arith.index_cast %select_n3A_540 : i32 to index
      %get3A_560 = arith.index_cast %mul3A_558 : i32 to index
      %get3A_561 = tpu.vector_load %arg6[%get3A_559, %get3A_560] {strides = array<i32>} : memref<16x1024xf32, #tpu.memory_space<vmem>>, vector<1x16xf32>,
      %get3A_562 = vector.shape_cast %get3A_561 : vector<1x16xf32> to vector<16xf32>
      %get3A_563 = arith.index_cast %select_n3A_540 : i32 to index
      %get3A_564 = arith.index_cast %mul3A_558 : i32 to index
      %get3A_565 = tpu.vector_load %arg7[%get3A_563, %get3A_564] {strides = array<i32>} : memref<16x1024xf32, #tpu.memory_space<vmem>>, vector<1x16xf32>,
      %get3A_566 = vector.shape_cast %get3A_565 : vector<1x16xf32> to vector<16xf32>
      %add3A_567 = arith.addf %get3A_562, %get3A_566 : vector<16xf32>
      %swap3A_568 = arith.index_cast %select_n3A_540 : i32 to index
      %swap3A_569 = arith.index_cast %mul3A_558 : i32 to index
      %swap3A_570 = tpu.vector_load %arg6[%swap3A_568, %swap3A_569] {strides = array<i32>} : memref<16x1024xf32, #tpu.memory_space<vmem>>, vector<1x16xf32>,
      %swap3A_571 = vector.shape_cast %swap3A_570 : vector<1x16xf32> to vector<16xf32>
      %swap3A_572 = vector.shape_cast %add3A_567 : vector<16xf32> to vector<1x16xf32>
      tpu.vector_store %arg6[%swap3A_568, %swap3A_569], %swap3A_572 {strides = array<i32>} : memref<16x1024xf32, #tpu.memory_space<vmem>>, vector<1x16xf32>,
      %scan3A_573 = arith.constant 0 : i32
      %scan3A_574 = arith.constant 6 : i32
      %scan3A_575 = arith.addi %scan3A_232, %scan3A_574 : i32
      %jit3A_576 = arith.constant 64 : i32
      %div3A_577 = arith.divsi %scan3A_575, %jit3A_576 : i32
      %sign3A_578 = arith.constant 0 : i32
      %sign3A_579 = arith.cmpi sgt, %scan3A_575, %sign3A_578 : i32
      %sign3A_580 = arith.extui %sign3A_579 : i1 to i32
      %sign3A_581 = arith.constant 0 : i32
      %sign3A_582 = arith.cmpi slt, %scan3A_575, %sign3A_581 : i32
      %sign3A_583 = arith.extui %sign3A_582 : i1 to i32
      %sign3A_584 = arith.subi %sign3A_580, %sign3A_583 : i32
      %sign3A_585 = arith.constant 0 : i32
      %sign3A_586 = arith.cmpi sgt, %jit3A_576, %sign3A_585 : i32
      %sign3A_587 = arith.extui %sign3A_586 : i1 to i32
      %sign3A_588 = arith.constant 0 : i32
      %sign3A_589 = arith.cmpi slt, %jit3A_576, %sign3A_588 : i32
      %sign3A_590 = arith.extui %sign3A_589 : i1 to i32
      %sign3A_591 = arith.subi %sign3A_587, %sign3A_590 : i32
      %ne3A_592 = arith.cmpi ne, %sign3A_584, %sign3A_591 : i32
      %rem3A_593 = arith.remsi %scan3A_575, %jit3A_576 : i32
      %ne3A_594 = arith.constant 0 : i32
      %ne3A_595 = arith.cmpi ne, %rem3A_593, %ne3A_594 : i32
      %and3A_596 = arith.andi %ne3A_592, %ne3A_595 : i1
      %sub3A_597 = arith.constant 1 : i32
      %sub3A_598 = arith.subi %div3A_577, %sub3A_597 : i32
      %select_n3A_599 = arith.select %and3A_596, %sub3A_598, %div3A_577 : i32
      %jit3A_600 = arith.constant 64 : i32
      %eq3A_601 = arith.constant 0 : i32
      %eq3A_602 = arith.cmpi eq, %jit3A_600, %eq3A_601 : i32
      %jit3A_603 = arith.constant 1 : i32
      %select_n3A_604 = arith.select %eq3A_602, %jit3A_603, %jit3A_600 : i32
      %rem3A_605 = arith.remsi %scan3A_575, %select_n3A_604 : i32
      %ne3A_606 = arith.constant 0 : i32
      %ne3A_607 = arith.cmpi ne, %rem3A_605, %ne3A_606 : i32
      %lt3A_608 = arith.constant 0 : i32
      %lt3A_609 = arith.cmpi slt, %rem3A_605, %lt3A_608 : i32
      %lt3A_610 = arith.constant 0 : i32
      %lt3A_611 = arith.cmpi slt, %select_n3A_604, %lt3A_610 : i32
      %ne3A_612 = arith.xori %lt3A_609, %lt3A_611 : i1
      %and3A_613 = arith.andi %ne3A_612, %ne3A_607 : i1
      %add3A_614 = arith.addi %rem3A_605, %select_n3A_604 : i32
      %select_n3A_615 = arith.select %and3A_613, %add3A_614, %rem3A_605 : i32
      %mul3A_616 = arith.constant 16 : i32
      %mul3A_617 = arith.muli %select_n3A_615, %mul3A_616 : i32
      %get3A_618 = arith.index_cast %select_n3A_599 : i32 to index
      %get3A_619 = arith.index_cast %mul3A_617 : i32 to index
      %get3A_620 = tpu.vector_load %arg6[%get3A_618, %get3A_619] {strides = array<i32>} : memref<16x1024xf32, #tpu.memory_space<vmem>>, vector<1x16xf32>,
      %get3A_621 = vector.shape_cast %get3A_620 : vector<1x16xf32> to vector<16xf32>
      %get3A_622 = arith.index_cast %select_n3A_599 : i32 to index
      %get3A_623 = arith.index_cast %mul3A_617 : i32 to index
      %get3A_624 = tpu.vector_load %arg7[%get3A_622, %get3A_623] {strides = array<i32>} : memref<16x1024xf32, #tpu.memory_space<vmem>>, vector<1x16xf32>,
      %get3A_625 = vector.shape_cast %get3A_624 : vector<1x16xf32> to vector<16xf32>
      %add3A_626 = arith.addf %get3A_621, %get3A_625 : vector<16xf32>
      %swap3A_627 = arith.index_cast %select_n3A_599 : i32 to index
      %swap3A_628 = arith.index_cast %mul3A_617 : i32 to index
      %swap3A_629 = tpu.vector_load %arg6[%swap3A_627, %swap3A_628] {strides = array<i32>} : memref<16x1024xf32, #tpu.memory_space<vmem>>, vector<1x16xf32>,
      %swap3A_630 = vector.shape_cast %swap3A_629 : vector<1x16xf32> to vector<16xf32>
      %swap3A_631 = vector.shape_cast %add3A_626 : vector<16xf32> to vector<1x16xf32>
      tpu.vector_store %arg6[%swap3A_627, %swap3A_628], %swap3A_631 {strides = array<i32>} : memref<16x1024xf32, #tpu.memory_space<vmem>>, vector<1x16xf32>,
      %scan3A_632 = arith.constant 0 : i32
      %scan3A_633 = arith.constant 7 : i32
      %scan3A_634 = arith.addi %scan3A_232, %scan3A_633 : i32
      %jit3A_635 = arith.constant 64 : i32
      %div3A_636 = arith.divsi %scan3A_634, %jit3A_635 : i32
      %sign3A_637 = arith.constant 0 : i32
      %sign3A_638 = arith.cmpi sgt, %scan3A_634, %sign3A_637 : i32
      %sign3A_639 = arith.extui %sign3A_638 : i1 to i32
      %sign3A_640 = arith.constant 0 : i32
      %sign3A_641 = arith.cmpi slt, %scan3A_634, %sign3A_640 : i32
      %sign3A_642 = arith.extui %sign3A_641 : i1 to i32
      %sign3A_643 = arith.subi %sign3A_639, %sign3A_642 : i32
      %sign3A_644 = arith.constant 0 : i32
      %sign3A_645 = arith.cmpi sgt, %jit3A_635, %sign3A_644 : i32
      %sign3A_646 = arith.extui %sign3A_645 : i1 to i32
      %sign3A_647 = arith.constant 0 : i32
      %sign3A_648 = arith.cmpi slt, %jit3A_635, %sign3A_647 : i32
      %sign3A_649 = arith.extui %sign3A_648 : i1 to i32
      %sign3A_650 = arith.subi %sign3A_646, %sign3A_649 : i32
      %ne3A_651 = arith.cmpi ne, %sign3A_643, %sign3A_650 : i32
      %rem3A_652 = arith.remsi %scan3A_634, %jit3A_635 : i32
      %ne3A_653 = arith.constant 0 : i32
      %ne3A_654 = arith.cmpi ne, %rem3A_652, %ne3A_653 : i32
      %and3A_655 = arith.andi %ne3A_651, %ne3A_654 : i1
      %sub3A_656 = arith.constant 1 : i32
      %sub3A_657 = arith.subi %div3A_636, %sub3A_656 : i32
      %select_n3A_658 = arith.select %and3A_655, %sub3A_657, %div3A_636 : i32
      %jit3A_659 = arith.constant 64 : i32
      %eq3A_660 = arith.constant 0 : i32
      %eq3A_661 = arith.cmpi eq, %jit3A_659, %eq3A_660 : i32
      %jit3A_662 = arith.constant 1 : i32
      %select_n3A_663 = arith.select %eq3A_661, %jit3A_662, %jit3A_659 : i32
      %rem3A_664 = arith.remsi %scan3A_634, %select_n3A_663 : i32
      %ne3A_665 = arith.constant 0 : i32
      %ne3A_666 = arith.cmpi ne, %rem3A_664, %ne3A_665 : i32
      %lt3A_667 = arith.constant 0 : i32
      %lt3A_668 = arith.cmpi slt, %rem3A_664, %lt3A_667 : i32
      %lt3A_669 = arith.constant 0 : i32
      %lt3A_670 = arith.cmpi slt, %select_n3A_663, %lt3A_669 : i32
      %ne3A_671 = arith.xori %lt3A_668, %lt3A_670 : i1
      %and3A_672 = arith.andi %ne3A_671, %ne3A_666 : i1
      %add3A_673 = arith.addi %rem3A_664, %select_n3A_663 : i32
      %select_n3A_674 = arith.select %and3A_672, %add3A_673, %rem3A_664 : i32
      %mul3A_675 = arith.constant 16 : i32
      %mul3A_676 = arith.muli %select_n3A_674, %mul3A_675 : i32
      %get3A_677 = arith.index_cast %select_n3A_658 : i32 to index
      %get3A_678 = arith.index_cast %mul3A_676 : i32 to index
      %get3A_679 = tpu.vector_load %arg6[%get3A_677, %get3A_678] {strides = array<i32>} : memref<16x1024xf32, #tpu.memory_space<vmem>>, vector<1x16xf32>,
      %get3A_680 = vector.shape_cast %get3A_679 : vector<1x16xf32> to vector<16xf32>
      %get3A_681 = arith.index_cast %select_n3A_658 : i32 to index
      %get3A_682 = arith.index_cast %mul3A_676 : i32 to index
      %get3A_683 = tpu.vector_load %arg7[%get3A_681, %get3A_682] {strides = array<i32>} : memref<16x1024xf32, #tpu.memory_space<vmem>>, vector<1x16xf32>,
      %get3A_684 = vector.shape_cast %get3A_683 : vector<1x16xf32> to vector<16xf32>
      %add3A_685 = arith.addf %get3A_680, %get3A_684 : vector<16xf32>
      %swap3A_686 = arith.index_cast %select_n3A_658 : i32 to index
      %swap3A_687 = arith.index_cast %mul3A_676 : i32 to index
      %swap3A_688 = tpu.vector_load %arg6[%swap3A_686, %swap3A_687] {strides = array<i32>} : memref<16x1024xf32, #tpu.memory_space<vmem>>, vector<1x16xf32>,
      %swap3A_689 = vector.shape_cast %swap3A_688 : vector<1x16xf32> to vector<16xf32>
      %swap3A_690 = vector.shape_cast %add3A_685 : vector<16xf32> to vector<1x16xf32>
      tpu.vector_store %arg6[%swap3A_686, %swap3A_687], %swap3A_690 {strides = array<i32>} : memref<16x1024xf32, #tpu.memory_space<vmem>>, vector<1x16xf32>,
      %scan3A_691 = arith.constant 0 : i32
      scf.yield %scan3A_691 : i32
    }
    %scan3A_89 = arith.constant 1024 : i32
    %dma_start3A_90 = arith.constant 0 : i32
    %dma_start3A_91 = arith.constant 0 : i32
    %dma_start3A_92 = tpu.memref_slice %arg2[%dma_start3A_90, %dma_start3A_91] : memref<16384x1024xf32, #tpu.memory_space<hbm>> -> memref<16384x1024xf32, #tpu.memory_space<hbm>>
    tpu.enqueue_indirect_dma source(%arg6 : memref<16x1024xf32, #tpu.memory_space<vmem>>) target(%dma_start3A_92 : memref<16384x1024xf32, #tpu.memory_space<hbm>>) offsets(%arg8 : memref<16xi32, #tpu.memory_space<vmem>>) semaphore(%arg14 : memref<!tpu.dma_semaphore, #tpu.memory_space<semaphore_mem>>)
    %add3A_93 = arith.constant 64 : i32
    %add3A_94 = arith.addi %mul3A_2, %add3A_93 : i32
    %dma_wait3A_95 = arith.constant 0 : i32
    %dma_wait3A_96 = arith.constant 0 : i32
    %dma_wait3A_97 = tpu.memref_slice %arg2[%dma_wait3A_95, %dma_wait3A_96] : memref<16384x1024xf32, #tpu.memory_space<hbm>> -> memref<16384x1024xf32, #tpu.memory_space<hbm>>
    tpu.wait_indirect_dma semaphore(%arg14 : memref<!tpu.dma_semaphore, #tpu.memory_space<semaphore_mem>>) src(%arg6 : memref<16x1024xf32, #tpu.memory_space<vmem>>) dst(%dma_wait3A_97 : memref<16384x1024xf32, #tpu.memory_space<hbm>>)
    "tpu.region"() ({
      %run_scoped3A = tpu.sem_alloc : memref<!tpu.dma_semaphore, #tpu.memory_space<semaphore_mem>>
      %dma_start3A_232 = tpu.memref_slice %arg4[%add3A_94] : memref<4096xi32, #tpu.memory_space<hbm>> -> memref<16xi32, #tpu.memory_space<hbm>>
      %dma_start3A_233 = tpu.memref_slice %arg4[%add3A_94] : memref<4096xi32, #tpu.memory_space<hbm>> -> memref<16xi32, #tpu.memory_space<hbm>>
      tpu.enqueue_dma source(%dma_start3A_233 : memref<16xi32, #tpu.memory_space<hbm>>) target(%arg8 : memref<16xi32, #tpu.memory_space<vmem>>) target_semaphore(%run_scoped3A : memref<!tpu.dma_semaphore, #tpu.memory_space<semaphore_mem>>)
      %dma_wait3A_234 = tpu.memref_slice %arg4[%add3A_94] : memref<4096xi32, #tpu.memory_space<hbm>> -> memref<16xi32, #tpu.memory_space<hbm>>
      %dma_wait3A_235 = tpu.memref_slice %arg4[%add3A_94] : memref<4096xi32, #tpu.memory_space<hbm>> -> memref<16xi32, #tpu.memory_space<hbm>>
      tpu.wait_dma2 semaphore(%run_scoped3A : memref<!tpu.dma_semaphore, #tpu.memory_space<semaphore_mem>>) src(%dma_wait3A_235 : memref<16xi32, #tpu.memory_space<hbm>>) dst(%arg8 : memref<16xi32, #tpu.memory_space<vmem>>)
      tpu.yield
    }) : () -> ()
    %dma_start3A_98 = arith.constant 0 : i32
    %dma_start3A_99 = arith.constant 0 : i32
    %dma_start3A_100 = tpu.memref_slice %arg2[%dma_start3A_98, %dma_start3A_99] : memref<16384x1024xf32, #tpu.memory_space<hbm>> -> memref<16384x1024xf32, #tpu.memory_space<hbm>>
    tpu.enqueue_indirect_dma source(%dma_start3A_100 : memref<16384x1024xf32, #tpu.memory_space<hbm>>) target(%arg6 : memref<16x1024xf32, #tpu.memory_space<vmem>>) offsets(%arg8 : memref<16xi32, #tpu.memory_space<vmem>>) semaphore(%arg12 : memref<!tpu.dma_semaphore, #tpu.memory_space<semaphore_mem>>)
    %dma_start3A_101 = arith.constant 0 : i32
    %dma_start3A_102 = tpu.memref_slice %arg3[%add3A_94, %dma_start3A_101] : memref<4096x1024xf32, #tpu.memory_space<hbm>> -> memref<16x1024xf32, #tpu.memory_space<hbm>>
    %dma_start3A_103 = arith.constant 0 : i32
    %dma_start3A_104 = tpu.memref_slice %arg3[%add3A_94, %dma_start3A_103] : memref<4096x1024xf32, #tpu.memory_space<hbm>> -> memref<16x1024xf32, #tpu.memory_space<hbm>>
    tpu.enqueue_dma source(%dma_start3A_104 : memref<16x1024xf32, #tpu.memory_space<hbm>>) target(%arg7 : memref<16x1024xf32, #tpu.memory_space<vmem>>) target_semaphore(%arg13 : memref<!tpu.dma_semaphore, #tpu.memory_space<semaphore_mem>>)
    %dma_wait3A_105 = arith.constant 0 : i32
    %dma_wait3A_106 = arith.constant 0 : i32
    %dma_wait3A_107 = tpu.memref_slice %arg2[%dma_wait3A_105, %dma_wait3A_106] : memref<16384x1024xf32, #tpu.memory_space<hbm>> -> memref<16384x1024xf32, #tpu.memory_space<hbm>>
    tpu.wait_indirect_dma semaphore(%arg15 : memref<!tpu.dma_semaphore, #tpu.memory_space<semaphore_mem>>) src(%dma_wait3A_107 : memref<16384x1024xf32, #tpu.memory_space<hbm>>) dst(%arg9 : memref<16x1024xf32, #tpu.memory_space<vmem>>)
    %dma_wait3A_108 = arith.constant 0 : i32
    %dma_wait3A_109 = tpu.memref_slice %arg3[%add3A_65, %dma_wait3A_108] : memref<4096x1024xf32, #tpu.memory_space<hbm>> -> memref<16x1024xf32, #tpu.memory_space<hbm>>
    %dma_wait3A_110 = arith.constant 0 : i32
    %dma_wait3A_111 = tpu.memref_slice %arg3[%add3A_65, %dma_wait3A_110] : memref<4096x1024xf32, #tpu.memory_space<hbm>> -> memref<16x1024xf32, #tpu.memory_space<hbm>>
    tpu.wait_dma2 semaphore(%arg16 : memref<!tpu.dma_semaphore, #tpu.memory_space<semaphore_mem>>) src(%dma_wait3A_111 : memref<16x1024xf32, #tpu.memory_space<hbm>>) dst(%arg10 : memref<16x1024xf32, #tpu.memory_space<vmem>>)
    %scan3A_112 = arith.constant 0 : i32
    %scan3A_113 = arith.constant 0 : i32
    %scan3A_114 = arith.constant 1024 : i32
    %scan3A_115 = arith.addi %scan3A_113, %scan3A_114 : i32
    %scan3A_116 = arith.constant 8 : i32
    %scan3A_117 = scf.for %scan3A_232 = %scan3A_113 to %scan3A_115 step %scan3A_116 iter_args(%scan3A_233 = %scan3A_112) -> (i32)  : i32 {
      %jit3A = arith.constant 64 : i32
      %div3A = arith.divsi %scan3A_232, %jit3A : i32
      %sign3A = arith.constant 0 : i32
      %sign3A_234 = arith.cmpi sgt, %scan3A_232, %sign3A : i32
      %sign3A_235 = arith.extui %sign3A_234 : i1 to i32
      %sign3A_236 = arith.constant 0 : i32
      %sign3A_237 = arith.cmpi slt, %scan3A_232, %sign3A_236 : i32
      %sign3A_238 = arith.extui %sign3A_237 : i1 to i32
      %sign3A_239 = arith.subi %sign3A_235, %sign3A_238 : i32
      %sign3A_240 = arith.constant 0 : i32
      %sign3A_241 = arith.cmpi sgt, %jit3A, %sign3A_240 : i32
      %sign3A_242 = arith.extui %sign3A_241 : i1 to i32
      %sign3A_243 = arith.constant 0 : i32
      %sign3A_244 = arith.cmpi slt, %jit3A, %sign3A_243 : i32
      %sign3A_245 = arith.extui %sign3A_244 : i1 to i32
      %sign3A_246 = arith.subi %sign3A_242, %sign3A_245 : i32
      %ne3A = arith.cmpi ne, %sign3A_239, %sign3A_246 : i32
      %rem3A = arith.remsi %scan3A_232, %jit3A : i32
      %ne3A_247 = arith.constant 0 : i32
      %ne3A_248 = arith.cmpi ne, %rem3A, %ne3A_247 : i32
      %and3A = arith.andi %ne3A, %ne3A_248 : i1
      %sub3A = arith.constant 1 : i32
      %sub3A_249 = arith.subi %div3A, %sub3A : i32
      %select_n3A = arith.select %and3A, %sub3A_249, %div3A : i32
      %jit3A_250 = arith.constant 64 : i32
      %eq3A = arith.constant 0 : i32
      %eq3A_251 = arith.cmpi eq, %jit3A_250, %eq3A : i32
      %jit3A_252 = arith.constant 1 : i32
      %select_n3A_253 = arith.select %eq3A_251, %jit3A_252, %jit3A_250 : i32
      %rem3A_254 = arith.remsi %scan3A_232, %select_n3A_253 : i32
      %ne3A_255 = arith.constant 0 : i32
      %ne3A_256 = arith.cmpi ne, %rem3A_254, %ne3A_255 : i32
      %lt3A = arith.constant 0 : i32
      %lt3A_257 = arith.cmpi slt, %rem3A_254, %lt3A : i32
      %lt3A_258 = arith.constant 0 : i32
      %lt3A_259 = arith.cmpi slt, %select_n3A_253, %lt3A_258 : i32
      %ne3A_260 = arith.xori %lt3A_257, %lt3A_259 : i1
      %and3A_261 = arith.andi %ne3A_260, %ne3A_256 : i1
      %add3A_262 = arith.addi %rem3A_254, %select_n3A_253 : i32
      %select_n3A_263 = arith.select %and3A_261, %add3A_262, %rem3A_254 : i32
      %mul3A_264 = arith.constant 16 : i32
      %mul3A_265 = arith.muli %select_n3A_263, %mul3A_264 : i32
      %get3A = arith.index_cast %select_n3A : i32 to index
      %get3A_266 = arith.index_cast %mul3A_265 : i32 to index
      %get3A_267 = tpu.vector_load %arg9[%get3A, %get3A_266] {strides = array<i32>} : memref<16x1024xf32, #tpu.memory_space<vmem>>, vector<1x16xf32>,
      %get3A_268 = vector.shape_cast %get3A_267 : vector<1x16xf32> to vector<16xf32>
      %get3A_269 = arith.index_cast %select_n3A : i32 to index
      %get3A_270 = arith.index_cast %mul3A_265 : i32 to index
      %get3A_271 = tpu.vector_load %arg10[%get3A_269, %get3A_270] {strides = array<i32>} : memref<16x1024xf32, #tpu.memory_space<vmem>>, vector<1x16xf32>,
      %get3A_272 = vector.shape_cast %get3A_271 : vector<1x16xf32> to vector<16xf32>
      %add3A_273 = arith.addf %get3A_268, %get3A_272 : vector<16xf32>
      %swap3A = arith.index_cast %select_n3A : i32 to index
      %swap3A_274 = arith.index_cast %mul3A_265 : i32 to index
      %swap3A_275 = tpu.vector_load %arg9[%swap3A, %swap3A_274] {strides = array<i32>} : memref<16x1024xf32, #tpu.memory_space<vmem>>, vector<1x16xf32>,
      %swap3A_276 = vector.shape_cast %swap3A_275 : vector<1x16xf32> to vector<16xf32>
      %swap3A_277 = vector.shape_cast %add3A_273 : vector<16xf32> to vector<1x16xf32>
      tpu.vector_store %arg9[%swap3A, %swap3A_274], %swap3A_277 {strides = array<i32>} : memref<16x1024xf32, #tpu.memory_space<vmem>>, vector<1x16xf32>,
      %scan3A_278 = arith.constant 0 : i32
      %scan3A_279 = arith.constant 1 : i32
      %scan3A_280 = arith.addi %scan3A_232, %scan3A_279 : i32
      %jit3A_281 = arith.constant 64 : i32
      %div3A_282 = arith.divsi %scan3A_280, %jit3A_281 : i32
      %sign3A_283 = arith.constant 0 : i32
      %sign3A_284 = arith.cmpi sgt, %scan3A_280, %sign3A_283 : i32
      %sign3A_285 = arith.extui %sign3A_284 : i1 to i32
      %sign3A_286 = arith.constant 0 : i32
      %sign3A_287 = arith.cmpi slt, %scan3A_280, %sign3A_286 : i32
      %sign3A_288 = arith.extui %sign3A_287 : i1 to i32
      %sign3A_289 = arith.subi %sign3A_285, %sign3A_288 : i32
      %sign3A_290 = arith.constant 0 : i32
      %sign3A_291 = arith.cmpi sgt, %jit3A_281, %sign3A_290 : i32
      %sign3A_292 = arith.extui %sign3A_291 : i1 to i32
      %sign3A_293 = arith.constant 0 : i32
      %sign3A_294 = arith.cmpi slt, %jit3A_281, %sign3A_293 : i32
      %sign3A_295 = arith.extui %sign3A_294 : i1 to i32
      %sign3A_296 = arith.subi %sign3A_292, %sign3A_295 : i32
      %ne3A_297 = arith.cmpi ne, %sign3A_289, %sign3A_296 : i32
      %rem3A_298 = arith.remsi %scan3A_280, %jit3A_281 : i32
      %ne3A_299 = arith.constant 0 : i32
      %ne3A_300 = arith.cmpi ne, %rem3A_298, %ne3A_299 : i32
      %and3A_301 = arith.andi %ne3A_297, %ne3A_300 : i1
      %sub3A_302 = arith.constant 1 : i32
      %sub3A_303 = arith.subi %div3A_282, %sub3A_302 : i32
      %select_n3A_304 = arith.select %and3A_301, %sub3A_303, %div3A_282 : i32
      %jit3A_305 = arith.constant 64 : i32
      %eq3A_306 = arith.constant 0 : i32
      %eq3A_307 = arith.cmpi eq, %jit3A_305, %eq3A_306 : i32
      %jit3A_308 = arith.constant 1 : i32
      %select_n3A_309 = arith.select %eq3A_307, %jit3A_308, %jit3A_305 : i32
      %rem3A_310 = arith.remsi %scan3A_280, %select_n3A_309 : i32
      %ne3A_311 = arith.constant 0 : i32
      %ne3A_312 = arith.cmpi ne, %rem3A_310, %ne3A_311 : i32
      %lt3A_313 = arith.constant 0 : i32
      %lt3A_314 = arith.cmpi slt, %rem3A_310, %lt3A_313 : i32
      %lt3A_315 = arith.constant 0 : i32
      %lt3A_316 = arith.cmpi slt, %select_n3A_309, %lt3A_315 : i32
      %ne3A_317 = arith.xori %lt3A_314, %lt3A_316 : i1
      %and3A_318 = arith.andi %ne3A_317, %ne3A_312 : i1
      %add3A_319 = arith.addi %rem3A_310, %select_n3A_309 : i32
      %select_n3A_320 = arith.select %and3A_318, %add3A_319, %rem3A_310 : i32
      %mul3A_321 = arith.constant 16 : i32
      %mul3A_322 = arith.muli %select_n3A_320, %mul3A_321 : i32
      %get3A_323 = arith.index_cast %select_n3A_304 : i32 to index
      %get3A_324 = arith.index_cast %mul3A_322 : i32 to index
      %get3A_325 = tpu.vector_load %arg9[%get3A_323, %get3A_324] {strides = array<i32>} : memref<16x1024xf32, #tpu.memory_space<vmem>>, vector<1x16xf32>,
      %get3A_326 = vector.shape_cast %get3A_325 : vector<1x16xf32> to vector<16xf32>
      %get3A_327 = arith.index_cast %select_n3A_304 : i32 to index
      %get3A_328 = arith.index_cast %mul3A_322 : i32 to index
      %get3A_329 = tpu.vector_load %arg10[%get3A_327, %get3A_328] {strides = array<i32>} : memref<16x1024xf32, #tpu.memory_space<vmem>>, vector<1x16xf32>,
      %get3A_330 = vector.shape_cast %get3A_329 : vector<1x16xf32> to vector<16xf32>
      %add3A_331 = arith.addf %get3A_326, %get3A_330 : vector<16xf32>
      %swap3A_332 = arith.index_cast %select_n3A_304 : i32 to index
      %swap3A_333 = arith.index_cast %mul3A_322 : i32 to index
      %swap3A_334 = tpu.vector_load %arg9[%swap3A_332, %swap3A_333] {strides = array<i32>} : memref<16x1024xf32, #tpu.memory_space<vmem>>, vector<1x16xf32>,
      %swap3A_335 = vector.shape_cast %swap3A_334 : vector<1x16xf32> to vector<16xf32>
      %swap3A_336 = vector.shape_cast %add3A_331 : vector<16xf32> to vector<1x16xf32>
      tpu.vector_store %arg9[%swap3A_332, %swap3A_333], %swap3A_336 {strides = array<i32>} : memref<16x1024xf32, #tpu.memory_space<vmem>>, vector<1x16xf32>,
      %scan3A_337 = arith.constant 0 : i32
      %scan3A_338 = arith.constant 2 : i32
      %scan3A_339 = arith.addi %scan3A_232, %scan3A_338 : i32
      %jit3A_340 = arith.constant 64 : i32
      %div3A_341 = arith.divsi %scan3A_339, %jit3A_340 : i32
      %sign3A_342 = arith.constant 0 : i32
      %sign3A_343 = arith.cmpi sgt, %scan3A_339, %sign3A_342 : i32
      %sign3A_344 = arith.extui %sign3A_343 : i1 to i32
      %sign3A_345 = arith.constant 0 : i32
      %sign3A_346 = arith.cmpi slt, %scan3A_339, %sign3A_345 : i32
      %sign3A_347 = arith.extui %sign3A_346 : i1 to i32
      %sign3A_348 = arith.subi %sign3A_344, %sign3A_347 : i32
      %sign3A_349 = arith.constant 0 : i32
      %sign3A_350 = arith.cmpi sgt, %jit3A_340, %sign3A_349 : i32
      %sign3A_351 = arith.extui %sign3A_350 : i1 to i32
      %sign3A_352 = arith.constant 0 : i32
      %sign3A_353 = arith.cmpi slt, %jit3A_340, %sign3A_352 : i32
      %sign3A_354 = arith.extui %sign3A_353 : i1 to i32
      %sign3A_355 = arith.subi %sign3A_351, %sign3A_354 : i32
      %ne3A_356 = arith.cmpi ne, %sign3A_348, %sign3A_355 : i32
      %rem3A_357 = arith.remsi %scan3A_339, %jit3A_340 : i32
      %ne3A_358 = arith.constant 0 : i32
      %ne3A_359 = arith.cmpi ne, %rem3A_357, %ne3A_358 : i32
      %and3A_360 = arith.andi %ne3A_356, %ne3A_359 : i1
      %sub3A_361 = arith.constant 1 : i32
      %sub3A_362 = arith.subi %div3A_341, %sub3A_361 : i32
      %select_n3A_363 = arith.select %and3A_360, %sub3A_362, %div3A_341 : i32
      %jit3A_364 = arith.constant 64 : i32
      %eq3A_365 = arith.constant 0 : i32
      %eq3A_366 = arith.cmpi eq, %jit3A_364, %eq3A_365 : i32
      %jit3A_367 = arith.constant 1 : i32
      %select_n3A_368 = arith.select %eq3A_366, %jit3A_367, %jit3A_364 : i32
      %rem3A_369 = arith.remsi %scan3A_339, %select_n3A_368 : i32
      %ne3A_370 = arith.constant 0 : i32
      %ne3A_371 = arith.cmpi ne, %rem3A_369, %ne3A_370 : i32
      %lt3A_372 = arith.constant 0 : i32
      %lt3A_373 = arith.cmpi slt, %rem3A_369, %lt3A_372 : i32
      %lt3A_374 = arith.constant 0 : i32
      %lt3A_375 = arith.cmpi slt, %select_n3A_368, %lt3A_374 : i32
      %ne3A_376 = arith.xori %lt3A_373, %lt3A_375 : i1
      %and3A_377 = arith.andi %ne3A_376, %ne3A_371 : i1
      %add3A_378 = arith.addi %rem3A_369, %select_n3A_368 : i32
      %select_n3A_379 = arith.select %and3A_377, %add3A_378, %rem3A_369 : i32
      %mul3A_380 = arith.constant 16 : i32
      %mul3A_381 = arith.muli %select_n3A_379, %mul3A_380 : i32
      %get3A_382 = arith.index_cast %select_n3A_363 : i32 to index
      %get3A_383 = arith.index_cast %mul3A_381 : i32 to index
      %get3A_384 = tpu.vector_load %arg9[%get3A_382, %get3A_383] {strides = array<i32>} : memref<16x1024xf32, #tpu.memory_space<vmem>>, vector<1x16xf32>,
      %get3A_385 = vector.shape_cast %get3A_384 : vector<1x16xf32> to vector<16xf32>
      %get3A_386 = arith.index_cast %select_n3A_363 : i32 to index
      %get3A_387 = arith.index_cast %mul3A_381 : i32 to index
      %get3A_388 = tpu.vector_load %arg10[%get3A_386, %get3A_387] {strides = array<i32>} : memref<16x1024xf32, #tpu.memory_space<vmem>>, vector<1x16xf32>,
      %get3A_389 = vector.shape_cast %get3A_388 : vector<1x16xf32> to vector<16xf32>
      %add3A_390 = arith.addf %get3A_385, %get3A_389 : vector<16xf32>
      %swap3A_391 = arith.index_cast %select_n3A_363 : i32 to index
      %swap3A_392 = arith.index_cast %mul3A_381 : i32 to index
      %swap3A_393 = tpu.vector_load %arg9[%swap3A_391, %swap3A_392] {strides = array<i32>} : memref<16x1024xf32, #tpu.memory_space<vmem>>, vector<1x16xf32>,
      %swap3A_394 = vector.shape_cast %swap3A_393 : vector<1x16xf32> to vector<16xf32>
      %swap3A_395 = vector.shape_cast %add3A_390 : vector<16xf32> to vector<1x16xf32>
      tpu.vector_store %arg9[%swap3A_391, %swap3A_392], %swap3A_395 {strides = array<i32>} : memref<16x1024xf32, #tpu.memory_space<vmem>>, vector<1x16xf32>,
      %scan3A_396 = arith.constant 0 : i32
      %scan3A_397 = arith.constant 3 : i32
      %scan3A_398 = arith.addi %scan3A_232, %scan3A_397 : i32
      %jit3A_399 = arith.constant 64 : i32
      %div3A_400 = arith.divsi %scan3A_398, %jit3A_399 : i32
      %sign3A_401 = arith.constant 0 : i32
      %sign3A_402 = arith.cmpi sgt, %scan3A_398, %sign3A_401 : i32
      %sign3A_403 = arith.extui %sign3A_402 : i1 to i32
      %sign3A_404 = arith.constant 0 : i32
      %sign3A_405 = arith.cmpi slt, %scan3A_398, %sign3A_404 : i32
      %sign3A_406 = arith.extui %sign3A_405 : i1 to i32
      %sign3A_407 = arith.subi %sign3A_403, %sign3A_406 : i32
      %sign3A_408 = arith.constant 0 : i32
      %sign3A_409 = arith.cmpi sgt, %jit3A_399, %sign3A_408 : i32
      %sign3A_410 = arith.extui %sign3A_409 : i1 to i32
      %sign3A_411 = arith.constant 0 : i32
      %sign3A_412 = arith.cmpi slt, %jit3A_399, %sign3A_411 : i32
      %sign3A_413 = arith.extui %sign3A_412 : i1 to i32
      %sign3A_414 = arith.subi %sign3A_410, %sign3A_413 : i32
      %ne3A_415 = arith.cmpi ne, %sign3A_407, %sign3A_414 : i32
      %rem3A_416 = arith.remsi %scan3A_398, %jit3A_399 : i32
      %ne3A_417 = arith.constant 0 : i32
      %ne3A_418 = arith.cmpi ne, %rem3A_416, %ne3A_417 : i32
      %and3A_419 = arith.andi %ne3A_415, %ne3A_418 : i1
      %sub3A_420 = arith.constant 1 : i32
      %sub3A_421 = arith.subi %div3A_400, %sub3A_420 : i32
      %select_n3A_422 = arith.select %and3A_419, %sub3A_421, %div3A_400 : i32
      %jit3A_423 = arith.constant 64 : i32
      %eq3A_424 = arith.constant 0 : i32
      %eq3A_425 = arith.cmpi eq, %jit3A_423, %eq3A_424 : i32
      %jit3A_426 = arith.constant 1 : i32
      %select_n3A_427 = arith.select %eq3A_425, %jit3A_426, %jit3A_423 : i32
      %rem3A_428 = arith.remsi %scan3A_398, %select_n3A_427 : i32
      %ne3A_429 = arith.constant 0 : i32
      %ne3A_430 = arith.cmpi ne, %rem3A_428, %ne3A_429 : i32
      %lt3A_431 = arith.constant 0 : i32
      %lt3A_432 = arith.cmpi slt, %rem3A_428, %lt3A_431 : i32
      %lt3A_433 = arith.constant 0 : i32
      %lt3A_434 = arith.cmpi slt, %select_n3A_427, %lt3A_433 : i32
      %ne3A_435 = arith.xori %lt3A_432, %lt3A_434 : i1
      %and3A_436 = arith.andi %ne3A_435, %ne3A_430 : i1
      %add3A_437 = arith.addi %rem3A_428, %select_n3A_427 : i32
      %select_n3A_438 = arith.select %and3A_436, %add3A_437, %rem3A_428 : i32
      %mul3A_439 = arith.constant 16 : i32
      %mul3A_440 = arith.muli %select_n3A_438, %mul3A_439 : i32
      %get3A_441 = arith.index_cast %select_n3A_422 : i32 to index
      %get3A_442 = arith.index_cast %mul3A_440 : i32 to index
      %get3A_443 = tpu.vector_load %arg9[%get3A_441, %get3A_442] {strides = array<i32>} : memref<16x1024xf32, #tpu.memory_space<vmem>>, vector<1x16xf32>,
      %get3A_444 = vector.shape_cast %get3A_443 : vector<1x16xf32> to vector<16xf32>
      %get3A_445 = arith.index_cast %select_n3A_422 : i32 to index
      %get3A_446 = arith.index_cast %mul3A_440 : i32 to index
      %get3A_447 = tpu.vector_load %arg10[%get3A_445, %get3A_446] {strides = array<i32>} : memref<16x1024xf32, #tpu.memory_space<vmem>>, vector<1x16xf32>,
      %get3A_448 = vector.shape_cast %get3A_447 : vector<1x16xf32> to vector<16xf32>
      %add3A_449 = arith.addf %get3A_444, %get3A_448 : vector<16xf32>
      %swap3A_450 = arith.index_cast %select_n3A_422 : i32 to index
      %swap3A_451 = arith.index_cast %mul3A_440 : i32 to index
      %swap3A_452 = tpu.vector_load %arg9[%swap3A_450, %swap3A_451] {strides = array<i32>} : memref<16x1024xf32, #tpu.memory_space<vmem>>, vector<1x16xf32>,
      %swap3A_453 = vector.shape_cast %swap3A_452 : vector<1x16xf32> to vector<16xf32>
      %swap3A_454 = vector.shape_cast %add3A_449 : vector<16xf32> to vector<1x16xf32>
      tpu.vector_store %arg9[%swap3A_450, %swap3A_451], %swap3A_454 {strides = array<i32>} : memref<16x1024xf32, #tpu.memory_space<vmem>>, vector<1x16xf32>,
      %scan3A_455 = arith.constant 0 : i32
      %scan3A_456 = arith.constant 4 : i32
      %scan3A_457 = arith.addi %scan3A_232, %scan3A_456 : i32
      %jit3A_458 = arith.constant 64 : i32
      %div3A_459 = arith.divsi %scan3A_457, %jit3A_458 : i32
      %sign3A_460 = arith.constant 0 : i32
      %sign3A_461 = arith.cmpi sgt, %scan3A_457, %sign3A_460 : i32
      %sign3A_462 = arith.extui %sign3A_461 : i1 to i32
      %sign3A_463 = arith.constant 0 : i32
      %sign3A_464 = arith.cmpi slt, %scan3A_457, %sign3A_463 : i32
      %sign3A_465 = arith.extui %sign3A_464 : i1 to i32
      %sign3A_466 = arith.subi %sign3A_462, %sign3A_465 : i32
      %sign3A_467 = arith.constant 0 : i32
      %sign3A_468 = arith.cmpi sgt, %jit3A_458, %sign3A_467 : i32
      %sign3A_469 = arith.extui %sign3A_468 : i1 to i32
      %sign3A_470 = arith.constant 0 : i32
      %sign3A_471 = arith.cmpi slt, %jit3A_458, %sign3A_470 : i32
      %sign3A_472 = arith.extui %sign3A_471 : i1 to i32
      %sign3A_473 = arith.subi %sign3A_469, %sign3A_472 : i32
      %ne3A_474 = arith.cmpi ne, %sign3A_466, %sign3A_473 : i32
      %rem3A_475 = arith.remsi %scan3A_457, %jit3A_458 : i32
      %ne3A_476 = arith.constant 0 : i32
      %ne3A_477 = arith.cmpi ne, %rem3A_475, %ne3A_476 : i32
      %and3A_478 = arith.andi %ne3A_474, %ne3A_477 : i1
      %sub3A_479 = arith.constant 1 : i32
      %sub3A_480 = arith.subi %div3A_459, %sub3A_479 : i32
      %select_n3A_481 = arith.select %and3A_478, %sub3A_480, %div3A_459 : i32
      %jit3A_482 = arith.constant 64 : i32
      %eq3A_483 = arith.constant 0 : i32
      %eq3A_484 = arith.cmpi eq, %jit3A_482, %eq3A_483 : i32
      %jit3A_485 = arith.constant 1 : i32
      %select_n3A_486 = arith.select %eq3A_484, %jit3A_485, %jit3A_482 : i32
      %rem3A_487 = arith.remsi %scan3A_457, %select_n3A_486 : i32
      %ne3A_488 = arith.constant 0 : i32
      %ne3A_489 = arith.cmpi ne, %rem3A_487, %ne3A_488 : i32
      %lt3A_490 = arith.constant 0 : i32
      %lt3A_491 = arith.cmpi slt, %rem3A_487, %lt3A_490 : i32
      %lt3A_492 = arith.constant 0 : i32
      %lt3A_493 = arith.cmpi slt, %select_n3A_486, %lt3A_492 : i32
      %ne3A_494 = arith.xori %lt3A_491, %lt3A_493 : i1
      %and3A_495 = arith.andi %ne3A_494, %ne3A_489 : i1
      %add3A_496 = arith.addi %rem3A_487, %select_n3A_486 : i32
      %select_n3A_497 = arith.select %and3A_495, %add3A_496, %rem3A_487 : i32
      %mul3A_498 = arith.constant 16 : i32
      %mul3A_499 = arith.muli %select_n3A_497, %mul3A_498 : i32
      %get3A_500 = arith.index_cast %select_n3A_481 : i32 to index
      %get3A_501 = arith.index_cast %mul3A_499 : i32 to index
      %get3A_502 = tpu.vector_load %arg9[%get3A_500, %get3A_501] {strides = array<i32>} : memref<16x1024xf32, #tpu.memory_space<vmem>>, vector<1x16xf32>,
      %get3A_503 = vector.shape_cast %get3A_502 : vector<1x16xf32> to vector<16xf32>
      %get3A_504 = arith.index_cast %select_n3A_481 : i32 to index
      %get3A_505 = arith.index_cast %mul3A_499 : i32 to index
      %get3A_506 = tpu.vector_load %arg10[%get3A_504, %get3A_505] {strides = array<i32>} : memref<16x1024xf32, #tpu.memory_space<vmem>>, vector<1x16xf32>,
      %get3A_507 = vector.shape_cast %get3A_506 : vector<1x16xf32> to vector<16xf32>
      %add3A_508 = arith.addf %get3A_503, %get3A_507 : vector<16xf32>
      %swap3A_509 = arith.index_cast %select_n3A_481 : i32 to index
      %swap3A_510 = arith.index_cast %mul3A_499 : i32 to index
      %swap3A_511 = tpu.vector_load %arg9[%swap3A_509, %swap3A_510] {strides = array<i32>} : memref<16x1024xf32, #tpu.memory_space<vmem>>, vector<1x16xf32>,
      %swap3A_512 = vector.shape_cast %swap3A_511 : vector<1x16xf32> to vector<16xf32>
      %swap3A_513 = vector.shape_cast %add3A_508 : vector<16xf32> to vector<1x16xf32>
      tpu.vector_store %arg9[%swap3A_509, %swap3A_510], %swap3A_513 {strides = array<i32>} : memref<16x1024xf32, #tpu.memory_space<vmem>>, vector<1x16xf32>,
      %scan3A_514 = arith.constant 0 : i32
      %scan3A_515 = arith.constant 5 : i32
      %scan3A_516 = arith.addi %scan3A_232, %scan3A_515 : i32
      %jit3A_517 = arith.constant 64 : i32
      %div3A_518 = arith.divsi %scan3A_516, %jit3A_517 : i32
      %sign3A_519 = arith.constant 0 : i32
      %sign3A_520 = arith.cmpi sgt, %scan3A_516, %sign3A_519 : i32
      %sign3A_521 = arith.extui %sign3A_520 : i1 to i32
      %sign3A_522 = arith.constant 0 : i32
      %sign3A_523 = arith.cmpi slt, %scan3A_516, %sign3A_522 : i32
      %sign3A_524 = arith.extui %sign3A_523 : i1 to i32
      %sign3A_525 = arith.subi %sign3A_521, %sign3A_524 : i32
      %sign3A_526 = arith.constant 0 : i32
      %sign3A_527 = arith.cmpi sgt, %jit3A_517, %sign3A_526 : i32
      %sign3A_528 = arith.extui %sign3A_527 : i1 to i32
      %sign3A_529 = arith.constant 0 : i32
      %sign3A_530 = arith.cmpi slt, %jit3A_517, %sign3A_529 : i32
      %sign3A_531 = arith.extui %sign3A_530 : i1 to i32
      %sign3A_532 = arith.subi %sign3A_528, %sign3A_531 : i32
      %ne3A_533 = arith.cmpi ne, %sign3A_525, %sign3A_532 : i32
      %rem3A_534 = arith.remsi %scan3A_516, %jit3A_517 : i32
      %ne3A_535 = arith.constant 0 : i32
      %ne3A_536 = arith.cmpi ne, %rem3A_534, %ne3A_535 : i32
      %and3A_537 = arith.andi %ne3A_533, %ne3A_536 : i1
      %sub3A_538 = arith.constant 1 : i32
      %sub3A_539 = arith.subi %div3A_518, %sub3A_538 : i32
      %select_n3A_540 = arith.select %and3A_537, %sub3A_539, %div3A_518 : i32
      %jit3A_541 = arith.constant 64 : i32
      %eq3A_542 = arith.constant 0 : i32
      %eq3A_543 = arith.cmpi eq, %jit3A_541, %eq3A_542 : i32
      %jit3A_544 = arith.constant 1 : i32
      %select_n3A_545 = arith.select %eq3A_543, %jit3A_544, %jit3A_541 : i32
      %rem3A_546 = arith.remsi %scan3A_516, %select_n3A_545 : i32
      %ne3A_547 = arith.constant 0 : i32
      %ne3A_548 = arith.cmpi ne, %rem3A_546, %ne3A_547 : i32
      %lt3A_549 = arith.constant 0 : i32
      %lt3A_550 = arith.cmpi slt, %rem3A_546, %lt3A_549 : i32
      %lt3A_551 = arith.constant 0 : i32
      %lt3A_552 = arith.cmpi slt, %select_n3A_545, %lt3A_551 : i32
      %ne3A_553 = arith.xori %lt3A_550, %lt3A_552 : i1
      %and3A_554 = arith.andi %ne3A_553, %ne3A_548 : i1
      %add3A_555 = arith.addi %rem3A_546, %select_n3A_545 : i32
      %select_n3A_556 = arith.select %and3A_554, %add3A_555, %rem3A_546 : i32
      %mul3A_557 = arith.constant 16 : i32
      %mul3A_558 = arith.muli %select_n3A_556, %mul3A_557 : i32
      %get3A_559 = arith.index_cast %select_n3A_540 : i32 to index
      %get3A_560 = arith.index_cast %mul3A_558 : i32 to index
      %get3A_561 = tpu.vector_load %arg9[%get3A_559, %get3A_560] {strides = array<i32>} : memref<16x1024xf32, #tpu.memory_space<vmem>>, vector<1x16xf32>,
      %get3A_562 = vector.shape_cast %get3A_561 : vector<1x16xf32> to vector<16xf32>
      %get3A_563 = arith.index_cast %select_n3A_540 : i32 to index
      %get3A_564 = arith.index_cast %mul3A_558 : i32 to index
      %get3A_565 = tpu.vector_load %arg10[%get3A_563, %get3A_564] {strides = array<i32>} : memref<16x1024xf32, #tpu.memory_space<vmem>>, vector<1x16xf32>,
      %get3A_566 = vector.shape_cast %get3A_565 : vector<1x16xf32> to vector<16xf32>
      %add3A_567 = arith.addf %get3A_562, %get3A_566 : vector<16xf32>
      %swap3A_568 = arith.index_cast %select_n3A_540 : i32 to index
      %swap3A_569 = arith.index_cast %mul3A_558 : i32 to index
      %swap3A_570 = tpu.vector_load %arg9[%swap3A_568, %swap3A_569] {strides = array<i32>} : memref<16x1024xf32, #tpu.memory_space<vmem>>, vector<1x16xf32>,
      %swap3A_571 = vector.shape_cast %swap3A_570 : vector<1x16xf32> to vector<16xf32>
      %swap3A_572 = vector.shape_cast %add3A_567 : vector<16xf32> to vector<1x16xf32>
      tpu.vector_store %arg9[%swap3A_568, %swap3A_569], %swap3A_572 {strides = array<i32>} : memref<16x1024xf32, #tpu.memory_space<vmem>>, vector<1x16xf32>,
      %scan3A_573 = arith.constant 0 : i32
      %scan3A_574 = arith.constant 6 : i32
      %scan3A_575 = arith.addi %scan3A_232, %scan3A_574 : i32
      %jit3A_576 = arith.constant 64 : i32
      %div3A_577 = arith.divsi %scan3A_575, %jit3A_576 : i32
      %sign3A_578 = arith.constant 0 : i32
      %sign3A_579 = arith.cmpi sgt, %scan3A_575, %sign3A_578 : i32
      %sign3A_580 = arith.extui %sign3A_579 : i1 to i32
      %sign3A_581 = arith.constant 0 : i32
      %sign3A_582 = arith.cmpi slt, %scan3A_575, %sign3A_581 : i32
      %sign3A_583 = arith.extui %sign3A_582 : i1 to i32
      %sign3A_584 = arith.subi %sign3A_580, %sign3A_583 : i32
      %sign3A_585 = arith.constant 0 : i32
      %sign3A_586 = arith.cmpi sgt, %jit3A_576, %sign3A_585 : i32
      %sign3A_587 = arith.extui %sign3A_586 : i1 to i32
      %sign3A_588 = arith.constant 0 : i32
      %sign3A_589 = arith.cmpi slt, %jit3A_576, %sign3A_588 : i32
      %sign3A_590 = arith.extui %sign3A_589 : i1 to i32
      %sign3A_591 = arith.subi %sign3A_587, %sign3A_590 : i32
      %ne3A_592 = arith.cmpi ne, %sign3A_584, %sign3A_591 : i32
      %rem3A_593 = arith.remsi %scan3A_575, %jit3A_576 : i32
      %ne3A_594 = arith.constant 0 : i32
      %ne3A_595 = arith.cmpi ne, %rem3A_593, %ne3A_594 : i32
      %and3A_596 = arith.andi %ne3A_592, %ne3A_595 : i1
      %sub3A_597 = arith.constant 1 : i32
      %sub3A_598 = arith.subi %div3A_577, %sub3A_597 : i32
      %select_n3A_599 = arith.select %and3A_596, %sub3A_598, %div3A_577 : i32
      %jit3A_600 = arith.constant 64 : i32
      %eq3A_601 = arith.constant 0 : i32
      %eq3A_602 = arith.cmpi eq, %jit3A_600, %eq3A_601 : i32
      %jit3A_603 = arith.constant 1 : i32
      %select_n3A_604 = arith.select %eq3A_602, %jit3A_603, %jit3A_600 : i32
      %rem3A_605 = arith.remsi %scan3A_575, %select_n3A_604 : i32
      %ne3A_606 = arith.constant 0 : i32
      %ne3A_607 = arith.cmpi ne, %rem3A_605, %ne3A_606 : i32
      %lt3A_608 = arith.constant 0 : i32
      %lt3A_609 = arith.cmpi slt, %rem3A_605, %lt3A_608 : i32
      %lt3A_610 = arith.constant 0 : i32
      %lt3A_611 = arith.cmpi slt, %select_n3A_604, %lt3A_610 : i32
      %ne3A_612 = arith.xori %lt3A_609, %lt3A_611 : i1
      %and3A_613 = arith.andi %ne3A_612, %ne3A_607 : i1
      %add3A_614 = arith.addi %rem3A_605, %select_n3A_604 : i32
      %select_n3A_615 = arith.select %and3A_613, %add3A_614, %rem3A_605 : i32
      %mul3A_616 = arith.constant 16 : i32
      %mul3A_617 = arith.muli %select_n3A_615, %mul3A_616 : i32
      %get3A_618 = arith.index_cast %select_n3A_599 : i32 to index
      %get3A_619 = arith.index_cast %mul3A_617 : i32 to index
      %get3A_620 = tpu.vector_load %arg9[%get3A_618, %get3A_619] {strides = array<i32>} : memref<16x1024xf32, #tpu.memory_space<vmem>>, vector<1x16xf32>,
      %get3A_621 = vector.shape_cast %get3A_620 : vector<1x16xf32> to vector<16xf32>
      %get3A_622 = arith.index_cast %select_n3A_599 : i32 to index
      %get3A_623 = arith.index_cast %mul3A_617 : i32 to index
      %get3A_624 = tpu.vector_load %arg10[%get3A_622, %get3A_623] {strides = array<i32>} : memref<16x1024xf32, #tpu.memory_space<vmem>>, vector<1x16xf32>,
      %get3A_625 = vector.shape_cast %get3A_624 : vector<1x16xf32> to vector<16xf32>
      %add3A_626 = arith.addf %get3A_621, %get3A_625 : vector<16xf32>
      %swap3A_627 = arith.index_cast %select_n3A_599 : i32 to index
      %swap3A_628 = arith.index_cast %mul3A_617 : i32 to index
      %swap3A_629 = tpu.vector_load %arg9[%swap3A_627, %swap3A_628] {strides = array<i32>} : memref<16x1024xf32, #tpu.memory_space<vmem>>, vector<1x16xf32>,
      %swap3A_630 = vector.shape_cast %swap3A_629 : vector<1x16xf32> to vector<16xf32>
      %swap3A_631 = vector.shape_cast %add3A_626 : vector<16xf32> to vector<1x16xf32>
      tpu.vector_store %arg9[%swap3A_627, %swap3A_628], %swap3A_631 {strides = array<i32>} : memref<16x1024xf32, #tpu.memory_space<vmem>>, vector<1x16xf32>,
      %scan3A_632 = arith.constant 0 : i32
      %scan3A_633 = arith.constant 7 : i32
      %scan3A_634 = arith.addi %scan3A_232, %scan3A_633 : i32
      %jit3A_635 = arith.constant 64 : i32
      %div3A_636 = arith.divsi %scan3A_634, %jit3A_635 : i32
      %sign3A_637 = arith.constant 0 : i32
      %sign3A_638 = arith.cmpi sgt, %scan3A_634, %sign3A_637 : i32
      %sign3A_639 = arith.extui %sign3A_638 : i1 to i32
      %sign3A_640 = arith.constant 0 : i32
      %sign3A_641 = arith.cmpi slt, %scan3A_634, %sign3A_640 : i32
      %sign3A_642 = arith.extui %sign3A_641 : i1 to i32
      %sign3A_643 = arith.subi %sign3A_639, %sign3A_642 : i32
      %sign3A_644 = arith.constant 0 : i32
      %sign3A_645 = arith.cmpi sgt, %jit3A_635, %sign3A_644 : i32
      %sign3A_646 = arith.extui %sign3A_645 : i1 to i32
      %sign3A_647 = arith.constant 0 : i32
      %sign3A_648 = arith.cmpi slt, %jit3A_635, %sign3A_647 : i32
      %sign3A_649 = arith.extui %sign3A_648 : i1 to i32
      %sign3A_650 = arith.subi %sign3A_646, %sign3A_649 : i32
      %ne3A_651 = arith.cmpi ne, %sign3A_643, %sign3A_650 : i32
      %rem3A_652 = arith.remsi %scan3A_634, %jit3A_635 : i32
      %ne3A_653 = arith.constant 0 : i32
      %ne3A_654 = arith.cmpi ne, %rem3A_652, %ne3A_653 : i32
      %and3A_655 = arith.andi %ne3A_651, %ne3A_654 : i1
      %sub3A_656 = arith.constant 1 : i32
      %sub3A_657 = arith.subi %div3A_636, %sub3A_656 : i32
      %select_n3A_658 = arith.select %and3A_655, %sub3A_657, %div3A_636 : i32
      %jit3A_659 = arith.constant 64 : i32
      %eq3A_660 = arith.constant 0 : i32
      %eq3A_661 = arith.cmpi eq, %jit3A_659, %eq3A_660 : i32
      %jit3A_662 = arith.constant 1 : i32
      %select_n3A_663 = arith.select %eq3A_661, %jit3A_662, %jit3A_659 : i32
      %rem3A_664 = arith.remsi %scan3A_634, %select_n3A_663 : i32
      %ne3A_665 = arith.constant 0 : i32
      %ne3A_666 = arith.cmpi ne, %rem3A_664, %ne3A_665 : i32
      %lt3A_667 = arith.constant 0 : i32
      %lt3A_668 = arith.cmpi slt, %rem3A_664, %lt3A_667 : i32
      %lt3A_669 = arith.constant 0 : i32
      %lt3A_670 = arith.cmpi slt, %select_n3A_663, %lt3A_669 : i32
      %ne3A_671 = arith.xori %lt3A_668, %lt3A_670 : i1
      %and3A_672 = arith.andi %ne3A_671, %ne3A_666 : i1
      %add3A_673 = arith.addi %rem3A_664, %select_n3A_663 : i32
      %select_n3A_674 = arith.select %and3A_672, %add3A_673, %rem3A_664 : i32
      %mul3A_675 = arith.constant 16 : i32
      %mul3A_676 = arith.muli %select_n3A_674, %mul3A_675 : i32
      %get3A_677 = arith.index_cast %select_n3A_658 : i32 to index
      %get3A_678 = arith.index_cast %mul3A_676 : i32 to index
      %get3A_679 = tpu.vector_load %arg9[%get3A_677, %get3A_678] {strides = array<i32>} : memref<16x1024xf32, #tpu.memory_space<vmem>>, vector<1x16xf32>,
      %get3A_680 = vector.shape_cast %get3A_679 : vector<1x16xf32> to vector<16xf32>
      %get3A_681 = arith.index_cast %select_n3A_658 : i32 to index
      %get3A_682 = arith.index_cast %mul3A_676 : i32 to index
      %get3A_683 = tpu.vector_load %arg10[%get3A_681, %get3A_682] {strides = array<i32>} : memref<16x1024xf32, #tpu.memory_space<vmem>>, vector<1x16xf32>,
      %get3A_684 = vector.shape_cast %get3A_683 : vector<1x16xf32> to vector<16xf32>
      %add3A_685 = arith.addf %get3A_680, %get3A_684 : vector<16xf32>
      %swap3A_686 = arith.index_cast %select_n3A_658 : i32 to index
      %swap3A_687 = arith.index_cast %mul3A_676 : i32 to index
      %swap3A_688 = tpu.vector_load %arg9[%swap3A_686, %swap3A_687] {strides = array<i32>} : memref<16x1024xf32, #tpu.memory_space<vmem>>, vector<1x16xf32>,
      %swap3A_689 = vector.shape_cast %swap3A_688 : vector<1x16xf32> to vector<16xf32>
      %swap3A_690 = vector.shape_cast %add3A_685 : vector<16xf32> to vector<1x16xf32>
      tpu.vector_store %arg9[%swap3A_686, %swap3A_687], %swap3A_690 {strides = array<i32>} : memref<16x1024xf32, #tpu.memory_space<vmem>>, vector<1x16xf32>,
      %scan3A_691 = arith.constant 0 : i32
      scf.yield %scan3A_691 : i32
    }
    %scan3A_118 = arith.constant 1024 : i32
    %dma_start3A_119 = arith.constant 0 : i32
    %dma_start3A_120 = arith.constant 0 : i32
    %dma_start3A_121 = tpu.memref_slice %arg2[%dma_start3A_119, %dma_start3A_120] : memref<16384x1024xf32, #tpu.memory_space<hbm>> -> memref<16384x1024xf32, #tpu.memory_space<hbm>>
    tpu.enqueue_indirect_dma source(%arg9 : memref<16x1024xf32, #tpu.memory_space<vmem>>) target(%dma_start3A_121 : memref<16384x1024xf32, #tpu.memory_space<hbm>>) offsets(%arg11 : memref<16xi32, #tpu.memory_space<vmem>>) semaphore(%arg17 : memref<!tpu.dma_semaphore, #tpu.memory_space<semaphore_mem>>)
    %add3A_122 = arith.constant 80 : i32
    %add3A_123 = arith.addi %mul3A_2, %add3A_122 : i32
    %dma_wait3A_124 = arith.constant 0 : i32
    %dma_wait3A_125 = arith.constant 0 : i32
    %dma_wait3A_126 = tpu.memref_slice %arg2[%dma_wait3A_124, %dma_wait3A_125] : memref<16384x1024xf32, #tpu.memory_space<hbm>> -> memref<16384x1024xf32, #tpu.memory_space<hbm>>
    tpu.wait_indirect_dma semaphore(%arg17 : memref<!tpu.dma_semaphore, #tpu.memory_space<semaphore_mem>>) src(%arg9 : memref<16x1024xf32, #tpu.memory_space<vmem>>) dst(%dma_wait3A_126 : memref<16384x1024xf32, #tpu.memory_space<hbm>>)
    "tpu.region"() ({
      %run_scoped3A = tpu.sem_alloc : memref<!tpu.dma_semaphore, #tpu.memory_space<semaphore_mem>>
      %dma_start3A_232 = tpu.memref_slice %arg4[%add3A_123] : memref<4096xi32, #tpu.memory_space<hbm>> -> memref<16xi32, #tpu.memory_space<hbm>>
      %dma_start3A_233 = tpu.memref_slice %arg4[%add3A_123] : memref<4096xi32, #tpu.memory_space<hbm>> -> memref<16xi32, #tpu.memory_space<hbm>>
      tpu.enqueue_dma source(%dma_start3A_233 : memref<16xi32, #tpu.memory_space<hbm>>) target(%arg11 : memref<16xi32, #tpu.memory_space<vmem>>) target_semaphore(%run_scoped3A : memref<!tpu.dma_semaphore, #tpu.memory_space<semaphore_mem>>)
      %dma_wait3A_234 = tpu.memref_slice %arg4[%add3A_123] : memref<4096xi32, #tpu.memory_space<hbm>> -> memref<16xi32, #tpu.memory_space<hbm>>
      %dma_wait3A_235 = tpu.memref_slice %arg4[%add3A_123] : memref<4096xi32, #tpu.memory_space<hbm>> -> memref<16xi32, #tpu.memory_space<hbm>>
      tpu.wait_dma2 semaphore(%run_scoped3A : memref<!tpu.dma_semaphore, #tpu.memory_space<semaphore_mem>>) src(%dma_wait3A_235 : memref<16xi32, #tpu.memory_space<hbm>>) dst(%arg11 : memref<16xi32, #tpu.memory_space<vmem>>)
      tpu.yield
    }) : () -> ()
    %dma_start3A_127 = arith.constant 0 : i32
    %dma_start3A_128 = arith.constant 0 : i32
    %dma_start3A_129 = tpu.memref_slice %arg2[%dma_start3A_127, %dma_start3A_128] : memref<16384x1024xf32, #tpu.memory_space<hbm>> -> memref<16384x1024xf32, #tpu.memory_space<hbm>>
    tpu.enqueue_indirect_dma source(%dma_start3A_129 : memref<16384x1024xf32, #tpu.memory_space<hbm>>) target(%arg9 : memref<16x1024xf32, #tpu.memory_space<vmem>>) offsets(%arg11 : memref<16xi32, #tpu.memory_space<vmem>>) semaphore(%arg15 : memref<!tpu.dma_semaphore, #tpu.memory_space<semaphore_mem>>)
    %dma_start3A_130 = arith.constant 0 : i32
    %dma_start3A_131 = tpu.memref_slice %arg3[%add3A_123, %dma_start3A_130] : memref<4096x1024xf32, #tpu.memory_space<hbm>> -> memref<16x1024xf32, #tpu.memory_space<hbm>>
    %dma_start3A_132 = arith.constant 0 : i32
    %dma_start3A_133 = tpu.memref_slice %arg3[%add3A_123, %dma_start3A_132] : memref<4096x1024xf32, #tpu.memory_space<hbm>> -> memref<16x1024xf32, #tpu.memory_space<hbm>>
    tpu.enqueue_dma source(%dma_start3A_133 : memref<16x1024xf32, #tpu.memory_space<hbm>>) target(%arg10 : memref<16x1024xf32, #tpu.memory_space<vmem>>) target_semaphore(%arg16 : memref<!tpu.dma_semaphore, #tpu.memory_space<semaphore_mem>>)
    %dma_wait3A_134 = arith.constant 0 : i32
    %dma_wait3A_135 = arith.constant 0 : i32
    %dma_wait3A_136 = tpu.memref_slice %arg2[%dma_wait3A_134, %dma_wait3A_135] : memref<16384x1024xf32, #tpu.memory_space<hbm>> -> memref<16384x1024xf32, #tpu.memory_space<hbm>>
    tpu.wait_indirect_dma semaphore(%arg12 : memref<!tpu.dma_semaphore, #tpu.memory_space<semaphore_mem>>) src(%dma_wait3A_136 : memref<16384x1024xf32, #tpu.memory_space<hbm>>) dst(%arg6 : memref<16x1024xf32, #tpu.memory_space<vmem>>)
    %dma_wait3A_137 = arith.constant 0 : i32
    %dma_wait3A_138 = tpu.memref_slice %arg3[%add3A_94, %dma_wait3A_137] : memref<4096x1024xf32, #tpu.memory_space<hbm>> -> memref<16x1024xf32, #tpu.memory_space<hbm>>
    %dma_wait3A_139 = arith.constant 0 : i32
    %dma_wait3A_140 = tpu.memref_slice %arg3[%add3A_94, %dma_wait3A_139] : memref<4096x1024xf32, #tpu.memory_space<hbm>> -> memref<16x1024xf32, #tpu.memory_space<hbm>>
    tpu.wait_dma2 semaphore(%arg13 : memref<!tpu.dma_semaphore, #tpu.memory_space<semaphore_mem>>) src(%dma_wait3A_140 : memref<16x1024xf32, #tpu.memory_space<hbm>>) dst(%arg7 : memref<16x1024xf32, #tpu.memory_space<vmem>>)
    %scan3A_141 = arith.constant 0 : i32
    %scan3A_142 = arith.constant 0 : i32
    %scan3A_143 = arith.constant 1024 : i32
    %scan3A_144 = arith.addi %scan3A_142, %scan3A_143 : i32
    %scan3A_145 = arith.constant 8 : i32
    %scan3A_146 = scf.for %scan3A_232 = %scan3A_142 to %scan3A_144 step %scan3A_145 iter_args(%scan3A_233 = %scan3A_141) -> (i32)  : i32 {
      %jit3A = arith.constant 64 : i32
      %div3A = arith.divsi %scan3A_232, %jit3A : i32
      %sign3A = arith.constant 0 : i32
      %sign3A_234 = arith.cmpi sgt, %scan3A_232, %sign3A : i32
      %sign3A_235 = arith.extui %sign3A_234 : i1 to i32
      %sign3A_236 = arith.constant 0 : i32
      %sign3A_237 = arith.cmpi slt, %scan3A_232, %sign3A_236 : i32
      %sign3A_238 = arith.extui %sign3A_237 : i1 to i32
      %sign3A_239 = arith.subi %sign3A_235, %sign3A_238 : i32
      %sign3A_240 = arith.constant 0 : i32
      %sign3A_241 = arith.cmpi sgt, %jit3A, %sign3A_240 : i32
      %sign3A_242 = arith.extui %sign3A_241 : i1 to i32
      %sign3A_243 = arith.constant 0 : i32
      %sign3A_244 = arith.cmpi slt, %jit3A, %sign3A_243 : i32
      %sign3A_245 = arith.extui %sign3A_244 : i1 to i32
      %sign3A_246 = arith.subi %sign3A_242, %sign3A_245 : i32
      %ne3A = arith.cmpi ne, %sign3A_239, %sign3A_246 : i32
      %rem3A = arith.remsi %scan3A_232, %jit3A : i32
      %ne3A_247 = arith.constant 0 : i32
      %ne3A_248 = arith.cmpi ne, %rem3A, %ne3A_247 : i32
      %and3A = arith.andi %ne3A, %ne3A_248 : i1
      %sub3A = arith.constant 1 : i32
      %sub3A_249 = arith.subi %div3A, %sub3A : i32
      %select_n3A = arith.select %and3A, %sub3A_249, %div3A : i32
      %jit3A_250 = arith.constant 64 : i32
      %eq3A = arith.constant 0 : i32
      %eq3A_251 = arith.cmpi eq, %jit3A_250, %eq3A : i32
      %jit3A_252 = arith.constant 1 : i32
      %select_n3A_253 = arith.select %eq3A_251, %jit3A_252, %jit3A_250 : i32
      %rem3A_254 = arith.remsi %scan3A_232, %select_n3A_253 : i32
      %ne3A_255 = arith.constant 0 : i32
      %ne3A_256 = arith.cmpi ne, %rem3A_254, %ne3A_255 : i32
      %lt3A = arith.constant 0 : i32
      %lt3A_257 = arith.cmpi slt, %rem3A_254, %lt3A : i32
      %lt3A_258 = arith.constant 0 : i32
      %lt3A_259 = arith.cmpi slt, %select_n3A_253, %lt3A_258 : i32
      %ne3A_260 = arith.xori %lt3A_257, %lt3A_259 : i1
      %and3A_261 = arith.andi %ne3A_260, %ne3A_256 : i1
      %add3A_262 = arith.addi %rem3A_254, %select_n3A_253 : i32
      %select_n3A_263 = arith.select %and3A_261, %add3A_262, %rem3A_254 : i32
      %mul3A_264 = arith.constant 16 : i32
      %mul3A_265 = arith.muli %select_n3A_263, %mul3A_264 : i32
      %get3A = arith.index_cast %select_n3A : i32 to index
      %get3A_266 = arith.index_cast %mul3A_265 : i32 to index
      %get3A_267 = tpu.vector_load %arg6[%get3A, %get3A_266] {strides = array<i32>} : memref<16x1024xf32, #tpu.memory_space<vmem>>, vector<1x16xf32>,
      %get3A_268 = vector.shape_cast %get3A_267 : vector<1x16xf32> to vector<16xf32>
      %get3A_269 = arith.index_cast %select_n3A : i32 to index
      %get3A_270 = arith.index_cast %mul3A_265 : i32 to index
      %get3A_271 = tpu.vector_load %arg7[%get3A_269, %get3A_270] {strides = array<i32>} : memref<16x1024xf32, #tpu.memory_space<vmem>>, vector<1x16xf32>,
      %get3A_272 = vector.shape_cast %get3A_271 : vector<1x16xf32> to vector<16xf32>
      %add3A_273 = arith.addf %get3A_268, %get3A_272 : vector<16xf32>
      %swap3A = arith.index_cast %select_n3A : i32 to index
      %swap3A_274 = arith.index_cast %mul3A_265 : i32 to index
      %swap3A_275 = tpu.vector_load %arg6[%swap3A, %swap3A_274] {strides = array<i32>} : memref<16x1024xf32, #tpu.memory_space<vmem>>, vector<1x16xf32>,
      %swap3A_276 = vector.shape_cast %swap3A_275 : vector<1x16xf32> to vector<16xf32>
      %swap3A_277 = vector.shape_cast %add3A_273 : vector<16xf32> to vector<1x16xf32>
      tpu.vector_store %arg6[%swap3A, %swap3A_274], %swap3A_277 {strides = array<i32>} : memref<16x1024xf32, #tpu.memory_space<vmem>>, vector<1x16xf32>,
      %scan3A_278 = arith.constant 0 : i32
      %scan3A_279 = arith.constant 1 : i32
      %scan3A_280 = arith.addi %scan3A_232, %scan3A_279 : i32
      %jit3A_281 = arith.constant 64 : i32
      %div3A_282 = arith.divsi %scan3A_280, %jit3A_281 : i32
      %sign3A_283 = arith.constant 0 : i32
      %sign3A_284 = arith.cmpi sgt, %scan3A_280, %sign3A_283 : i32
      %sign3A_285 = arith.extui %sign3A_284 : i1 to i32
      %sign3A_286 = arith.constant 0 : i32
      %sign3A_287 = arith.cmpi slt, %scan3A_280, %sign3A_286 : i32
      %sign3A_288 = arith.extui %sign3A_287 : i1 to i32
      %sign3A_289 = arith.subi %sign3A_285, %sign3A_288 : i32
      %sign3A_290 = arith.constant 0 : i32
      %sign3A_291 = arith.cmpi sgt, %jit3A_281, %sign3A_290 : i32
      %sign3A_292 = arith.extui %sign3A_291 : i1 to i32
      %sign3A_293 = arith.constant 0 : i32
      %sign3A_294 = arith.cmpi slt, %jit3A_281, %sign3A_293 : i32
      %sign3A_295 = arith.extui %sign3A_294 : i1 to i32
      %sign3A_296 = arith.subi %sign3A_292, %sign3A_295 : i32
      %ne3A_297 = arith.cmpi ne, %sign3A_289, %sign3A_296 : i32
      %rem3A_298 = arith.remsi %scan3A_280, %jit3A_281 : i32
      %ne3A_299 = arith.constant 0 : i32
      %ne3A_300 = arith.cmpi ne, %rem3A_298, %ne3A_299 : i32
      %and3A_301 = arith.andi %ne3A_297, %ne3A_300 : i1
      %sub3A_302 = arith.constant 1 : i32
      %sub3A_303 = arith.subi %div3A_282, %sub3A_302 : i32
      %select_n3A_304 = arith.select %and3A_301, %sub3A_303, %div3A_282 : i32
      %jit3A_305 = arith.constant 64 : i32
      %eq3A_306 = arith.constant 0 : i32
      %eq3A_307 = arith.cmpi eq, %jit3A_305, %eq3A_306 : i32
      %jit3A_308 = arith.constant 1 : i32
      %select_n3A_309 = arith.select %eq3A_307, %jit3A_308, %jit3A_305 : i32
      %rem3A_310 = arith.remsi %scan3A_280, %select_n3A_309 : i32
      %ne3A_311 = arith.constant 0 : i32
      %ne3A_312 = arith.cmpi ne, %rem3A_310, %ne3A_311 : i32
      %lt3A_313 = arith.constant 0 : i32
      %lt3A_314 = arith.cmpi slt, %rem3A_310, %lt3A_313 : i32
      %lt3A_315 = arith.constant 0 : i32
      %lt3A_316 = arith.cmpi slt, %select_n3A_309, %lt3A_315 : i32
      %ne3A_317 = arith.xori %lt3A_314, %lt3A_316 : i1
      %and3A_318 = arith.andi %ne3A_317, %ne3A_312 : i1
      %add3A_319 = arith.addi %rem3A_310, %select_n3A_309 : i32
      %select_n3A_320 = arith.select %and3A_318, %add3A_319, %rem3A_310 : i32
      %mul3A_321 = arith.constant 16 : i32
      %mul3A_322 = arith.muli %select_n3A_320, %mul3A_321 : i32
      %get3A_323 = arith.index_cast %select_n3A_304 : i32 to index
      %get3A_324 = arith.index_cast %mul3A_322 : i32 to index
      %get3A_325 = tpu.vector_load %arg6[%get3A_323, %get3A_324] {strides = array<i32>} : memref<16x1024xf32, #tpu.memory_space<vmem>>, vector<1x16xf32>,
      %get3A_326 = vector.shape_cast %get3A_325 : vector<1x16xf32> to vector<16xf32>
      %get3A_327 = arith.index_cast %select_n3A_304 : i32 to index
      %get3A_328 = arith.index_cast %mul3A_322 : i32 to index
      %get3A_329 = tpu.vector_load %arg7[%get3A_327, %get3A_328] {strides = array<i32>} : memref<16x1024xf32, #tpu.memory_space<vmem>>, vector<1x16xf32>,
      %get3A_330 = vector.shape_cast %get3A_329 : vector<1x16xf32> to vector<16xf32>
      %add3A_331 = arith.addf %get3A_326, %get3A_330 : vector<16xf32>
      %swap3A_332 = arith.index_cast %select_n3A_304 : i32 to index
      %swap3A_333 = arith.index_cast %mul3A_322 : i32 to index
      %swap3A_334 = tpu.vector_load %arg6[%swap3A_332, %swap3A_333] {strides = array<i32>} : memref<16x1024xf32, #tpu.memory_space<vmem>>, vector<1x16xf32>,
      %swap3A_335 = vector.shape_cast %swap3A_334 : vector<1x16xf32> to vector<16xf32>
      %swap3A_336 = vector.shape_cast %add3A_331 : vector<16xf32> to vector<1x16xf32>
      tpu.vector_store %arg6[%swap3A_332, %swap3A_333], %swap3A_336 {strides = array<i32>} : memref<16x1024xf32, #tpu.memory_space<vmem>>, vector<1x16xf32>,
      %scan3A_337 = arith.constant 0 : i32
      %scan3A_338 = arith.constant 2 : i32
      %scan3A_339 = arith.addi %scan3A_232, %scan3A_338 : i32
      %jit3A_340 = arith.constant 64 : i32
      %div3A_341 = arith.divsi %scan3A_339, %jit3A_340 : i32
      %sign3A_342 = arith.constant 0 : i32
      %sign3A_343 = arith.cmpi sgt, %scan3A_339, %sign3A_342 : i32
      %sign3A_344 = arith.extui %sign3A_343 : i1 to i32
      %sign3A_345 = arith.constant 0 : i32
      %sign3A_346 = arith.cmpi slt, %scan3A_339, %sign3A_345 : i32
      %sign3A_347 = arith.extui %sign3A_346 : i1 to i32
      %sign3A_348 = arith.subi %sign3A_344, %sign3A_347 : i32
      %sign3A_349 = arith.constant 0 : i32
      %sign3A_350 = arith.cmpi sgt, %jit3A_340, %sign3A_349 : i32
      %sign3A_351 = arith.extui %sign3A_350 : i1 to i32
      %sign3A_352 = arith.constant 0 : i32
      %sign3A_353 = arith.cmpi slt, %jit3A_340, %sign3A_352 : i32
      %sign3A_354 = arith.extui %sign3A_353 : i1 to i32
      %sign3A_355 = arith.subi %sign3A_351, %sign3A_354 : i32
      %ne3A_356 = arith.cmpi ne, %sign3A_348, %sign3A_355 : i32
      %rem3A_357 = arith.remsi %scan3A_339, %jit3A_340 : i32
      %ne3A_358 = arith.constant 0 : i32
      %ne3A_359 = arith.cmpi ne, %rem3A_357, %ne3A_358 : i32
      %and3A_360 = arith.andi %ne3A_356, %ne3A_359 : i1
      %sub3A_361 = arith.constant 1 : i32
      %sub3A_362 = arith.subi %div3A_341, %sub3A_361 : i32
      %select_n3A_363 = arith.select %and3A_360, %sub3A_362, %div3A_341 : i32
      %jit3A_364 = arith.constant 64 : i32
      %eq3A_365 = arith.constant 0 : i32
      %eq3A_366 = arith.cmpi eq, %jit3A_364, %eq3A_365 : i32
      %jit3A_367 = arith.constant 1 : i32
      %select_n3A_368 = arith.select %eq3A_366, %jit3A_367, %jit3A_364 : i32
      %rem3A_369 = arith.remsi %scan3A_339, %select_n3A_368 : i32
      %ne3A_370 = arith.constant 0 : i32
      %ne3A_371 = arith.cmpi ne, %rem3A_369, %ne3A_370 : i32
      %lt3A_372 = arith.constant 0 : i32
      %lt3A_373 = arith.cmpi slt, %rem3A_369, %lt3A_372 : i32
      %lt3A_374 = arith.constant 0 : i32
      %lt3A_375 = arith.cmpi slt, %select_n3A_368, %lt3A_374 : i32
      %ne3A_376 = arith.xori %lt3A_373, %lt3A_375 : i1
      %and3A_377 = arith.andi %ne3A_376, %ne3A_371 : i1
      %add3A_378 = arith.addi %rem3A_369, %select_n3A_368 : i32
      %select_n3A_379 = arith.select %and3A_377, %add3A_378, %rem3A_369 : i32
      %mul3A_380 = arith.constant 16 : i32
      %mul3A_381 = arith.muli %select_n3A_379, %mul3A_380 : i32
      %get3A_382 = arith.index_cast %select_n3A_363 : i32 to index
      %get3A_383 = arith.index_cast %mul3A_381 : i32 to index
      %get3A_384 = tpu.vector_load %arg6[%get3A_382, %get3A_383] {strides = array<i32>} : memref<16x1024xf32, #tpu.memory_space<vmem>>, vector<1x16xf32>,
      %get3A_385 = vector.shape_cast %get3A_384 : vector<1x16xf32> to vector<16xf32>
      %get3A_386 = arith.index_cast %select_n3A_363 : i32 to index
      %get3A_387 = arith.index_cast %mul3A_381 : i32 to index
      %get3A_388 = tpu.vector_load %arg7[%get3A_386, %get3A_387] {strides = array<i32>} : memref<16x1024xf32, #tpu.memory_space<vmem>>, vector<1x16xf32>,
      %get3A_389 = vector.shape_cast %get3A_388 : vector<1x16xf32> to vector<16xf32>
      %add3A_390 = arith.addf %get3A_385, %get3A_389 : vector<16xf32>
      %swap3A_391 = arith.index_cast %select_n3A_363 : i32 to index
      %swap3A_392 = arith.index_cast %mul3A_381 : i32 to index
      %swap3A_393 = tpu.vector_load %arg6[%swap3A_391, %swap3A_392] {strides = array<i32>} : memref<16x1024xf32, #tpu.memory_space<vmem>>, vector<1x16xf32>,
      %swap3A_394 = vector.shape_cast %swap3A_393 : vector<1x16xf32> to vector<16xf32>
      %swap3A_395 = vector.shape_cast %add3A_390 : vector<16xf32> to vector<1x16xf32>
      tpu.vector_store %arg6[%swap3A_391, %swap3A_392], %swap3A_395 {strides = array<i32>} : memref<16x1024xf32, #tpu.memory_space<vmem>>, vector<1x16xf32>,
      %scan3A_396 = arith.constant 0 : i32
      %scan3A_397 = arith.constant 3 : i32
      %scan3A_398 = arith.addi %scan3A_232, %scan3A_397 : i32
      %jit3A_399 = arith.constant 64 : i32
      %div3A_400 = arith.divsi %scan3A_398, %jit3A_399 : i32
      %sign3A_401 = arith.constant 0 : i32
      %sign3A_402 = arith.cmpi sgt, %scan3A_398, %sign3A_401 : i32
      %sign3A_403 = arith.extui %sign3A_402 : i1 to i32
      %sign3A_404 = arith.constant 0 : i32
      %sign3A_405 = arith.cmpi slt, %scan3A_398, %sign3A_404 : i32
      %sign3A_406 = arith.extui %sign3A_405 : i1 to i32
      %sign3A_407 = arith.subi %sign3A_403, %sign3A_406 : i32
      %sign3A_408 = arith.constant 0 : i32
      %sign3A_409 = arith.cmpi sgt, %jit3A_399, %sign3A_408 : i32
      %sign3A_410 = arith.extui %sign3A_409 : i1 to i32
      %sign3A_411 = arith.constant 0 : i32
      %sign3A_412 = arith.cmpi slt, %jit3A_399, %sign3A_411 : i32
      %sign3A_413 = arith.extui %sign3A_412 : i1 to i32
      %sign3A_414 = arith.subi %sign3A_410, %sign3A_413 : i32
      %ne3A_415 = arith.cmpi ne, %sign3A_407, %sign3A_414 : i32
      %rem3A_416 = arith.remsi %scan3A_398, %jit3A_399 : i32
      %ne3A_417 = arith.constant 0 : i32
      %ne3A_418 = arith.cmpi ne, %rem3A_416, %ne3A_417 : i32
      %and3A_419 = arith.andi %ne3A_415, %ne3A_418 : i1
      %sub3A_420 = arith.constant 1 : i32
      %sub3A_421 = arith.subi %div3A_400, %sub3A_420 : i32
      %select_n3A_422 = arith.select %and3A_419, %sub3A_421, %div3A_400 : i32
      %jit3A_423 = arith.constant 64 : i32
      %eq3A_424 = arith.constant 0 : i32
      %eq3A_425 = arith.cmpi eq, %jit3A_423, %eq3A_424 : i32
      %jit3A_426 = arith.constant 1 : i32
      %select_n3A_427 = arith.select %eq3A_425, %jit3A_426, %jit3A_423 : i32
      %rem3A_428 = arith.remsi %scan3A_398, %select_n3A_427 : i32
      %ne3A_429 = arith.constant 0 : i32
      %ne3A_430 = arith.cmpi ne, %rem3A_428, %ne3A_429 : i32
      %lt3A_431 = arith.constant 0 : i32
      %lt3A_432 = arith.cmpi slt, %rem3A_428, %lt3A_431 : i32
      %lt3A_433 = arith.constant 0 : i32
      %lt3A_434 = arith.cmpi slt, %select_n3A_427, %lt3A_433 : i32
      %ne3A_435 = arith.xori %lt3A_432, %lt3A_434 : i1
      %and3A_436 = arith.andi %ne3A_435, %ne3A_430 : i1
      %add3A_437 = arith.addi %rem3A_428, %select_n3A_427 : i32
      %select_n3A_438 = arith.select %and3A_436, %add3A_437, %rem3A_428 : i32
      %mul3A_439 = arith.constant 16 : i32
      %mul3A_440 = arith.muli %select_n3A_438, %mul3A_439 : i32
      %get3A_441 = arith.index_cast %select_n3A_422 : i32 to index
      %get3A_442 = arith.index_cast %mul3A_440 : i32 to index
      %get3A_443 = tpu.vector_load %arg6[%get3A_441, %get3A_442] {strides = array<i32>} : memref<16x1024xf32, #tpu.memory_space<vmem>>, vector<1x16xf32>,
      %get3A_444 = vector.shape_cast %get3A_443 : vector<1x16xf32> to vector<16xf32>
      %get3A_445 = arith.index_cast %select_n3A_422 : i32 to index
      %get3A_446 = arith.index_cast %mul3A_440 : i32 to index
      %get3A_447 = tpu.vector_load %arg7[%get3A_445, %get3A_446] {strides = array<i32>} : memref<16x1024xf32, #tpu.memory_space<vmem>>, vector<1x16xf32>,
      %get3A_448 = vector.shape_cast %get3A_447 : vector<1x16xf32> to vector<16xf32>
      %add3A_449 = arith.addf %get3A_444, %get3A_448 : vector<16xf32>
      %swap3A_450 = arith.index_cast %select_n3A_422 : i32 to index
      %swap3A_451 = arith.index_cast %mul3A_440 : i32 to index
      %swap3A_452 = tpu.vector_load %arg6[%swap3A_450, %swap3A_451] {strides = array<i32>} : memref<16x1024xf32, #tpu.memory_space<vmem>>, vector<1x16xf32>,
      %swap3A_453 = vector.shape_cast %swap3A_452 : vector<1x16xf32> to vector<16xf32>
      %swap3A_454 = vector.shape_cast %add3A_449 : vector<16xf32> to vector<1x16xf32>
      tpu.vector_store %arg6[%swap3A_450, %swap3A_451], %swap3A_454 {strides = array<i32>} : memref<16x1024xf32, #tpu.memory_space<vmem>>, vector<1x16xf32>,
      %scan3A_455 = arith.constant 0 : i32
      %scan3A_456 = arith.constant 4 : i32
      %scan3A_457 = arith.addi %scan3A_232, %scan3A_456 : i32
      %jit3A_458 = arith.constant 64 : i32
      %div3A_459 = arith.divsi %scan3A_457, %jit3A_458 : i32
      %sign3A_460 = arith.constant 0 : i32
      %sign3A_461 = arith.cmpi sgt, %scan3A_457, %sign3A_460 : i32
      %sign3A_462 = arith.extui %sign3A_461 : i1 to i32
      %sign3A_463 = arith.constant 0 : i32
      %sign3A_464 = arith.cmpi slt, %scan3A_457, %sign3A_463 : i32
      %sign3A_465 = arith.extui %sign3A_464 : i1 to i32
      %sign3A_466 = arith.subi %sign3A_462, %sign3A_465 : i32
      %sign3A_467 = arith.constant 0 : i32
      %sign3A_468 = arith.cmpi sgt, %jit3A_458, %sign3A_467 : i32
      %sign3A_469 = arith.extui %sign3A_468 : i1 to i32
      %sign3A_470 = arith.constant 0 : i32
      %sign3A_471 = arith.cmpi slt, %jit3A_458, %sign3A_470 : i32
      %sign3A_472 = arith.extui %sign3A_471 : i1 to i32
      %sign3A_473 = arith.subi %sign3A_469, %sign3A_472 : i32
      %ne3A_474 = arith.cmpi ne, %sign3A_466, %sign3A_473 : i32
      %rem3A_475 = arith.remsi %scan3A_457, %jit3A_458 : i32
      %ne3A_476 = arith.constant 0 : i32
      %ne3A_477 = arith.cmpi ne, %rem3A_475, %ne3A_476 : i32
      %and3A_478 = arith.andi %ne3A_474, %ne3A_477 : i1
      %sub3A_479 = arith.constant 1 : i32
      %sub3A_480 = arith.subi %div3A_459, %sub3A_479 : i32
      %select_n3A_481 = arith.select %and3A_478, %sub3A_480, %div3A_459 : i32
      %jit3A_482 = arith.constant 64 : i32
      %eq3A_483 = arith.constant 0 : i32
      %eq3A_484 = arith.cmpi eq, %jit3A_482, %eq3A_483 : i32
      %jit3A_485 = arith.constant 1 : i32
      %select_n3A_486 = arith.select %eq3A_484, %jit3A_485, %jit3A_482 : i32
      %rem3A_487 = arith.remsi %scan3A_457, %select_n3A_486 : i32
      %ne3A_488 = arith.constant 0 : i32
      %ne3A_489 = arith.cmpi ne, %rem3A_487, %ne3A_488 : i32
      %lt3A_490 = arith.constant 0 : i32
      %lt3A_491 = arith.cmpi slt, %rem3A_487, %lt3A_490 : i32
      %lt3A_492 = arith.constant 0 : i32
      %lt3A_493 = arith.cmpi slt, %select_n3A_486, %lt3A_492 : i32
      %ne3A_494 = arith.xori %lt3A_491, %lt3A_493 : i1
      %and3A_495 = arith.andi %ne3A_494, %ne3A_489 : i1
      %add3A_496 = arith.addi %rem3A_487, %select_n3A_486 : i32
      %select_n3A_497 = arith.select %and3A_495, %add3A_496, %rem3A_487 : i32
      %mul3A_498 = arith.constant 16 : i32
      %mul3A_499 = arith.muli %select_n3A_497, %mul3A_498 : i32
      %get3A_500 = arith.index_cast %select_n3A_481 : i32 to index
      %get3A_501 = arith.index_cast %mul3A_499 : i32 to index
      %get3A_502 = tpu.vector_load %arg6[%get3A_500, %get3A_501] {strides = array<i32>} : memref<16x1024xf32, #tpu.memory_space<vmem>>, vector<1x16xf32>,
      %get3A_503 = vector.shape_cast %get3A_502 : vector<1x16xf32> to vector<16xf32>
      %get3A_504 = arith.index_cast %select_n3A_481 : i32 to index
      %get3A_505 = arith.index_cast %mul3A_499 : i32 to index
      %get3A_506 = tpu.vector_load %arg7[%get3A_504, %get3A_505] {strides = array<i32>} : memref<16x1024xf32, #tpu.memory_space<vmem>>, vector<1x16xf32>,
      %get3A_507 = vector.shape_cast %get3A_506 : vector<1x16xf32> to vector<16xf32>
      %add3A_508 = arith.addf %get3A_503, %get3A_507 : vector<16xf32>
      %swap3A_509 = arith.index_cast %select_n3A_481 : i32 to index
      %swap3A_510 = arith.index_cast %mul3A_499 : i32 to index
      %swap3A_511 = tpu.vector_load %arg6[%swap3A_509, %swap3A_510] {strides = array<i32>} : memref<16x1024xf32, #tpu.memory_space<vmem>>, vector<1x16xf32>,
      %swap3A_512 = vector.shape_cast %swap3A_511 : vector<1x16xf32> to vector<16xf32>
      %swap3A_513 = vector.shape_cast %add3A_508 : vector<16xf32> to vector<1x16xf32>
      tpu.vector_store %arg6[%swap3A_509, %swap3A_510], %swap3A_513 {strides = array<i32>} : memref<16x1024xf32, #tpu.memory_space<vmem>>, vector<1x16xf32>,
      %scan3A_514 = arith.constant 0 : i32
      %scan3A_515 = arith.constant 5 : i32
      %scan3A_516 = arith.addi %scan3A_232, %scan3A_515 : i32
      %jit3A_517 = arith.constant 64 : i32
      %div3A_518 = arith.divsi %scan3A_516, %jit3A_517 : i32
      %sign3A_519 = arith.constant 0 : i32
      %sign3A_520 = arith.cmpi sgt, %scan3A_516, %sign3A_519 : i32
      %sign3A_521 = arith.extui %sign3A_520 : i1 to i32
      %sign3A_522 = arith.constant 0 : i32
      %sign3A_523 = arith.cmpi slt, %scan3A_516, %sign3A_522 : i32
      %sign3A_524 = arith.extui %sign3A_523 : i1 to i32
      %sign3A_525 = arith.subi %sign3A_521, %sign3A_524 : i32
      %sign3A_526 = arith.constant 0 : i32
      %sign3A_527 = arith.cmpi sgt, %jit3A_517, %sign3A_526 : i32
      %sign3A_528 = arith.extui %sign3A_527 : i1 to i32
      %sign3A_529 = arith.constant 0 : i32
      %sign3A_530 = arith.cmpi slt, %jit3A_517, %sign3A_529 : i32
      %sign3A_531 = arith.extui %sign3A_530 : i1 to i32
      %sign3A_532 = arith.subi %sign3A_528, %sign3A_531 : i32
      %ne3A_533 = arith.cmpi ne, %sign3A_525, %sign3A_532 : i32
      %rem3A_534 = arith.remsi %scan3A_516, %jit3A_517 : i32
      %ne3A_535 = arith.constant 0 : i32
      %ne3A_536 = arith.cmpi ne, %rem3A_534, %ne3A_535 : i32
      %and3A_537 = arith.andi %ne3A_533, %ne3A_536 : i1
      %sub3A_538 = arith.constant 1 : i32
      %sub3A_539 = arith.subi %div3A_518, %sub3A_538 : i32
      %select_n3A_540 = arith.select %and3A_537, %sub3A_539, %div3A_518 : i32
      %jit3A_541 = arith.constant 64 : i32
      %eq3A_542 = arith.constant 0 : i32
      %eq3A_543 = arith.cmpi eq, %jit3A_541, %eq3A_542 : i32
      %jit3A_544 = arith.constant 1 : i32
      %select_n3A_545 = arith.select %eq3A_543, %jit3A_544, %jit3A_541 : i32
      %rem3A_546 = arith.remsi %scan3A_516, %select_n3A_545 : i32
      %ne3A_547 = arith.constant 0 : i32
      %ne3A_548 = arith.cmpi ne, %rem3A_546, %ne3A_547 : i32
      %lt3A_549 = arith.constant 0 : i32
      %lt3A_550 = arith.cmpi slt, %rem3A_546, %lt3A_549 : i32
      %lt3A_551 = arith.constant 0 : i32
      %lt3A_552 = arith.cmpi slt, %select_n3A_545, %lt3A_551 : i32
      %ne3A_553 = arith.xori %lt3A_550, %lt3A_552 : i1
      %and3A_554 = arith.andi %ne3A_553, %ne3A_548 : i1
      %add3A_555 = arith.addi %rem3A_546, %select_n3A_545 : i32
      %select_n3A_556 = arith.select %and3A_554, %add3A_555, %rem3A_546 : i32
      %mul3A_557 = arith.constant 16 : i32
      %mul3A_558 = arith.muli %select_n3A_556, %mul3A_557 : i32
      %get3A_559 = arith.index_cast %select_n3A_540 : i32 to index
      %get3A_560 = arith.index_cast %mul3A_558 : i32 to index
      %get3A_561 = tpu.vector_load %arg6[%get3A_559, %get3A_560] {strides = array<i32>} : memref<16x1024xf32, #tpu.memory_space<vmem>>, vector<1x16xf32>,
      %get3A_562 = vector.shape_cast %get3A_561 : vector<1x16xf32> to vector<16xf32>
      %get3A_563 = arith.index_cast %select_n3A_540 : i32 to index
      %get3A_564 = arith.index_cast %mul3A_558 : i32 to index
      %get3A_565 = tpu.vector_load %arg7[%get3A_563, %get3A_564] {strides = array<i32>} : memref<16x1024xf32, #tpu.memory_space<vmem>>, vector<1x16xf32>,
      %get3A_566 = vector.shape_cast %get3A_565 : vector<1x16xf32> to vector<16xf32>
      %add3A_567 = arith.addf %get3A_562, %get3A_566 : vector<16xf32>
      %swap3A_568 = arith.index_cast %select_n3A_540 : i32 to index
      %swap3A_569 = arith.index_cast %mul3A_558 : i32 to index
      %swap3A_570 = tpu.vector_load %arg6[%swap3A_568, %swap3A_569] {strides = array<i32>} : memref<16x1024xf32, #tpu.memory_space<vmem>>, vector<1x16xf32>,
      %swap3A_571 = vector.shape_cast %swap3A_570 : vector<1x16xf32> to vector<16xf32>
      %swap3A_572 = vector.shape_cast %add3A_567 : vector<16xf32> to vector<1x16xf32>
      tpu.vector_store %arg6[%swap3A_568, %swap3A_569], %swap3A_572 {strides = array<i32>} : memref<16x1024xf32, #tpu.memory_space<vmem>>, vector<1x16xf32>,
      %scan3A_573 = arith.constant 0 : i32
      %scan3A_574 = arith.constant 6 : i32
      %scan3A_575 = arith.addi %scan3A_232, %scan3A_574 : i32
      %jit3A_576 = arith.constant 64 : i32
      %div3A_577 = arith.divsi %scan3A_575, %jit3A_576 : i32
      %sign3A_578 = arith.constant 0 : i32
      %sign3A_579 = arith.cmpi sgt, %scan3A_575, %sign3A_578 : i32
      %sign3A_580 = arith.extui %sign3A_579 : i1 to i32
      %sign3A_581 = arith.constant 0 : i32
      %sign3A_582 = arith.cmpi slt, %scan3A_575, %sign3A_581 : i32
      %sign3A_583 = arith.extui %sign3A_582 : i1 to i32
      %sign3A_584 = arith.subi %sign3A_580, %sign3A_583 : i32
      %sign3A_585 = arith.constant 0 : i32
      %sign3A_586 = arith.cmpi sgt, %jit3A_576, %sign3A_585 : i32
      %sign3A_587 = arith.extui %sign3A_586 : i1 to i32
      %sign3A_588 = arith.constant 0 : i32
      %sign3A_589 = arith.cmpi slt, %jit3A_576, %sign3A_588 : i32
      %sign3A_590 = arith.extui %sign3A_589 : i1 to i32
      %sign3A_591 = arith.subi %sign3A_587, %sign3A_590 : i32
      %ne3A_592 = arith.cmpi ne, %sign3A_584, %sign3A_591 : i32
      %rem3A_593 = arith.remsi %scan3A_575, %jit3A_576 : i32
      %ne3A_594 = arith.constant 0 : i32
      %ne3A_595 = arith.cmpi ne, %rem3A_593, %ne3A_594 : i32
      %and3A_596 = arith.andi %ne3A_592, %ne3A_595 : i1
      %sub3A_597 = arith.constant 1 : i32
      %sub3A_598 = arith.subi %div3A_577, %sub3A_597 : i32
      %select_n3A_599 = arith.select %and3A_596, %sub3A_598, %div3A_577 : i32
      %jit3A_600 = arith.constant 64 : i32
      %eq3A_601 = arith.constant 0 : i32
      %eq3A_602 = arith.cmpi eq, %jit3A_600, %eq3A_601 : i32
      %jit3A_603 = arith.constant 1 : i32
      %select_n3A_604 = arith.select %eq3A_602, %jit3A_603, %jit3A_600 : i32
      %rem3A_605 = arith.remsi %scan3A_575, %select_n3A_604 : i32
      %ne3A_606 = arith.constant 0 : i32
      %ne3A_607 = arith.cmpi ne, %rem3A_605, %ne3A_606 : i32
      %lt3A_608 = arith.constant 0 : i32
      %lt3A_609 = arith.cmpi slt, %rem3A_605, %lt3A_608 : i32
      %lt3A_610 = arith.constant 0 : i32
      %lt3A_611 = arith.cmpi slt, %select_n3A_604, %lt3A_610 : i32
      %ne3A_612 = arith.xori %lt3A_609, %lt3A_611 : i1
      %and3A_613 = arith.andi %ne3A_612, %ne3A_607 : i1
      %add3A_614 = arith.addi %rem3A_605, %select_n3A_604 : i32
      %select_n3A_615 = arith.select %and3A_613, %add3A_614, %rem3A_605 : i32
      %mul3A_616 = arith.constant 16 : i32
      %mul3A_617 = arith.muli %select_n3A_615, %mul3A_616 : i32
      %get3A_618 = arith.index_cast %select_n3A_599 : i32 to index
      %get3A_619 = arith.index_cast %mul3A_617 : i32 to index
      %get3A_620 = tpu.vector_load %arg6[%get3A_618, %get3A_619] {strides = array<i32>} : memref<16x1024xf32, #tpu.memory_space<vmem>>, vector<1x16xf32>,
      %get3A_621 = vector.shape_cast %get3A_620 : vector<1x16xf32> to vector<16xf32>
      %get3A_622 = arith.index_cast %select_n3A_599 : i32 to index
      %get3A_623 = arith.index_cast %mul3A_617 : i32 to index
      %get3A_624 = tpu.vector_load %arg7[%get3A_622, %get3A_623] {strides = array<i32>} : memref<16x1024xf32, #tpu.memory_space<vmem>>, vector<1x16xf32>,
      %get3A_625 = vector.shape_cast %get3A_624 : vector<1x16xf32> to vector<16xf32>
      %add3A_626 = arith.addf %get3A_621, %get3A_625 : vector<16xf32>
      %swap3A_627 = arith.index_cast %select_n3A_599 : i32 to index
      %swap3A_628 = arith.index_cast %mul3A_617 : i32 to index
      %swap3A_629 = tpu.vector_load %arg6[%swap3A_627, %swap3A_628] {strides = array<i32>} : memref<16x1024xf32, #tpu.memory_space<vmem>>, vector<1x16xf32>,
      %swap3A_630 = vector.shape_cast %swap3A_629 : vector<1x16xf32> to vector<16xf32>
      %swap3A_631 = vector.shape_cast %add3A_626 : vector<16xf32> to vector<1x16xf32>
      tpu.vector_store %arg6[%swap3A_627, %swap3A_628], %swap3A_631 {strides = array<i32>} : memref<16x1024xf32, #tpu.memory_space<vmem>>, vector<1x16xf32>,
      %scan3A_632 = arith.constant 0 : i32
      %scan3A_633 = arith.constant 7 : i32
      %scan3A_634 = arith.addi %scan3A_232, %scan3A_633 : i32
      %jit3A_635 = arith.constant 64 : i32
      %div3A_636 = arith.divsi %scan3A_634, %jit3A_635 : i32
      %sign3A_637 = arith.constant 0 : i32
      %sign3A_638 = arith.cmpi sgt, %scan3A_634, %sign3A_637 : i32
      %sign3A_639 = arith.extui %sign3A_638 : i1 to i32
      %sign3A_640 = arith.constant 0 : i32
      %sign3A_641 = arith.cmpi slt, %scan3A_634, %sign3A_640 : i32
      %sign3A_642 = arith.extui %sign3A_641 : i1 to i32
      %sign3A_643 = arith.subi %sign3A_639, %sign3A_642 : i32
      %sign3A_644 = arith.constant 0 : i32
      %sign3A_645 = arith.cmpi sgt, %jit3A_635, %sign3A_644 : i32
      %sign3A_646 = arith.extui %sign3A_645 : i1 to i32
      %sign3A_647 = arith.constant 0 : i32
      %sign3A_648 = arith.cmpi slt, %jit3A_635, %sign3A_647 : i32
      %sign3A_649 = arith.extui %sign3A_648 : i1 to i32
      %sign3A_650 = arith.subi %sign3A_646, %sign3A_649 : i32
      %ne3A_651 = arith.cmpi ne, %sign3A_643, %sign3A_650 : i32
      %rem3A_652 = arith.remsi %scan3A_634, %jit3A_635 : i32
      %ne3A_653 = arith.constant 0 : i32
      %ne3A_654 = arith.cmpi ne, %rem3A_652, %ne3A_653 : i32
      %and3A_655 = arith.andi %ne3A_651, %ne3A_654 : i1
      %sub3A_656 = arith.constant 1 : i32
      %sub3A_657 = arith.subi %div3A_636, %sub3A_656 : i32
      %select_n3A_658 = arith.select %and3A_655, %sub3A_657, %div3A_636 : i32
      %jit3A_659 = arith.constant 64 : i32
      %eq3A_660 = arith.constant 0 : i32
      %eq3A_661 = arith.cmpi eq, %jit3A_659, %eq3A_660 : i32
      %jit3A_662 = arith.constant 1 : i32
      %select_n3A_663 = arith.select %eq3A_661, %jit3A_662, %jit3A_659 : i32
      %rem3A_664 = arith.remsi %scan3A_634, %select_n3A_663 : i32
      %ne3A_665 = arith.constant 0 : i32
      %ne3A_666 = arith.cmpi ne, %rem3A_664, %ne3A_665 : i32
      %lt3A_667 = arith.constant 0 : i32
      %lt3A_668 = arith.cmpi slt, %rem3A_664, %lt3A_667 : i32
      %lt3A_669 = arith.constant 0 : i32
      %lt3A_670 = arith.cmpi slt, %select_n3A_663, %lt3A_669 : i32
      %ne3A_671 = arith.xori %lt3A_668, %lt3A_670 : i1
      %and3A_672 = arith.andi %ne3A_671, %ne3A_666 : i1
      %add3A_673 = arith.addi %rem3A_664, %select_n3A_663 : i32
      %select_n3A_674 = arith.select %and3A_672, %add3A_673, %rem3A_664 : i32
      %mul3A_675 = arith.constant 16 : i32
      %mul3A_676 = arith.muli %select_n3A_674, %mul3A_675 : i32
      %get3A_677 = arith.index_cast %select_n3A_658 : i32 to index
      %get3A_678 = arith.index_cast %mul3A_676 : i32 to index
      %get3A_679 = tpu.vector_load %arg6[%get3A_677, %get3A_678] {strides = array<i32>} : memref<16x1024xf32, #tpu.memory_space<vmem>>, vector<1x16xf32>,
      %get3A_680 = vector.shape_cast %get3A_679 : vector<1x16xf32> to vector<16xf32>
      %get3A_681 = arith.index_cast %select_n3A_658 : i32 to index
      %get3A_682 = arith.index_cast %mul3A_676 : i32 to index
      %get3A_683 = tpu.vector_load %arg7[%get3A_681, %get3A_682] {strides = array<i32>} : memref<16x1024xf32, #tpu.memory_space<vmem>>, vector<1x16xf32>,
      %get3A_684 = vector.shape_cast %get3A_683 : vector<1x16xf32> to vector<16xf32>
      %add3A_685 = arith.addf %get3A_680, %get3A_684 : vector<16xf32>
      %swap3A_686 = arith.index_cast %select_n3A_658 : i32 to index
      %swap3A_687 = arith.index_cast %mul3A_676 : i32 to index
      %swap3A_688 = tpu.vector_load %arg6[%swap3A_686, %swap3A_687] {strides = array<i32>} : memref<16x1024xf32, #tpu.memory_space<vmem>>, vector<1x16xf32>,
      %swap3A_689 = vector.shape_cast %swap3A_688 : vector<1x16xf32> to vector<16xf32>
      %swap3A_690 = vector.shape_cast %add3A_685 : vector<16xf32> to vector<1x16xf32>
      tpu.vector_store %arg6[%swap3A_686, %swap3A_687], %swap3A_690 {strides = array<i32>} : memref<16x1024xf32, #tpu.memory_space<vmem>>, vector<1x16xf32>,
      %scan3A_691 = arith.constant 0 : i32
      scf.yield %scan3A_691 : i32
    }
    %scan3A_147 = arith.constant 1024 : i32
    %dma_start3A_148 = arith.constant 0 : i32
    %dma_start3A_149 = arith.constant 0 : i32
    %dma_start3A_150 = tpu.memref_slice %arg2[%dma_start3A_148, %dma_start3A_149] : memref<16384x1024xf32, #tpu.memory_space<hbm>> -> memref<16384x1024xf32, #tpu.memory_space<hbm>>
    tpu.enqueue_indirect_dma source(%arg6 : memref<16x1024xf32, #tpu.memory_space<vmem>>) target(%dma_start3A_150 : memref<16384x1024xf32, #tpu.memory_space<hbm>>) offsets(%arg8 : memref<16xi32, #tpu.memory_space<vmem>>) semaphore(%arg14 : memref<!tpu.dma_semaphore, #tpu.memory_space<semaphore_mem>>)
    %add3A_151 = arith.constant 96 : i32
    %add3A_152 = arith.addi %mul3A_2, %add3A_151 : i32
    %dma_wait3A_153 = arith.constant 0 : i32
    %dma_wait3A_154 = arith.constant 0 : i32
    %dma_wait3A_155 = tpu.memref_slice %arg2[%dma_wait3A_153, %dma_wait3A_154] : memref<16384x1024xf32, #tpu.memory_space<hbm>> -> memref<16384x1024xf32, #tpu.memory_space<hbm>>
    tpu.wait_indirect_dma semaphore(%arg14 : memref<!tpu.dma_semaphore, #tpu.memory_space<semaphore_mem>>) src(%arg6 : memref<16x1024xf32, #tpu.memory_space<vmem>>) dst(%dma_wait3A_155 : memref<16384x1024xf32, #tpu.memory_space<hbm>>)
    "tpu.region"() ({
      %run_scoped3A = tpu.sem_alloc : memref<!tpu.dma_semaphore, #tpu.memory_space<semaphore_mem>>
      %dma_start3A_232 = tpu.memref_slice %arg4[%add3A_152] : memref<4096xi32, #tpu.memory_space<hbm>> -> memref<16xi32, #tpu.memory_space<hbm>>
      %dma_start3A_233 = tpu.memref_slice %arg4[%add3A_152] : memref<4096xi32, #tpu.memory_space<hbm>> -> memref<16xi32, #tpu.memory_space<hbm>>
      tpu.enqueue_dma source(%dma_start3A_233 : memref<16xi32, #tpu.memory_space<hbm>>) target(%arg8 : memref<16xi32, #tpu.memory_space<vmem>>) target_semaphore(%run_scoped3A : memref<!tpu.dma_semaphore, #tpu.memory_space<semaphore_mem>>)
      %dma_wait3A_234 = tpu.memref_slice %arg4[%add3A_152] : memref<4096xi32, #tpu.memory_space<hbm>> -> memref<16xi32, #tpu.memory_space<hbm>>
      %dma_wait3A_235 = tpu.memref_slice %arg4[%add3A_152] : memref<4096xi32, #tpu.memory_space<hbm>> -> memref<16xi32, #tpu.memory_space<hbm>>
      tpu.wait_dma2 semaphore(%run_scoped3A : memref<!tpu.dma_semaphore, #tpu.memory_space<semaphore_mem>>) src(%dma_wait3A_235 : memref<16xi32, #tpu.memory_space<hbm>>) dst(%arg8 : memref<16xi32, #tpu.memory_space<vmem>>)
      tpu.yield
    }) : () -> ()
    %dma_start3A_156 = arith.constant 0 : i32
    %dma_start3A_157 = arith.constant 0 : i32
    %dma_start3A_158 = tpu.memref_slice %arg2[%dma_start3A_156, %dma_start3A_157] : memref<16384x1024xf32, #tpu.memory_space<hbm>> -> memref<16384x1024xf32, #tpu.memory_space<hbm>>
    tpu.enqueue_indirect_dma source(%dma_start3A_158 : memref<16384x1024xf32, #tpu.memory_space<hbm>>) target(%arg6 : memref<16x1024xf32, #tpu.memory_space<vmem>>) offsets(%arg8 : memref<16xi32, #tpu.memory_space<vmem>>) semaphore(%arg12 : memref<!tpu.dma_semaphore, #tpu.memory_space<semaphore_mem>>)
    %dma_start3A_159 = arith.constant 0 : i32
    %dma_start3A_160 = tpu.memref_slice %arg3[%add3A_152, %dma_start3A_159] : memref<4096x1024xf32, #tpu.memory_space<hbm>> -> memref<16x1024xf32, #tpu.memory_space<hbm>>
    %dma_start3A_161 = arith.constant 0 : i32
    %dma_start3A_162 = tpu.memref_slice %arg3[%add3A_152, %dma_start3A_161] : memref<4096x1024xf32, #tpu.memory_space<hbm>> -> memref<16x1024xf32, #tpu.memory_space<hbm>>
    tpu.enqueue_dma source(%dma_start3A_162 : memref<16x1024xf32, #tpu.memory_space<hbm>>) target(%arg7 : memref<16x1024xf32, #tpu.memory_space<vmem>>) target_semaphore(%arg13 : memref<!tpu.dma_semaphore, #tpu.memory_space<semaphore_mem>>)
    %dma_wait3A_163 = arith.constant 0 : i32
    %dma_wait3A_164 = arith.constant 0 : i32
    %dma_wait3A_165 = tpu.memref_slice %arg2[%dma_wait3A_163, %dma_wait3A_164] : memref<16384x1024xf32, #tpu.memory_space<hbm>> -> memref<16384x1024xf32, #tpu.memory_space<hbm>>
    tpu.wait_indirect_dma semaphore(%arg15 : memref<!tpu.dma_semaphore, #tpu.memory_space<semaphore_mem>>) src(%dma_wait3A_165 : memref<16384x1024xf32, #tpu.memory_space<hbm>>) dst(%arg9 : memref<16x1024xf32, #tpu.memory_space<vmem>>)
    %dma_wait3A_166 = arith.constant 0 : i32
    %dma_wait3A_167 = tpu.memref_slice %arg3[%add3A_123, %dma_wait3A_166] : memref<4096x1024xf32, #tpu.memory_space<hbm>> -> memref<16x1024xf32, #tpu.memory_space<hbm>>
    %dma_wait3A_168 = arith.constant 0 : i32
    %dma_wait3A_169 = tpu.memref_slice %arg3[%add3A_123, %dma_wait3A_168] : memref<4096x1024xf32, #tpu.memory_space<hbm>> -> memref<16x1024xf32, #tpu.memory_space<hbm>>
    tpu.wait_dma2 semaphore(%arg16 : memref<!tpu.dma_semaphore, #tpu.memory_space<semaphore_mem>>) src(%dma_wait3A_169 : memref<16x1024xf32, #tpu.memory_space<hbm>>) dst(%arg10 : memref<16x1024xf32, #tpu.memory_space<vmem>>)
    %scan3A_170 = arith.constant 0 : i32
    %scan3A_171 = arith.constant 0 : i32
    %scan3A_172 = arith.constant 1024 : i32
    %scan3A_173 = arith.addi %scan3A_171, %scan3A_172 : i32
    %scan3A_174 = arith.constant 8 : i32
    %scan3A_175 = scf.for %scan3A_232 = %scan3A_171 to %scan3A_173 step %scan3A_174 iter_args(%scan3A_233 = %scan3A_170) -> (i32)  : i32 {
      %jit3A = arith.constant 64 : i32
      %div3A = arith.divsi %scan3A_232, %jit3A : i32
      %sign3A = arith.constant 0 : i32
      %sign3A_234 = arith.cmpi sgt, %scan3A_232, %sign3A : i32
      %sign3A_235 = arith.extui %sign3A_234 : i1 to i32
      %sign3A_236 = arith.constant 0 : i32
      %sign3A_237 = arith.cmpi slt, %scan3A_232, %sign3A_236 : i32
      %sign3A_238 = arith.extui %sign3A_237 : i1 to i32
      %sign3A_239 = arith.subi %sign3A_235, %sign3A_238 : i32
      %sign3A_240 = arith.constant 0 : i32
      %sign3A_241 = arith.cmpi sgt, %jit3A, %sign3A_240 : i32
      %sign3A_242 = arith.extui %sign3A_241 : i1 to i32
      %sign3A_243 = arith.constant 0 : i32
      %sign3A_244 = arith.cmpi slt, %jit3A, %sign3A_243 : i32
      %sign3A_245 = arith.extui %sign3A_244 : i1 to i32
      %sign3A_246 = arith.subi %sign3A_242, %sign3A_245 : i32
      %ne3A = arith.cmpi ne, %sign3A_239, %sign3A_246 : i32
      %rem3A = arith.remsi %scan3A_232, %jit3A : i32
      %ne3A_247 = arith.constant 0 : i32
      %ne3A_248 = arith.cmpi ne, %rem3A, %ne3A_247 : i32
      %and3A = arith.andi %ne3A, %ne3A_248 : i1
      %sub3A = arith.constant 1 : i32
      %sub3A_249 = arith.subi %div3A, %sub3A : i32
      %select_n3A = arith.select %and3A, %sub3A_249, %div3A : i32
      %jit3A_250 = arith.constant 64 : i32
      %eq3A = arith.constant 0 : i32
      %eq3A_251 = arith.cmpi eq, %jit3A_250, %eq3A : i32
      %jit3A_252 = arith.constant 1 : i32
      %select_n3A_253 = arith.select %eq3A_251, %jit3A_252, %jit3A_250 : i32
      %rem3A_254 = arith.remsi %scan3A_232, %select_n3A_253 : i32
      %ne3A_255 = arith.constant 0 : i32
      %ne3A_256 = arith.cmpi ne, %rem3A_254, %ne3A_255 : i32
      %lt3A = arith.constant 0 : i32
      %lt3A_257 = arith.cmpi slt, %rem3A_254, %lt3A : i32
      %lt3A_258 = arith.constant 0 : i32
      %lt3A_259 = arith.cmpi slt, %select_n3A_253, %lt3A_258 : i32
      %ne3A_260 = arith.xori %lt3A_257, %lt3A_259 : i1
      %and3A_261 = arith.andi %ne3A_260, %ne3A_256 : i1
      %add3A_262 = arith.addi %rem3A_254, %select_n3A_253 : i32
      %select_n3A_263 = arith.select %and3A_261, %add3A_262, %rem3A_254 : i32
      %mul3A_264 = arith.constant 16 : i32
      %mul3A_265 = arith.muli %select_n3A_263, %mul3A_264 : i32
      %get3A = arith.index_cast %select_n3A : i32 to index
      %get3A_266 = arith.index_cast %mul3A_265 : i32 to index
      %get3A_267 = tpu.vector_load %arg9[%get3A, %get3A_266] {strides = array<i32>} : memref<16x1024xf32, #tpu.memory_space<vmem>>, vector<1x16xf32>,
      %get3A_268 = vector.shape_cast %get3A_267 : vector<1x16xf32> to vector<16xf32>
      %get3A_269 = arith.index_cast %select_n3A : i32 to index
      %get3A_270 = arith.index_cast %mul3A_265 : i32 to index
      %get3A_271 = tpu.vector_load %arg10[%get3A_269, %get3A_270] {strides = array<i32>} : memref<16x1024xf32, #tpu.memory_space<vmem>>, vector<1x16xf32>,
      %get3A_272 = vector.shape_cast %get3A_271 : vector<1x16xf32> to vector<16xf32>
      %add3A_273 = arith.addf %get3A_268, %get3A_272 : vector<16xf32>
      %swap3A = arith.index_cast %select_n3A : i32 to index
      %swap3A_274 = arith.index_cast %mul3A_265 : i32 to index
      %swap3A_275 = tpu.vector_load %arg9[%swap3A, %swap3A_274] {strides = array<i32>} : memref<16x1024xf32, #tpu.memory_space<vmem>>, vector<1x16xf32>,
      %swap3A_276 = vector.shape_cast %swap3A_275 : vector<1x16xf32> to vector<16xf32>
      %swap3A_277 = vector.shape_cast %add3A_273 : vector<16xf32> to vector<1x16xf32>
      tpu.vector_store %arg9[%swap3A, %swap3A_274], %swap3A_277 {strides = array<i32>} : memref<16x1024xf32, #tpu.memory_space<vmem>>, vector<1x16xf32>,
      %scan3A_278 = arith.constant 0 : i32
      %scan3A_279 = arith.constant 1 : i32
      %scan3A_280 = arith.addi %scan3A_232, %scan3A_279 : i32
      %jit3A_281 = arith.constant 64 : i32
      %div3A_282 = arith.divsi %scan3A_280, %jit3A_281 : i32
      %sign3A_283 = arith.constant 0 : i32
      %sign3A_284 = arith.cmpi sgt, %scan3A_280, %sign3A_283 : i32
      %sign3A_285 = arith.extui %sign3A_284 : i1 to i32
      %sign3A_286 = arith.constant 0 : i32
      %sign3A_287 = arith.cmpi slt, %scan3A_280, %sign3A_286 : i32
      %sign3A_288 = arith.extui %sign3A_287 : i1 to i32
      %sign3A_289 = arith.subi %sign3A_285, %sign3A_288 : i32
      %sign3A_290 = arith.constant 0 : i32
      %sign3A_291 = arith.cmpi sgt, %jit3A_281, %sign3A_290 : i32
      %sign3A_292 = arith.extui %sign3A_291 : i1 to i32
      %sign3A_293 = arith.constant 0 : i32
      %sign3A_294 = arith.cmpi slt, %jit3A_281, %sign3A_293 : i32
      %sign3A_295 = arith.extui %sign3A_294 : i1 to i32
      %sign3A_296 = arith.subi %sign3A_292, %sign3A_295 : i32
      %ne3A_297 = arith.cmpi ne, %sign3A_289, %sign3A_296 : i32
      %rem3A_298 = arith.remsi %scan3A_280, %jit3A_281 : i32
      %ne3A_299 = arith.constant 0 : i32
      %ne3A_300 = arith.cmpi ne, %rem3A_298, %ne3A_299 : i32
      %and3A_301 = arith.andi %ne3A_297, %ne3A_300 : i1
      %sub3A_302 = arith.constant 1 : i32
      %sub3A_303 = arith.subi %div3A_282, %sub3A_302 : i32
      %select_n3A_304 = arith.select %and3A_301, %sub3A_303, %div3A_282 : i32
      %jit3A_305 = arith.constant 64 : i32
      %eq3A_306 = arith.constant 0 : i32
      %eq3A_307 = arith.cmpi eq, %jit3A_305, %eq3A_306 : i32
      %jit3A_308 = arith.constant 1 : i32
      %select_n3A_309 = arith.select %eq3A_307, %jit3A_308, %jit3A_305 : i32
      %rem3A_310 = arith.remsi %scan3A_280, %select_n3A_309 : i32
      %ne3A_311 = arith.constant 0 : i32
      %ne3A_312 = arith.cmpi ne, %rem3A_310, %ne3A_311 : i32
      %lt3A_313 = arith.constant 0 : i32
      %lt3A_314 = arith.cmpi slt, %rem3A_310, %lt3A_313 : i32
      %lt3A_315 = arith.constant 0 : i32
      %lt3A_316 = arith.cmpi slt, %select_n3A_309, %lt3A_315 : i32
      %ne3A_317 = arith.xori %lt3A_314, %lt3A_316 : i1
      %and3A_318 = arith.andi %ne3A_317, %ne3A_312 : i1
      %add3A_319 = arith.addi %rem3A_310, %select_n3A_309 : i32
      %select_n3A_320 = arith.select %and3A_318, %add3A_319, %rem3A_310 : i32
      %mul3A_321 = arith.constant 16 : i32
      %mul3A_322 = arith.muli %select_n3A_320, %mul3A_321 : i32
      %get3A_323 = arith.index_cast %select_n3A_304 : i32 to index
      %get3A_324 = arith.index_cast %mul3A_322 : i32 to index
      %get3A_325 = tpu.vector_load %arg9[%get3A_323, %get3A_324] {strides = array<i32>} : memref<16x1024xf32, #tpu.memory_space<vmem>>, vector<1x16xf32>,
      %get3A_326 = vector.shape_cast %get3A_325 : vector<1x16xf32> to vector<16xf32>
      %get3A_327 = arith.index_cast %select_n3A_304 : i32 to index
      %get3A_328 = arith.index_cast %mul3A_322 : i32 to index
      %get3A_329 = tpu.vector_load %arg10[%get3A_327, %get3A_328] {strides = array<i32>} : memref<16x1024xf32, #tpu.memory_space<vmem>>, vector<1x16xf32>,
      %get3A_330 = vector.shape_cast %get3A_329 : vector<1x16xf32> to vector<16xf32>
      %add3A_331 = arith.addf %get3A_326, %get3A_330 : vector<16xf32>
      %swap3A_332 = arith.index_cast %select_n3A_304 : i32 to index
      %swap3A_333 = arith.index_cast %mul3A_322 : i32 to index
      %swap3A_334 = tpu.vector_load %arg9[%swap3A_332, %swap3A_333] {strides = array<i32>} : memref<16x1024xf32, #tpu.memory_space<vmem>>, vector<1x16xf32>,
      %swap3A_335 = vector.shape_cast %swap3A_334 : vector<1x16xf32> to vector<16xf32>
      %swap3A_336 = vector.shape_cast %add3A_331 : vector<16xf32> to vector<1x16xf32>
      tpu.vector_store %arg9[%swap3A_332, %swap3A_333], %swap3A_336 {strides = array<i32>} : memref<16x1024xf32, #tpu.memory_space<vmem>>, vector<1x16xf32>,
      %scan3A_337 = arith.constant 0 : i32
      %scan3A_338 = arith.constant 2 : i32
      %scan3A_339 = arith.addi %scan3A_232, %scan3A_338 : i32
      %jit3A_340 = arith.constant 64 : i32
      %div3A_341 = arith.divsi %scan3A_339, %jit3A_340 : i32
      %sign3A_342 = arith.constant 0 : i32
      %sign3A_343 = arith.cmpi sgt, %scan3A_339, %sign3A_342 : i32
      %sign3A_344 = arith.extui %sign3A_343 : i1 to i32
      %sign3A_345 = arith.constant 0 : i32
      %sign3A_346 = arith.cmpi slt, %scan3A_339, %sign3A_345 : i32
      %sign3A_347 = arith.extui %sign3A_346 : i1 to i32
      %sign3A_348 = arith.subi %sign3A_344, %sign3A_347 : i32
      %sign3A_349 = arith.constant 0 : i32
      %sign3A_350 = arith.cmpi sgt, %jit3A_340, %sign3A_349 : i32
      %sign3A_351 = arith.extui %sign3A_350 : i1 to i32
      %sign3A_352 = arith.constant 0 : i32
      %sign3A_353 = arith.cmpi slt, %jit3A_340, %sign3A_352 : i32
      %sign3A_354 = arith.extui %sign3A_353 : i1 to i32
      %sign3A_355 = arith.subi %sign3A_351, %sign3A_354 : i32
      %ne3A_356 = arith.cmpi ne, %sign3A_348, %sign3A_355 : i32
      %rem3A_357 = arith.remsi %scan3A_339, %jit3A_340 : i32
      %ne3A_358 = arith.constant 0 : i32
      %ne3A_359 = arith.cmpi ne, %rem3A_357, %ne3A_358 : i32
      %and3A_360 = arith.andi %ne3A_356, %ne3A_359 : i1
      %sub3A_361 = arith.constant 1 : i32
      %sub3A_362 = arith.subi %div3A_341, %sub3A_361 : i32
      %select_n3A_363 = arith.select %and3A_360, %sub3A_362, %div3A_341 : i32
      %jit3A_364 = arith.constant 64 : i32
      %eq3A_365 = arith.constant 0 : i32
      %eq3A_366 = arith.cmpi eq, %jit3A_364, %eq3A_365 : i32
      %jit3A_367 = arith.constant 1 : i32
      %select_n3A_368 = arith.select %eq3A_366, %jit3A_367, %jit3A_364 : i32
      %rem3A_369 = arith.remsi %scan3A_339, %select_n3A_368 : i32
      %ne3A_370 = arith.constant 0 : i32
      %ne3A_371 = arith.cmpi ne, %rem3A_369, %ne3A_370 : i32
      %lt3A_372 = arith.constant 0 : i32
      %lt3A_373 = arith.cmpi slt, %rem3A_369, %lt3A_372 : i32
      %lt3A_374 = arith.constant 0 : i32
      %lt3A_375 = arith.cmpi slt, %select_n3A_368, %lt3A_374 : i32
      %ne3A_376 = arith.xori %lt3A_373, %lt3A_375 : i1
      %and3A_377 = arith.andi %ne3A_376, %ne3A_371 : i1
      %add3A_378 = arith.addi %rem3A_369, %select_n3A_368 : i32
      %select_n3A_379 = arith.select %and3A_377, %add3A_378, %rem3A_369 : i32
      %mul3A_380 = arith.constant 16 : i32
      %mul3A_381 = arith.muli %select_n3A_379, %mul3A_380 : i32
      %get3A_382 = arith.index_cast %select_n3A_363 : i32 to index
      %get3A_383 = arith.index_cast %mul3A_381 : i32 to index
      %get3A_384 = tpu.vector_load %arg9[%get3A_382, %get3A_383] {strides = array<i32>} : memref<16x1024xf32, #tpu.memory_space<vmem>>, vector<1x16xf32>,
      %get3A_385 = vector.shape_cast %get3A_384 : vector<1x16xf32> to vector<16xf32>
      %get3A_386 = arith.index_cast %select_n3A_363 : i32 to index
      %get3A_387 = arith.index_cast %mul3A_381 : i32 to index
      %get3A_388 = tpu.vector_load %arg10[%get3A_386, %get3A_387] {strides = array<i32>} : memref<16x1024xf32, #tpu.memory_space<vmem>>, vector<1x16xf32>,
      %get3A_389 = vector.shape_cast %get3A_388 : vector<1x16xf32> to vector<16xf32>
      %add3A_390 = arith.addf %get3A_385, %get3A_389 : vector<16xf32>
      %swap3A_391 = arith.index_cast %select_n3A_363 : i32 to index
      %swap3A_392 = arith.index_cast %mul3A_381 : i32 to index
      %swap3A_393 = tpu.vector_load %arg9[%swap3A_391, %swap3A_392] {strides = array<i32>} : memref<16x1024xf32, #tpu.memory_space<vmem>>, vector<1x16xf32>,
      %swap3A_394 = vector.shape_cast %swap3A_393 : vector<1x16xf32> to vector<16xf32>
      %swap3A_395 = vector.shape_cast %add3A_390 : vector<16xf32> to vector<1x16xf32>
      tpu.vector_store %arg9[%swap3A_391, %swap3A_392], %swap3A_395 {strides = array<i32>} : memref<16x1024xf32, #tpu.memory_space<vmem>>, vector<1x16xf32>,
      %scan3A_396 = arith.constant 0 : i32
      %scan3A_397 = arith.constant 3 : i32
      %scan3A_398 = arith.addi %scan3A_232, %scan3A_397 : i32
      %jit3A_399 = arith.constant 64 : i32
      %div3A_400 = arith.divsi %scan3A_398, %jit3A_399 : i32
      %sign3A_401 = arith.constant 0 : i32
      %sign3A_402 = arith.cmpi sgt, %scan3A_398, %sign3A_401 : i32
      %sign3A_403 = arith.extui %sign3A_402 : i1 to i32
      %sign3A_404 = arith.constant 0 : i32
      %sign3A_405 = arith.cmpi slt, %scan3A_398, %sign3A_404 : i32
      %sign3A_406 = arith.extui %sign3A_405 : i1 to i32
      %sign3A_407 = arith.subi %sign3A_403, %sign3A_406 : i32
      %sign3A_408 = arith.constant 0 : i32
      %sign3A_409 = arith.cmpi sgt, %jit3A_399, %sign3A_408 : i32
      %sign3A_410 = arith.extui %sign3A_409 : i1 to i32
      %sign3A_411 = arith.constant 0 : i32
      %sign3A_412 = arith.cmpi slt, %jit3A_399, %sign3A_411 : i32
      %sign3A_413 = arith.extui %sign3A_412 : i1 to i32
      %sign3A_414 = arith.subi %sign3A_410, %sign3A_413 : i32
      %ne3A_415 = arith.cmpi ne, %sign3A_407, %sign3A_414 : i32
      %rem3A_416 = arith.remsi %scan3A_398, %jit3A_399 : i32
      %ne3A_417 = arith.constant 0 : i32
      %ne3A_418 = arith.cmpi ne, %rem3A_416, %ne3A_417 : i32
      %and3A_419 = arith.andi %ne3A_415, %ne3A_418 : i1
      %sub3A_420 = arith.constant 1 : i32
      %sub3A_421 = arith.subi %div3A_400, %sub3A_420 : i32
      %select_n3A_422 = arith.select %and3A_419, %sub3A_421, %div3A_400 : i32
      %jit3A_423 = arith.constant 64 : i32
      %eq3A_424 = arith.constant 0 : i32
      %eq3A_425 = arith.cmpi eq, %jit3A_423, %eq3A_424 : i32
      %jit3A_426 = arith.constant 1 : i32
      %select_n3A_427 = arith.select %eq3A_425, %jit3A_426, %jit3A_423 : i32
      %rem3A_428 = arith.remsi %scan3A_398, %select_n3A_427 : i32
      %ne3A_429 = arith.constant 0 : i32
      %ne3A_430 = arith.cmpi ne, %rem3A_428, %ne3A_429 : i32
      %lt3A_431 = arith.constant 0 : i32
      %lt3A_432 = arith.cmpi slt, %rem3A_428, %lt3A_431 : i32
      %lt3A_433 = arith.constant 0 : i32
      %lt3A_434 = arith.cmpi slt, %select_n3A_427, %lt3A_433 : i32
      %ne3A_435 = arith.xori %lt3A_432, %lt3A_434 : i1
      %and3A_436 = arith.andi %ne3A_435, %ne3A_430 : i1
      %add3A_437 = arith.addi %rem3A_428, %select_n3A_427 : i32
      %select_n3A_438 = arith.select %and3A_436, %add3A_437, %rem3A_428 : i32
      %mul3A_439 = arith.constant 16 : i32
      %mul3A_440 = arith.muli %select_n3A_438, %mul3A_439 : i32
      %get3A_441 = arith.index_cast %select_n3A_422 : i32 to index
      %get3A_442 = arith.index_cast %mul3A_440 : i32 to index
      %get3A_443 = tpu.vector_load %arg9[%get3A_441, %get3A_442] {strides = array<i32>} : memref<16x1024xf32, #tpu.memory_space<vmem>>, vector<1x16xf32>,
      %get3A_444 = vector.shape_cast %get3A_443 : vector<1x16xf32> to vector<16xf32>
      %get3A_445 = arith.index_cast %select_n3A_422 : i32 to index
      %get3A_446 = arith.index_cast %mul3A_440 : i32 to index
      %get3A_447 = tpu.vector_load %arg10[%get3A_445, %get3A_446] {strides = array<i32>} : memref<16x1024xf32, #tpu.memory_space<vmem>>, vector<1x16xf32>,
      %get3A_448 = vector.shape_cast %get3A_447 : vector<1x16xf32> to vector<16xf32>
      %add3A_449 = arith.addf %get3A_444, %get3A_448 : vector<16xf32>
      %swap3A_450 = arith.index_cast %select_n3A_422 : i32 to index
      %swap3A_451 = arith.index_cast %mul3A_440 : i32 to index
      %swap3A_452 = tpu.vector_load %arg9[%swap3A_450, %swap3A_451] {strides = array<i32>} : memref<16x1024xf32, #tpu.memory_space<vmem>>, vector<1x16xf32>,
      %swap3A_453 = vector.shape_cast %swap3A_452 : vector<1x16xf32> to vector<16xf32>
      %swap3A_454 = vector.shape_cast %add3A_449 : vector<16xf32> to vector<1x16xf32>
      tpu.vector_store %arg9[%swap3A_450, %swap3A_451], %swap3A_454 {strides = array<i32>} : memref<16x1024xf32, #tpu.memory_space<vmem>>, vector<1x16xf32>,
      %scan3A_455 = arith.constant 0 : i32
      %scan3A_456 = arith.constant 4 : i32
      %scan3A_457 = arith.addi %scan3A_232, %scan3A_456 : i32
      %jit3A_458 = arith.constant 64 : i32
      %div3A_459 = arith.divsi %scan3A_457, %jit3A_458 : i32
      %sign3A_460 = arith.constant 0 : i32
      %sign3A_461 = arith.cmpi sgt, %scan3A_457, %sign3A_460 : i32
      %sign3A_462 = arith.extui %sign3A_461 : i1 to i32
      %sign3A_463 = arith.constant 0 : i32
      %sign3A_464 = arith.cmpi slt, %scan3A_457, %sign3A_463 : i32
      %sign3A_465 = arith.extui %sign3A_464 : i1 to i32
      %sign3A_466 = arith.subi %sign3A_462, %sign3A_465 : i32
      %sign3A_467 = arith.constant 0 : i32
      %sign3A_468 = arith.cmpi sgt, %jit3A_458, %sign3A_467 : i32
      %sign3A_469 = arith.extui %sign3A_468 : i1 to i32
      %sign3A_470 = arith.constant 0 : i32
      %sign3A_471 = arith.cmpi slt, %jit3A_458, %sign3A_470 : i32
      %sign3A_472 = arith.extui %sign3A_471 : i1 to i32
      %sign3A_473 = arith.subi %sign3A_469, %sign3A_472 : i32
      %ne3A_474 = arith.cmpi ne, %sign3A_466, %sign3A_473 : i32
      %rem3A_475 = arith.remsi %scan3A_457, %jit3A_458 : i32
      %ne3A_476 = arith.constant 0 : i32
      %ne3A_477 = arith.cmpi ne, %rem3A_475, %ne3A_476 : i32
      %and3A_478 = arith.andi %ne3A_474, %ne3A_477 : i1
      %sub3A_479 = arith.constant 1 : i32
      %sub3A_480 = arith.subi %div3A_459, %sub3A_479 : i32
      %select_n3A_481 = arith.select %and3A_478, %sub3A_480, %div3A_459 : i32
      %jit3A_482 = arith.constant 64 : i32
      %eq3A_483 = arith.constant 0 : i32
      %eq3A_484 = arith.cmpi eq, %jit3A_482, %eq3A_483 : i32
      %jit3A_485 = arith.constant 1 : i32
      %select_n3A_486 = arith.select %eq3A_484, %jit3A_485, %jit3A_482 : i32
      %rem3A_487 = arith.remsi %scan3A_457, %select_n3A_486 : i32
      %ne3A_488 = arith.constant 0 : i32
      %ne3A_489 = arith.cmpi ne, %rem3A_487, %ne3A_488 : i32
      %lt3A_490 = arith.constant 0 : i32
      %lt3A_491 = arith.cmpi slt, %rem3A_487, %lt3A_490 : i32
      %lt3A_492 = arith.constant 0 : i32
      %lt3A_493 = arith.cmpi slt, %select_n3A_486, %lt3A_492 : i32
      %ne3A_494 = arith.xori %lt3A_491, %lt3A_493 : i1
      %and3A_495 = arith.andi %ne3A_494, %ne3A_489 : i1
      %add3A_496 = arith.addi %rem3A_487, %select_n3A_486 : i32
      %select_n3A_497 = arith.select %and3A_495, %add3A_496, %rem3A_487 : i32
      %mul3A_498 = arith.constant 16 : i32
      %mul3A_499 = arith.muli %select_n3A_497, %mul3A_498 : i32
      %get3A_500 = arith.index_cast %select_n3A_481 : i32 to index
      %get3A_501 = arith.index_cast %mul3A_499 : i32 to index
      %get3A_502 = tpu.vector_load %arg9[%get3A_500, %get3A_501] {strides = array<i32>} : memref<16x1024xf32, #tpu.memory_space<vmem>>, vector<1x16xf32>,
      %get3A_503 = vector.shape_cast %get3A_502 : vector<1x16xf32> to vector<16xf32>
      %get3A_504 = arith.index_cast %select_n3A_481 : i32 to index
      %get3A_505 = arith.index_cast %mul3A_499 : i32 to index
      %get3A_506 = tpu.vector_load %arg10[%get3A_504, %get3A_505] {strides = array<i32>} : memref<16x1024xf32, #tpu.memory_space<vmem>>, vector<1x16xf32>,
      %get3A_507 = vector.shape_cast %get3A_506 : vector<1x16xf32> to vector<16xf32>
      %add3A_508 = arith.addf %get3A_503, %get3A_507 : vector<16xf32>
      %swap3A_509 = arith.index_cast %select_n3A_481 : i32 to index
      %swap3A_510 = arith.index_cast %mul3A_499 : i32 to index
      %swap3A_511 = tpu.vector_load %arg9[%swap3A_509, %swap3A_510] {strides = array<i32>} : memref<16x1024xf32, #tpu.memory_space<vmem>>, vector<1x16xf32>,
      %swap3A_512 = vector.shape_cast %swap3A_511 : vector<1x16xf32> to vector<16xf32>
      %swap3A_513 = vector.shape_cast %add3A_508 : vector<16xf32> to vector<1x16xf32>
      tpu.vector_store %arg9[%swap3A_509, %swap3A_510], %swap3A_513 {strides = array<i32>} : memref<16x1024xf32, #tpu.memory_space<vmem>>, vector<1x16xf32>,
      %scan3A_514 = arith.constant 0 : i32
      %scan3A_515 = arith.constant 5 : i32
      %scan3A_516 = arith.addi %scan3A_232, %scan3A_515 : i32
      %jit3A_517 = arith.constant 64 : i32
      %div3A_518 = arith.divsi %scan3A_516, %jit3A_517 : i32
      %sign3A_519 = arith.constant 0 : i32
      %sign3A_520 = arith.cmpi sgt, %scan3A_516, %sign3A_519 : i32
      %sign3A_521 = arith.extui %sign3A_520 : i1 to i32
      %sign3A_522 = arith.constant 0 : i32
      %sign3A_523 = arith.cmpi slt, %scan3A_516, %sign3A_522 : i32
      %sign3A_524 = arith.extui %sign3A_523 : i1 to i32
      %sign3A_525 = arith.subi %sign3A_521, %sign3A_524 : i32
      %sign3A_526 = arith.constant 0 : i32
      %sign3A_527 = arith.cmpi sgt, %jit3A_517, %sign3A_526 : i32
      %sign3A_528 = arith.extui %sign3A_527 : i1 to i32
      %sign3A_529 = arith.constant 0 : i32
      %sign3A_530 = arith.cmpi slt, %jit3A_517, %sign3A_529 : i32
      %sign3A_531 = arith.extui %sign3A_530 : i1 to i32
      %sign3A_532 = arith.subi %sign3A_528, %sign3A_531 : i32
      %ne3A_533 = arith.cmpi ne, %sign3A_525, %sign3A_532 : i32
      %rem3A_534 = arith.remsi %scan3A_516, %jit3A_517 : i32
      %ne3A_535 = arith.constant 0 : i32
      %ne3A_536 = arith.cmpi ne, %rem3A_534, %ne3A_535 : i32
      %and3A_537 = arith.andi %ne3A_533, %ne3A_536 : i1
      %sub3A_538 = arith.constant 1 : i32
      %sub3A_539 = arith.subi %div3A_518, %sub3A_538 : i32
      %select_n3A_540 = arith.select %and3A_537, %sub3A_539, %div3A_518 : i32
      %jit3A_541 = arith.constant 64 : i32
      %eq3A_542 = arith.constant 0 : i32
      %eq3A_543 = arith.cmpi eq, %jit3A_541, %eq3A_542 : i32
      %jit3A_544 = arith.constant 1 : i32
      %select_n3A_545 = arith.select %eq3A_543, %jit3A_544, %jit3A_541 : i32
      %rem3A_546 = arith.remsi %scan3A_516, %select_n3A_545 : i32
      %ne3A_547 = arith.constant 0 : i32
      %ne3A_548 = arith.cmpi ne, %rem3A_546, %ne3A_547 : i32
      %lt3A_549 = arith.constant 0 : i32
      %lt3A_550 = arith.cmpi slt, %rem3A_546, %lt3A_549 : i32
      %lt3A_551 = arith.constant 0 : i32
      %lt3A_552 = arith.cmpi slt, %select_n3A_545, %lt3A_551 : i32
      %ne3A_553 = arith.xori %lt3A_550, %lt3A_552 : i1
      %and3A_554 = arith.andi %ne3A_553, %ne3A_548 : i1
      %add3A_555 = arith.addi %rem3A_546, %select_n3A_545 : i32
      %select_n3A_556 = arith.select %and3A_554, %add3A_555, %rem3A_546 : i32
      %mul3A_557 = arith.constant 16 : i32
      %mul3A_558 = arith.muli %select_n3A_556, %mul3A_557 : i32
      %get3A_559 = arith.index_cast %select_n3A_540 : i32 to index
      %get3A_560 = arith.index_cast %mul3A_558 : i32 to index
      %get3A_561 = tpu.vector_load %arg9[%get3A_559, %get3A_560] {strides = array<i32>} : memref<16x1024xf32, #tpu.memory_space<vmem>>, vector<1x16xf32>,
      %get3A_562 = vector.shape_cast %get3A_561 : vector<1x16xf32> to vector<16xf32>
      %get3A_563 = arith.index_cast %select_n3A_540 : i32 to index
      %get3A_564 = arith.index_cast %mul3A_558 : i32 to index
      %get3A_565 = tpu.vector_load %arg10[%get3A_563, %get3A_564] {strides = array<i32>} : memref<16x1024xf32, #tpu.memory_space<vmem>>, vector<1x16xf32>,
      %get3A_566 = vector.shape_cast %get3A_565 : vector<1x16xf32> to vector<16xf32>
      %add3A_567 = arith.addf %get3A_562, %get3A_566 : vector<16xf32>
      %swap3A_568 = arith.index_cast %select_n3A_540 : i32 to index
      %swap3A_569 = arith.index_cast %mul3A_558 : i32 to index
      %swap3A_570 = tpu.vector_load %arg9[%swap3A_568, %swap3A_569] {strides = array<i32>} : memref<16x1024xf32, #tpu.memory_space<vmem>>, vector<1x16xf32>,
      %swap3A_571 = vector.shape_cast %swap3A_570 : vector<1x16xf32> to vector<16xf32>
      %swap3A_572 = vector.shape_cast %add3A_567 : vector<16xf32> to vector<1x16xf32>
      tpu.vector_store %arg9[%swap3A_568, %swap3A_569], %swap3A_572 {strides = array<i32>} : memref<16x1024xf32, #tpu.memory_space<vmem>>, vector<1x16xf32>,
      %scan3A_573 = arith.constant 0 : i32
      %scan3A_574 = arith.constant 6 : i32
      %scan3A_575 = arith.addi %scan3A_232, %scan3A_574 : i32
      %jit3A_576 = arith.constant 64 : i32
      %div3A_577 = arith.divsi %scan3A_575, %jit3A_576 : i32
      %sign3A_578 = arith.constant 0 : i32
      %sign3A_579 = arith.cmpi sgt, %scan3A_575, %sign3A_578 : i32
      %sign3A_580 = arith.extui %sign3A_579 : i1 to i32
      %sign3A_581 = arith.constant 0 : i32
      %sign3A_582 = arith.cmpi slt, %scan3A_575, %sign3A_581 : i32
      %sign3A_583 = arith.extui %sign3A_582 : i1 to i32
      %sign3A_584 = arith.subi %sign3A_580, %sign3A_583 : i32
      %sign3A_585 = arith.constant 0 : i32
      %sign3A_586 = arith.cmpi sgt, %jit3A_576, %sign3A_585 : i32
      %sign3A_587 = arith.extui %sign3A_586 : i1 to i32
      %sign3A_588 = arith.constant 0 : i32
      %sign3A_589 = arith.cmpi slt, %jit3A_576, %sign3A_588 : i32
      %sign3A_590 = arith.extui %sign3A_589 : i1 to i32
      %sign3A_591 = arith.subi %sign3A_587, %sign3A_590 : i32
      %ne3A_592 = arith.cmpi ne, %sign3A_584, %sign3A_591 : i32
      %rem3A_593 = arith.remsi %scan3A_575, %jit3A_576 : i32
      %ne3A_594 = arith.constant 0 : i32
      %ne3A_595 = arith.cmpi ne, %rem3A_593, %ne3A_594 : i32
      %and3A_596 = arith.andi %ne3A_592, %ne3A_595 : i1
      %sub3A_597 = arith.constant 1 : i32
      %sub3A_598 = arith.subi %div3A_577, %sub3A_597 : i32
      %select_n3A_599 = arith.select %and3A_596, %sub3A_598, %div3A_577 : i32
      %jit3A_600 = arith.constant 64 : i32
      %eq3A_601 = arith.constant 0 : i32
      %eq3A_602 = arith.cmpi eq, %jit3A_600, %eq3A_601 : i32
      %jit3A_603 = arith.constant 1 : i32
      %select_n3A_604 = arith.select %eq3A_602, %jit3A_603, %jit3A_600 : i32
      %rem3A_605 = arith.remsi %scan3A_575, %select_n3A_604 : i32
      %ne3A_606 = arith.constant 0 : i32
      %ne3A_607 = arith.cmpi ne, %rem3A_605, %ne3A_606 : i32
      %lt3A_608 = arith.constant 0 : i32
      %lt3A_609 = arith.cmpi slt, %rem3A_605, %lt3A_608 : i32
      %lt3A_610 = arith.constant 0 : i32
      %lt3A_611 = arith.cmpi slt, %select_n3A_604, %lt3A_610 : i32
      %ne3A_612 = arith.xori %lt3A_609, %lt3A_611 : i1
      %and3A_613 = arith.andi %ne3A_612, %ne3A_607 : i1
      %add3A_614 = arith.addi %rem3A_605, %select_n3A_604 : i32
      %select_n3A_615 = arith.select %and3A_613, %add3A_614, %rem3A_605 : i32
      %mul3A_616 = arith.constant 16 : i32
      %mul3A_617 = arith.muli %select_n3A_615, %mul3A_616 : i32
      %get3A_618 = arith.index_cast %select_n3A_599 : i32 to index
      %get3A_619 = arith.index_cast %mul3A_617 : i32 to index
      %get3A_620 = tpu.vector_load %arg9[%get3A_618, %get3A_619] {strides = array<i32>} : memref<16x1024xf32, #tpu.memory_space<vmem>>, vector<1x16xf32>,
      %get3A_621 = vector.shape_cast %get3A_620 : vector<1x16xf32> to vector<16xf32>
      %get3A_622 = arith.index_cast %select_n3A_599 : i32 to index
      %get3A_623 = arith.index_cast %mul3A_617 : i32 to index
      %get3A_624 = tpu.vector_load %arg10[%get3A_622, %get3A_623] {strides = array<i32>} : memref<16x1024xf32, #tpu.memory_space<vmem>>, vector<1x16xf32>,
      %get3A_625 = vector.shape_cast %get3A_624 : vector<1x16xf32> to vector<16xf32>
      %add3A_626 = arith.addf %get3A_621, %get3A_625 : vector<16xf32>
      %swap3A_627 = arith.index_cast %select_n3A_599 : i32 to index
      %swap3A_628 = arith.index_cast %mul3A_617 : i32 to index
      %swap3A_629 = tpu.vector_load %arg9[%swap3A_627, %swap3A_628] {strides = array<i32>} : memref<16x1024xf32, #tpu.memory_space<vmem>>, vector<1x16xf32>,
      %swap3A_630 = vector.shape_cast %swap3A_629 : vector<1x16xf32> to vector<16xf32>
      %swap3A_631 = vector.shape_cast %add3A_626 : vector<16xf32> to vector<1x16xf32>
      tpu.vector_store %arg9[%swap3A_627, %swap3A_628], %swap3A_631 {strides = array<i32>} : memref<16x1024xf32, #tpu.memory_space<vmem>>, vector<1x16xf32>,
      %scan3A_632 = arith.constant 0 : i32
      %scan3A_633 = arith.constant 7 : i32
      %scan3A_634 = arith.addi %scan3A_232, %scan3A_633 : i32
      %jit3A_635 = arith.constant 64 : i32
      %div3A_636 = arith.divsi %scan3A_634, %jit3A_635 : i32
      %sign3A_637 = arith.constant 0 : i32
      %sign3A_638 = arith.cmpi sgt, %scan3A_634, %sign3A_637 : i32
      %sign3A_639 = arith.extui %sign3A_638 : i1 to i32
      %sign3A_640 = arith.constant 0 : i32
      %sign3A_641 = arith.cmpi slt, %scan3A_634, %sign3A_640 : i32
      %sign3A_642 = arith.extui %sign3A_641 : i1 to i32
      %sign3A_643 = arith.subi %sign3A_639, %sign3A_642 : i32
      %sign3A_644 = arith.constant 0 : i32
      %sign3A_645 = arith.cmpi sgt, %jit3A_635, %sign3A_644 : i32
      %sign3A_646 = arith.extui %sign3A_645 : i1 to i32
      %sign3A_647 = arith.constant 0 : i32
      %sign3A_648 = arith.cmpi slt, %jit3A_635, %sign3A_647 : i32
      %sign3A_649 = arith.extui %sign3A_648 : i1 to i32
      %sign3A_650 = arith.subi %sign3A_646, %sign3A_649 : i32
      %ne3A_651 = arith.cmpi ne, %sign3A_643, %sign3A_650 : i32
      %rem3A_652 = arith.remsi %scan3A_634, %jit3A_635 : i32
      %ne3A_653 = arith.constant 0 : i32
      %ne3A_654 = arith.cmpi ne, %rem3A_652, %ne3A_653 : i32
      %and3A_655 = arith.andi %ne3A_651, %ne3A_654 : i1
      %sub3A_656 = arith.constant 1 : i32
      %sub3A_657 = arith.subi %div3A_636, %sub3A_656 : i32
      %select_n3A_658 = arith.select %and3A_655, %sub3A_657, %div3A_636 : i32
      %jit3A_659 = arith.constant 64 : i32
      %eq3A_660 = arith.constant 0 : i32
      %eq3A_661 = arith.cmpi eq, %jit3A_659, %eq3A_660 : i32
      %jit3A_662 = arith.constant 1 : i32
      %select_n3A_663 = arith.select %eq3A_661, %jit3A_662, %jit3A_659 : i32
      %rem3A_664 = arith.remsi %scan3A_634, %select_n3A_663 : i32
      %ne3A_665 = arith.constant 0 : i32
      %ne3A_666 = arith.cmpi ne, %rem3A_664, %ne3A_665 : i32
      %lt3A_667 = arith.constant 0 : i32
      %lt3A_668 = arith.cmpi slt, %rem3A_664, %lt3A_667 : i32
      %lt3A_669 = arith.constant 0 : i32
      %lt3A_670 = arith.cmpi slt, %select_n3A_663, %lt3A_669 : i32
      %ne3A_671 = arith.xori %lt3A_668, %lt3A_670 : i1
      %and3A_672 = arith.andi %ne3A_671, %ne3A_666 : i1
      %add3A_673 = arith.addi %rem3A_664, %select_n3A_663 : i32
      %select_n3A_674 = arith.select %and3A_672, %add3A_673, %rem3A_664 : i32
      %mul3A_675 = arith.constant 16 : i32
      %mul3A_676 = arith.muli %select_n3A_674, %mul3A_675 : i32
      %get3A_677 = arith.index_cast %select_n3A_658 : i32 to index
      %get3A_678 = arith.index_cast %mul3A_676 : i32 to index
      %get3A_679 = tpu.vector_load %arg9[%get3A_677, %get3A_678] {strides = array<i32>} : memref<16x1024xf32, #tpu.memory_space<vmem>>, vector<1x16xf32>,
      %get3A_680 = vector.shape_cast %get3A_679 : vector<1x16xf32> to vector<16xf32>
      %get3A_681 = arith.index_cast %select_n3A_658 : i32 to index
      %get3A_682 = arith.index_cast %mul3A_676 : i32 to index
      %get3A_683 = tpu.vector_load %arg10[%get3A_681, %get3A_682] {strides = array<i32>} : memref<16x1024xf32, #tpu.memory_space<vmem>>, vector<1x16xf32>,
      %get3A_684 = vector.shape_cast %get3A_683 : vector<1x16xf32> to vector<16xf32>
      %add3A_685 = arith.addf %get3A_680, %get3A_684 : vector<16xf32>
      %swap3A_686 = arith.index_cast %select_n3A_658 : i32 to index
      %swap3A_687 = arith.index_cast %mul3A_676 : i32 to index
      %swap3A_688 = tpu.vector_load %arg9[%swap3A_686, %swap3A_687] {strides = array<i32>} : memref<16x1024xf32, #tpu.memory_space<vmem>>, vector<1x16xf32>,
      %swap3A_689 = vector.shape_cast %swap3A_688 : vector<1x16xf32> to vector<16xf32>
      %swap3A_690 = vector.shape_cast %add3A_685 : vector<16xf32> to vector<1x16xf32>
      tpu.vector_store %arg9[%swap3A_686, %swap3A_687], %swap3A_690 {strides = array<i32>} : memref<16x1024xf32, #tpu.memory_space<vmem>>, vector<1x16xf32>,
      %scan3A_691 = arith.constant 0 : i32
      scf.yield %scan3A_691 : i32
    }
    %scan3A_176 = arith.constant 1024 : i32
    %dma_start3A_177 = arith.constant 0 : i32
    %dma_start3A_178 = arith.constant 0 : i32
    %dma_start3A_179 = tpu.memref_slice %arg2[%dma_start3A_177, %dma_start3A_178] : memref<16384x1024xf32, #tpu.memory_space<hbm>> -> memref<16384x1024xf32, #tpu.memory_space<hbm>>
    tpu.enqueue_indirect_dma source(%arg9 : memref<16x1024xf32, #tpu.memory_space<vmem>>) target(%dma_start3A_179 : memref<16384x1024xf32, #tpu.memory_space<hbm>>) offsets(%arg11 : memref<16xi32, #tpu.memory_space<vmem>>) semaphore(%arg17 : memref<!tpu.dma_semaphore, #tpu.memory_space<semaphore_mem>>)
    %add3A_180 = arith.constant 112 : i32
    %add3A_181 = arith.addi %mul3A_2, %add3A_180 : i32
    %dma_wait3A_182 = arith.constant 0 : i32
    %dma_wait3A_183 = arith.constant 0 : i32
    %dma_wait3A_184 = tpu.memref_slice %arg2[%dma_wait3A_182, %dma_wait3A_183] : memref<16384x1024xf32, #tpu.memory_space<hbm>> -> memref<16384x1024xf32, #tpu.memory_space<hbm>>
    tpu.wait_indirect_dma semaphore(%arg17 : memref<!tpu.dma_semaphore, #tpu.memory_space<semaphore_mem>>) src(%arg9 : memref<16x1024xf32, #tpu.memory_space<vmem>>) dst(%dma_wait3A_184 : memref<16384x1024xf32, #tpu.memory_space<hbm>>)
    "tpu.region"() ({
      %run_scoped3A = tpu.sem_alloc : memref<!tpu.dma_semaphore, #tpu.memory_space<semaphore_mem>>
      %dma_start3A_232 = tpu.memref_slice %arg4[%add3A_181] : memref<4096xi32, #tpu.memory_space<hbm>> -> memref<16xi32, #tpu.memory_space<hbm>>
      %dma_start3A_233 = tpu.memref_slice %arg4[%add3A_181] : memref<4096xi32, #tpu.memory_space<hbm>> -> memref<16xi32, #tpu.memory_space<hbm>>
      tpu.enqueue_dma source(%dma_start3A_233 : memref<16xi32, #tpu.memory_space<hbm>>) target(%arg11 : memref<16xi32, #tpu.memory_space<vmem>>) target_semaphore(%run_scoped3A : memref<!tpu.dma_semaphore, #tpu.memory_space<semaphore_mem>>)
      %dma_wait3A_234 = tpu.memref_slice %arg4[%add3A_181] : memref<4096xi32, #tpu.memory_space<hbm>> -> memref<16xi32, #tpu.memory_space<hbm>>
      %dma_wait3A_235 = tpu.memref_slice %arg4[%add3A_181] : memref<4096xi32, #tpu.memory_space<hbm>> -> memref<16xi32, #tpu.memory_space<hbm>>
      tpu.wait_dma2 semaphore(%run_scoped3A : memref<!tpu.dma_semaphore, #tpu.memory_space<semaphore_mem>>) src(%dma_wait3A_235 : memref<16xi32, #tpu.memory_space<hbm>>) dst(%arg11 : memref<16xi32, #tpu.memory_space<vmem>>)
      tpu.yield
    }) : () -> ()
    %dma_start3A_185 = arith.constant 0 : i32
    %dma_start3A_186 = arith.constant 0 : i32
    %dma_start3A_187 = tpu.memref_slice %arg2[%dma_start3A_185, %dma_start3A_186] : memref<16384x1024xf32, #tpu.memory_space<hbm>> -> memref<16384x1024xf32, #tpu.memory_space<hbm>>
    tpu.enqueue_indirect_dma source(%dma_start3A_187 : memref<16384x1024xf32, #tpu.memory_space<hbm>>) target(%arg9 : memref<16x1024xf32, #tpu.memory_space<vmem>>) offsets(%arg11 : memref<16xi32, #tpu.memory_space<vmem>>) semaphore(%arg15 : memref<!tpu.dma_semaphore, #tpu.memory_space<semaphore_mem>>)
    %dma_start3A_188 = arith.constant 0 : i32
    %dma_start3A_189 = tpu.memref_slice %arg3[%add3A_181, %dma_start3A_188] : memref<4096x1024xf32, #tpu.memory_space<hbm>> -> memref<16x1024xf32, #tpu.memory_space<hbm>>
    %dma_start3A_190 = arith.constant 0 : i32
    %dma_start3A_191 = tpu.memref_slice %arg3[%add3A_181, %dma_start3A_190] : memref<4096x1024xf32, #tpu.memory_space<hbm>> -> memref<16x1024xf32, #tpu.memory_space<hbm>>
    tpu.enqueue_dma source(%dma_start3A_191 : memref<16x1024xf32, #tpu.memory_space<hbm>>) target(%arg10 : memref<16x1024xf32, #tpu.memory_space<vmem>>) target_semaphore(%arg16 : memref<!tpu.dma_semaphore, #tpu.memory_space<semaphore_mem>>)
    %dma_wait3A_192 = arith.constant 0 : i32
    %dma_wait3A_193 = arith.constant 0 : i32
    %dma_wait3A_194 = tpu.memref_slice %arg2[%dma_wait3A_192, %dma_wait3A_193] : memref<16384x1024xf32, #tpu.memory_space<hbm>> -> memref<16384x1024xf32, #tpu.memory_space<hbm>>
    tpu.wait_indirect_dma semaphore(%arg12 : memref<!tpu.dma_semaphore, #tpu.memory_space<semaphore_mem>>) src(%dma_wait3A_194 : memref<16384x1024xf32, #tpu.memory_space<hbm>>) dst(%arg6 : memref<16x1024xf32, #tpu.memory_space<vmem>>)
    %dma_wait3A_195 = arith.constant 0 : i32
    %dma_wait3A_196 = tpu.memref_slice %arg3[%add3A_152, %dma_wait3A_195] : memref<4096x1024xf32, #tpu.memory_space<hbm>> -> memref<16x1024xf32, #tpu.memory_space<hbm>>
    %dma_wait3A_197 = arith.constant 0 : i32
    %dma_wait3A_198 = tpu.memref_slice %arg3[%add3A_152, %dma_wait3A_197] : memref<4096x1024xf32, #tpu.memory_space<hbm>> -> memref<16x1024xf32, #tpu.memory_space<hbm>>
    tpu.wait_dma2 semaphore(%arg13 : memref<!tpu.dma_semaphore, #tpu.memory_space<semaphore_mem>>) src(%dma_wait3A_198 : memref<16x1024xf32, #tpu.memory_space<hbm>>) dst(%arg7 : memref<16x1024xf32, #tpu.memory_space<vmem>>)
    %scan3A_199 = arith.constant 0 : i32
    %scan3A_200 = arith.constant 0 : i32
    %scan3A_201 = arith.constant 1024 : i32
    %scan3A_202 = arith.addi %scan3A_200, %scan3A_201 : i32
    %scan3A_203 = arith.constant 8 : i32
    %scan3A_204 = scf.for %scan3A_232 = %scan3A_200 to %scan3A_202 step %scan3A_203 iter_args(%scan3A_233 = %scan3A_199) -> (i32)  : i32 {
      %jit3A = arith.constant 64 : i32
      %div3A = arith.divsi %scan3A_232, %jit3A : i32
      %sign3A = arith.constant 0 : i32
      %sign3A_234 = arith.cmpi sgt, %scan3A_232, %sign3A : i32
      %sign3A_235 = arith.extui %sign3A_234 : i1 to i32
      %sign3A_236 = arith.constant 0 : i32
      %sign3A_237 = arith.cmpi slt, %scan3A_232, %sign3A_236 : i32
      %sign3A_238 = arith.extui %sign3A_237 : i1 to i32
      %sign3A_239 = arith.subi %sign3A_235, %sign3A_238 : i32
      %sign3A_240 = arith.constant 0 : i32
      %sign3A_241 = arith.cmpi sgt, %jit3A, %sign3A_240 : i32
      %sign3A_242 = arith.extui %sign3A_241 : i1 to i32
      %sign3A_243 = arith.constant 0 : i32
      %sign3A_244 = arith.cmpi slt, %jit3A, %sign3A_243 : i32
      %sign3A_245 = arith.extui %sign3A_244 : i1 to i32
      %sign3A_246 = arith.subi %sign3A_242, %sign3A_245 : i32
      %ne3A = arith.cmpi ne, %sign3A_239, %sign3A_246 : i32
      %rem3A = arith.remsi %scan3A_232, %jit3A : i32
      %ne3A_247 = arith.constant 0 : i32
      %ne3A_248 = arith.cmpi ne, %rem3A, %ne3A_247 : i32
      %and3A = arith.andi %ne3A, %ne3A_248 : i1
      %sub3A = arith.constant 1 : i32
      %sub3A_249 = arith.subi %div3A, %sub3A : i32
      %select_n3A = arith.select %and3A, %sub3A_249, %div3A : i32
      %jit3A_250 = arith.constant 64 : i32
      %eq3A = arith.constant 0 : i32
      %eq3A_251 = arith.cmpi eq, %jit3A_250, %eq3A : i32
      %jit3A_252 = arith.constant 1 : i32
      %select_n3A_253 = arith.select %eq3A_251, %jit3A_252, %jit3A_250 : i32
      %rem3A_254 = arith.remsi %scan3A_232, %select_n3A_253 : i32
      %ne3A_255 = arith.constant 0 : i32
      %ne3A_256 = arith.cmpi ne, %rem3A_254, %ne3A_255 : i32
      %lt3A = arith.constant 0 : i32
      %lt3A_257 = arith.cmpi slt, %rem3A_254, %lt3A : i32
      %lt3A_258 = arith.constant 0 : i32
      %lt3A_259 = arith.cmpi slt, %select_n3A_253, %lt3A_258 : i32
      %ne3A_260 = arith.xori %lt3A_257, %lt3A_259 : i1
      %and3A_261 = arith.andi %ne3A_260, %ne3A_256 : i1
      %add3A_262 = arith.addi %rem3A_254, %select_n3A_253 : i32
      %select_n3A_263 = arith.select %and3A_261, %add3A_262, %rem3A_254 : i32
      %mul3A_264 = arith.constant 16 : i32
      %mul3A_265 = arith.muli %select_n3A_263, %mul3A_264 : i32
      %get3A = arith.index_cast %select_n3A : i32 to index
      %get3A_266 = arith.index_cast %mul3A_265 : i32 to index
      %get3A_267 = tpu.vector_load %arg6[%get3A, %get3A_266] {strides = array<i32>} : memref<16x1024xf32, #tpu.memory_space<vmem>>, vector<1x16xf32>,
      %get3A_268 = vector.shape_cast %get3A_267 : vector<1x16xf32> to vector<16xf32>
      %get3A_269 = arith.index_cast %select_n3A : i32 to index
      %get3A_270 = arith.index_cast %mul3A_265 : i32 to index
      %get3A_271 = tpu.vector_load %arg7[%get3A_269, %get3A_270] {strides = array<i32>} : memref<16x1024xf32, #tpu.memory_space<vmem>>, vector<1x16xf32>,
      %get3A_272 = vector.shape_cast %get3A_271 : vector<1x16xf32> to vector<16xf32>
      %add3A_273 = arith.addf %get3A_268, %get3A_272 : vector<16xf32>
      %swap3A = arith.index_cast %select_n3A : i32 to index
      %swap3A_274 = arith.index_cast %mul3A_265 : i32 to index
      %swap3A_275 = tpu.vector_load %arg6[%swap3A, %swap3A_274] {strides = array<i32>} : memref<16x1024xf32, #tpu.memory_space<vmem>>, vector<1x16xf32>,
      %swap3A_276 = vector.shape_cast %swap3A_275 : vector<1x16xf32> to vector<16xf32>
      %swap3A_277 = vector.shape_cast %add3A_273 : vector<16xf32> to vector<1x16xf32>
      tpu.vector_store %arg6[%swap3A, %swap3A_274], %swap3A_277 {strides = array<i32>} : memref<16x1024xf32, #tpu.memory_space<vmem>>, vector<1x16xf32>,
      %scan3A_278 = arith.constant 0 : i32
      %scan3A_279 = arith.constant 1 : i32
      %scan3A_280 = arith.addi %scan3A_232, %scan3A_279 : i32
      %jit3A_281 = arith.constant 64 : i32
      %div3A_282 = arith.divsi %scan3A_280, %jit3A_281 : i32
      %sign3A_283 = arith.constant 0 : i32
      %sign3A_284 = arith.cmpi sgt, %scan3A_280, %sign3A_283 : i32
      %sign3A_285 = arith.extui %sign3A_284 : i1 to i32
      %sign3A_286 = arith.constant 0 : i32
      %sign3A_287 = arith.cmpi slt, %scan3A_280, %sign3A_286 : i32
      %sign3A_288 = arith.extui %sign3A_287 : i1 to i32
      %sign3A_289 = arith.subi %sign3A_285, %sign3A_288 : i32
      %sign3A_290 = arith.constant 0 : i32
      %sign3A_291 = arith.cmpi sgt, %jit3A_281, %sign3A_290 : i32
      %sign3A_292 = arith.extui %sign3A_291 : i1 to i32
      %sign3A_293 = arith.constant 0 : i32
      %sign3A_294 = arith.cmpi slt, %jit3A_281, %sign3A_293 : i32
      %sign3A_295 = arith.extui %sign3A_294 : i1 to i32
      %sign3A_296 = arith.subi %sign3A_292, %sign3A_295 : i32
      %ne3A_297 = arith.cmpi ne, %sign3A_289, %sign3A_296 : i32
      %rem3A_298 = arith.remsi %scan3A_280, %jit3A_281 : i32
      %ne3A_299 = arith.constant 0 : i32
      %ne3A_300 = arith.cmpi ne, %rem3A_298, %ne3A_299 : i32
      %and3A_301 = arith.andi %ne3A_297, %ne3A_300 : i1
      %sub3A_302 = arith.constant 1 : i32
      %sub3A_303 = arith.subi %div3A_282, %sub3A_302 : i32
      %select_n3A_304 = arith.select %and3A_301, %sub3A_303, %div3A_282 : i32
      %jit3A_305 = arith.constant 64 : i32
      %eq3A_306 = arith.constant 0 : i32
      %eq3A_307 = arith.cmpi eq, %jit3A_305, %eq3A_306 : i32
      %jit3A_308 = arith.constant 1 : i32
      %select_n3A_309 = arith.select %eq3A_307, %jit3A_308, %jit3A_305 : i32
      %rem3A_310 = arith.remsi %scan3A_280, %select_n3A_309 : i32
      %ne3A_311 = arith.constant 0 : i32
      %ne3A_312 = arith.cmpi ne, %rem3A_310, %ne3A_311 : i32
      %lt3A_313 = arith.constant 0 : i32
      %lt3A_314 = arith.cmpi slt, %rem3A_310, %lt3A_313 : i32
      %lt3A_315 = arith.constant 0 : i32
      %lt3A_316 = arith.cmpi slt, %select_n3A_309, %lt3A_315 : i32
      %ne3A_317 = arith.xori %lt3A_314, %lt3A_316 : i1
      %and3A_318 = arith.andi %ne3A_317, %ne3A_312 : i1
      %add3A_319 = arith.addi %rem3A_310, %select_n3A_309 : i32
      %select_n3A_320 = arith.select %and3A_318, %add3A_319, %rem3A_310 : i32
      %mul3A_321 = arith.constant 16 : i32
      %mul3A_322 = arith.muli %select_n3A_320, %mul3A_321 : i32
      %get3A_323 = arith.index_cast %select_n3A_304 : i32 to index
      %get3A_324 = arith.index_cast %mul3A_322 : i32 to index
      %get3A_325 = tpu.vector_load %arg6[%get3A_323, %get3A_324] {strides = array<i32>} : memref<16x1024xf32, #tpu.memory_space<vmem>>, vector<1x16xf32>,
      %get3A_326 = vector.shape_cast %get3A_325 : vector<1x16xf32> to vector<16xf32>
      %get3A_327 = arith.index_cast %select_n3A_304 : i32 to index
      %get3A_328 = arith.index_cast %mul3A_322 : i32 to index
      %get3A_329 = tpu.vector_load %arg7[%get3A_327, %get3A_328] {strides = array<i32>} : memref<16x1024xf32, #tpu.memory_space<vmem>>, vector<1x16xf32>,
      %get3A_330 = vector.shape_cast %get3A_329 : vector<1x16xf32> to vector<16xf32>
      %add3A_331 = arith.addf %get3A_326, %get3A_330 : vector<16xf32>
      %swap3A_332 = arith.index_cast %select_n3A_304 : i32 to index
      %swap3A_333 = arith.index_cast %mul3A_322 : i32 to index
      %swap3A_334 = tpu.vector_load %arg6[%swap3A_332, %swap3A_333] {strides = array<i32>} : memref<16x1024xf32, #tpu.memory_space<vmem>>, vector<1x16xf32>,
      %swap3A_335 = vector.shape_cast %swap3A_334 : vector<1x16xf32> to vector<16xf32>
      %swap3A_336 = vector.shape_cast %add3A_331 : vector<16xf32> to vector<1x16xf32>
      tpu.vector_store %arg6[%swap3A_332, %swap3A_333], %swap3A_336 {strides = array<i32>} : memref<16x1024xf32, #tpu.memory_space<vmem>>, vector<1x16xf32>,
      %scan3A_337 = arith.constant 0 : i32
      %scan3A_338 = arith.constant 2 : i32
      %scan3A_339 = arith.addi %scan3A_232, %scan3A_338 : i32
      %jit3A_340 = arith.constant 64 : i32
      %div3A_341 = arith.divsi %scan3A_339, %jit3A_340 : i32
      %sign3A_342 = arith.constant 0 : i32
      %sign3A_343 = arith.cmpi sgt, %scan3A_339, %sign3A_342 : i32
      %sign3A_344 = arith.extui %sign3A_343 : i1 to i32
      %sign3A_345 = arith.constant 0 : i32
      %sign3A_346 = arith.cmpi slt, %scan3A_339, %sign3A_345 : i32
      %sign3A_347 = arith.extui %sign3A_346 : i1 to i32
      %sign3A_348 = arith.subi %sign3A_344, %sign3A_347 : i32
      %sign3A_349 = arith.constant 0 : i32
      %sign3A_350 = arith.cmpi sgt, %jit3A_340, %sign3A_349 : i32
      %sign3A_351 = arith.extui %sign3A_350 : i1 to i32
      %sign3A_352 = arith.constant 0 : i32
      %sign3A_353 = arith.cmpi slt, %jit3A_340, %sign3A_352 : i32
      %sign3A_354 = arith.extui %sign3A_353 : i1 to i32
      %sign3A_355 = arith.subi %sign3A_351, %sign3A_354 : i32
      %ne3A_356 = arith.cmpi ne, %sign3A_348, %sign3A_355 : i32
      %rem3A_357 = arith.remsi %scan3A_339, %jit3A_340 : i32
      %ne3A_358 = arith.constant 0 : i32
      %ne3A_359 = arith.cmpi ne, %rem3A_357, %ne3A_358 : i32
      %and3A_360 = arith.andi %ne3A_356, %ne3A_359 : i1
      %sub3A_361 = arith.constant 1 : i32
      %sub3A_362 = arith.subi %div3A_341, %sub3A_361 : i32
      %select_n3A_363 = arith.select %and3A_360, %sub3A_362, %div3A_341 : i32
      %jit3A_364 = arith.constant 64 : i32
      %eq3A_365 = arith.constant 0 : i32
      %eq3A_366 = arith.cmpi eq, %jit3A_364, %eq3A_365 : i32
      %jit3A_367 = arith.constant 1 : i32
      %select_n3A_368 = arith.select %eq3A_366, %jit3A_367, %jit3A_364 : i32
      %rem3A_369 = arith.remsi %scan3A_339, %select_n3A_368 : i32
      %ne3A_370 = arith.constant 0 : i32
      %ne3A_371 = arith.cmpi ne, %rem3A_369, %ne3A_370 : i32
      %lt3A_372 = arith.constant 0 : i32
      %lt3A_373 = arith.cmpi slt, %rem3A_369, %lt3A_372 : i32
      %lt3A_374 = arith.constant 0 : i32
      %lt3A_375 = arith.cmpi slt, %select_n3A_368, %lt3A_374 : i32
      %ne3A_376 = arith.xori %lt3A_373, %lt3A_375 : i1
      %and3A_377 = arith.andi %ne3A_376, %ne3A_371 : i1
      %add3A_378 = arith.addi %rem3A_369, %select_n3A_368 : i32
      %select_n3A_379 = arith.select %and3A_377, %add3A_378, %rem3A_369 : i32
      %mul3A_380 = arith.constant 16 : i32
      %mul3A_381 = arith.muli %select_n3A_379, %mul3A_380 : i32
      %get3A_382 = arith.index_cast %select_n3A_363 : i32 to index
      %get3A_383 = arith.index_cast %mul3A_381 : i32 to index
      %get3A_384 = tpu.vector_load %arg6[%get3A_382, %get3A_383] {strides = array<i32>} : memref<16x1024xf32, #tpu.memory_space<vmem>>, vector<1x16xf32>,
      %get3A_385 = vector.shape_cast %get3A_384 : vector<1x16xf32> to vector<16xf32>
      %get3A_386 = arith.index_cast %select_n3A_363 : i32 to index
      %get3A_387 = arith.index_cast %mul3A_381 : i32 to index
      %get3A_388 = tpu.vector_load %arg7[%get3A_386, %get3A_387] {strides = array<i32>} : memref<16x1024xf32, #tpu.memory_space<vmem>>, vector<1x16xf32>,
      %get3A_389 = vector.shape_cast %get3A_388 : vector<1x16xf32> to vector<16xf32>
      %add3A_390 = arith.addf %get3A_385, %get3A_389 : vector<16xf32>
      %swap3A_391 = arith.index_cast %select_n3A_363 : i32 to index
      %swap3A_392 = arith.index_cast %mul3A_381 : i32 to index
      %swap3A_393 = tpu.vector_load %arg6[%swap3A_391, %swap3A_392] {strides = array<i32>} : memref<16x1024xf32, #tpu.memory_space<vmem>>, vector<1x16xf32>,
      %swap3A_394 = vector.shape_cast %swap3A_393 : vector<1x16xf32> to vector<16xf32>
      %swap3A_395 = vector.shape_cast %add3A_390 : vector<16xf32> to vector<1x16xf32>
      tpu.vector_store %arg6[%swap3A_391, %swap3A_392], %swap3A_395 {strides = array<i32>} : memref<16x1024xf32, #tpu.memory_space<vmem>>, vector<1x16xf32>,
      %scan3A_396 = arith.constant 0 : i32
      %scan3A_397 = arith.constant 3 : i32
      %scan3A_398 = arith.addi %scan3A_232, %scan3A_397 : i32
      %jit3A_399 = arith.constant 64 : i32
      %div3A_400 = arith.divsi %scan3A_398, %jit3A_399 : i32
      %sign3A_401 = arith.constant 0 : i32
      %sign3A_402 = arith.cmpi sgt, %scan3A_398, %sign3A_401 : i32
      %sign3A_403 = arith.extui %sign3A_402 : i1 to i32
      %sign3A_404 = arith.constant 0 : i32
      %sign3A_405 = arith.cmpi slt, %scan3A_398, %sign3A_404 : i32
      %sign3A_406 = arith.extui %sign3A_405 : i1 to i32
      %sign3A_407 = arith.subi %sign3A_403, %sign3A_406 : i32
      %sign3A_408 = arith.constant 0 : i32
      %sign3A_409 = arith.cmpi sgt, %jit3A_399, %sign3A_408 : i32
      %sign3A_410 = arith.extui %sign3A_409 : i1 to i32
      %sign3A_411 = arith.constant 0 : i32
      %sign3A_412 = arith.cmpi slt, %jit3A_399, %sign3A_411 : i32
      %sign3A_413 = arith.extui %sign3A_412 : i1 to i32
      %sign3A_414 = arith.subi %sign3A_410, %sign3A_413 : i32
      %ne3A_415 = arith.cmpi ne, %sign3A_407, %sign3A_414 : i32
      %rem3A_416 = arith.remsi %scan3A_398, %jit3A_399 : i32
      %ne3A_417 = arith.constant 0 : i32
      %ne3A_418 = arith.cmpi ne, %rem3A_416, %ne3A_417 : i32
      %and3A_419 = arith.andi %ne3A_415, %ne3A_418 : i1
      %sub3A_420 = arith.constant 1 : i32
      %sub3A_421 = arith.subi %div3A_400, %sub3A_420 : i32
      %select_n3A_422 = arith.select %and3A_419, %sub3A_421, %div3A_400 : i32
      %jit3A_423 = arith.constant 64 : i32
      %eq3A_424 = arith.constant 0 : i32
      %eq3A_425 = arith.cmpi eq, %jit3A_423, %eq3A_424 : i32
      %jit3A_426 = arith.constant 1 : i32
      %select_n3A_427 = arith.select %eq3A_425, %jit3A_426, %jit3A_423 : i32
      %rem3A_428 = arith.remsi %scan3A_398, %select_n3A_427 : i32
      %ne3A_429 = arith.constant 0 : i32
      %ne3A_430 = arith.cmpi ne, %rem3A_428, %ne3A_429 : i32
      %lt3A_431 = arith.constant 0 : i32
      %lt3A_432 = arith.cmpi slt, %rem3A_428, %lt3A_431 : i32
      %lt3A_433 = arith.constant 0 : i32
      %lt3A_434 = arith.cmpi slt, %select_n3A_427, %lt3A_433 : i32
      %ne3A_435 = arith.xori %lt3A_432, %lt3A_434 : i1
      %and3A_436 = arith.andi %ne3A_435, %ne3A_430 : i1
      %add3A_437 = arith.addi %rem3A_428, %select_n3A_427 : i32
      %select_n3A_438 = arith.select %and3A_436, %add3A_437, %rem3A_428 : i32
      %mul3A_439 = arith.constant 16 : i32
      %mul3A_440 = arith.muli %select_n3A_438, %mul3A_439 : i32
      %get3A_441 = arith.index_cast %select_n3A_422 : i32 to index
      %get3A_442 = arith.index_cast %mul3A_440 : i32 to index
      %get3A_443 = tpu.vector_load %arg6[%get3A_441, %get3A_442] {strides = array<i32>} : memref<16x1024xf32, #tpu.memory_space<vmem>>, vector<1x16xf32>,
      %get3A_444 = vector.shape_cast %get3A_443 : vector<1x16xf32> to vector<16xf32>
      %get3A_445 = arith.index_cast %select_n3A_422 : i32 to index
      %get3A_446 = arith.index_cast %mul3A_440 : i32 to index
      %get3A_447 = tpu.vector_load %arg7[%get3A_445, %get3A_446] {strides = array<i32>} : memref<16x1024xf32, #tpu.memory_space<vmem>>, vector<1x16xf32>,
      %get3A_448 = vector.shape_cast %get3A_447 : vector<1x16xf32> to vector<16xf32>
      %add3A_449 = arith.addf %get3A_444, %get3A_448 : vector<16xf32>
      %swap3A_450 = arith.index_cast %select_n3A_422 : i32 to index
      %swap3A_451 = arith.index_cast %mul3A_440 : i32 to index
      %swap3A_452 = tpu.vector_load %arg6[%swap3A_450, %swap3A_451] {strides = array<i32>} : memref<16x1024xf32, #tpu.memory_space<vmem>>, vector<1x16xf32>,
      %swap3A_453 = vector.shape_cast %swap3A_452 : vector<1x16xf32> to vector<16xf32>
      %swap3A_454 = vector.shape_cast %add3A_449 : vector<16xf32> to vector<1x16xf32>
      tpu.vector_store %arg6[%swap3A_450, %swap3A_451], %swap3A_454 {strides = array<i32>} : memref<16x1024xf32, #tpu.memory_space<vmem>>, vector<1x16xf32>,
      %scan3A_455 = arith.constant 0 : i32
      %scan3A_456 = arith.constant 4 : i32
      %scan3A_457 = arith.addi %scan3A_232, %scan3A_456 : i32
      %jit3A_458 = arith.constant 64 : i32
      %div3A_459 = arith.divsi %scan3A_457, %jit3A_458 : i32
      %sign3A_460 = arith.constant 0 : i32
      %sign3A_461 = arith.cmpi sgt, %scan3A_457, %sign3A_460 : i32
      %sign3A_462 = arith.extui %sign3A_461 : i1 to i32
      %sign3A_463 = arith.constant 0 : i32
      %sign3A_464 = arith.cmpi slt, %scan3A_457, %sign3A_463 : i32
      %sign3A_465 = arith.extui %sign3A_464 : i1 to i32
      %sign3A_466 = arith.subi %sign3A_462, %sign3A_465 : i32
      %sign3A_467 = arith.constant 0 : i32
      %sign3A_468 = arith.cmpi sgt, %jit3A_458, %sign3A_467 : i32
      %sign3A_469 = arith.extui %sign3A_468 : i1 to i32
      %sign3A_470 = arith.constant 0 : i32
      %sign3A_471 = arith.cmpi slt, %jit3A_458, %sign3A_470 : i32
      %sign3A_472 = arith.extui %sign3A_471 : i1 to i32
      %sign3A_473 = arith.subi %sign3A_469, %sign3A_472 : i32
      %ne3A_474 = arith.cmpi ne, %sign3A_466, %sign3A_473 : i32
      %rem3A_475 = arith.remsi %scan3A_457, %jit3A_458 : i32
      %ne3A_476 = arith.constant 0 : i32
      %ne3A_477 = arith.cmpi ne, %rem3A_475, %ne3A_476 : i32
      %and3A_478 = arith.andi %ne3A_474, %ne3A_477 : i1
      %sub3A_479 = arith.constant 1 : i32
      %sub3A_480 = arith.subi %div3A_459, %sub3A_479 : i32
      %select_n3A_481 = arith.select %and3A_478, %sub3A_480, %div3A_459 : i32
      %jit3A_482 = arith.constant 64 : i32
      %eq3A_483 = arith.constant 0 : i32
      %eq3A_484 = arith.cmpi eq, %jit3A_482, %eq3A_483 : i32
      %jit3A_485 = arith.constant 1 : i32
      %select_n3A_486 = arith.select %eq3A_484, %jit3A_485, %jit3A_482 : i32
      %rem3A_487 = arith.remsi %scan3A_457, %select_n3A_486 : i32
      %ne3A_488 = arith.constant 0 : i32
      %ne3A_489 = arith.cmpi ne, %rem3A_487, %ne3A_488 : i32
      %lt3A_490 = arith.constant 0 : i32
      %lt3A_491 = arith.cmpi slt, %rem3A_487, %lt3A_490 : i32
      %lt3A_492 = arith.constant 0 : i32
      %lt3A_493 = arith.cmpi slt, %select_n3A_486, %lt3A_492 : i32
      %ne3A_494 = arith.xori %lt3A_491, %lt3A_493 : i1
      %and3A_495 = arith.andi %ne3A_494, %ne3A_489 : i1
      %add3A_496 = arith.addi %rem3A_487, %select_n3A_486 : i32
      %select_n3A_497 = arith.select %and3A_495, %add3A_496, %rem3A_487 : i32
      %mul3A_498 = arith.constant 16 : i32
      %mul3A_499 = arith.muli %select_n3A_497, %mul3A_498 : i32
      %get3A_500 = arith.index_cast %select_n3A_481 : i32 to index
      %get3A_501 = arith.index_cast %mul3A_499 : i32 to index
      %get3A_502 = tpu.vector_load %arg6[%get3A_500, %get3A_501] {strides = array<i32>} : memref<16x1024xf32, #tpu.memory_space<vmem>>, vector<1x16xf32>,
      %get3A_503 = vector.shape_cast %get3A_502 : vector<1x16xf32> to vector<16xf32>
      %get3A_504 = arith.index_cast %select_n3A_481 : i32 to index
      %get3A_505 = arith.index_cast %mul3A_499 : i32 to index
      %get3A_506 = tpu.vector_load %arg7[%get3A_504, %get3A_505] {strides = array<i32>} : memref<16x1024xf32, #tpu.memory_space<vmem>>, vector<1x16xf32>,
      %get3A_507 = vector.shape_cast %get3A_506 : vector<1x16xf32> to vector<16xf32>
      %add3A_508 = arith.addf %get3A_503, %get3A_507 : vector<16xf32>
      %swap3A_509 = arith.index_cast %select_n3A_481 : i32 to index
      %swap3A_510 = arith.index_cast %mul3A_499 : i32 to index
      %swap3A_511 = tpu.vector_load %arg6[%swap3A_509, %swap3A_510] {strides = array<i32>} : memref<16x1024xf32, #tpu.memory_space<vmem>>, vector<1x16xf32>,
      %swap3A_512 = vector.shape_cast %swap3A_511 : vector<1x16xf32> to vector<16xf32>
      %swap3A_513 = vector.shape_cast %add3A_508 : vector<16xf32> to vector<1x16xf32>
      tpu.vector_store %arg6[%swap3A_509, %swap3A_510], %swap3A_513 {strides = array<i32>} : memref<16x1024xf32, #tpu.memory_space<vmem>>, vector<1x16xf32>,
      %scan3A_514 = arith.constant 0 : i32
      %scan3A_515 = arith.constant 5 : i32
      %scan3A_516 = arith.addi %scan3A_232, %scan3A_515 : i32
      %jit3A_517 = arith.constant 64 : i32
      %div3A_518 = arith.divsi %scan3A_516, %jit3A_517 : i32
      %sign3A_519 = arith.constant 0 : i32
      %sign3A_520 = arith.cmpi sgt, %scan3A_516, %sign3A_519 : i32
      %sign3A_521 = arith.extui %sign3A_520 : i1 to i32
      %sign3A_522 = arith.constant 0 : i32
      %sign3A_523 = arith.cmpi slt, %scan3A_516, %sign3A_522 : i32
      %sign3A_524 = arith.extui %sign3A_523 : i1 to i32
      %sign3A_525 = arith.subi %sign3A_521, %sign3A_524 : i32
      %sign3A_526 = arith.constant 0 : i32
      %sign3A_527 = arith.cmpi sgt, %jit3A_517, %sign3A_526 : i32
      %sign3A_528 = arith.extui %sign3A_527 : i1 to i32
      %sign3A_529 = arith.constant 0 : i32
      %sign3A_530 = arith.cmpi slt, %jit3A_517, %sign3A_529 : i32
      %sign3A_531 = arith.extui %sign3A_530 : i1 to i32
      %sign3A_532 = arith.subi %sign3A_528, %sign3A_531 : i32
      %ne3A_533 = arith.cmpi ne, %sign3A_525, %sign3A_532 : i32
      %rem3A_534 = arith.remsi %scan3A_516, %jit3A_517 : i32
      %ne3A_535 = arith.constant 0 : i32
      %ne3A_536 = arith.cmpi ne, %rem3A_534, %ne3A_535 : i32
      %and3A_537 = arith.andi %ne3A_533, %ne3A_536 : i1
      %sub3A_538 = arith.constant 1 : i32
      %sub3A_539 = arith.subi %div3A_518, %sub3A_538 : i32
      %select_n3A_540 = arith.select %and3A_537, %sub3A_539, %div3A_518 : i32
      %jit3A_541 = arith.constant 64 : i32
      %eq3A_542 = arith.constant 0 : i32
      %eq3A_543 = arith.cmpi eq, %jit3A_541, %eq3A_542 : i32
      %jit3A_544 = arith.constant 1 : i32
      %select_n3A_545 = arith.select %eq3A_543, %jit3A_544, %jit3A_541 : i32
      %rem3A_546 = arith.remsi %scan3A_516, %select_n3A_545 : i32
      %ne3A_547 = arith.constant 0 : i32
      %ne3A_548 = arith.cmpi ne, %rem3A_546, %ne3A_547 : i32
      %lt3A_549 = arith.constant 0 : i32
      %lt3A_550 = arith.cmpi slt, %rem3A_546, %lt3A_549 : i32
      %lt3A_551 = arith.constant 0 : i32
      %lt3A_552 = arith.cmpi slt, %select_n3A_545, %lt3A_551 : i32
      %ne3A_553 = arith.xori %lt3A_550, %lt3A_552 : i1
      %and3A_554 = arith.andi %ne3A_553, %ne3A_548 : i1
      %add3A_555 = arith.addi %rem3A_546, %select_n3A_545 : i32
      %select_n3A_556 = arith.select %and3A_554, %add3A_555, %rem3A_546 : i32
      %mul3A_557 = arith.constant 16 : i32
      %mul3A_558 = arith.muli %select_n3A_556, %mul3A_557 : i32
      %get3A_559 = arith.index_cast %select_n3A_540 : i32 to index
      %get3A_560 = arith.index_cast %mul3A_558 : i32 to index
      %get3A_561 = tpu.vector_load %arg6[%get3A_559, %get3A_560] {strides = array<i32>} : memref<16x1024xf32, #tpu.memory_space<vmem>>, vector<1x16xf32>,
      %get3A_562 = vector.shape_cast %get3A_561 : vector<1x16xf32> to vector<16xf32>
      %get3A_563 = arith.index_cast %select_n3A_540 : i32 to index
      %get3A_564 = arith.index_cast %mul3A_558 : i32 to index
      %get3A_565 = tpu.vector_load %arg7[%get3A_563, %get3A_564] {strides = array<i32>} : memref<16x1024xf32, #tpu.memory_space<vmem>>, vector<1x16xf32>,
      %get3A_566 = vector.shape_cast %get3A_565 : vector<1x16xf32> to vector<16xf32>
      %add3A_567 = arith.addf %get3A_562, %get3A_566 : vector<16xf32>
      %swap3A_568 = arith.index_cast %select_n3A_540 : i32 to index
      %swap3A_569 = arith.index_cast %mul3A_558 : i32 to index
      %swap3A_570 = tpu.vector_load %arg6[%swap3A_568, %swap3A_569] {strides = array<i32>} : memref<16x1024xf32, #tpu.memory_space<vmem>>, vector<1x16xf32>,
      %swap3A_571 = vector.shape_cast %swap3A_570 : vector<1x16xf32> to vector<16xf32>
      %swap3A_572 = vector.shape_cast %add3A_567 : vector<16xf32> to vector<1x16xf32>
      tpu.vector_store %arg6[%swap3A_568, %swap3A_569], %swap3A_572 {strides = array<i32>} : memref<16x1024xf32, #tpu.memory_space<vmem>>, vector<1x16xf32>,
      %scan3A_573 = arith.constant 0 : i32
      %scan3A_574 = arith.constant 6 : i32
      %scan3A_575 = arith.addi %scan3A_232, %scan3A_574 : i32
      %jit3A_576 = arith.constant 64 : i32
      %div3A_577 = arith.divsi %scan3A_575, %jit3A_576 : i32
      %sign3A_578 = arith.constant 0 : i32
      %sign3A_579 = arith.cmpi sgt, %scan3A_575, %sign3A_578 : i32
      %sign3A_580 = arith.extui %sign3A_579 : i1 to i32
      %sign3A_581 = arith.constant 0 : i32
      %sign3A_582 = arith.cmpi slt, %scan3A_575, %sign3A_581 : i32
      %sign3A_583 = arith.extui %sign3A_582 : i1 to i32
      %sign3A_584 = arith.subi %sign3A_580, %sign3A_583 : i32
      %sign3A_585 = arith.constant 0 : i32
      %sign3A_586 = arith.cmpi sgt, %jit3A_576, %sign3A_585 : i32
      %sign3A_587 = arith.extui %sign3A_586 : i1 to i32
      %sign3A_588 = arith.constant 0 : i32
      %sign3A_589 = arith.cmpi slt, %jit3A_576, %sign3A_588 : i32
      %sign3A_590 = arith.extui %sign3A_589 : i1 to i32
      %sign3A_591 = arith.subi %sign3A_587, %sign3A_590 : i32
      %ne3A_592 = arith.cmpi ne, %sign3A_584, %sign3A_591 : i32
      %rem3A_593 = arith.remsi %scan3A_575, %jit3A_576 : i32
      %ne3A_594 = arith.constant 0 : i32
      %ne3A_595 = arith.cmpi ne, %rem3A_593, %ne3A_594 : i32
      %and3A_596 = arith.andi %ne3A_592, %ne3A_595 : i1
      %sub3A_597 = arith.constant 1 : i32
      %sub3A_598 = arith.subi %div3A_577, %sub3A_597 : i32
      %select_n3A_599 = arith.select %and3A_596, %sub3A_598, %div3A_577 : i32
      %jit3A_600 = arith.constant 64 : i32
      %eq3A_601 = arith.constant 0 : i32
      %eq3A_602 = arith.cmpi eq, %jit3A_600, %eq3A_601 : i32
      %jit3A_603 = arith.constant 1 : i32
      %select_n3A_604 = arith.select %eq3A_602, %jit3A_603, %jit3A_600 : i32
      %rem3A_605 = arith.remsi %scan3A_575, %select_n3A_604 : i32
      %ne3A_606 = arith.constant 0 : i32
      %ne3A_607 = arith.cmpi ne, %rem3A_605, %ne3A_606 : i32
      %lt3A_608 = arith.constant 0 : i32
      %lt3A_609 = arith.cmpi slt, %rem3A_605, %lt3A_608 : i32
      %lt3A_610 = arith.constant 0 : i32
      %lt3A_611 = arith.cmpi slt, %select_n3A_604, %lt3A_610 : i32
      %ne3A_612 = arith.xori %lt3A_609, %lt3A_611 : i1
      %and3A_613 = arith.andi %ne3A_612, %ne3A_607 : i1
      %add3A_614 = arith.addi %rem3A_605, %select_n3A_604 : i32
      %select_n3A_615 = arith.select %and3A_613, %add3A_614, %rem3A_605 : i32
      %mul3A_616 = arith.constant 16 : i32
      %mul3A_617 = arith.muli %select_n3A_615, %mul3A_616 : i32
      %get3A_618 = arith.index_cast %select_n3A_599 : i32 to index
      %get3A_619 = arith.index_cast %mul3A_617 : i32 to index
      %get3A_620 = tpu.vector_load %arg6[%get3A_618, %get3A_619] {strides = array<i32>} : memref<16x1024xf32, #tpu.memory_space<vmem>>, vector<1x16xf32>,
      %get3A_621 = vector.shape_cast %get3A_620 : vector<1x16xf32> to vector<16xf32>
      %get3A_622 = arith.index_cast %select_n3A_599 : i32 to index
      %get3A_623 = arith.index_cast %mul3A_617 : i32 to index
      %get3A_624 = tpu.vector_load %arg7[%get3A_622, %get3A_623] {strides = array<i32>} : memref<16x1024xf32, #tpu.memory_space<vmem>>, vector<1x16xf32>,
      %get3A_625 = vector.shape_cast %get3A_624 : vector<1x16xf32> to vector<16xf32>
      %add3A_626 = arith.addf %get3A_621, %get3A_625 : vector<16xf32>
      %swap3A_627 = arith.index_cast %select_n3A_599 : i32 to index
      %swap3A_628 = arith.index_cast %mul3A_617 : i32 to index
      %swap3A_629 = tpu.vector_load %arg6[%swap3A_627, %swap3A_628] {strides = array<i32>} : memref<16x1024xf32, #tpu.memory_space<vmem>>, vector<1x16xf32>,
      %swap3A_630 = vector.shape_cast %swap3A_629 : vector<1x16xf32> to vector<16xf32>
      %swap3A_631 = vector.shape_cast %add3A_626 : vector<16xf32> to vector<1x16xf32>
      tpu.vector_store %arg6[%swap3A_627, %swap3A_628], %swap3A_631 {strides = array<i32>} : memref<16x1024xf32, #tpu.memory_space<vmem>>, vector<1x16xf32>,
      %scan3A_632 = arith.constant 0 : i32
      %scan3A_633 = arith.constant 7 : i32
      %scan3A_634 = arith.addi %scan3A_232, %scan3A_633 : i32
      %jit3A_635 = arith.constant 64 : i32
      %div3A_636 = arith.divsi %scan3A_634, %jit3A_635 : i32
      %sign3A_637 = arith.constant 0 : i32
      %sign3A_638 = arith.cmpi sgt, %scan3A_634, %sign3A_637 : i32
      %sign3A_639 = arith.extui %sign3A_638 : i1 to i32
      %sign3A_640 = arith.constant 0 : i32
      %sign3A_641 = arith.cmpi slt, %scan3A_634, %sign3A_640 : i32
      %sign3A_642 = arith.extui %sign3A_641 : i1 to i32
      %sign3A_643 = arith.subi %sign3A_639, %sign3A_642 : i32
      %sign3A_644 = arith.constant 0 : i32
      %sign3A_645 = arith.cmpi sgt, %jit3A_635, %sign3A_644 : i32
      %sign3A_646 = arith.extui %sign3A_645 : i1 to i32
      %sign3A_647 = arith.constant 0 : i32
      %sign3A_648 = arith.cmpi slt, %jit3A_635, %sign3A_647 : i32
      %sign3A_649 = arith.extui %sign3A_648 : i1 to i32
      %sign3A_650 = arith.subi %sign3A_646, %sign3A_649 : i32
      %ne3A_651 = arith.cmpi ne, %sign3A_643, %sign3A_650 : i32
      %rem3A_652 = arith.remsi %scan3A_634, %jit3A_635 : i32
      %ne3A_653 = arith.constant 0 : i32
      %ne3A_654 = arith.cmpi ne, %rem3A_652, %ne3A_653 : i32
      %and3A_655 = arith.andi %ne3A_651, %ne3A_654 : i1
      %sub3A_656 = arith.constant 1 : i32
      %sub3A_657 = arith.subi %div3A_636, %sub3A_656 : i32
      %select_n3A_658 = arith.select %and3A_655, %sub3A_657, %div3A_636 : i32
      %jit3A_659 = arith.constant 64 : i32
      %eq3A_660 = arith.constant 0 : i32
      %eq3A_661 = arith.cmpi eq, %jit3A_659, %eq3A_660 : i32
      %jit3A_662 = arith.constant 1 : i32
      %select_n3A_663 = arith.select %eq3A_661, %jit3A_662, %jit3A_659 : i32
      %rem3A_664 = arith.remsi %scan3A_634, %select_n3A_663 : i32
      %ne3A_665 = arith.constant 0 : i32
      %ne3A_666 = arith.cmpi ne, %rem3A_664, %ne3A_665 : i32
      %lt3A_667 = arith.constant 0 : i32
      %lt3A_668 = arith.cmpi slt, %rem3A_664, %lt3A_667 : i32
      %lt3A_669 = arith.constant 0 : i32
      %lt3A_670 = arith.cmpi slt, %select_n3A_663, %lt3A_669 : i32
      %ne3A_671 = arith.xori %lt3A_668, %lt3A_670 : i1
      %and3A_672 = arith.andi %ne3A_671, %ne3A_666 : i1
      %add3A_673 = arith.addi %rem3A_664, %select_n3A_663 : i32
      %select_n3A_674 = arith.select %and3A_672, %add3A_673, %rem3A_664 : i32
      %mul3A_675 = arith.constant 16 : i32
      %mul3A_676 = arith.muli %select_n3A_674, %mul3A_675 : i32
      %get3A_677 = arith.index_cast %select_n3A_658 : i32 to index
      %get3A_678 = arith.index_cast %mul3A_676 : i32 to index
      %get3A_679 = tpu.vector_load %arg6[%get3A_677, %get3A_678] {strides = array<i32>} : memref<16x1024xf32, #tpu.memory_space<vmem>>, vector<1x16xf32>,
      %get3A_680 = vector.shape_cast %get3A_679 : vector<1x16xf32> to vector<16xf32>
      %get3A_681 = arith.index_cast %select_n3A_658 : i32 to index
      %get3A_682 = arith.index_cast %mul3A_676 : i32 to index
      %get3A_683 = tpu.vector_load %arg7[%get3A_681, %get3A_682] {strides = array<i32>} : memref<16x1024xf32, #tpu.memory_space<vmem>>, vector<1x16xf32>,
      %get3A_684 = vector.shape_cast %get3A_683 : vector<1x16xf32> to vector<16xf32>
      %add3A_685 = arith.addf %get3A_680, %get3A_684 : vector<16xf32>
      %swap3A_686 = arith.index_cast %select_n3A_658 : i32 to index
      %swap3A_687 = arith.index_cast %mul3A_676 : i32 to index
      %swap3A_688 = tpu.vector_load %arg6[%swap3A_686, %swap3A_687] {strides = array<i32>} : memref<16x1024xf32, #tpu.memory_space<vmem>>, vector<1x16xf32>,
      %swap3A_689 = vector.shape_cast %swap3A_688 : vector<1x16xf32> to vector<16xf32>
      %swap3A_690 = vector.shape_cast %add3A_685 : vector<16xf32> to vector<1x16xf32>
      tpu.vector_store %arg6[%swap3A_686, %swap3A_687], %swap3A_690 {strides = array<i32>} : memref<16x1024xf32, #tpu.memory_space<vmem>>, vector<1x16xf32>,
      %scan3A_691 = arith.constant 0 : i32
      scf.yield %scan3A_691 : i32
    }
    %scan3A_205 = arith.constant 1024 : i32
    %dma_start3A_206 = arith.constant 0 : i32
    %dma_start3A_207 = arith.constant 0 : i32
    %dma_start3A_208 = tpu.memref_slice %arg2[%dma_start3A_206, %dma_start3A_207] : memref<16384x1024xf32, #tpu.memory_space<hbm>> -> memref<16384x1024xf32, #tpu.memory_space<hbm>>
    tpu.enqueue_indirect_dma source(%arg6 : memref<16x1024xf32, #tpu.memory_space<vmem>>) target(%dma_start3A_208 : memref<16384x1024xf32, #tpu.memory_space<hbm>>) offsets(%arg8 : memref<16xi32, #tpu.memory_space<vmem>>) semaphore(%arg14 : memref<!tpu.dma_semaphore, #tpu.memory_space<semaphore_mem>>)
    %dma_wait3A_209 = arith.constant 0 : i32
    %dma_wait3A_210 = arith.constant 0 : i32
    %dma_wait3A_211 = tpu.memref_slice %arg2[%dma_wait3A_209, %dma_wait3A_210] : memref<16384x1024xf32, #tpu.memory_space<hbm>> -> memref<16384x1024xf32, #tpu.memory_space<hbm>>
    tpu.wait_indirect_dma semaphore(%arg15 : memref<!tpu.dma_semaphore, #tpu.memory_space<semaphore_mem>>) src(%dma_wait3A_211 : memref<16384x1024xf32, #tpu.memory_space<hbm>>) dst(%arg9 : memref<16x1024xf32, #tpu.memory_space<vmem>>)
    %dma_wait3A_212 = arith.constant 0 : i32
    %dma_wait3A_213 = tpu.memref_slice %arg3[%add3A_181, %dma_wait3A_212] : memref<4096x1024xf32, #tpu.memory_space<hbm>> -> memref<16x1024xf32, #tpu.memory_space<hbm>>
    %dma_wait3A_214 = arith.constant 0 : i32
    %dma_wait3A_215 = tpu.memref_slice %arg3[%add3A_181, %dma_wait3A_214] : memref<4096x1024xf32, #tpu.memory_space<hbm>> -> memref<16x1024xf32, #tpu.memory_space<hbm>>
    tpu.wait_dma2 semaphore(%arg16 : memref<!tpu.dma_semaphore, #tpu.memory_space<semaphore_mem>>) src(%dma_wait3A_215 : memref<16x1024xf32, #tpu.memory_space<hbm>>) dst(%arg10 : memref<16x1024xf32, #tpu.memory_space<vmem>>)
    %scan3A_216 = arith.constant 0 : i32
    %scan3A_217 = arith.constant 0 : i32
    %scan3A_218 = arith.constant 1024 : i32
    %scan3A_219 = arith.addi %scan3A_217, %scan3A_218 : i32
    %scan3A_220 = arith.constant 8 : i32
    %scan3A_221 = scf.for %scan3A_232 = %scan3A_217 to %scan3A_219 step %scan3A_220 iter_args(%scan3A_233 = %scan3A_216) -> (i32)  : i32 {
      %jit3A = arith.constant 64 : i32
      %div3A = arith.divsi %scan3A_232, %jit3A : i32
      %sign3A = arith.constant 0 : i32
      %sign3A_234 = arith.cmpi sgt, %scan3A_232, %sign3A : i32
      %sign3A_235 = arith.extui %sign3A_234 : i1 to i32
      %sign3A_236 = arith.constant 0 : i32
      %sign3A_237 = arith.cmpi slt, %scan3A_232, %sign3A_236 : i32
      %sign3A_238 = arith.extui %sign3A_237 : i1 to i32
      %sign3A_239 = arith.subi %sign3A_235, %sign3A_238 : i32
      %sign3A_240 = arith.constant 0 : i32
      %sign3A_241 = arith.cmpi sgt, %jit3A, %sign3A_240 : i32
      %sign3A_242 = arith.extui %sign3A_241 : i1 to i32
      %sign3A_243 = arith.constant 0 : i32
      %sign3A_244 = arith.cmpi slt, %jit3A, %sign3A_243 : i32
      %sign3A_245 = arith.extui %sign3A_244 : i1 to i32
      %sign3A_246 = arith.subi %sign3A_242, %sign3A_245 : i32
      %ne3A = arith.cmpi ne, %sign3A_239, %sign3A_246 : i32
      %rem3A = arith.remsi %scan3A_232, %jit3A : i32
      %ne3A_247 = arith.constant 0 : i32
      %ne3A_248 = arith.cmpi ne, %rem3A, %ne3A_247 : i32
      %and3A = arith.andi %ne3A, %ne3A_248 : i1
      %sub3A = arith.constant 1 : i32
      %sub3A_249 = arith.subi %div3A, %sub3A : i32
      %select_n3A = arith.select %and3A, %sub3A_249, %div3A : i32
      %jit3A_250 = arith.constant 64 : i32
      %eq3A = arith.constant 0 : i32
      %eq3A_251 = arith.cmpi eq, %jit3A_250, %eq3A : i32
      %jit3A_252 = arith.constant 1 : i32
      %select_n3A_253 = arith.select %eq3A_251, %jit3A_252, %jit3A_250 : i32
      %rem3A_254 = arith.remsi %scan3A_232, %select_n3A_253 : i32
      %ne3A_255 = arith.constant 0 : i32
      %ne3A_256 = arith.cmpi ne, %rem3A_254, %ne3A_255 : i32
      %lt3A = arith.constant 0 : i32
      %lt3A_257 = arith.cmpi slt, %rem3A_254, %lt3A : i32
      %lt3A_258 = arith.constant 0 : i32
      %lt3A_259 = arith.cmpi slt, %select_n3A_253, %lt3A_258 : i32
      %ne3A_260 = arith.xori %lt3A_257, %lt3A_259 : i1
      %and3A_261 = arith.andi %ne3A_260, %ne3A_256 : i1
      %add3A_262 = arith.addi %rem3A_254, %select_n3A_253 : i32
      %select_n3A_263 = arith.select %and3A_261, %add3A_262, %rem3A_254 : i32
      %mul3A_264 = arith.constant 16 : i32
      %mul3A_265 = arith.muli %select_n3A_263, %mul3A_264 : i32
      %get3A = arith.index_cast %select_n3A : i32 to index
      %get3A_266 = arith.index_cast %mul3A_265 : i32 to index
      %get3A_267 = tpu.vector_load %arg9[%get3A, %get3A_266] {strides = array<i32>} : memref<16x1024xf32, #tpu.memory_space<vmem>>, vector<1x16xf32>,
      %get3A_268 = vector.shape_cast %get3A_267 : vector<1x16xf32> to vector<16xf32>
      %get3A_269 = arith.index_cast %select_n3A : i32 to index
      %get3A_270 = arith.index_cast %mul3A_265 : i32 to index
      %get3A_271 = tpu.vector_load %arg10[%get3A_269, %get3A_270] {strides = array<i32>} : memref<16x1024xf32, #tpu.memory_space<vmem>>, vector<1x16xf32>,
      %get3A_272 = vector.shape_cast %get3A_271 : vector<1x16xf32> to vector<16xf32>
      %add3A_273 = arith.addf %get3A_268, %get3A_272 : vector<16xf32>
      %swap3A = arith.index_cast %select_n3A : i32 to index
      %swap3A_274 = arith.index_cast %mul3A_265 : i32 to index
      %swap3A_275 = tpu.vector_load %arg9[%swap3A, %swap3A_274] {strides = array<i32>} : memref<16x1024xf32, #tpu.memory_space<vmem>>, vector<1x16xf32>,
      %swap3A_276 = vector.shape_cast %swap3A_275 : vector<1x16xf32> to vector<16xf32>
      %swap3A_277 = vector.shape_cast %add3A_273 : vector<16xf32> to vector<1x16xf32>
      tpu.vector_store %arg9[%swap3A, %swap3A_274], %swap3A_277 {strides = array<i32>} : memref<16x1024xf32, #tpu.memory_space<vmem>>, vector<1x16xf32>,
      %scan3A_278 = arith.constant 0 : i32
      %scan3A_279 = arith.constant 1 : i32
      %scan3A_280 = arith.addi %scan3A_232, %scan3A_279 : i32
      %jit3A_281 = arith.constant 64 : i32
      %div3A_282 = arith.divsi %scan3A_280, %jit3A_281 : i32
      %sign3A_283 = arith.constant 0 : i32
      %sign3A_284 = arith.cmpi sgt, %scan3A_280, %sign3A_283 : i32
      %sign3A_285 = arith.extui %sign3A_284 : i1 to i32
      %sign3A_286 = arith.constant 0 : i32
      %sign3A_287 = arith.cmpi slt, %scan3A_280, %sign3A_286 : i32
      %sign3A_288 = arith.extui %sign3A_287 : i1 to i32
      %sign3A_289 = arith.subi %sign3A_285, %sign3A_288 : i32
      %sign3A_290 = arith.constant 0 : i32
      %sign3A_291 = arith.cmpi sgt, %jit3A_281, %sign3A_290 : i32
      %sign3A_292 = arith.extui %sign3A_291 : i1 to i32
      %sign3A_293 = arith.constant 0 : i32
      %sign3A_294 = arith.cmpi slt, %jit3A_281, %sign3A_293 : i32
      %sign3A_295 = arith.extui %sign3A_294 : i1 to i32
      %sign3A_296 = arith.subi %sign3A_292, %sign3A_295 : i32
      %ne3A_297 = arith.cmpi ne, %sign3A_289, %sign3A_296 : i32
      %rem3A_298 = arith.remsi %scan3A_280, %jit3A_281 : i32
      %ne3A_299 = arith.constant 0 : i32
      %ne3A_300 = arith.cmpi ne, %rem3A_298, %ne3A_299 : i32
      %and3A_301 = arith.andi %ne3A_297, %ne3A_300 : i1
      %sub3A_302 = arith.constant 1 : i32
      %sub3A_303 = arith.subi %div3A_282, %sub3A_302 : i32
      %select_n3A_304 = arith.select %and3A_301, %sub3A_303, %div3A_282 : i32
      %jit3A_305 = arith.constant 64 : i32
      %eq3A_306 = arith.constant 0 : i32
      %eq3A_307 = arith.cmpi eq, %jit3A_305, %eq3A_306 : i32
      %jit3A_308 = arith.constant 1 : i32
      %select_n3A_309 = arith.select %eq3A_307, %jit3A_308, %jit3A_305 : i32
      %rem3A_310 = arith.remsi %scan3A_280, %select_n3A_309 : i32
      %ne3A_311 = arith.constant 0 : i32
      %ne3A_312 = arith.cmpi ne, %rem3A_310, %ne3A_311 : i32
      %lt3A_313 = arith.constant 0 : i32
      %lt3A_314 = arith.cmpi slt, %rem3A_310, %lt3A_313 : i32
      %lt3A_315 = arith.constant 0 : i32
      %lt3A_316 = arith.cmpi slt, %select_n3A_309, %lt3A_315 : i32
      %ne3A_317 = arith.xori %lt3A_314, %lt3A_316 : i1
      %and3A_318 = arith.andi %ne3A_317, %ne3A_312 : i1
      %add3A_319 = arith.addi %rem3A_310, %select_n3A_309 : i32
      %select_n3A_320 = arith.select %and3A_318, %add3A_319, %rem3A_310 : i32
      %mul3A_321 = arith.constant 16 : i32
      %mul3A_322 = arith.muli %select_n3A_320, %mul3A_321 : i32
      %get3A_323 = arith.index_cast %select_n3A_304 : i32 to index
      %get3A_324 = arith.index_cast %mul3A_322 : i32 to index
      %get3A_325 = tpu.vector_load %arg9[%get3A_323, %get3A_324] {strides = array<i32>} : memref<16x1024xf32, #tpu.memory_space<vmem>>, vector<1x16xf32>,
      %get3A_326 = vector.shape_cast %get3A_325 : vector<1x16xf32> to vector<16xf32>
      %get3A_327 = arith.index_cast %select_n3A_304 : i32 to index
      %get3A_328 = arith.index_cast %mul3A_322 : i32 to index
      %get3A_329 = tpu.vector_load %arg10[%get3A_327, %get3A_328] {strides = array<i32>} : memref<16x1024xf32, #tpu.memory_space<vmem>>, vector<1x16xf32>,
      %get3A_330 = vector.shape_cast %get3A_329 : vector<1x16xf32> to vector<16xf32>
      %add3A_331 = arith.addf %get3A_326, %get3A_330 : vector<16xf32>
      %swap3A_332 = arith.index_cast %select_n3A_304 : i32 to index
      %swap3A_333 = arith.index_cast %mul3A_322 : i32 to index
      %swap3A_334 = tpu.vector_load %arg9[%swap3A_332, %swap3A_333] {strides = array<i32>} : memref<16x1024xf32, #tpu.memory_space<vmem>>, vector<1x16xf32>,
      %swap3A_335 = vector.shape_cast %swap3A_334 : vector<1x16xf32> to vector<16xf32>
      %swap3A_336 = vector.shape_cast %add3A_331 : vector<16xf32> to vector<1x16xf32>
      tpu.vector_store %arg9[%swap3A_332, %swap3A_333], %swap3A_336 {strides = array<i32>} : memref<16x1024xf32, #tpu.memory_space<vmem>>, vector<1x16xf32>,
      %scan3A_337 = arith.constant 0 : i32
      %scan3A_338 = arith.constant 2 : i32
      %scan3A_339 = arith.addi %scan3A_232, %scan3A_338 : i32
      %jit3A_340 = arith.constant 64 : i32
      %div3A_341 = arith.divsi %scan3A_339, %jit3A_340 : i32
      %sign3A_342 = arith.constant 0 : i32
      %sign3A_343 = arith.cmpi sgt, %scan3A_339, %sign3A_342 : i32
      %sign3A_344 = arith.extui %sign3A_343 : i1 to i32
      %sign3A_345 = arith.constant 0 : i32
      %sign3A_346 = arith.cmpi slt, %scan3A_339, %sign3A_345 : i32
      %sign3A_347 = arith.extui %sign3A_346 : i1 to i32
      %sign3A_348 = arith.subi %sign3A_344, %sign3A_347 : i32
      %sign3A_349 = arith.constant 0 : i32
      %sign3A_350 = arith.cmpi sgt, %jit3A_340, %sign3A_349 : i32
      %sign3A_351 = arith.extui %sign3A_350 : i1 to i32
      %sign3A_352 = arith.constant 0 : i32
      %sign3A_353 = arith.cmpi slt, %jit3A_340, %sign3A_352 : i32
      %sign3A_354 = arith.extui %sign3A_353 : i1 to i32
      %sign3A_355 = arith.subi %sign3A_351, %sign3A_354 : i32
      %ne3A_356 = arith.cmpi ne, %sign3A_348, %sign3A_355 : i32
      %rem3A_357 = arith.remsi %scan3A_339, %jit3A_340 : i32
      %ne3A_358 = arith.constant 0 : i32
      %ne3A_359 = arith.cmpi ne, %rem3A_357, %ne3A_358 : i32
      %and3A_360 = arith.andi %ne3A_356, %ne3A_359 : i1
      %sub3A_361 = arith.constant 1 : i32
      %sub3A_362 = arith.subi %div3A_341, %sub3A_361 : i32
      %select_n3A_363 = arith.select %and3A_360, %sub3A_362, %div3A_341 : i32
      %jit3A_364 = arith.constant 64 : i32
      %eq3A_365 = arith.constant 0 : i32
      %eq3A_366 = arith.cmpi eq, %jit3A_364, %eq3A_365 : i32
      %jit3A_367 = arith.constant 1 : i32
      %select_n3A_368 = arith.select %eq3A_366, %jit3A_367, %jit3A_364 : i32
      %rem3A_369 = arith.remsi %scan3A_339, %select_n3A_368 : i32
      %ne3A_370 = arith.constant 0 : i32
      %ne3A_371 = arith.cmpi ne, %rem3A_369, %ne3A_370 : i32
      %lt3A_372 = arith.constant 0 : i32
      %lt3A_373 = arith.cmpi slt, %rem3A_369, %lt3A_372 : i32
      %lt3A_374 = arith.constant 0 : i32
      %lt3A_375 = arith.cmpi slt, %select_n3A_368, %lt3A_374 : i32
      %ne3A_376 = arith.xori %lt3A_373, %lt3A_375 : i1
      %and3A_377 = arith.andi %ne3A_376, %ne3A_371 : i1
      %add3A_378 = arith.addi %rem3A_369, %select_n3A_368 : i32
      %select_n3A_379 = arith.select %and3A_377, %add3A_378, %rem3A_369 : i32
      %mul3A_380 = arith.constant 16 : i32
      %mul3A_381 = arith.muli %select_n3A_379, %mul3A_380 : i32
      %get3A_382 = arith.index_cast %select_n3A_363 : i32 to index
      %get3A_383 = arith.index_cast %mul3A_381 : i32 to index
      %get3A_384 = tpu.vector_load %arg9[%get3A_382, %get3A_383] {strides = array<i32>} : memref<16x1024xf32, #tpu.memory_space<vmem>>, vector<1x16xf32>,
      %get3A_385 = vector.shape_cast %get3A_384 : vector<1x16xf32> to vector<16xf32>
      %get3A_386 = arith.index_cast %select_n3A_363 : i32 to index
      %get3A_387 = arith.index_cast %mul3A_381 : i32 to index
      %get3A_388 = tpu.vector_load %arg10[%get3A_386, %get3A_387] {strides = array<i32>} : memref<16x1024xf32, #tpu.memory_space<vmem>>, vector<1x16xf32>,
      %get3A_389 = vector.shape_cast %get3A_388 : vector<1x16xf32> to vector<16xf32>
      %add3A_390 = arith.addf %get3A_385, %get3A_389 : vector<16xf32>
      %swap3A_391 = arith.index_cast %select_n3A_363 : i32 to index
      %swap3A_392 = arith.index_cast %mul3A_381 : i32 to index
      %swap3A_393 = tpu.vector_load %arg9[%swap3A_391, %swap3A_392] {strides = array<i32>} : memref<16x1024xf32, #tpu.memory_space<vmem>>, vector<1x16xf32>,
      %swap3A_394 = vector.shape_cast %swap3A_393 : vector<1x16xf32> to vector<16xf32>
      %swap3A_395 = vector.shape_cast %add3A_390 : vector<16xf32> to vector<1x16xf32>
      tpu.vector_store %arg9[%swap3A_391, %swap3A_392], %swap3A_395 {strides = array<i32>} : memref<16x1024xf32, #tpu.memory_space<vmem>>, vector<1x16xf32>,
      %scan3A_396 = arith.constant 0 : i32
      %scan3A_397 = arith.constant 3 : i32
      %scan3A_398 = arith.addi %scan3A_232, %scan3A_397 : i32
      %jit3A_399 = arith.constant 64 : i32
      %div3A_400 = arith.divsi %scan3A_398, %jit3A_399 : i32
      %sign3A_401 = arith.constant 0 : i32
      %sign3A_402 = arith.cmpi sgt, %scan3A_398, %sign3A_401 : i32
      %sign3A_403 = arith.extui %sign3A_402 : i1 to i32
      %sign3A_404 = arith.constant 0 : i32
      %sign3A_405 = arith.cmpi slt, %scan3A_398, %sign3A_404 : i32
      %sign3A_406 = arith.extui %sign3A_405 : i1 to i32
      %sign3A_407 = arith.subi %sign3A_403, %sign3A_406 : i32
      %sign3A_408 = arith.constant 0 : i32
      %sign3A_409 = arith.cmpi sgt, %jit3A_399, %sign3A_408 : i32
      %sign3A_410 = arith.extui %sign3A_409 : i1 to i32
      %sign3A_411 = arith.constant 0 : i32
      %sign3A_412 = arith.cmpi slt, %jit3A_399, %sign3A_411 : i32
      %sign3A_413 = arith.extui %sign3A_412 : i1 to i32
      %sign3A_414 = arith.subi %sign3A_410, %sign3A_413 : i32
      %ne3A_415 = arith.cmpi ne, %sign3A_407, %sign3A_414 : i32
      %rem3A_416 = arith.remsi %scan3A_398, %jit3A_399 : i32
      %ne3A_417 = arith.constant 0 : i32
      %ne3A_418 = arith.cmpi ne, %rem3A_416, %ne3A_417 : i32
      %and3A_419 = arith.andi %ne3A_415, %ne3A_418 : i1
      %sub3A_420 = arith.constant 1 : i32
      %sub3A_421 = arith.subi %div3A_400, %sub3A_420 : i32
      %select_n3A_422 = arith.select %and3A_419, %sub3A_421, %div3A_400 : i32
      %jit3A_423 = arith.constant 64 : i32
      %eq3A_424 = arith.constant 0 : i32
      %eq3A_425 = arith.cmpi eq, %jit3A_423, %eq3A_424 : i32
      %jit3A_426 = arith.constant 1 : i32
      %select_n3A_427 = arith.select %eq3A_425, %jit3A_426, %jit3A_423 : i32
      %rem3A_428 = arith.remsi %scan3A_398, %select_n3A_427 : i32
      %ne3A_429 = arith.constant 0 : i32
      %ne3A_430 = arith.cmpi ne, %rem3A_428, %ne3A_429 : i32
      %lt3A_431 = arith.constant 0 : i32
      %lt3A_432 = arith.cmpi slt, %rem3A_428, %lt3A_431 : i32
      %lt3A_433 = arith.constant 0 : i32
      %lt3A_434 = arith.cmpi slt, %select_n3A_427, %lt3A_433 : i32
      %ne3A_435 = arith.xori %lt3A_432, %lt3A_434 : i1
      %and3A_436 = arith.andi %ne3A_435, %ne3A_430 : i1
      %add3A_437 = arith.addi %rem3A_428, %select_n3A_427 : i32
      %select_n3A_438 = arith.select %and3A_436, %add3A_437, %rem3A_428 : i32
      %mul3A_439 = arith.constant 16 : i32
      %mul3A_440 = arith.muli %select_n3A_438, %mul3A_439 : i32
      %get3A_441 = arith.index_cast %select_n3A_422 : i32 to index
      %get3A_442 = arith.index_cast %mul3A_440 : i32 to index
      %get3A_443 = tpu.vector_load %arg9[%get3A_441, %get3A_442] {strides = array<i32>} : memref<16x1024xf32, #tpu.memory_space<vmem>>, vector<1x16xf32>,
      %get3A_444 = vector.shape_cast %get3A_443 : vector<1x16xf32> to vector<16xf32>
      %get3A_445 = arith.index_cast %select_n3A_422 : i32 to index
      %get3A_446 = arith.index_cast %mul3A_440 : i32 to index
      %get3A_447 = tpu.vector_load %arg10[%get3A_445, %get3A_446] {strides = array<i32>} : memref<16x1024xf32, #tpu.memory_space<vmem>>, vector<1x16xf32>,
      %get3A_448 = vector.shape_cast %get3A_447 : vector<1x16xf32> to vector<16xf32>
      %add3A_449 = arith.addf %get3A_444, %get3A_448 : vector<16xf32>
      %swap3A_450 = arith.index_cast %select_n3A_422 : i32 to index
      %swap3A_451 = arith.index_cast %mul3A_440 : i32 to index
      %swap3A_452 = tpu.vector_load %arg9[%swap3A_450, %swap3A_451] {strides = array<i32>} : memref<16x1024xf32, #tpu.memory_space<vmem>>, vector<1x16xf32>,
      %swap3A_453 = vector.shape_cast %swap3A_452 : vector<1x16xf32> to vector<16xf32>
      %swap3A_454 = vector.shape_cast %add3A_449 : vector<16xf32> to vector<1x16xf32>
      tpu.vector_store %arg9[%swap3A_450, %swap3A_451], %swap3A_454 {strides = array<i32>} : memref<16x1024xf32, #tpu.memory_space<vmem>>, vector<1x16xf32>,
      %scan3A_455 = arith.constant 0 : i32
      %scan3A_456 = arith.constant 4 : i32
      %scan3A_457 = arith.addi %scan3A_232, %scan3A_456 : i32
      %jit3A_458 = arith.constant 64 : i32
      %div3A_459 = arith.divsi %scan3A_457, %jit3A_458 : i32
      %sign3A_460 = arith.constant 0 : i32
      %sign3A_461 = arith.cmpi sgt, %scan3A_457, %sign3A_460 : i32
      %sign3A_462 = arith.extui %sign3A_461 : i1 to i32
      %sign3A_463 = arith.constant 0 : i32
      %sign3A_464 = arith.cmpi slt, %scan3A_457, %sign3A_463 : i32
      %sign3A_465 = arith.extui %sign3A_464 : i1 to i32
      %sign3A_466 = arith.subi %sign3A_462, %sign3A_465 : i32
      %sign3A_467 = arith.constant 0 : i32
      %sign3A_468 = arith.cmpi sgt, %jit3A_458, %sign3A_467 : i32
      %sign3A_469 = arith.extui %sign3A_468 : i1 to i32
      %sign3A_470 = arith.constant 0 : i32
      %sign3A_471 = arith.cmpi slt, %jit3A_458, %sign3A_470 : i32
      %sign3A_472 = arith.extui %sign3A_471 : i1 to i32
      %sign3A_473 = arith.subi %sign3A_469, %sign3A_472 : i32
      %ne3A_474 = arith.cmpi ne, %sign3A_466, %sign3A_473 : i32
      %rem3A_475 = arith.remsi %scan3A_457, %jit3A_458 : i32
      %ne3A_476 = arith.constant 0 : i32
      %ne3A_477 = arith.cmpi ne, %rem3A_475, %ne3A_476 : i32
      %and3A_478 = arith.andi %ne3A_474, %ne3A_477 : i1
      %sub3A_479 = arith.constant 1 : i32
      %sub3A_480 = arith.subi %div3A_459, %sub3A_479 : i32
      %select_n3A_481 = arith.select %and3A_478, %sub3A_480, %div3A_459 : i32
      %jit3A_482 = arith.constant 64 : i32
      %eq3A_483 = arith.constant 0 : i32
      %eq3A_484 = arith.cmpi eq, %jit3A_482, %eq3A_483 : i32
      %jit3A_485 = arith.constant 1 : i32
      %select_n3A_486 = arith.select %eq3A_484, %jit3A_485, %jit3A_482 : i32
      %rem3A_487 = arith.remsi %scan3A_457, %select_n3A_486 : i32
      %ne3A_488 = arith.constant 0 : i32
      %ne3A_489 = arith.cmpi ne, %rem3A_487, %ne3A_488 : i32
      %lt3A_490 = arith.constant 0 : i32
      %lt3A_491 = arith.cmpi slt, %rem3A_487, %lt3A_490 : i32
      %lt3A_492 = arith.constant 0 : i32
      %lt3A_493 = arith.cmpi slt, %select_n3A_486, %lt3A_492 : i32
      %ne3A_494 = arith.xori %lt3A_491, %lt3A_493 : i1
      %and3A_495 = arith.andi %ne3A_494, %ne3A_489 : i1
      %add3A_496 = arith.addi %rem3A_487, %select_n3A_486 : i32
      %select_n3A_497 = arith.select %and3A_495, %add3A_496, %rem3A_487 : i32
      %mul3A_498 = arith.constant 16 : i32
      %mul3A_499 = arith.muli %select_n3A_497, %mul3A_498 : i32
      %get3A_500 = arith.index_cast %select_n3A_481 : i32 to index
      %get3A_501 = arith.index_cast %mul3A_499 : i32 to index
      %get3A_502 = tpu.vector_load %arg9[%get3A_500, %get3A_501] {strides = array<i32>} : memref<16x1024xf32, #tpu.memory_space<vmem>>, vector<1x16xf32>,
      %get3A_503 = vector.shape_cast %get3A_502 : vector<1x16xf32> to vector<16xf32>
      %get3A_504 = arith.index_cast %select_n3A_481 : i32 to index
      %get3A_505 = arith.index_cast %mul3A_499 : i32 to index
      %get3A_506 = tpu.vector_load %arg10[%get3A_504, %get3A_505] {strides = array<i32>} : memref<16x1024xf32, #tpu.memory_space<vmem>>, vector<1x16xf32>,
      %get3A_507 = vector.shape_cast %get3A_506 : vector<1x16xf32> to vector<16xf32>
      %add3A_508 = arith.addf %get3A_503, %get3A_507 : vector<16xf32>
      %swap3A_509 = arith.index_cast %select_n3A_481 : i32 to index
      %swap3A_510 = arith.index_cast %mul3A_499 : i32 to index
      %swap3A_511 = tpu.vector_load %arg9[%swap3A_509, %swap3A_510] {strides = array<i32>} : memref<16x1024xf32, #tpu.memory_space<vmem>>, vector<1x16xf32>,
      %swap3A_512 = vector.shape_cast %swap3A_511 : vector<1x16xf32> to vector<16xf32>
      %swap3A_513 = vector.shape_cast %add3A_508 : vector<16xf32> to vector<1x16xf32>
      tpu.vector_store %arg9[%swap3A_509, %swap3A_510], %swap3A_513 {strides = array<i32>} : memref<16x1024xf32, #tpu.memory_space<vmem>>, vector<1x16xf32>,
      %scan3A_514 = arith.constant 0 : i32
      %scan3A_515 = arith.constant 5 : i32
      %scan3A_516 = arith.addi %scan3A_232, %scan3A_515 : i32
      %jit3A_517 = arith.constant 64 : i32
      %div3A_518 = arith.divsi %scan3A_516, %jit3A_517 : i32
      %sign3A_519 = arith.constant 0 : i32
      %sign3A_520 = arith.cmpi sgt, %scan3A_516, %sign3A_519 : i32
      %sign3A_521 = arith.extui %sign3A_520 : i1 to i32
      %sign3A_522 = arith.constant 0 : i32
      %sign3A_523 = arith.cmpi slt, %scan3A_516, %sign3A_522 : i32
      %sign3A_524 = arith.extui %sign3A_523 : i1 to i32
      %sign3A_525 = arith.subi %sign3A_521, %sign3A_524 : i32
      %sign3A_526 = arith.constant 0 : i32
      %sign3A_527 = arith.cmpi sgt, %jit3A_517, %sign3A_526 : i32
      %sign3A_528 = arith.extui %sign3A_527 : i1 to i32
      %sign3A_529 = arith.constant 0 : i32
      %sign3A_530 = arith.cmpi slt, %jit3A_517, %sign3A_529 : i32
      %sign3A_531 = arith.extui %sign3A_530 : i1 to i32
      %sign3A_532 = arith.subi %sign3A_528, %sign3A_531 : i32
      %ne3A_533 = arith.cmpi ne, %sign3A_525, %sign3A_532 : i32
      %rem3A_534 = arith.remsi %scan3A_516, %jit3A_517 : i32
      %ne3A_535 = arith.constant 0 : i32
      %ne3A_536 = arith.cmpi ne, %rem3A_534, %ne3A_535 : i32
      %and3A_537 = arith.andi %ne3A_533, %ne3A_536 : i1
      %sub3A_538 = arith.constant 1 : i32
      %sub3A_539 = arith.subi %div3A_518, %sub3A_538 : i32
      %select_n3A_540 = arith.select %and3A_537, %sub3A_539, %div3A_518 : i32
      %jit3A_541 = arith.constant 64 : i32
      %eq3A_542 = arith.constant 0 : i32
      %eq3A_543 = arith.cmpi eq, %jit3A_541, %eq3A_542 : i32
      %jit3A_544 = arith.constant 1 : i32
      %select_n3A_545 = arith.select %eq3A_543, %jit3A_544, %jit3A_541 : i32
      %rem3A_546 = arith.remsi %scan3A_516, %select_n3A_545 : i32
      %ne3A_547 = arith.constant 0 : i32
      %ne3A_548 = arith.cmpi ne, %rem3A_546, %ne3A_547 : i32
      %lt3A_549 = arith.constant 0 : i32
      %lt3A_550 = arith.cmpi slt, %rem3A_546, %lt3A_549 : i32
      %lt3A_551 = arith.constant 0 : i32
      %lt3A_552 = arith.cmpi slt, %select_n3A_545, %lt3A_551 : i32
      %ne3A_553 = arith.xori %lt3A_550, %lt3A_552 : i1
      %and3A_554 = arith.andi %ne3A_553, %ne3A_548 : i1
      %add3A_555 = arith.addi %rem3A_546, %select_n3A_545 : i32
      %select_n3A_556 = arith.select %and3A_554, %add3A_555, %rem3A_546 : i32
      %mul3A_557 = arith.constant 16 : i32
      %mul3A_558 = arith.muli %select_n3A_556, %mul3A_557 : i32
      %get3A_559 = arith.index_cast %select_n3A_540 : i32 to index
      %get3A_560 = arith.index_cast %mul3A_558 : i32 to index
      %get3A_561 = tpu.vector_load %arg9[%get3A_559, %get3A_560] {strides = array<i32>} : memref<16x1024xf32, #tpu.memory_space<vmem>>, vector<1x16xf32>,
      %get3A_562 = vector.shape_cast %get3A_561 : vector<1x16xf32> to vector<16xf32>
      %get3A_563 = arith.index_cast %select_n3A_540 : i32 to index
      %get3A_564 = arith.index_cast %mul3A_558 : i32 to index
      %get3A_565 = tpu.vector_load %arg10[%get3A_563, %get3A_564] {strides = array<i32>} : memref<16x1024xf32, #tpu.memory_space<vmem>>, vector<1x16xf32>,
      %get3A_566 = vector.shape_cast %get3A_565 : vector<1x16xf32> to vector<16xf32>
      %add3A_567 = arith.addf %get3A_562, %get3A_566 : vector<16xf32>
      %swap3A_568 = arith.index_cast %select_n3A_540 : i32 to index
      %swap3A_569 = arith.index_cast %mul3A_558 : i32 to index
      %swap3A_570 = tpu.vector_load %arg9[%swap3A_568, %swap3A_569] {strides = array<i32>} : memref<16x1024xf32, #tpu.memory_space<vmem>>, vector<1x16xf32>,
      %swap3A_571 = vector.shape_cast %swap3A_570 : vector<1x16xf32> to vector<16xf32>
      %swap3A_572 = vector.shape_cast %add3A_567 : vector<16xf32> to vector<1x16xf32>
      tpu.vector_store %arg9[%swap3A_568, %swap3A_569], %swap3A_572 {strides = array<i32>} : memref<16x1024xf32, #tpu.memory_space<vmem>>, vector<1x16xf32>,
      %scan3A_573 = arith.constant 0 : i32
      %scan3A_574 = arith.constant 6 : i32
      %scan3A_575 = arith.addi %scan3A_232, %scan3A_574 : i32
      %jit3A_576 = arith.constant 64 : i32
      %div3A_577 = arith.divsi %scan3A_575, %jit3A_576 : i32
      %sign3A_578 = arith.constant 0 : i32
      %sign3A_579 = arith.cmpi sgt, %scan3A_575, %sign3A_578 : i32
      %sign3A_580 = arith.extui %sign3A_579 : i1 to i32
      %sign3A_581 = arith.constant 0 : i32
      %sign3A_582 = arith.cmpi slt, %scan3A_575, %sign3A_581 : i32
      %sign3A_583 = arith.extui %sign3A_582 : i1 to i32
      %sign3A_584 = arith.subi %sign3A_580, %sign3A_583 : i32
      %sign3A_585 = arith.constant 0 : i32
      %sign3A_586 = arith.cmpi sgt, %jit3A_576, %sign3A_585 : i32
      %sign3A_587 = arith.extui %sign3A_586 : i1 to i32
      %sign3A_588 = arith.constant 0 : i32
      %sign3A_589 = arith.cmpi slt, %jit3A_576, %sign3A_588 : i32
      %sign3A_590 = arith.extui %sign3A_589 : i1 to i32
      %sign3A_591 = arith.subi %sign3A_587, %sign3A_590 : i32
      %ne3A_592 = arith.cmpi ne, %sign3A_584, %sign3A_591 : i32
      %rem3A_593 = arith.remsi %scan3A_575, %jit3A_576 : i32
      %ne3A_594 = arith.constant 0 : i32
      %ne3A_595 = arith.cmpi ne, %rem3A_593, %ne3A_594 : i32
      %and3A_596 = arith.andi %ne3A_592, %ne3A_595 : i1
      %sub3A_597 = arith.constant 1 : i32
      %sub3A_598 = arith.subi %div3A_577, %sub3A_597 : i32
      %select_n3A_599 = arith.select %and3A_596, %sub3A_598, %div3A_577 : i32
      %jit3A_600 = arith.constant 64 : i32
      %eq3A_601 = arith.constant 0 : i32
      %eq3A_602 = arith.cmpi eq, %jit3A_600, %eq3A_601 : i32
      %jit3A_603 = arith.constant 1 : i32
      %select_n3A_604 = arith.select %eq3A_602, %jit3A_603, %jit3A_600 : i32
      %rem3A_605 = arith.remsi %scan3A_575, %select_n3A_604 : i32
      %ne3A_606 = arith.constant 0 : i32
      %ne3A_607 = arith.cmpi ne, %rem3A_605, %ne3A_606 : i32
      %lt3A_608 = arith.constant 0 : i32
      %lt3A_609 = arith.cmpi slt, %rem3A_605, %lt3A_608 : i32
      %lt3A_610 = arith.constant 0 : i32
      %lt3A_611 = arith.cmpi slt, %select_n3A_604, %lt3A_610 : i32
      %ne3A_612 = arith.xori %lt3A_609, %lt3A_611 : i1
      %and3A_613 = arith.andi %ne3A_612, %ne3A_607 : i1
      %add3A_614 = arith.addi %rem3A_605, %select_n3A_604 : i32
      %select_n3A_615 = arith.select %and3A_613, %add3A_614, %rem3A_605 : i32
      %mul3A_616 = arith.constant 16 : i32
      %mul3A_617 = arith.muli %select_n3A_615, %mul3A_616 : i32
      %get3A_618 = arith.index_cast %select_n3A_599 : i32 to index
      %get3A_619 = arith.index_cast %mul3A_617 : i32 to index
      %get3A_620 = tpu.vector_load %arg9[%get3A_618, %get3A_619] {strides = array<i32>} : memref<16x1024xf32, #tpu.memory_space<vmem>>, vector<1x16xf32>,
      %get3A_621 = vector.shape_cast %get3A_620 : vector<1x16xf32> to vector<16xf32>
      %get3A_622 = arith.index_cast %select_n3A_599 : i32 to index
      %get3A_623 = arith.index_cast %mul3A_617 : i32 to index
      %get3A_624 = tpu.vector_load %arg10[%get3A_622, %get3A_623] {strides = array<i32>} : memref<16x1024xf32, #tpu.memory_space<vmem>>, vector<1x16xf32>,
      %get3A_625 = vector.shape_cast %get3A_624 : vector<1x16xf32> to vector<16xf32>
      %add3A_626 = arith.addf %get3A_621, %get3A_625 : vector<16xf32>
      %swap3A_627 = arith.index_cast %select_n3A_599 : i32 to index
      %swap3A_628 = arith.index_cast %mul3A_617 : i32 to index
      %swap3A_629 = tpu.vector_load %arg9[%swap3A_627, %swap3A_628] {strides = array<i32>} : memref<16x1024xf32, #tpu.memory_space<vmem>>, vector<1x16xf32>,
      %swap3A_630 = vector.shape_cast %swap3A_629 : vector<1x16xf32> to vector<16xf32>
      %swap3A_631 = vector.shape_cast %add3A_626 : vector<16xf32> to vector<1x16xf32>
      tpu.vector_store %arg9[%swap3A_627, %swap3A_628], %swap3A_631 {strides = array<i32>} : memref<16x1024xf32, #tpu.memory_space<vmem>>, vector<1x16xf32>,
      %scan3A_632 = arith.constant 0 : i32
      %scan3A_633 = arith.constant 7 : i32
      %scan3A_634 = arith.addi %scan3A_232, %scan3A_633 : i32
      %jit3A_635 = arith.constant 64 : i32
      %div3A_636 = arith.divsi %scan3A_634, %jit3A_635 : i32
      %sign3A_637 = arith.constant 0 : i32
      %sign3A_638 = arith.cmpi sgt, %scan3A_634, %sign3A_637 : i32
      %sign3A_639 = arith.extui %sign3A_638 : i1 to i32
      %sign3A_640 = arith.constant 0 : i32
      %sign3A_641 = arith.cmpi slt, %scan3A_634, %sign3A_640 : i32
      %sign3A_642 = arith.extui %sign3A_641 : i1 to i32
      %sign3A_643 = arith.subi %sign3A_639, %sign3A_642 : i32
      %sign3A_644 = arith.constant 0 : i32
      %sign3A_645 = arith.cmpi sgt, %jit3A_635, %sign3A_644 : i32
      %sign3A_646 = arith.extui %sign3A_645 : i1 to i32
      %sign3A_647 = arith.constant 0 : i32
      %sign3A_648 = arith.cmpi slt, %jit3A_635, %sign3A_647 : i32
      %sign3A_649 = arith.extui %sign3A_648 : i1 to i32
      %sign3A_650 = arith.subi %sign3A_646, %sign3A_649 : i32
      %ne3A_651 = arith.cmpi ne, %sign3A_643, %sign3A_650 : i32
      %rem3A_652 = arith.remsi %scan3A_634, %jit3A_635 : i32
      %ne3A_653 = arith.constant 0 : i32
      %ne3A_654 = arith.cmpi ne, %rem3A_652, %ne3A_653 : i32
      %and3A_655 = arith.andi %ne3A_651, %ne3A_654 : i1
      %sub3A_656 = arith.constant 1 : i32
      %sub3A_657 = arith.subi %div3A_636, %sub3A_656 : i32
      %select_n3A_658 = arith.select %and3A_655, %sub3A_657, %div3A_636 : i32
      %jit3A_659 = arith.constant 64 : i32
      %eq3A_660 = arith.constant 0 : i32
      %eq3A_661 = arith.cmpi eq, %jit3A_659, %eq3A_660 : i32
      %jit3A_662 = arith.constant 1 : i32
      %select_n3A_663 = arith.select %eq3A_661, %jit3A_662, %jit3A_659 : i32
      %rem3A_664 = arith.remsi %scan3A_634, %select_n3A_663 : i32
      %ne3A_665 = arith.constant 0 : i32
      %ne3A_666 = arith.cmpi ne, %rem3A_664, %ne3A_665 : i32
      %lt3A_667 = arith.constant 0 : i32
      %lt3A_668 = arith.cmpi slt, %rem3A_664, %lt3A_667 : i32
      %lt3A_669 = arith.constant 0 : i32
      %lt3A_670 = arith.cmpi slt, %select_n3A_663, %lt3A_669 : i32
      %ne3A_671 = arith.xori %lt3A_668, %lt3A_670 : i1
      %and3A_672 = arith.andi %ne3A_671, %ne3A_666 : i1
      %add3A_673 = arith.addi %rem3A_664, %select_n3A_663 : i32
      %select_n3A_674 = arith.select %and3A_672, %add3A_673, %rem3A_664 : i32
      %mul3A_675 = arith.constant 16 : i32
      %mul3A_676 = arith.muli %select_n3A_674, %mul3A_675 : i32
      %get3A_677 = arith.index_cast %select_n3A_658 : i32 to index
      %get3A_678 = arith.index_cast %mul3A_676 : i32 to index
      %get3A_679 = tpu.vector_load %arg9[%get3A_677, %get3A_678] {strides = array<i32>} : memref<16x1024xf32, #tpu.memory_space<vmem>>, vector<1x16xf32>,
      %get3A_680 = vector.shape_cast %get3A_679 : vector<1x16xf32> to vector<16xf32>
      %get3A_681 = arith.index_cast %select_n3A_658 : i32 to index
      %get3A_682 = arith.index_cast %mul3A_676 : i32 to index
      %get3A_683 = tpu.vector_load %arg10[%get3A_681, %get3A_682] {strides = array<i32>} : memref<16x1024xf32, #tpu.memory_space<vmem>>, vector<1x16xf32>,
      %get3A_684 = vector.shape_cast %get3A_683 : vector<1x16xf32> to vector<16xf32>
      %add3A_685 = arith.addf %get3A_680, %get3A_684 : vector<16xf32>
      %swap3A_686 = arith.index_cast %select_n3A_658 : i32 to index
      %swap3A_687 = arith.index_cast %mul3A_676 : i32 to index
      %swap3A_688 = tpu.vector_load %arg9[%swap3A_686, %swap3A_687] {strides = array<i32>} : memref<16x1024xf32, #tpu.memory_space<vmem>>, vector<1x16xf32>,
      %swap3A_689 = vector.shape_cast %swap3A_688 : vector<1x16xf32> to vector<16xf32>
      %swap3A_690 = vector.shape_cast %add3A_685 : vector<16xf32> to vector<1x16xf32>
      tpu.vector_store %arg9[%swap3A_686, %swap3A_687], %swap3A_690 {strides = array<i32>} : memref<16x1024xf32, #tpu.memory_space<vmem>>, vector<1x16xf32>,
      %scan3A_691 = arith.constant 0 : i32
      scf.yield %scan3A_691 : i32
    }
    %scan3A_222 = arith.constant 1024 : i32
    %dma_start3A_223 = arith.constant 0 : i32
    %dma_start3A_224 = arith.constant 0 : i32
    %dma_start3A_225 = tpu.memref_slice %arg2[%dma_start3A_223, %dma_start3A_224] : memref<16384x1024xf32, #tpu.memory_space<hbm>> -> memref<16384x1024xf32, #tpu.memory_space<hbm>>
    tpu.enqueue_indirect_dma source(%arg9 : memref<16x1024xf32, #tpu.memory_space<vmem>>) target(%dma_start3A_225 : memref<16384x1024xf32, #tpu.memory_space<hbm>>) offsets(%arg11 : memref<16xi32, #tpu.memory_space<vmem>>) semaphore(%arg17 : memref<!tpu.dma_semaphore, #tpu.memory_space<semaphore_mem>>)
    %dma_wait3A_226 = arith.constant 0 : i32
    %dma_wait3A_227 = arith.constant 0 : i32
    %dma_wait3A_228 = tpu.memref_slice %arg2[%dma_wait3A_226, %dma_wait3A_227] : memref<16384x1024xf32, #tpu.memory_space<hbm>> -> memref<16384x1024xf32, #tpu.memory_space<hbm>>
    tpu.wait_indirect_dma semaphore(%arg14 : memref<!tpu.dma_semaphore, #tpu.memory_space<semaphore_mem>>) src(%arg6 : memref<16x1024xf32, #tpu.memory_space<vmem>>) dst(%dma_wait3A_228 : memref<16384x1024xf32, #tpu.memory_space<hbm>>)
    %dma_wait3A_229 = arith.constant 0 : i32
    %dma_wait3A_230 = arith.constant 0 : i32
    %dma_wait3A_231 = tpu.memref_slice %arg2[%dma_wait3A_229, %dma_wait3A_230] : memref<16384x1024xf32, #tpu.memory_space<hbm>> -> memref<16384x1024xf32, #tpu.memory_space<hbm>>
    tpu.wait_indirect_dma semaphore(%arg17 : memref<!tpu.dma_semaphore, #tpu.memory_space<semaphore_mem>>) src(%arg9 : memref<16x1024xf32, #tpu.memory_space<vmem>>) dst(%dma_wait3A_231 : memref<16384x1024xf32, #tpu.memory_space<hbm>>)
    return
  }
}

#map = affine_map<(d0, d1) -> (0)>
module attributes {stable_mosaic.version = 14 : i64} {
  func.func @_topk_body(%arg0: i32, %arg1: i32, %arg2: memref<16384xf32, #tpu.memory_space<hbm>>, %arg3: memref<4096xi32, #tpu.memory_space<hbm>>, %arg4: memref<4096xf32, #tpu.memory_space<vmem>>, %arg5: memref<4096xi32, #tpu.memory_space<vmem>>, %arg6: memref<1024xi32, #tpu.memory_space<vmem>>) attributes {dimension_semantics = [#tpu.dimension_semantics<core_parallel>, #tpu.dimension_semantics<subcore_parallel>], iteration_bounds = array<i64: 2, 16>, scalar_prefetch = 0 : i64, scratch_operands = 3 : i64, tpu.core_type = #tpu.core_type<sc_vector_subcore>, window_params = [{transform_indices = #map}, {transform_indices = #map}]} {
    %mul3A = arith.constant 2 : i32
    %mul3A_0 = arith.muli %arg1, %mul3A : i32
    %add3A = arith.addi %mul3A_0, %arg0 : i32
    %lt3A = arith.constant 4 : i32
    %lt3A_1 = arith.cmpi slt, %add3A, %lt3A : i32
    %convert_element_type3A = arith.extui %lt3A_1 : i1 to i32
    %cond3A = arith.constant 0 : i32
    %cond3A_2 = arith.cmpi ne, %convert_element_type3A, %cond3A : i32
    scf.if %cond3A_2 {
      %mul3A_3 = arith.constant 4096 : i32
      %mul3A_4 = arith.muli %add3A, %mul3A_3 : i32
      "tpu.region"() ({
        %run_scoped3A = tpu.sem_alloc : memref<!tpu.dma_semaphore, #tpu.memory_space<semaphore_mem>>
        %dma_start3A = tpu.memref_slice %arg2[%mul3A_4] : memref<16384xf32, #tpu.memory_space<hbm>> -> memref<4096xf32, #tpu.memory_space<hbm>>
        %dma_start3A_36 = tpu.memref_slice %arg2[%mul3A_4] : memref<16384xf32, #tpu.memory_space<hbm>> -> memref<4096xf32, #tpu.memory_space<hbm>>
        tpu.enqueue_dma source(%dma_start3A_36 : memref<4096xf32, #tpu.memory_space<hbm>>) target(%arg4 : memref<4096xf32, #tpu.memory_space<vmem>>) target_semaphore(%run_scoped3A : memref<!tpu.dma_semaphore, #tpu.memory_space<semaphore_mem>>)
        %dma_wait3A = tpu.memref_slice %arg2[%mul3A_4] : memref<16384xf32, #tpu.memory_space<hbm>> -> memref<4096xf32, #tpu.memory_space<hbm>>
        %dma_wait3A_37 = tpu.memref_slice %arg2[%mul3A_4] : memref<16384xf32, #tpu.memory_space<hbm>> -> memref<4096xf32, #tpu.memory_space<hbm>>
        tpu.wait_dma2 semaphore(%run_scoped3A : memref<!tpu.dma_semaphore, #tpu.memory_space<semaphore_mem>>) src(%dma_wait3A_37 : memref<4096xf32, #tpu.memory_space<hbm>>) dst(%arg4 : memref<4096xf32, #tpu.memory_space<vmem>>)
        tpu.yield
      }) : () -> ()
      %scan3A = arith.constant 0 : i32
      %scan3A_5 = arith.constant 0 : i32
      %scan3A_6 = arith.constant 256 : i32
      %scan3A_7 = arith.addi %scan3A_5, %scan3A_6 : i32
      %scan3A_8 = arith.constant 4 : i32
      %scan3A_9 = scf.for %scan3A_36 = %scan3A_5 to %scan3A_7 step %scan3A_8 iter_args(%scan3A_37 = %scan3A) -> (i32)  : i32 {
        %mul3A_38 = arith.constant 16 : i32
        %mul3A_39 = arith.muli %scan3A_36, %mul3A_38 : i32
        %get3A = arith.index_cast %mul3A_39 : i32 to index
        %get3A_40 = tpu.vector_load %arg4[%get3A] {strides = array<i32>} : memref<4096xf32, #tpu.memory_space<vmem>>, vector<16xf32>,
        %bitcast_convert_type3A = tpu.bitcast %get3A_40 : vector<16xf32> -> vector<16xi32>
        %shift_right_logical3A = arith.constant 31 : i32
        %shift_right_logical3A_41 = vector.broadcast %shift_right_logical3A : i32 to vector<16xi32>
        %shift_right_logical3A_42 = arith.shrui %bitcast_convert_type3A, %shift_right_logical3A_41 : vector<16xi32>
        %ne3A = arith.constant 0 : i32
        %ne3A_43 = vector.broadcast %ne3A : i32 to vector<16xi32>
        %ne3A_44 = arith.cmpi ne, %shift_right_logical3A_42, %ne3A_43 : vector<16xi32>
        %not3A = arith.constant dense<-1> : vector<16xi32>
        %not3A_45 = arith.xori %bitcast_convert_type3A, %not3A : vector<16xi32>
        %or3A = arith.constant -2147483648 : i32
        %or3A_46 = vector.broadcast %or3A : i32 to vector<16xi32>
        %or3A_47 = arith.ori %bitcast_convert_type3A, %or3A_46 : vector<16xi32>
        %select_n3A = arith.select %ne3A_44, %not3A_45, %or3A_47 : vector<16xi1>, vector<16xi32>
        %mul3A_48 = arith.constant 16 : i32
        %mul3A_49 = arith.muli %scan3A_36, %mul3A_48 : i32
        %swap3A = arith.index_cast %mul3A_49 : i32 to index
        %swap3A_50 = tpu.vector_load %arg5[%swap3A] {strides = array<i32>} : memref<4096xi32, #tpu.memory_space<vmem>>, vector<16xi32>,
        tpu.vector_store %arg5[%swap3A], %select_n3A {strides = array<i32>} : memref<4096xi32, #tpu.memory_space<vmem>>, vector<16xi32>,
        %scan3A_51 = arith.constant 0 : i32
        %scan3A_52 = arith.constant 1 : i32
        %scan3A_53 = arith.addi %scan3A_36, %scan3A_52 : i32
        %mul3A_54 = arith.constant 16 : i32
        %mul3A_55 = arith.muli %scan3A_53, %mul3A_54 : i32
        %get3A_56 = arith.index_cast %mul3A_55 : i32 to index
        %get3A_57 = tpu.vector_load %arg4[%get3A_56] {strides = array<i32>} : memref<4096xf32, #tpu.memory_space<vmem>>, vector<16xf32>,
        %bitcast_convert_type3A_58 = tpu.bitcast %get3A_57 : vector<16xf32> -> vector<16xi32>
        %shift_right_logical3A_59 = arith.constant 31 : i32
        %shift_right_logical3A_60 = vector.broadcast %shift_right_logical3A_59 : i32 to vector<16xi32>
        %shift_right_logical3A_61 = arith.shrui %bitcast_convert_type3A_58, %shift_right_logical3A_60 : vector<16xi32>
        %ne3A_62 = arith.constant 0 : i32
        %ne3A_63 = vector.broadcast %ne3A_62 : i32 to vector<16xi32>
        %ne3A_64 = arith.cmpi ne, %shift_right_logical3A_61, %ne3A_63 : vector<16xi32>
        %not3A_65 = arith.constant dense<-1> : vector<16xi32>
        %not3A_66 = arith.xori %bitcast_convert_type3A_58, %not3A_65 : vector<16xi32>
        %or3A_67 = arith.constant -2147483648 : i32
        %or3A_68 = vector.broadcast %or3A_67 : i32 to vector<16xi32>
        %or3A_69 = arith.ori %bitcast_convert_type3A_58, %or3A_68 : vector<16xi32>
        %select_n3A_70 = arith.select %ne3A_64, %not3A_66, %or3A_69 : vector<16xi1>, vector<16xi32>
        %mul3A_71 = arith.constant 16 : i32
        %mul3A_72 = arith.muli %scan3A_53, %mul3A_71 : i32
        %swap3A_73 = arith.index_cast %mul3A_72 : i32 to index
        %swap3A_74 = tpu.vector_load %arg5[%swap3A_73] {strides = array<i32>} : memref<4096xi32, #tpu.memory_space<vmem>>, vector<16xi32>,
        tpu.vector_store %arg5[%swap3A_73], %select_n3A_70 {strides = array<i32>} : memref<4096xi32, #tpu.memory_space<vmem>>, vector<16xi32>,
        %scan3A_75 = arith.constant 0 : i32
        %scan3A_76 = arith.constant 2 : i32
        %scan3A_77 = arith.addi %scan3A_36, %scan3A_76 : i32
        %mul3A_78 = arith.constant 16 : i32
        %mul3A_79 = arith.muli %scan3A_77, %mul3A_78 : i32
        %get3A_80 = arith.index_cast %mul3A_79 : i32 to index
        %get3A_81 = tpu.vector_load %arg4[%get3A_80] {strides = array<i32>} : memref<4096xf32, #tpu.memory_space<vmem>>, vector<16xf32>,
        %bitcast_convert_type3A_82 = tpu.bitcast %get3A_81 : vector<16xf32> -> vector<16xi32>
        %shift_right_logical3A_83 = arith.constant 31 : i32
        %shift_right_logical3A_84 = vector.broadcast %shift_right_logical3A_83 : i32 to vector<16xi32>
        %shift_right_logical3A_85 = arith.shrui %bitcast_convert_type3A_82, %shift_right_logical3A_84 : vector<16xi32>
        %ne3A_86 = arith.constant 0 : i32
        %ne3A_87 = vector.broadcast %ne3A_86 : i32 to vector<16xi32>
        %ne3A_88 = arith.cmpi ne, %shift_right_logical3A_85, %ne3A_87 : vector<16xi32>
        %not3A_89 = arith.constant dense<-1> : vector<16xi32>
        %not3A_90 = arith.xori %bitcast_convert_type3A_82, %not3A_89 : vector<16xi32>
        %or3A_91 = arith.constant -2147483648 : i32
        %or3A_92 = vector.broadcast %or3A_91 : i32 to vector<16xi32>
        %or3A_93 = arith.ori %bitcast_convert_type3A_82, %or3A_92 : vector<16xi32>
        %select_n3A_94 = arith.select %ne3A_88, %not3A_90, %or3A_93 : vector<16xi1>, vector<16xi32>
        %mul3A_95 = arith.constant 16 : i32
        %mul3A_96 = arith.muli %scan3A_77, %mul3A_95 : i32
        %swap3A_97 = arith.index_cast %mul3A_96 : i32 to index
        %swap3A_98 = tpu.vector_load %arg5[%swap3A_97] {strides = array<i32>} : memref<4096xi32, #tpu.memory_space<vmem>>, vector<16xi32>,
        tpu.vector_store %arg5[%swap3A_97], %select_n3A_94 {strides = array<i32>} : memref<4096xi32, #tpu.memory_space<vmem>>, vector<16xi32>,
        %scan3A_99 = arith.constant 0 : i32
        %scan3A_100 = arith.constant 3 : i32
        %scan3A_101 = arith.addi %scan3A_36, %scan3A_100 : i32
        %mul3A_102 = arith.constant 16 : i32
        %mul3A_103 = arith.muli %scan3A_101, %mul3A_102 : i32
        %get3A_104 = arith.index_cast %mul3A_103 : i32 to index
        %get3A_105 = tpu.vector_load %arg4[%get3A_104] {strides = array<i32>} : memref<4096xf32, #tpu.memory_space<vmem>>, vector<16xf32>,
        %bitcast_convert_type3A_106 = tpu.bitcast %get3A_105 : vector<16xf32> -> vector<16xi32>
        %shift_right_logical3A_107 = arith.constant 31 : i32
        %shift_right_logical3A_108 = vector.broadcast %shift_right_logical3A_107 : i32 to vector<16xi32>
        %shift_right_logical3A_109 = arith.shrui %bitcast_convert_type3A_106, %shift_right_logical3A_108 : vector<16xi32>
        %ne3A_110 = arith.constant 0 : i32
        %ne3A_111 = vector.broadcast %ne3A_110 : i32 to vector<16xi32>
        %ne3A_112 = arith.cmpi ne, %shift_right_logical3A_109, %ne3A_111 : vector<16xi32>
        %not3A_113 = arith.constant dense<-1> : vector<16xi32>
        %not3A_114 = arith.xori %bitcast_convert_type3A_106, %not3A_113 : vector<16xi32>
        %or3A_115 = arith.constant -2147483648 : i32
        %or3A_116 = vector.broadcast %or3A_115 : i32 to vector<16xi32>
        %or3A_117 = arith.ori %bitcast_convert_type3A_106, %or3A_116 : vector<16xi32>
        %select_n3A_118 = arith.select %ne3A_112, %not3A_114, %or3A_117 : vector<16xi1>, vector<16xi32>
        %mul3A_119 = arith.constant 16 : i32
        %mul3A_120 = arith.muli %scan3A_101, %mul3A_119 : i32
        %swap3A_121 = arith.index_cast %mul3A_120 : i32 to index
        %swap3A_122 = tpu.vector_load %arg5[%swap3A_121] {strides = array<i32>} : memref<4096xi32, #tpu.memory_space<vmem>>, vector<16xi32>,
        tpu.vector_store %arg5[%swap3A_121], %select_n3A_118 {strides = array<i32>} : memref<4096xi32, #tpu.memory_space<vmem>>, vector<16xi32>,
        %scan3A_123 = arith.constant 0 : i32
        scf.yield %scan3A_123 : i32
      }
      %scan3A_10 = arith.constant 256 : i32
      %broadcast_in_dim3A = arith.constant 0 : i32
      %broadcast_in_dim3A_11 = vector.broadcast %broadcast_in_dim3A : i32 to vector<16xi32>
      %broadcast_in_dim3A_12 = arith.constant -2147483648 : i32
      %broadcast_in_dim3A_13 = vector.broadcast %broadcast_in_dim3A_12 : i32 to vector<16xi32>
      %scan3A_14 = arith.constant 0 : i32
      %scan3A_15 = arith.constant 32 : i32
      %scan3A_16 = arith.addi %scan3A_14, %scan3A_15 : i32
      %scan3A_17 = arith.constant 1 : i32
      %scan3A_18:2 = scf.for %scan3A_36 = %scan3A_14 to %scan3A_16 step %scan3A_17 iter_args(%scan3A_37 = %broadcast_in_dim3A_11, %scan3A_38 = %broadcast_in_dim3A_13) -> (vector<16xi32>, vector<16xi32>)  : i32 {
        %or3A = arith.ori %scan3A_37, %scan3A_38 : vector<16xi32>
        %broadcast_in_dim3A_39 = arith.constant 0 : i32
        %broadcast_in_dim3A_40 = vector.broadcast %broadcast_in_dim3A_39 : i32 to vector<16xi32>
        %scan3A_41 = arith.constant 0 : i32
        %scan3A_42 = arith.constant 256 : i32
        %scan3A_43 = arith.addi %scan3A_41, %scan3A_42 : i32
        %scan3A_44 = arith.constant 8 : i32
        %scan3A_45 = scf.for %scan3A_55 = %scan3A_41 to %scan3A_43 step %scan3A_44 iter_args(%scan3A_56 = %broadcast_in_dim3A_40) -> (vector<16xi32>)  : i32 {
          %mul3A_57 = arith.constant 16 : i32
          %mul3A_58 = arith.muli %scan3A_55, %mul3A_57 : i32
          %get3A = arith.index_cast %mul3A_58 : i32 to index
          %get3A_59 = tpu.vector_load %arg5[%get3A] {strides = array<i32>} : memref<4096xi32, #tpu.memory_space<vmem>>, vector<16xi32>,
          %ge3A_60 = arith.cmpi uge, %get3A_59, %or3A : vector<16xi32>
          %jit3A = arith.constant 1 : i32
          %jit3A_61 = arith.constant 0 : i32
          %broadcast_in_dim3A_62 = vector.broadcast %jit3A : i32 to vector<16xi32>
          %broadcast_in_dim3A_63 = vector.broadcast %jit3A_61 : i32 to vector<16xi32>
          %select_n3A_64 = arith.select %ge3A_60, %broadcast_in_dim3A_62, %broadcast_in_dim3A_63 : vector<16xi1>, vector<16xi32>
          %add3A_65 = arith.addi %scan3A_56, %select_n3A_64 : vector<16xi32>
          %scan3A_66 = arith.constant 1 : i32
          %scan3A_67 = arith.addi %scan3A_55, %scan3A_66 : i32
          %mul3A_68 = arith.constant 16 : i32
          %mul3A_69 = arith.muli %scan3A_67, %mul3A_68 : i32
          %get3A_70 = arith.index_cast %mul3A_69 : i32 to index
          %get3A_71 = tpu.vector_load %arg5[%get3A_70] {strides = array<i32>} : memref<4096xi32, #tpu.memory_space<vmem>>, vector<16xi32>,
          %ge3A_72 = arith.cmpi uge, %get3A_71, %or3A : vector<16xi32>
          %jit3A_73 = arith.constant 1 : i32
          %jit3A_74 = arith.constant 0 : i32
          %broadcast_in_dim3A_75 = vector.broadcast %jit3A_73 : i32 to vector<16xi32>
          %broadcast_in_dim3A_76 = vector.broadcast %jit3A_74 : i32 to vector<16xi32>
          %select_n3A_77 = arith.select %ge3A_72, %broadcast_in_dim3A_75, %broadcast_in_dim3A_76 : vector<16xi1>, vector<16xi32>
          %add3A_78 = arith.addi %add3A_65, %select_n3A_77 : vector<16xi32>
          %scan3A_79 = arith.constant 2 : i32
          %scan3A_80 = arith.addi %scan3A_55, %scan3A_79 : i32
          %mul3A_81 = arith.constant 16 : i32
          %mul3A_82 = arith.muli %scan3A_80, %mul3A_81 : i32
          %get3A_83 = arith.index_cast %mul3A_82 : i32 to index
          %get3A_84 = tpu.vector_load %arg5[%get3A_83] {strides = array<i32>} : memref<4096xi32, #tpu.memory_space<vmem>>, vector<16xi32>,
          %ge3A_85 = arith.cmpi uge, %get3A_84, %or3A : vector<16xi32>
          %jit3A_86 = arith.constant 1 : i32
          %jit3A_87 = arith.constant 0 : i32
          %broadcast_in_dim3A_88 = vector.broadcast %jit3A_86 : i32 to vector<16xi32>
          %broadcast_in_dim3A_89 = vector.broadcast %jit3A_87 : i32 to vector<16xi32>
          %select_n3A_90 = arith.select %ge3A_85, %broadcast_in_dim3A_88, %broadcast_in_dim3A_89 : vector<16xi1>, vector<16xi32>
          %add3A_91 = arith.addi %add3A_78, %select_n3A_90 : vector<16xi32>
          %scan3A_92 = arith.constant 3 : i32
          %scan3A_93 = arith.addi %scan3A_55, %scan3A_92 : i32
          %mul3A_94 = arith.constant 16 : i32
          %mul3A_95 = arith.muli %scan3A_93, %mul3A_94 : i32
          %get3A_96 = arith.index_cast %mul3A_95 : i32 to index
          %get3A_97 = tpu.vector_load %arg5[%get3A_96] {strides = array<i32>} : memref<4096xi32, #tpu.memory_space<vmem>>, vector<16xi32>,
          %ge3A_98 = arith.cmpi uge, %get3A_97, %or3A : vector<16xi32>
          %jit3A_99 = arith.constant 1 : i32
          %jit3A_100 = arith.constant 0 : i32
          %broadcast_in_dim3A_101 = vector.broadcast %jit3A_99 : i32 to vector<16xi32>
          %broadcast_in_dim3A_102 = vector.broadcast %jit3A_100 : i32 to vector<16xi32>
          %select_n3A_103 = arith.select %ge3A_98, %broadcast_in_dim3A_101, %broadcast_in_dim3A_102 : vector<16xi1>, vector<16xi32>
          %add3A_104 = arith.addi %add3A_91, %select_n3A_103 : vector<16xi32>
          %scan3A_105 = arith.constant 4 : i32
          %scan3A_106 = arith.addi %scan3A_55, %scan3A_105 : i32
          %mul3A_107 = arith.constant 16 : i32
          %mul3A_108 = arith.muli %scan3A_106, %mul3A_107 : i32
          %get3A_109 = arith.index_cast %mul3A_108 : i32 to index
          %get3A_110 = tpu.vector_load %arg5[%get3A_109] {strides = array<i32>} : memref<4096xi32, #tpu.memory_space<vmem>>, vector<16xi32>,
          %ge3A_111 = arith.cmpi uge, %get3A_110, %or3A : vector<16xi32>
          %jit3A_112 = arith.constant 1 : i32
          %jit3A_113 = arith.constant 0 : i32
          %broadcast_in_dim3A_114 = vector.broadcast %jit3A_112 : i32 to vector<16xi32>
          %broadcast_in_dim3A_115 = vector.broadcast %jit3A_113 : i32 to vector<16xi32>
          %select_n3A_116 = arith.select %ge3A_111, %broadcast_in_dim3A_114, %broadcast_in_dim3A_115 : vector<16xi1>, vector<16xi32>
          %add3A_117 = arith.addi %add3A_104, %select_n3A_116 : vector<16xi32>
          %scan3A_118 = arith.constant 5 : i32
          %scan3A_119 = arith.addi %scan3A_55, %scan3A_118 : i32
          %mul3A_120 = arith.constant 16 : i32
          %mul3A_121 = arith.muli %scan3A_119, %mul3A_120 : i32
          %get3A_122 = arith.index_cast %mul3A_121 : i32 to index
          %get3A_123 = tpu.vector_load %arg5[%get3A_122] {strides = array<i32>} : memref<4096xi32, #tpu.memory_space<vmem>>, vector<16xi32>,
          %ge3A_124 = arith.cmpi uge, %get3A_123, %or3A : vector<16xi32>
          %jit3A_125 = arith.constant 1 : i32
          %jit3A_126 = arith.constant 0 : i32
          %broadcast_in_dim3A_127 = vector.broadcast %jit3A_125 : i32 to vector<16xi32>
          %broadcast_in_dim3A_128 = vector.broadcast %jit3A_126 : i32 to vector<16xi32>
          %select_n3A_129 = arith.select %ge3A_124, %broadcast_in_dim3A_127, %broadcast_in_dim3A_128 : vector<16xi1>, vector<16xi32>
          %add3A_130 = arith.addi %add3A_117, %select_n3A_129 : vector<16xi32>
          %scan3A_131 = arith.constant 6 : i32
          %scan3A_132 = arith.addi %scan3A_55, %scan3A_131 : i32
          %mul3A_133 = arith.constant 16 : i32
          %mul3A_134 = arith.muli %scan3A_132, %mul3A_133 : i32
          %get3A_135 = arith.index_cast %mul3A_134 : i32 to index
          %get3A_136 = tpu.vector_load %arg5[%get3A_135] {strides = array<i32>} : memref<4096xi32, #tpu.memory_space<vmem>>, vector<16xi32>,
          %ge3A_137 = arith.cmpi uge, %get3A_136, %or3A : vector<16xi32>
          %jit3A_138 = arith.constant 1 : i32
          %jit3A_139 = arith.constant 0 : i32
          %broadcast_in_dim3A_140 = vector.broadcast %jit3A_138 : i32 to vector<16xi32>
          %broadcast_in_dim3A_141 = vector.broadcast %jit3A_139 : i32 to vector<16xi32>
          %select_n3A_142 = arith.select %ge3A_137, %broadcast_in_dim3A_140, %broadcast_in_dim3A_141 : vector<16xi1>, vector<16xi32>
          %add3A_143 = arith.addi %add3A_130, %select_n3A_142 : vector<16xi32>
          %scan3A_144 = arith.constant 7 : i32
          %scan3A_145 = arith.addi %scan3A_55, %scan3A_144 : i32
          %mul3A_146 = arith.constant 16 : i32
          %mul3A_147 = arith.muli %scan3A_145, %mul3A_146 : i32
          %get3A_148 = arith.index_cast %mul3A_147 : i32 to index
          %get3A_149 = tpu.vector_load %arg5[%get3A_148] {strides = array<i32>} : memref<4096xi32, #tpu.memory_space<vmem>>, vector<16xi32>,
          %ge3A_150 = arith.cmpi uge, %get3A_149, %or3A : vector<16xi32>
          %jit3A_151 = arith.constant 1 : i32
          %jit3A_152 = arith.constant 0 : i32
          %broadcast_in_dim3A_153 = vector.broadcast %jit3A_151 : i32 to vector<16xi32>
          %broadcast_in_dim3A_154 = vector.broadcast %jit3A_152 : i32 to vector<16xi32>
          %select_n3A_155 = arith.select %ge3A_150, %broadcast_in_dim3A_153, %broadcast_in_dim3A_154 : vector<16xi1>, vector<16xi32>
          %add3A_156 = arith.addi %add3A_143, %select_n3A_155 : vector<16xi32>
          scf.yield %add3A_156 : vector<16xi32>
        }
        %scan3A_46 = arith.constant 256 : i32
        %broadcast_in_dim3A_47 = arith.constant true
        %broadcast_in_dim3A_48 = vector.broadcast %broadcast_in_dim3A_47 : i1 to vector<16xi1>
        %masked_cumsum3A = tpu.scan <sum>, %scan3A_45 masked %broadcast_in_dim3A_48 : vector<16xi32>, vector<16xi1> -> vector<16xi32>
        %ge3A = arith.constant 1024 : i32
        %ge3A_49 = vector.broadcast %ge3A : i32 to vector<16xi32>
        %ge3A_50 = arith.cmpi sge, %masked_cumsum3A, %ge3A_49 : vector<16xi32>
        %all_reduce_population_count3A = tpu.all_reduce %ge3A_50 {dim = 0 : i64, kind = #tpu.reduction_kind<sum>} : vector<16xi1> -> vector<16xi32>
        %gt3A = arith.constant 0 : i32
        %gt3A_51 = vector.broadcast %gt3A : i32 to vector<16xi32>
        %gt3A_52 = arith.cmpi sgt, %all_reduce_population_count3A, %gt3A_51 : vector<16xi32>
        %select_n3A = arith.select %gt3A_52, %or3A, %scan3A_37 : vector<16xi1>, vector<16xi32>
        %shift_right_logical3A = arith.constant 1 : i32
        %shift_right_logical3A_53 = vector.broadcast %shift_right_logical3A : i32 to vector<16xi32>
        %shift_right_logical3A_54 = arith.shrui %scan3A_38, %shift_right_logical3A_53 : vector<16xi32>
        scf.yield %select_n3A, %shift_right_logical3A_54 : vector<16xi32>, vector<16xi32>
      }
      %scan3A_19 = arith.constant 32 : i32
      %broadcast_in_dim3A_20 = arith.constant 0 : i32
      %broadcast_in_dim3A_21 = vector.broadcast %broadcast_in_dim3A_20 : i32 to vector<16xi32>
      %scan3A_22 = arith.constant 0 : i32
      %scan3A_23 = arith.constant 256 : i32
      %scan3A_24 = arith.addi %scan3A_22, %scan3A_23 : i32
      %scan3A_25 = arith.constant 4 : i32
      %scan3A_26 = scf.for %scan3A_36 = %scan3A_22 to %scan3A_24 step %scan3A_25 iter_args(%scan3A_37 = %broadcast_in_dim3A_21) -> (vector<16xi32>)  : i32 {
        %mul3A_38 = arith.constant 16 : i32
        %mul3A_39 = arith.muli %scan3A_36, %mul3A_38 : i32
        %get3A = arith.index_cast %mul3A_39 : i32 to index
        %get3A_40 = tpu.vector_load %arg5[%get3A] {strides = array<i32>} : memref<4096xi32, #tpu.memory_space<vmem>>, vector<16xi32>,
        %gt3A = arith.cmpi ugt, %get3A_40, %scan3A_18#0 : vector<16xi32>
        %jit3A = arith.constant 1 : i32
        %jit3A_41 = arith.constant 0 : i32
        %broadcast_in_dim3A_42 = vector.broadcast %jit3A : i32 to vector<16xi32>
        %broadcast_in_dim3A_43 = vector.broadcast %jit3A_41 : i32 to vector<16xi32>
        %select_n3A = arith.select %gt3A, %broadcast_in_dim3A_42, %broadcast_in_dim3A_43 : vector<16xi1>, vector<16xi32>
        %broadcast_in_dim3A_44 = arith.constant true
        %broadcast_in_dim3A_45 = vector.broadcast %broadcast_in_dim3A_44 : i1 to vector<16xi1>
        %masked_cumsum3A = tpu.scan <sum>, %select_n3A masked %broadcast_in_dim3A_45 : vector<16xi32>, vector<16xi1> -> vector<16xi32>
        %add3A_46 = arith.addi %scan3A_37, %masked_cumsum3A : vector<16xi32>
        %sub3A = arith.constant 1 : i32
        %sub3A_47 = vector.broadcast %sub3A : i32 to vector<16xi32>
        %sub3A_48 = arith.subi %add3A_46, %sub3A_47 : vector<16xi32>
        %mul3A_49 = arith.constant 16 : i32
        %mul3A_50 = arith.muli %scan3A_36, %mul3A_49 : i32
        %iota3A = tpu.iota {dimensions = array<i32: 0>} : vector<16xi32>
        %add3A_51 = vector.broadcast %mul3A_50 : i32 to vector<16xi32>
        %add3A_52 = arith.addi %add3A_51, %iota3A : vector<16xi32>
        %mul3A_53 = arith.constant 4096 : i32
        %mul3A_54 = arith.muli %add3A, %mul3A_53 : i32
        %add3A_55 = vector.broadcast %mul3A_54 : i32 to vector<16xi32>
        %add3A_56 = arith.addi %add3A_55, %add3A_52 : vector<16xi32>
        tpu.vector_store_idx %arg6[%sub3A_48], %add3A_56 masked %gt3A : memref<1024xi32, #tpu.memory_space<vmem>>[vector<16xi32>], vector<16xi32>, vector<16xi1>
        %all_reduce_population_count3A = tpu.all_reduce %gt3A {dim = 0 : i64, kind = #tpu.reduction_kind<sum>} : vector<16xi1> -> vector<16xi32>
        %add3A_57 = arith.addi %scan3A_37, %all_reduce_population_count3A : vector<16xi32>
        %scan3A_58 = arith.constant 1 : i32
        %scan3A_59 = arith.addi %scan3A_36, %scan3A_58 : i32
        %mul3A_60 = arith.constant 16 : i32
        %mul3A_61 = arith.muli %scan3A_59, %mul3A_60 : i32
        %get3A_62 = arith.index_cast %mul3A_61 : i32 to index
        %get3A_63 = tpu.vector_load %arg5[%get3A_62] {strides = array<i32>} : memref<4096xi32, #tpu.memory_space<vmem>>, vector<16xi32>,
        %gt3A_64 = arith.cmpi ugt, %get3A_63, %scan3A_18#0 : vector<16xi32>
        %jit3A_65 = arith.constant 1 : i32
        %jit3A_66 = arith.constant 0 : i32
        %broadcast_in_dim3A_67 = vector.broadcast %jit3A_65 : i32 to vector<16xi32>
        %broadcast_in_dim3A_68 = vector.broadcast %jit3A_66 : i32 to vector<16xi32>
        %select_n3A_69 = arith.select %gt3A_64, %broadcast_in_dim3A_67, %broadcast_in_dim3A_68 : vector<16xi1>, vector<16xi32>
        %broadcast_in_dim3A_70 = arith.constant true
        %broadcast_in_dim3A_71 = vector.broadcast %broadcast_in_dim3A_70 : i1 to vector<16xi1>
        %masked_cumsum3A_72 = tpu.scan <sum>, %select_n3A_69 masked %broadcast_in_dim3A_71 : vector<16xi32>, vector<16xi1> -> vector<16xi32>
        %add3A_73 = arith.addi %add3A_57, %masked_cumsum3A_72 : vector<16xi32>
        %sub3A_74 = arith.constant 1 : i32
        %sub3A_75 = vector.broadcast %sub3A_74 : i32 to vector<16xi32>
        %sub3A_76 = arith.subi %add3A_73, %sub3A_75 : vector<16xi32>
        %mul3A_77 = arith.constant 16 : i32
        %mul3A_78 = arith.muli %scan3A_59, %mul3A_77 : i32
        %iota3A_79 = tpu.iota {dimensions = array<i32: 0>} : vector<16xi32>
        %add3A_80 = vector.broadcast %mul3A_78 : i32 to vector<16xi32>
        %add3A_81 = arith.addi %add3A_80, %iota3A_79 : vector<16xi32>
        %mul3A_82 = arith.constant 4096 : i32
        %mul3A_83 = arith.muli %add3A, %mul3A_82 : i32
        %add3A_84 = vector.broadcast %mul3A_83 : i32 to vector<16xi32>
        %add3A_85 = arith.addi %add3A_84, %add3A_81 : vector<16xi32>
        tpu.vector_store_idx %arg6[%sub3A_76], %add3A_85 masked %gt3A_64 : memref<1024xi32, #tpu.memory_space<vmem>>[vector<16xi32>], vector<16xi32>, vector<16xi1>
        %all_reduce_population_count3A_86 = tpu.all_reduce %gt3A_64 {dim = 0 : i64, kind = #tpu.reduction_kind<sum>} : vector<16xi1> -> vector<16xi32>
        %add3A_87 = arith.addi %add3A_57, %all_reduce_population_count3A_86 : vector<16xi32>
        %scan3A_88 = arith.constant 2 : i32
        %scan3A_89 = arith.addi %scan3A_36, %scan3A_88 : i32
        %mul3A_90 = arith.constant 16 : i32
        %mul3A_91 = arith.muli %scan3A_89, %mul3A_90 : i32
        %get3A_92 = arith.index_cast %mul3A_91 : i32 to index
        %get3A_93 = tpu.vector_load %arg5[%get3A_92] {strides = array<i32>} : memref<4096xi32, #tpu.memory_space<vmem>>, vector<16xi32>,
        %gt3A_94 = arith.cmpi ugt, %get3A_93, %scan3A_18#0 : vector<16xi32>
        %jit3A_95 = arith.constant 1 : i32
        %jit3A_96 = arith.constant 0 : i32
        %broadcast_in_dim3A_97 = vector.broadcast %jit3A_95 : i32 to vector<16xi32>
        %broadcast_in_dim3A_98 = vector.broadcast %jit3A_96 : i32 to vector<16xi32>
        %select_n3A_99 = arith.select %gt3A_94, %broadcast_in_dim3A_97, %broadcast_in_dim3A_98 : vector<16xi1>, vector<16xi32>
        %broadcast_in_dim3A_100 = arith.constant true
        %broadcast_in_dim3A_101 = vector.broadcast %broadcast_in_dim3A_100 : i1 to vector<16xi1>
        %masked_cumsum3A_102 = tpu.scan <sum>, %select_n3A_99 masked %broadcast_in_dim3A_101 : vector<16xi32>, vector<16xi1> -> vector<16xi32>
        %add3A_103 = arith.addi %add3A_87, %masked_cumsum3A_102 : vector<16xi32>
        %sub3A_104 = arith.constant 1 : i32
        %sub3A_105 = vector.broadcast %sub3A_104 : i32 to vector<16xi32>
        %sub3A_106 = arith.subi %add3A_103, %sub3A_105 : vector<16xi32>
        %mul3A_107 = arith.constant 16 : i32
        %mul3A_108 = arith.muli %scan3A_89, %mul3A_107 : i32
        %iota3A_109 = tpu.iota {dimensions = array<i32: 0>} : vector<16xi32>
        %add3A_110 = vector.broadcast %mul3A_108 : i32 to vector<16xi32>
        %add3A_111 = arith.addi %add3A_110, %iota3A_109 : vector<16xi32>
        %mul3A_112 = arith.constant 4096 : i32
        %mul3A_113 = arith.muli %add3A, %mul3A_112 : i32
        %add3A_114 = vector.broadcast %mul3A_113 : i32 to vector<16xi32>
        %add3A_115 = arith.addi %add3A_114, %add3A_111 : vector<16xi32>
        tpu.vector_store_idx %arg6[%sub3A_106], %add3A_115 masked %gt3A_94 : memref<1024xi32, #tpu.memory_space<vmem>>[vector<16xi32>], vector<16xi32>, vector<16xi1>
        %all_reduce_population_count3A_116 = tpu.all_reduce %gt3A_94 {dim = 0 : i64, kind = #tpu.reduction_kind<sum>} : vector<16xi1> -> vector<16xi32>
        %add3A_117 = arith.addi %add3A_87, %all_reduce_population_count3A_116 : vector<16xi32>
        %scan3A_118 = arith.constant 3 : i32
        %scan3A_119 = arith.addi %scan3A_36, %scan3A_118 : i32
        %mul3A_120 = arith.constant 16 : i32
        %mul3A_121 = arith.muli %scan3A_119, %mul3A_120 : i32
        %get3A_122 = arith.index_cast %mul3A_121 : i32 to index
        %get3A_123 = tpu.vector_load %arg5[%get3A_122] {strides = array<i32>} : memref<4096xi32, #tpu.memory_space<vmem>>, vector<16xi32>,
        %gt3A_124 = arith.cmpi ugt, %get3A_123, %scan3A_18#0 : vector<16xi32>
        %jit3A_125 = arith.constant 1 : i32
        %jit3A_126 = arith.constant 0 : i32
        %broadcast_in_dim3A_127 = vector.broadcast %jit3A_125 : i32 to vector<16xi32>
        %broadcast_in_dim3A_128 = vector.broadcast %jit3A_126 : i32 to vector<16xi32>
        %select_n3A_129 = arith.select %gt3A_124, %broadcast_in_dim3A_127, %broadcast_in_dim3A_128 : vector<16xi1>, vector<16xi32>
        %broadcast_in_dim3A_130 = arith.constant true
        %broadcast_in_dim3A_131 = vector.broadcast %broadcast_in_dim3A_130 : i1 to vector<16xi1>
        %masked_cumsum3A_132 = tpu.scan <sum>, %select_n3A_129 masked %broadcast_in_dim3A_131 : vector<16xi32>, vector<16xi1> -> vector<16xi32>
        %add3A_133 = arith.addi %add3A_117, %masked_cumsum3A_132 : vector<16xi32>
        %sub3A_134 = arith.constant 1 : i32
        %sub3A_135 = vector.broadcast %sub3A_134 : i32 to vector<16xi32>
        %sub3A_136 = arith.subi %add3A_133, %sub3A_135 : vector<16xi32>
        %mul3A_137 = arith.constant 16 : i32
        %mul3A_138 = arith.muli %scan3A_119, %mul3A_137 : i32
        %iota3A_139 = tpu.iota {dimensions = array<i32: 0>} : vector<16xi32>
        %add3A_140 = vector.broadcast %mul3A_138 : i32 to vector<16xi32>
        %add3A_141 = arith.addi %add3A_140, %iota3A_139 : vector<16xi32>
        %mul3A_142 = arith.constant 4096 : i32
        %mul3A_143 = arith.muli %add3A, %mul3A_142 : i32
        %add3A_144 = vector.broadcast %mul3A_143 : i32 to vector<16xi32>
        %add3A_145 = arith.addi %add3A_144, %add3A_141 : vector<16xi32>
        tpu.vector_store_idx %arg6[%sub3A_136], %add3A_145 masked %gt3A_124 : memref<1024xi32, #tpu.memory_space<vmem>>[vector<16xi32>], vector<16xi32>, vector<16xi1>
        %all_reduce_population_count3A_146 = tpu.all_reduce %gt3A_124 {dim = 0 : i64, kind = #tpu.reduction_kind<sum>} : vector<16xi1> -> vector<16xi32>
        %add3A_147 = arith.addi %add3A_117, %all_reduce_population_count3A_146 : vector<16xi32>
        scf.yield %add3A_147 : vector<16xi32>
      }
      %scan3A_27 = arith.constant 256 : i32
      %scan3A_28 = arith.constant 0 : i32
      %scan3A_29 = arith.constant 256 : i32
      %scan3A_30 = arith.addi %scan3A_28, %scan3A_29 : i32
      %scan3A_31 = arith.constant 4 : i32
      %scan3A_32 = scf.for %scan3A_36 = %scan3A_28 to %scan3A_30 step %scan3A_31 iter_args(%scan3A_37 = %scan3A_26) -> (vector<16xi32>)  : i32 {
        %mul3A_38 = arith.constant 16 : i32
        %mul3A_39 = arith.muli %scan3A_36, %mul3A_38 : i32
        %get3A = arith.index_cast %mul3A_39 : i32 to index
        %get3A_40 = tpu.vector_load %arg5[%get3A] {strides = array<i32>} : memref<4096xi32, #tpu.memory_space<vmem>>, vector<16xi32>,
        %eq3A = arith.cmpi eq, %get3A_40, %scan3A_18#0 : vector<16xi32>
        %jit3A = arith.constant 1 : i32
        %jit3A_41 = arith.constant 0 : i32
        %broadcast_in_dim3A_42 = vector.broadcast %jit3A : i32 to vector<16xi32>
        %broadcast_in_dim3A_43 = vector.broadcast %jit3A_41 : i32 to vector<16xi32>
        %select_n3A = arith.select %eq3A, %broadcast_in_dim3A_42, %broadcast_in_dim3A_43 : vector<16xi1>, vector<16xi32>
        %broadcast_in_dim3A_44 = arith.constant true
        %broadcast_in_dim3A_45 = vector.broadcast %broadcast_in_dim3A_44 : i1 to vector<16xi1>
        %masked_cumsum3A = tpu.scan <sum>, %select_n3A masked %broadcast_in_dim3A_45 : vector<16xi32>, vector<16xi1> -> vector<16xi32>
        %add3A_46 = arith.addi %scan3A_37, %masked_cumsum3A : vector<16xi32>
        %sub3A = arith.constant 1 : i32
        %sub3A_47 = vector.broadcast %sub3A : i32 to vector<16xi32>
        %sub3A_48 = arith.subi %add3A_46, %sub3A_47 : vector<16xi32>
        %lt3A_49 = arith.constant 1024 : i32
        %lt3A_50 = vector.broadcast %lt3A_49 : i32 to vector<16xi32>
        %lt3A_51 = arith.cmpi slt, %sub3A_48, %lt3A_50 : vector<16xi32>
        %and3A = arith.andi %eq3A, %lt3A_51 : vector<16xi1>
        %mul3A_52 = arith.constant 16 : i32
        %mul3A_53 = arith.muli %scan3A_36, %mul3A_52 : i32
        %iota3A = tpu.iota {dimensions = array<i32: 0>} : vector<16xi32>
        %add3A_54 = vector.broadcast %mul3A_53 : i32 to vector<16xi32>
        %add3A_55 = arith.addi %add3A_54, %iota3A : vector<16xi32>
        %mul3A_56 = arith.constant 4096 : i32
        %mul3A_57 = arith.muli %add3A, %mul3A_56 : i32
        %add3A_58 = vector.broadcast %mul3A_57 : i32 to vector<16xi32>
        %add3A_59 = arith.addi %add3A_58, %add3A_55 : vector<16xi32>
        tpu.vector_store_idx %arg6[%sub3A_48], %add3A_59 masked %and3A : memref<1024xi32, #tpu.memory_space<vmem>>[vector<16xi32>], vector<16xi32>, vector<16xi1>
        %all_reduce_population_count3A = tpu.all_reduce %eq3A {dim = 0 : i64, kind = #tpu.reduction_kind<sum>} : vector<16xi1> -> vector<16xi32>
        %add3A_60 = arith.addi %scan3A_37, %all_reduce_population_count3A : vector<16xi32>
        %scan3A_61 = arith.constant 1 : i32
        %scan3A_62 = arith.addi %scan3A_36, %scan3A_61 : i32
        %mul3A_63 = arith.constant 16 : i32
        %mul3A_64 = arith.muli %scan3A_62, %mul3A_63 : i32
        %get3A_65 = arith.index_cast %mul3A_64 : i32 to index
        %get3A_66 = tpu.vector_load %arg5[%get3A_65] {strides = array<i32>} : memref<4096xi32, #tpu.memory_space<vmem>>, vector<16xi32>,
        %eq3A_67 = arith.cmpi eq, %get3A_66, %scan3A_18#0 : vector<16xi32>
        %jit3A_68 = arith.constant 1 : i32
        %jit3A_69 = arith.constant 0 : i32
        %broadcast_in_dim3A_70 = vector.broadcast %jit3A_68 : i32 to vector<16xi32>
        %broadcast_in_dim3A_71 = vector.broadcast %jit3A_69 : i32 to vector<16xi32>
        %select_n3A_72 = arith.select %eq3A_67, %broadcast_in_dim3A_70, %broadcast_in_dim3A_71 : vector<16xi1>, vector<16xi32>
        %broadcast_in_dim3A_73 = arith.constant true
        %broadcast_in_dim3A_74 = vector.broadcast %broadcast_in_dim3A_73 : i1 to vector<16xi1>
        %masked_cumsum3A_75 = tpu.scan <sum>, %select_n3A_72 masked %broadcast_in_dim3A_74 : vector<16xi32>, vector<16xi1> -> vector<16xi32>
        %add3A_76 = arith.addi %add3A_60, %masked_cumsum3A_75 : vector<16xi32>
        %sub3A_77 = arith.constant 1 : i32
        %sub3A_78 = vector.broadcast %sub3A_77 : i32 to vector<16xi32>
        %sub3A_79 = arith.subi %add3A_76, %sub3A_78 : vector<16xi32>
        %lt3A_80 = arith.constant 1024 : i32
        %lt3A_81 = vector.broadcast %lt3A_80 : i32 to vector<16xi32>
        %lt3A_82 = arith.cmpi slt, %sub3A_79, %lt3A_81 : vector<16xi32>
        %and3A_83 = arith.andi %eq3A_67, %lt3A_82 : vector<16xi1>
        %mul3A_84 = arith.constant 16 : i32
        %mul3A_85 = arith.muli %scan3A_62, %mul3A_84 : i32
        %iota3A_86 = tpu.iota {dimensions = array<i32: 0>} : vector<16xi32>
        %add3A_87 = vector.broadcast %mul3A_85 : i32 to vector<16xi32>
        %add3A_88 = arith.addi %add3A_87, %iota3A_86 : vector<16xi32>
        %mul3A_89 = arith.constant 4096 : i32
        %mul3A_90 = arith.muli %add3A, %mul3A_89 : i32
        %add3A_91 = vector.broadcast %mul3A_90 : i32 to vector<16xi32>
        %add3A_92 = arith.addi %add3A_91, %add3A_88 : vector<16xi32>
        tpu.vector_store_idx %arg6[%sub3A_79], %add3A_92 masked %and3A_83 : memref<1024xi32, #tpu.memory_space<vmem>>[vector<16xi32>], vector<16xi32>, vector<16xi1>
        %all_reduce_population_count3A_93 = tpu.all_reduce %eq3A_67 {dim = 0 : i64, kind = #tpu.reduction_kind<sum>} : vector<16xi1> -> vector<16xi32>
        %add3A_94 = arith.addi %add3A_60, %all_reduce_population_count3A_93 : vector<16xi32>
        %scan3A_95 = arith.constant 2 : i32
        %scan3A_96 = arith.addi %scan3A_36, %scan3A_95 : i32
        %mul3A_97 = arith.constant 16 : i32
        %mul3A_98 = arith.muli %scan3A_96, %mul3A_97 : i32
        %get3A_99 = arith.index_cast %mul3A_98 : i32 to index
        %get3A_100 = tpu.vector_load %arg5[%get3A_99] {strides = array<i32>} : memref<4096xi32, #tpu.memory_space<vmem>>, vector<16xi32>,
        %eq3A_101 = arith.cmpi eq, %get3A_100, %scan3A_18#0 : vector<16xi32>
        %jit3A_102 = arith.constant 1 : i32
        %jit3A_103 = arith.constant 0 : i32
        %broadcast_in_dim3A_104 = vector.broadcast %jit3A_102 : i32 to vector<16xi32>
        %broadcast_in_dim3A_105 = vector.broadcast %jit3A_103 : i32 to vector<16xi32>
        %select_n3A_106 = arith.select %eq3A_101, %broadcast_in_dim3A_104, %broadcast_in_dim3A_105 : vector<16xi1>, vector<16xi32>
        %broadcast_in_dim3A_107 = arith.constant true
        %broadcast_in_dim3A_108 = vector.broadcast %broadcast_in_dim3A_107 : i1 to vector<16xi1>
        %masked_cumsum3A_109 = tpu.scan <sum>, %select_n3A_106 masked %broadcast_in_dim3A_108 : vector<16xi32>, vector<16xi1> -> vector<16xi32>
        %add3A_110 = arith.addi %add3A_94, %masked_cumsum3A_109 : vector<16xi32>
        %sub3A_111 = arith.constant 1 : i32
        %sub3A_112 = vector.broadcast %sub3A_111 : i32 to vector<16xi32>
        %sub3A_113 = arith.subi %add3A_110, %sub3A_112 : vector<16xi32>
        %lt3A_114 = arith.constant 1024 : i32
        %lt3A_115 = vector.broadcast %lt3A_114 : i32 to vector<16xi32>
        %lt3A_116 = arith.cmpi slt, %sub3A_113, %lt3A_115 : vector<16xi32>
        %and3A_117 = arith.andi %eq3A_101, %lt3A_116 : vector<16xi1>
        %mul3A_118 = arith.constant 16 : i32
        %mul3A_119 = arith.muli %scan3A_96, %mul3A_118 : i32
        %iota3A_120 = tpu.iota {dimensions = array<i32: 0>} : vector<16xi32>
        %add3A_121 = vector.broadcast %mul3A_119 : i32 to vector<16xi32>
        %add3A_122 = arith.addi %add3A_121, %iota3A_120 : vector<16xi32>
        %mul3A_123 = arith.constant 4096 : i32
        %mul3A_124 = arith.muli %add3A, %mul3A_123 : i32
        %add3A_125 = vector.broadcast %mul3A_124 : i32 to vector<16xi32>
        %add3A_126 = arith.addi %add3A_125, %add3A_122 : vector<16xi32>
        tpu.vector_store_idx %arg6[%sub3A_113], %add3A_126 masked %and3A_117 : memref<1024xi32, #tpu.memory_space<vmem>>[vector<16xi32>], vector<16xi32>, vector<16xi1>
        %all_reduce_population_count3A_127 = tpu.all_reduce %eq3A_101 {dim = 0 : i64, kind = #tpu.reduction_kind<sum>} : vector<16xi1> -> vector<16xi32>
        %add3A_128 = arith.addi %add3A_94, %all_reduce_population_count3A_127 : vector<16xi32>
        %scan3A_129 = arith.constant 3 : i32
        %scan3A_130 = arith.addi %scan3A_36, %scan3A_129 : i32
        %mul3A_131 = arith.constant 16 : i32
        %mul3A_132 = arith.muli %scan3A_130, %mul3A_131 : i32
        %get3A_133 = arith.index_cast %mul3A_132 : i32 to index
        %get3A_134 = tpu.vector_load %arg5[%get3A_133] {strides = array<i32>} : memref<4096xi32, #tpu.memory_space<vmem>>, vector<16xi32>,
        %eq3A_135 = arith.cmpi eq, %get3A_134, %scan3A_18#0 : vector<16xi32>
        %jit3A_136 = arith.constant 1 : i32
        %jit3A_137 = arith.constant 0 : i32
        %broadcast_in_dim3A_138 = vector.broadcast %jit3A_136 : i32 to vector<16xi32>
        %broadcast_in_dim3A_139 = vector.broadcast %jit3A_137 : i32 to vector<16xi32>
        %select_n3A_140 = arith.select %eq3A_135, %broadcast_in_dim3A_138, %broadcast_in_dim3A_139 : vector<16xi1>, vector<16xi32>
        %broadcast_in_dim3A_141 = arith.constant true
        %broadcast_in_dim3A_142 = vector.broadcast %broadcast_in_dim3A_141 : i1 to vector<16xi1>
        %masked_cumsum3A_143 = tpu.scan <sum>, %select_n3A_140 masked %broadcast_in_dim3A_142 : vector<16xi32>, vector<16xi1> -> vector<16xi32>
        %add3A_144 = arith.addi %add3A_128, %masked_cumsum3A_143 : vector<16xi32>
        %sub3A_145 = arith.constant 1 : i32
        %sub3A_146 = vector.broadcast %sub3A_145 : i32 to vector<16xi32>
        %sub3A_147 = arith.subi %add3A_144, %sub3A_146 : vector<16xi32>
        %lt3A_148 = arith.constant 1024 : i32
        %lt3A_149 = vector.broadcast %lt3A_148 : i32 to vector<16xi32>
        %lt3A_150 = arith.cmpi slt, %sub3A_147, %lt3A_149 : vector<16xi32>
        %and3A_151 = arith.andi %eq3A_135, %lt3A_150 : vector<16xi1>
        %mul3A_152 = arith.constant 16 : i32
        %mul3A_153 = arith.muli %scan3A_130, %mul3A_152 : i32
        %iota3A_154 = tpu.iota {dimensions = array<i32: 0>} : vector<16xi32>
        %add3A_155 = vector.broadcast %mul3A_153 : i32 to vector<16xi32>
        %add3A_156 = arith.addi %add3A_155, %iota3A_154 : vector<16xi32>
        %mul3A_157 = arith.constant 4096 : i32
        %mul3A_158 = arith.muli %add3A, %mul3A_157 : i32
        %add3A_159 = vector.broadcast %mul3A_158 : i32 to vector<16xi32>
        %add3A_160 = arith.addi %add3A_159, %add3A_156 : vector<16xi32>
        tpu.vector_store_idx %arg6[%sub3A_147], %add3A_160 masked %and3A_151 : memref<1024xi32, #tpu.memory_space<vmem>>[vector<16xi32>], vector<16xi32>, vector<16xi1>
        %all_reduce_population_count3A_161 = tpu.all_reduce %eq3A_135 {dim = 0 : i64, kind = #tpu.reduction_kind<sum>} : vector<16xi1> -> vector<16xi32>
        %add3A_162 = arith.addi %add3A_128, %all_reduce_population_count3A_161 : vector<16xi32>
        scf.yield %add3A_162 : vector<16xi32>
      }
      %scan3A_33 = arith.constant 256 : i32
      %mul3A_34 = arith.constant 1024 : i32
      %mul3A_35 = arith.muli %add3A, %mul3A_34 : i32
      "tpu.region"() ({
        %run_scoped3A = tpu.sem_alloc : memref<!tpu.dma_semaphore, #tpu.memory_space<semaphore_mem>>
        %dma_start3A = tpu.memref_slice %arg3[%mul3A_35] : memref<4096xi32, #tpu.memory_space<hbm>> -> memref<1024xi32, #tpu.memory_space<hbm>>
        %dma_start3A_36 = tpu.memref_slice %arg3[%mul3A_35] : memref<4096xi32, #tpu.memory_space<hbm>> -> memref<1024xi32, #tpu.memory_space<hbm>>
        tpu.enqueue_dma source(%arg6 : memref<1024xi32, #tpu.memory_space<vmem>>) target(%dma_start3A_36 : memref<1024xi32, #tpu.memory_space<hbm>>) target_semaphore(%run_scoped3A : memref<!tpu.dma_semaphore, #tpu.memory_space<semaphore_mem>>)
        %dma_wait3A = tpu.memref_slice %arg3[%mul3A_35] : memref<4096xi32, #tpu.memory_space<hbm>> -> memref<1024xi32, #tpu.memory_space<hbm>>
        %dma_wait3A_37 = tpu.memref_slice %arg3[%mul3A_35] : memref<4096xi32, #tpu.memory_space<hbm>> -> memref<1024xi32, #tpu.memory_space<hbm>>
        tpu.wait_dma2 semaphore(%run_scoped3A : memref<!tpu.dma_semaphore, #tpu.memory_space<semaphore_mem>>) src(%arg6 : memref<1024xi32, #tpu.memory_space<vmem>>) dst(%dma_wait3A_37 : memref<1024xi32, #tpu.memory_space<hbm>>)
        tpu.yield
      }) : () -> ()
    } else {
    }
    return
  }
}

module attributes {stable_mosaic.version = 14 : i64} {
  func.func @_light_body(%arg0: i32, %arg1: memref<1024x1024xf32, #tpu.memory_space<vmem>>, %arg2: memref<1024x128xf32, #tpu.memory_space<vmem>>, %arg3: memref<1x1024xf32, #tpu.memory_space<vmem>>, %arg4: memref<1024x512xbf16, #tpu.memory_space<vmem>>, %arg5: memref<1x512xf32, #tpu.memory_space<vmem>>, %arg6: memref<512x1024xbf16, #tpu.memory_space<vmem>>, %arg7: memref<1x1024xf32, #tpu.memory_space<vmem>>, %arg8: memref<1024x1024xf32, #tpu.memory_space<vmem>>, %arg9: memref<1024x128xf32, #tpu.memory_space<vmem>>) attributes {dimension_semantics = [#tpu.dimension_semantics<arbitrary>], iteration_bounds = array<i64: 16>, scalar_prefetch = 0 : i64, scratch_operands = 0 : i64, tpu.core_type = #tpu.core_type<tc>, window_params = [{transform_indices = @transform_0, window_bounds = array<i64: 1024, 1024>}, {pipeline_mode = #tpu.pipeline_mode<synchronous>, transform_indices = @transform_1, window_bounds = array<i64: 1024, 128>}, {pipeline_mode = #tpu.pipeline_mode<synchronous>, transform_indices = @transform_2, window_bounds = array<i64: 1, 1024>}, {pipeline_mode = #tpu.pipeline_mode<synchronous>, transform_indices = @transform_3, window_bounds = array<i64: 1024, 512>}, {pipeline_mode = #tpu.pipeline_mode<synchronous>, transform_indices = @transform_4, window_bounds = array<i64: 1, 512>}, {pipeline_mode = #tpu.pipeline_mode<synchronous>, transform_indices = @transform_5, window_bounds = array<i64: 512, 1024>}, {pipeline_mode = #tpu.pipeline_mode<synchronous>, transform_indices = @transform_6, window_bounds = array<i64: 1, 1024>}, {transform_indices = @transform_7, window_bounds = array<i64: 1024, 1024>}, {transform_indices = @transform_8, window_bounds = array<i64: 1024, 128>}]} {
    %get3A = arith.constant 0 : index
    %get3A_0 = arith.constant 0 : index
    %get3A_1 = vector.load %arg1[%get3A, %get3A_0] : memref<1024x1024xf32, #tpu.memory_space<vmem>>, vector<1024x1024xf32>
    %get3A_2 = arith.constant 0 : index
    %get3A_3 = arith.constant 0 : index
    %get3A_4 = vector.load %arg2[%get3A_2, %get3A_3] : memref<1024x128xf32, #tpu.memory_space<vmem>>, vector<1024x128xf32>
    %dot_general3A = arith.constant dense<0.000000e+00> : vector<1024x128xf32>
    %dot_general3A_5 = tpu.matmul %get3A_1, %get3A_4, %dot_general3A {dimension_numbers = #tpu.dot_dimension_numbers<[1], [0], [0], [1], [0, 0, 1, 1], [], []>, transpose_lhs_hint = false} : vector<1024x1024xf32>, vector<1024x128xf32>, vector<1024x128xf32> -> vector<1024x128xf32>
    %swap3A = arith.constant 0 : index
    %swap3A_6 = arith.constant 0 : index
    %swap3A_7 = vector.load %arg9[%swap3A, %swap3A_6] : memref<1024x128xf32, #tpu.memory_space<vmem>>, vector<1024x128xf32>
    tpu.vector_store %arg9[%swap3A, %swap3A_6], %dot_general3A_5 {strides = array<i32>} : memref<1024x128xf32, #tpu.memory_space<vmem>>, vector<1024x128xf32>,
    %get3A_8 = arith.constant 0 : index
    %get3A_9 = arith.constant 0 : index
    %get3A_10 = vector.load %arg3[%get3A_8, %get3A_9] : memref<1x1024xf32, #tpu.memory_space<vmem>>, vector<1x1024xf32>
    %mul3A = arith.mulf %get3A_1, %get3A_1 : vector<1024x1024xf32>
    %reduce_sum3A = arith.constant dense<0.000000e+00> : vector<1024xf32>
    %reduce_sum3A_11 = vector.multi_reduction <add>, %mul3A, %reduce_sum3A [1] : vector<1024x1024xf32> to vector<1024xf32>
    %broadcast_in_dim3A = vector.shape_cast %reduce_sum3A_11 : vector<1024xf32> to vector<1024x1xf32>
    %sqrt3A = math.sqrt %broadcast_in_dim3A : vector<1024x1xf32>
    %max3A = arith.constant 9.99999996E-13 : f32
    %max3A_12 = vector.broadcast %max3A : f32 to vector<1024x1xf32>
    %max3A_13 = arith.maximumf %sqrt3A, %max3A_12 : vector<1024x1xf32>
    %div3A = arith.constant 3.200000e+01 : f32
    %div3A_14 = vector.broadcast %div3A : f32 to vector<1024x1xf32>
    %div3A_15 = arith.divf %div3A_14, %max3A_13 : vector<1024x1xf32>
    %mul3A_16 = vector.broadcast %div3A_15 : vector<1024x1xf32> to vector<1024x1024xf32>
    %mul3A_17 = arith.mulf %get3A_1, %mul3A_16 : vector<1024x1024xf32>
    %mul3A_18 = vector.broadcast %get3A_10 : vector<1x1024xf32> to vector<1024x1024xf32>
    %mul3A_19 = arith.mulf %mul3A_17, %mul3A_18 : vector<1024x1024xf32>
    %convert_element_type3A = arith.truncf %mul3A_19 : vector<1024x1024xf32> to vector<1024x1024xbf16>
    %get3A_20 = arith.constant 0 : index
    %get3A_21 = arith.constant 0 : index
    %get3A_22 = vector.load %arg4[%get3A_20, %get3A_21] : memref<1024x512xbf16, #tpu.memory_space<vmem>>, vector<1024x512xbf16>
    %dot_general3A_23 = arith.constant dense<0.000000e+00> : vector<1024x512xf32>
    %dot_general3A_24 = tpu.matmul %convert_element_type3A, %get3A_22, %dot_general3A_23 {dimension_numbers = #tpu.dot_dimension_numbers<[1], [0], [0], [1], [0, 0, 1, 1], [], []>, transpose_lhs_hint = false} : vector<1024x1024xbf16>, vector<1024x512xbf16>, vector<1024x512xf32> -> vector<1024x512xf32>
    %get3A_25 = arith.constant 0 : index
    %get3A_26 = arith.constant 0 : index
    %get3A_27 = vector.load %arg5[%get3A_25, %get3A_26] : memref<1x512xf32, #tpu.memory_space<vmem>>, vector<1x512xf32>
    %add3A = vector.broadcast %get3A_27 : vector<1x512xf32> to vector<1024x512xf32>
    %add3A_28 = arith.addf %dot_general3A_24, %add3A : vector<1024x512xf32>
    %mul3A_29 = arith.constant 5.000000e-01 : f32
    %mul3A_30 = vector.broadcast %mul3A_29 : f32 to vector<1024x512xf32>
    %mul3A_31 = arith.mulf %mul3A_30, %add3A_28 : vector<1024x512xf32>
    %mul3A_32 = arith.constant 0.707106769 : f32
    %mul3A_33 = vector.broadcast %mul3A_32 : f32 to vector<1024x512xf32>
    %mul3A_34 = arith.mulf %add3A_28, %mul3A_33 : vector<1024x512xf32>
    %erf3A = math.erf %mul3A_34 : vector<1024x512xf32>
    %add3A_35 = arith.constant 1.000000e+00 : f32
    %add3A_36 = vector.broadcast %add3A_35 : f32 to vector<1024x512xf32>
    %add3A_37 = arith.addf %add3A_36, %erf3A : vector<1024x512xf32>
    %mul3A_38 = arith.mulf %mul3A_31, %add3A_37 : vector<1024x512xf32>
    %convert_element_type3A_39 = arith.truncf %mul3A_38 : vector<1024x512xf32> to vector<1024x512xbf16>
    %get3A_40 = arith.constant 0 : index
    %get3A_41 = arith.constant 0 : index
    %get3A_42 = vector.load %arg6[%get3A_40, %get3A_41] : memref<512x1024xbf16, #tpu.memory_space<vmem>>, vector<512x1024xbf16>
    %dot_general3A_43 = arith.constant dense<0.000000e+00> : vector<1024x1024xf32>
    %dot_general3A_44 = tpu.matmul %convert_element_type3A_39, %get3A_42, %dot_general3A_43 {dimension_numbers = #tpu.dot_dimension_numbers<[1], [0], [0], [1], [0, 0, 1, 1], [], []>, transpose_lhs_hint = false} : vector<1024x512xbf16>, vector<512x1024xbf16>, vector<1024x1024xf32> -> vector<1024x1024xf32>
    %get3A_45 = arith.constant 0 : index
    %get3A_46 = arith.constant 0 : index
    %get3A_47 = vector.load %arg7[%get3A_45, %get3A_46] : memref<1x1024xf32, #tpu.memory_space<vmem>>, vector<1x1024xf32>
    %add3A_48 = vector.broadcast %get3A_47 : vector<1x1024xf32> to vector<1024x1024xf32>
    %add3A_49 = arith.addf %dot_general3A_44, %add3A_48 : vector<1024x1024xf32>
    %swap3A_50 = arith.constant 0 : index
    %swap3A_51 = arith.constant 0 : index
    %swap3A_52 = vector.load %arg8[%swap3A_50, %swap3A_51] : memref<1024x1024xf32, #tpu.memory_space<vmem>>, vector<1024x1024xf32>
    tpu.vector_store %arg8[%swap3A_50, %swap3A_51], %add3A_49 {strides = array<i32>} : memref<1024x1024xf32, #tpu.memory_space<vmem>>, vector<1024x1024xf32>,
    return
  }
  func.func @transform_0(%arg0: i32) -> (i32, i32) {
    %c0_i32 = arith.constant 0 : i32
    %c0_i32_0 = arith.constant 0 : i32
    return %arg0, %c0_i32 : i32, i32
  }
  func.func @transform_1(%arg0: i32) -> (i32, i32) {
    %c0_i32 = arith.constant 0 : i32
    %c0_i32_0 = arith.constant 0 : i32
    %c0_i32_1 = arith.constant 0 : i32
    return %c0_i32, %c0_i32_0 : i32, i32
  }
  func.func @transform_2(%arg0: i32) -> (i32, i32) {
    %c0_i32 = arith.constant 0 : i32
    %c0_i32_0 = arith.constant 0 : i32
    %c0_i32_1 = arith.constant 0 : i32
    return %c0_i32, %c0_i32_0 : i32, i32
  }
  func.func @transform_3(%arg0: i32) -> (i32, i32) {
    %c0_i32 = arith.constant 0 : i32
    %c0_i32_0 = arith.constant 0 : i32
    %c0_i32_1 = arith.constant 0 : i32
    return %c0_i32, %c0_i32_0 : i32, i32
  }
  func.func @transform_4(%arg0: i32) -> (i32, i32) {
    %c0_i32 = arith.constant 0 : i32
    %c0_i32_0 = arith.constant 0 : i32
    %c0_i32_1 = arith.constant 0 : i32
    return %c0_i32, %c0_i32_0 : i32, i32
  }
  func.func @transform_5(%arg0: i32) -> (i32, i32) {
    %c0_i32 = arith.constant 0 : i32
    %c0_i32_0 = arith.constant 0 : i32
    %c0_i32_1 = arith.constant 0 : i32
    return %c0_i32, %c0_i32_0 : i32, i32
  }
  func.func @transform_6(%arg0: i32) -> (i32, i32) {
    %c0_i32 = arith.constant 0 : i32
    %c0_i32_0 = arith.constant 0 : i32
    %c0_i32_1 = arith.constant 0 : i32
    return %c0_i32, %c0_i32_0 : i32, i32
  }
  func.func @transform_7(%arg0: i32) -> (i32, i32) {
    %c0_i32 = arith.constant 0 : i32
    %c0_i32_0 = arith.constant 0 : i32
    return %arg0, %c0_i32 : i32, i32
  }
  func.func @transform_8(%arg0: i32) -> (i32, i32) {
    %c0_i32 = arith.constant 0 : i32
    %c0_i32_0 = arith.constant 0 : i32
    return %arg0, %c0_i32 : i32, i32
  }
}

module attributes {stable_mosaic.version = 14 : i64} {
  func.func @_heavy_body(%arg0: i32, %arg1: memref<512x1024xf32, #tpu.memory_space<vmem>>, %arg2: memref<1x1024xf32, #tpu.memory_space<vmem>>, %arg3: memref<1024x4096xbf16, #tpu.memory_space<vmem>>, %arg4: memref<1x4096xf32, #tpu.memory_space<vmem>>, %arg5: memref<4096x1024xbf16, #tpu.memory_space<vmem>>, %arg6: memref<1x1024xf32, #tpu.memory_space<vmem>>, %arg7: memref<512x1024xf32, #tpu.memory_space<vmem>>) attributes {dimension_semantics = [#tpu.dimension_semantics<arbitrary>], iteration_bounds = array<i64: 8>, scalar_prefetch = 0 : i64, scratch_operands = 0 : i64, tpu.core_type = #tpu.core_type<tc>, window_params = [{transform_indices = @transform_0, window_bounds = array<i64: 512, 1024>}, {pipeline_mode = #tpu.pipeline_mode<synchronous>, transform_indices = @transform_1, window_bounds = array<i64: 1, 1024>}, {pipeline_mode = #tpu.pipeline_mode<synchronous>, transform_indices = @transform_2, window_bounds = array<i64: 1024, 4096>}, {pipeline_mode = #tpu.pipeline_mode<synchronous>, transform_indices = @transform_3, window_bounds = array<i64: 1, 4096>}, {pipeline_mode = #tpu.pipeline_mode<synchronous>, transform_indices = @transform_4, window_bounds = array<i64: 4096, 1024>}, {pipeline_mode = #tpu.pipeline_mode<synchronous>, transform_indices = @transform_5, window_bounds = array<i64: 1, 1024>}, {transform_indices = @transform_6, window_bounds = array<i64: 512, 1024>}]} {
    %get3A = arith.constant 0 : index
    %get3A_0 = arith.constant 0 : index
    %get3A_1 = vector.load %arg1[%get3A, %get3A_0] : memref<512x1024xf32, #tpu.memory_space<vmem>>, vector<512x1024xf32>
    %get3A_2 = arith.constant 0 : index
    %get3A_3 = arith.constant 0 : index
    %get3A_4 = vector.load %arg2[%get3A_2, %get3A_3] : memref<1x1024xf32, #tpu.memory_space<vmem>>, vector<1x1024xf32>
    %mul3A = arith.mulf %get3A_1, %get3A_1 : vector<512x1024xf32>
    %reduce_sum3A = arith.constant dense<0.000000e+00> : vector<512xf32>
    %reduce_sum3A_5 = vector.multi_reduction <add>, %mul3A, %reduce_sum3A [1] : vector<512x1024xf32> to vector<512xf32>
    %broadcast_in_dim3A = vector.shape_cast %reduce_sum3A_5 : vector<512xf32> to vector<512x1xf32>
    %sqrt3A = math.sqrt %broadcast_in_dim3A : vector<512x1xf32>
    %max3A = arith.constant 9.99999996E-13 : f32
    %max3A_6 = vector.broadcast %max3A : f32 to vector<512x1xf32>
    %max3A_7 = arith.maximumf %sqrt3A, %max3A_6 : vector<512x1xf32>
    %div3A = arith.constant 3.200000e+01 : f32
    %div3A_8 = vector.broadcast %div3A : f32 to vector<512x1xf32>
    %div3A_9 = arith.divf %div3A_8, %max3A_7 : vector<512x1xf32>
    %mul3A_10 = vector.broadcast %div3A_9 : vector<512x1xf32> to vector<512x1024xf32>
    %mul3A_11 = arith.mulf %get3A_1, %mul3A_10 : vector<512x1024xf32>
    %mul3A_12 = vector.broadcast %get3A_4 : vector<1x1024xf32> to vector<512x1024xf32>
    %mul3A_13 = arith.mulf %mul3A_11, %mul3A_12 : vector<512x1024xf32>
    %convert_element_type3A = arith.truncf %mul3A_13 : vector<512x1024xf32> to vector<512x1024xbf16>
    %get3A_14 = arith.constant 0 : index
    %get3A_15 = arith.constant 0 : index
    %get3A_16 = vector.load %arg3[%get3A_14, %get3A_15] : memref<1024x4096xbf16, #tpu.memory_space<vmem>>, vector<1024x4096xbf16>
    %dot_general3A = arith.constant dense<0.000000e+00> : vector<512x4096xf32>
    %dot_general3A_17 = tpu.matmul %convert_element_type3A, %get3A_16, %dot_general3A {dimension_numbers = #tpu.dot_dimension_numbers<[1], [0], [0], [1], [0, 0, 1, 1], [], []>, transpose_lhs_hint = false} : vector<512x1024xbf16>, vector<1024x4096xbf16>, vector<512x4096xf32> -> vector<512x4096xf32>
    %get3A_18 = arith.constant 0 : index
    %get3A_19 = arith.constant 0 : index
    %get3A_20 = vector.load %arg4[%get3A_18, %get3A_19] : memref<1x4096xf32, #tpu.memory_space<vmem>>, vector<1x4096xf32>
    %add3A = vector.broadcast %get3A_20 : vector<1x4096xf32> to vector<512x4096xf32>
    %add3A_21 = arith.addf %dot_general3A_17, %add3A : vector<512x4096xf32>
    %mul3A_22 = arith.constant 5.000000e-01 : f32
    %mul3A_23 = vector.broadcast %mul3A_22 : f32 to vector<512x4096xf32>
    %mul3A_24 = arith.mulf %mul3A_23, %add3A_21 : vector<512x4096xf32>
    %mul3A_25 = arith.constant 0.707106769 : f32
    %mul3A_26 = vector.broadcast %mul3A_25 : f32 to vector<512x4096xf32>
    %mul3A_27 = arith.mulf %add3A_21, %mul3A_26 : vector<512x4096xf32>
    %erf3A = math.erf %mul3A_27 : vector<512x4096xf32>
    %add3A_28 = arith.constant 1.000000e+00 : f32
    %add3A_29 = vector.broadcast %add3A_28 : f32 to vector<512x4096xf32>
    %add3A_30 = arith.addf %add3A_29, %erf3A : vector<512x4096xf32>
    %mul3A_31 = arith.mulf %mul3A_24, %add3A_30 : vector<512x4096xf32>
    %convert_element_type3A_32 = arith.truncf %mul3A_31 : vector<512x4096xf32> to vector<512x4096xbf16>
    %get3A_33 = arith.constant 0 : index
    %get3A_34 = arith.constant 0 : index
    %get3A_35 = vector.load %arg5[%get3A_33, %get3A_34] : memref<4096x1024xbf16, #tpu.memory_space<vmem>>, vector<4096x1024xbf16>
    %dot_general3A_36 = arith.constant dense<0.000000e+00> : vector<512x1024xf32>
    %dot_general3A_37 = tpu.matmul %convert_element_type3A_32, %get3A_35, %dot_general3A_36 {dimension_numbers = #tpu.dot_dimension_numbers<[1], [0], [0], [1], [0, 0, 1, 1], [], []>, transpose_lhs_hint = false} : vector<512x4096xbf16>, vector<4096x1024xbf16>, vector<512x1024xf32> -> vector<512x1024xf32>
    %get3A_38 = arith.constant 0 : index
    %get3A_39 = arith.constant 0 : index
    %get3A_40 = vector.load %arg6[%get3A_38, %get3A_39] : memref<1x1024xf32, #tpu.memory_space<vmem>>, vector<1x1024xf32>
    %add3A_41 = vector.broadcast %get3A_40 : vector<1x1024xf32> to vector<512x1024xf32>
    %add3A_42 = arith.addf %dot_general3A_37, %add3A_41 : vector<512x1024xf32>
    %swap3A = arith.constant 0 : index
    %swap3A_43 = arith.constant 0 : index
    %swap3A_44 = vector.load %arg7[%swap3A, %swap3A_43] : memref<512x1024xf32, #tpu.memory_space<vmem>>, vector<512x1024xf32>
    tpu.vector_store %arg7[%swap3A, %swap3A_43], %add3A_42 {strides = array<i32>} : memref<512x1024xf32, #tpu.memory_space<vmem>>, vector<512x1024xf32>,
    return
  }
  func.func @transform_0(%arg0: i32) -> (i32, i32) {
    %c0_i32 = arith.constant 0 : i32
    %c0_i32_0 = arith.constant 0 : i32
    return %arg0, %c0_i32 : i32, i32
  }
  func.func @transform_1(%arg0: i32) -> (i32, i32) {
    %c0_i32 = arith.constant 0 : i32
    %c0_i32_0 = arith.constant 0 : i32
    %c0_i32_1 = arith.constant 0 : i32
    return %c0_i32, %c0_i32_0 : i32, i32
  }
  func.func @transform_2(%arg0: i32) -> (i32, i32) {
    %c0_i32 = arith.constant 0 : i32
    %c0_i32_0 = arith.constant 0 : i32
    %c0_i32_1 = arith.constant 0 : i32
    return %c0_i32, %c0_i32_0 : i32, i32
  }
  func.func @transform_3(%arg0: i32) -> (i32, i32) {
    %c0_i32 = arith.constant 0 : i32
    %c0_i32_0 = arith.constant 0 : i32
    %c0_i32_1 = arith.constant 0 : i32
    return %c0_i32, %c0_i32_0 : i32, i32
  }
  func.func @transform_4(%arg0: i32) -> (i32, i32) {
    %c0_i32 = arith.constant 0 : i32
    %c0_i32_0 = arith.constant 0 : i32
    %c0_i32_1 = arith.constant 0 : i32
    return %c0_i32, %c0_i32_0 : i32, i32
  }
  func.func @transform_5(%arg0: i32) -> (i32, i32) {
    %c0_i32 = arith.constant 0 : i32
    %c0_i32_0 = arith.constant 0 : i32
    %c0_i32_1 = arith.constant 0 : i32
    return %c0_i32, %c0_i32_0 : i32, i32
  }
  func.func @transform_6(%arg0: i32) -> (i32, i32) {
    %c0_i32 = arith.constant 0 : i32
    %c0_i32_0 = arith.constant 0 : i32
    return %arg0, %c0_i32 : i32, i32
  }
}

</mosaic_0001>

<sc_bundles>
// kernel: kernel.10.cloned.1.call-start
scs
__scs_entry_jumppad:
0x0: {  	(pc) =	sbr.rel $0x88, $3  }
0x1: {  	(tag) =	ssettag $0x0;
	lr =	simm.s32 $0x1  }
0x2: {  	[smem:$0x3F95] =	sst lr;
	_ =	strace $0xD0000000  }
0x3: {  	_ = 	snop  }
0x4: {  	_ = 	snop  }
0x5: {  	_ = 	snop  }
0x6: {  	_ = 	snop  }
0x7: {  	_ = 	snop  }
__scs_overlays_trampoline_lowered:
0x8: {  	[smem:$0x3FA4] =	sst s0  }
0x9: {  	[smem:$0x3FA5] =	sst s1  }
0xa: {  	[smem:$0x3FA6] =	sst s2  }
0xb: {  	[smem:$0x3FA7] =	sst s3  }
0xc: {  	[smem:$0x3FA8] =	sst s4  }
0xd: {  	[smem:$0x3FA9] =	sst s5  }
0xe: {  	[smem:$0x3FAA] =	sst s6  }
0xf: {  	[smem:$0x3FAB] =	sst s7  }
0x10: {  	[smem:$0x3FAC] =	sst s8  }
0x11: {  	[smem:$0x3FAD] =	sst s9;
	s0 =	simm.s32 @!p0 $0x0  }
0x12: {  	s1 =	sld [smem:$0x3F93];
	s0 =	simm.s32 @p0 $0x1  }
0x13: {  	[smem:$0x3FAE] =	sst s0;
	s0 =	simm.s32 @!p1 $0x0  }
0x14: {  	s2 =	sld [smem:$0x3F92];
	s0 =	simm.s32 @p1 $0x1  }
0x15: {  	[smem:$0x3FAF] =	sst s0;
	s0 =	simm.s32 @!p2 $0x0  }
0x16: {  	s3 =	sld [smem:$0x3FDB];
	s0 =	simm.s32 @p2 $0x1  }
0x17: {  	s4 =	simm.s32 $0x1BF5;
	[smem:$0x3FB1] =	sst s0  }
0x18: {  	s0 =	sld [smem:$0x3F94];
	_ =	swait.ge [sflag:s4], $0x0  }
0x19: {  	s7 =	sld [smem:$0x3F95]  }
0x1a: {  	s8 =	sadd.s32 $0xFFFFE003, lr  }
0x1b: {  	s9 =	sadd.s32 $0xFFFFFEF7, lr;
	s5 =	simm.s32 $0xFFFFFFFF;
	p2 =	slt.u32 s8, $0xFFFFF086  }
0x1c: {  	p1 =	slt.u32 s9, $0xF7A;
	s5 =	simm.s32 @!p2 $0x0  }
0x1d: {  	s5 =	simm.s32 @p1 $0x1;
	p0 =	seq.s32 s7, s2  }
0x1e: {  	s7 =	smul.u32 @!p0 $0xF7A, s2;
	p2 =	seq.s32 @!p0 s5, $0x0  }
0x1f: {  	s9 =	smul.u32 $0xF7A, s1;
	s8 =	simm.s32 @!p0 $0x1BF5;
	p2 =	por !p2, p0  }
0x20: {  	[sflag:s8] =	ssyncset.s32 @!p0 $0xFFFFF086;
	s6 =	sadd.s32 @!p0 s3, s7;
	s7 =	simm.s32 @!p0 $0x108  }
0x21: {  	s3 =	sadd.s32 s3, s9;
	s6 =	sadd.s32 @!p0 $0x88, s6;
	s7 =	simm.s32 @p2 $0x1082  }
0x22: {  	[simem:s7], [sflag:s8] =	dma.local @!p0 [hbm:s6], $0xF7A  }
0x23: {  	s9 =	sor.u32 $0xD0000000, s2;
	s6 =	simm.s32 $0x108;
	_ =	swait.ge @!p0 [sflag:s8], $0x0  }
0x24: {  	s3 =	sadd.s32 $0x88, s3;
	s6 =	simm.s32 @!p1 $0x1082;
	[sflag:s4] =	ssyncset.s32 $0xFFFFF086  }
0x25: {  	[simem:s6], [sflag:s4] =	dma.local [hbm:s3], $0xF7A  }
0x26: {  	[smem:$0x3F95] =	sst s1;
	(tag) =	ssettag s2;
	_ =	strace s9  }
0x27: {  	s1 =	sld [smem:$0x3FA5]  }
0x28: {  	s2 =	sld [smem:$0x3FA6]  }
0x29: {  	s4 =	sld [smem:$0x3FA8]  }
0x2a: {  	p0 =	seq.s32 s5, $0x0;
	s5 =	sld [smem:$0x3FA9]  }
0x2b: {  	s6 =	sld [smem:$0x3FAA]  }
0x2c: {  	s7 =	sld [smem:$0x3FAB]  }
0x2d: {  	s3 =	simm.s32 $0x108;
	s8 =	sld [smem:$0x3FAC]  }
0x2e: {  	s3 =	simm.s32 @!p0 $0x1082;
	s9 =	sld [smem:$0x3FAD]  }
0x2f: {  	lr =	sadd.s32 s0, s3;
	s0 =	sld [smem:$0x3FA4]  }
0x30: {  	s3 =	sld [smem:$0x3FA7]  }
0x31: {  	[smem:$0x3FB0] =	sst s10  }
0x32: {  	s10 =	sld [smem:$0x3FAE];
	_ =	sdelay $0x3  }
0x33: {  	p0 =	seq.s32 s10, $0x1;
	s10 =	sld [smem:$0x3FB0];
	_ =	sdelay $0x3  }
0x34: {  	[smem:$0x3FB0] =	sst s10  }
0x35: {  	s10 =	sld [smem:$0x3FAF];
	_ =	sdelay $0x3  }
0x36: {  	p1 =	seq.s32 s10, $0x1;
	s10 =	sld [smem:$0x3FB0];
	_ =	sdelay $0x3  }
0x37: {  	[smem:$0x3FB0] =	sst s10  }
0x38: {  	s10 =	sld [smem:$0x3FB1]  }
0x39: {  	_ = 	snop;
	(pc) =	sbr.ind lr, $3  }
0x3a: {  	_ = 	snop  }
0x3b: {  	_ = 	snop  }
0x3c: {  	p2 =	seq.s32 s10, $0x1;
	s10 =	sld [smem:$0x3FB0]  }
0x3d: {  	_ =	shalt  }
0x3e: {  	_ =	shalt  }
0x3f: {  	_ =	shalt  }
0x40: {  	_ =	shalt  }
0x41: {  	_ =	shalt  }
0x42: {  	_ =	shalt  }
0x43: {  	_ =	shalt  }
0x44: {  	_ =	shalt  }
0x45: {  	_ =	shalt  }
0x46: {  	_ =	shalt  }
0x47: {  	_ =	shalt  }
0x48: {  	_ =	shalt  }
0x49: {  	_ =	shalt  }
0x4a: {  	_ =	shalt  }
0x4b: {  	_ =	shalt  }
0x4c: {  	_ =	shalt  }
0x4d: {  	_ =	shalt  }
0x4e: {  	_ =	shalt  }
0x4f: {  	_ =	shalt  }
0x50: {  	_ =	shalt  }
0x51: {  	_ =	shalt  }
0x52: {  	_ =	shalt  }
0x53: {  	_ =	shalt  }
0x54: {  	_ =	shalt  }
0x55: {  	_ =	shalt  }
0x56: {  	_ =	shalt  }
0x57: {  	_ =	shalt  }
0x58: {  	_ =	shalt  }
0x59: {  	_ =	shalt  }
0x5a: {  	_ =	shalt  }
0x5b: {  	_ =	shalt  }
0x5c: {  	_ =	shalt  }
0x5d: {  	_ =	shalt  }
0x5e: {  	_ =	shalt  }
0x5f: {  	_ =	shalt  }
0x60: {  	_ =	shalt  }
0x61: {  	_ =	shalt  }
0x62: {  	_ =	shalt  }
0x63: {  	_ =	shalt  }
0x64: {  	_ =	shalt  }
0x65: {  	_ =	shalt  }
0x66: {  	_ =	shalt  }
0x67: {  	_ =	shalt  }
0x68: {  	_ =	shalt  }
0x69: {  	_ =	shalt  }
0x6a: {  	_ =	shalt  }
0x6b: {  	_ =	shalt  }
0x6c: {  	_ =	shalt  }
0x6d: {  	_ =	shalt  }
0x6e: {  	_ =	shalt  }
0x6f: {  	_ =	shalt  }
0x70: {  	_ =	shalt  }
0x71: {  	_ =	shalt  }
0x72: {  	_ =	shalt  }
0x73: {  	_ =	shalt  }
0x74: {  	_ =	shalt  }
0x75: {  	_ =	shalt  }
0x76: {  	_ =	shalt  }
0x77: {  	_ =	shalt  }
0x78: {  	_ =	shalt  }
0x79: {  	_ =	shalt  }
0x7a: {  	_ =	shalt  }
0x7b: {  	_ =	shalt  }
0x7c: {  	_ =	shalt  }
0x7d: {  	_ =	shalt  }
0x7e: {  	_ =	shalt  }
0x7f: {  	_ =	shalt  }
0x80: {  	_ =	shalt  }
0x81: {  	_ =	shalt  }
0x82: {  	_ =	shalt  }
0x83: {  	_ =	shalt  }
0x84: {  	_ =	shalt  }
0x85: {  	_ =	shalt  }
0x86: {  	_ =	shalt  }
0x87: {  	_ =	shalt  }
.Lfunc_end0:
.L_simem_size_0:
called_computation.1_lowered:
.L_overlay_start_0:
0x88: {  	s2 =	sld [smem:$0x3FD9]  }
0x89: {  	s3 =	sld [smem:$0x3FFE];
	_ =	sdelay $0x1  }
0x8a: {  	s1 =	srdreg.scid  }
0x8b: {  	s0 =	sand.u32 $0x1, s1  }
0x8c: {  	s17 =	sshll.u32 s0, $0xA;
	s2 =	sadd.s32 s3, s2  }
0x8d: {  	s2 =	sadd.s32 s2, s17  }
0x8e: {  	[smem:$0x3FBC] =	sst s2  }
0x8f: {  	_ = 	snop  }
0x90: {  	s2 =	sld [smem:$0x3FC9];
	(tm) =	ssettm $0x1  }
0x91: {  	s18 =	sld [smem:$0x3FFB];
	_ =	sdelay $0x3  }
0x92: {  	_ =	strace s18  }
0x93: {  	s3 =	sld [smem:$0x3FFC];
	_ =	sdelay $0x3  }
0x94: {  	_ =	strace s3  }
0x95: {  	s3 =	sld [smem:$0x3FFD];
	_ =	sdelay $0x3  }
0x96: {  	_ =	strace s3  }
0x97: {  	_ =	strace $0x8FFFFFFF  }
0x98: {  	s19 =	sld [smem:$0x3FDB];
	_ =	sdelay $0x1  }
0x99: {  	s4 =	simm.s32 $_scs_section_size  }
0x9a: {  	s5 =	simm.s32 $_size__tile_overlayer_lowered;
	s6 =	simm.s32 $_tile_overlayer_lowered  }
0x9b: {  	s22 =	simm.s32 $0x1BFF;
	s21 =	sshll.u32 s6, $0x1;
	s3 =	sadd.s32 s4, s19  }
0x9c: {  	s7 =	simm.s32 $0x0;
	s20 =	sshll.u32 s5, $0x1;
	s5 =	sadd.s32 s21, s3  }
0x9d: {  	[timem:s7], [sflag:s22] =	dma.local [hbm:s5], s20  }
0x9e: {  	_ =	swait.ge [sflag:s22], s20  }
0x9f: {  	s4 =	ssub.s32 $0x0, s20;
	[sflag:s22] =	ssyncset.done $0x0  }
0xa0: {  	[sflag:s22] =	ssyncadd.s32 s4;
	_ =	sdelay $0x1  }
0xa1: {  	s23 =	simm.s32 $0x1B8B  }
0xa2: {  	_ =	swait.ge [sflag:s23], $0x1  }
0xa3: {  	[sflag:s23] =	ssyncset.done $0x0  }
0xa4: {  	s25 =	simm.s32 $0x1B8E;
	s24 =	sld [smem:$0x3FFE];
	[sflag:s23] =	ssyncadd.s32 $0xFFFFFFFF  }
0xa5: {  	s26 =	simm.s32 $execute0_lowered;
	[smem:$0x3FD2] =	sst s25  }
0xa6: {  	s5 =	sshll.u32 s26, $0x1;
	_ =	strace $0x80000049;
	[dreg:$0x1] =	wrdreg $0xFFFFFFFF  }
0xa7: {  	s28 =	simm.s32 $_size_execute0_lowered;
	s3 =	sadd.s32 s3, s5;
	[dreg:$0x0] =	wrdreg $0x0  }
0xa8: {  	s5 =	sshll.u32 s28, $0x1;
	[dreg:$0x2] =	wrdreg s3  }
0xa9: {  	[dreg:$0x3] =	wrdreg s5  }
0xaa: {  	[dreg:$0x4] =	wrdreg $0xC0  }
0xab: {  	_ =	task [dreg:s7], $0x5FFFF  }
0xac: {  	[dreg:$0x1] =	wrdreg $0xFFFFFFFF  }
0xad: {  	[dreg:$0x0] =	wrdreg $0x60  }
0xae: {  	[dreg:$0x2] =	wrdreg s2  }
0xaf: {  	[dreg:$0x3] =	wrdreg s24  }
0xb0: {  	[dreg:$0x4] =	wrdreg $0x9  }
0xb1: {  	_ =	task.clear_ibuf [dreg:s7], $0x5FFFF;
	_ =	strace $0x90000049  }
0xb2: {  	s29 =	simm.s32 $0x9;
	_ =	strace $0x8000004B  }
0xb3: {  	_ =	swait.ge [sflag:s29], $0x1  }
0xb4: {  	[sflag:s29] =	ssyncadd.s32 $0xFFFFFFFF  }
0xb5: {  	_ =	strace $0x9000004B  }
0xb6: {  	_ =	sfence  }
0xb7: {  	s30 =	sld [smem:$0x0];
	_ =	sdelay $0x2  }
0xb8: {  	s31 =	sshll.u32 s1, $0xD;
	s1 =	sshrl.u32 s1, $0x2  }
0xb9: {  	s3 =	sand.u32 $0x4000, s31;
	s1 =	sadd.s32 s1, s30  }
0xba: {  	s0 =	sor.u32 s3, s0;
	s1 =	sshll.u32 s1, $0x11  }
0xbb: {  	s0 =	sor.u32 s1, s0  }
0xbc: {  	s0 =	sadd.s32 $0x8F2B, s0  }
0xbd: {  	[sflag:s0] =	ssyncadd.remote.s32 $0x1  }
0xbe: {  	_ =	sfence.sel $0xFFFF  }
0xbf: {  	[dreg:$0x0] =	wrdreg $0xFFFFFFFF;
	(pc) =	sbr.abs _section_cstart, $3  }
0xc0: {  	[dreg:$0x1] =	wrdreg $0xFFFFFFFF  }
0xc1: {  	_ =	task.clear_ibuf [dreg:s7], $0x2FFFF;
	_ =	strace $0x9FFFFFFF  }
0xc2: {  	(tm) =	ssettm $0x7FFFFFFF  }
0xc3: {  	_ =	shalt  }
tec
execute0_lowered:
.L_overlay_start_1:
0x0: {  	(tag) =	ssettag $0x1  }
0x1: {  	s2 =	rddreg [dreg:$0x0]  }
0x2: {  	s0 =	rddreg [dreg:$0x1];
	s1 =	srdreg.scid  }
0x3: {  	s4 =	stileid.u32;
	s3 =	simm.s32 $0x0;
	s8 =	simm.s32 $0x1  }
0x4: {  	s19 =	simm.s32 $0x3;
	s20 =	simm.s32 $0x2;
	s21 =	simm.s32 $0x4  }
0x5: {  	s23 =	simm.s32 $0x880;
	s24 =	simm.s32 $0x1080;
	s28 =	simm.s32 $0x2080  }
0x6: {  	s29 =	simm.s32 $0x2880;
	s30 =	simm.s32 $0x3080;
	s31 =	simm.s32 $0x3880  }
0x7: {  	s10 =	simm.s32 $0x5080;
	s11 =	simm.s32 $0x5880;
	s12 =	simm.s32 $0x6080  }
0x8: {  	s13 =	simm.s32 $0x6880;
	s14 =	simm.s32 $0x7080;
	s1 =	sand.u32 $0x1, s1  }
0x9: {  	s15 =	simm.s32 $0x7880;
	s4 =	sshll.u32 s4, $0x8;
	s5 =	sshll.u32 s1, $0x7  }
0xa: {  	s18 =	simm.s32 $0x8080;
	s16 =	simm.s32 $0x8880;
	s4 =	sor.u32 s5, s4  }
0xb: {  	s17 =	simm.s32 $0x9080;
	[smem:$0x7FF] =	sst s3;
	s5 =	sshrl.u32 s4, $0x3  }
0xc: {  	_ =	strace $0x8000004A;
	s4 =	sshll.u32 s4, $0x7;
	s5 =	sadd.s32 s5, s0  }
0xd: {  	s1 =	ssub.s32 $0x2, s1;
	s0 =	sadd.s32 s4, s0;
	s5 =	sadd.s32 $0x2800, s5  }
0xe: {  	s25 =	sshrl.u32 s1, $0x1;
	s26 =	sadd.s32 $0x2A00, s0;
	[dreg:$0x3] =	wrdreg s5  }
0xf: {  	s1 =	ssub.s32 s1, s25;
	s6 =	sadd.s32 $0x3A00, s0;
	[dreg:$0x4] =	wrdreg s26  }
0x10: {  	s25 =	simm.s32 $0x80;
	s7 =	sadd.s32 $0x4A00, s0;
	[dreg:$0x5] =	wrdreg s6  }
0x11: {  	v2 =	vlaneseq.u32;
	s4 =	sadd.s32 $0x100, s2;
	s0 =	sadd.s32 $0x5A00, s0;
	[dreg:$0x6] =	wrdreg s7  }
0x12: {  	vm0 =	vmmov $0xffff;
	v1 =	vshrl.u32 v2, $0x3;
	s5 =	sadd.s32 $0x200, s2;
	s6 =	sadd.s32 $0x300, s2;
	[dreg:$0x7] =	wrdreg s0  }
0x13: {  	v0 =	vand.u32 $0x7, v2;
	v2 =	vor.u32 $0x8, v2;
	v1 =	vmul.u32 $0x8, v1;
	s7 =	smax.u32 s1, $0x1;
	s26 =	simm.s32 $0x1880;
	s1 =	simm.s32 $0x4880  }
.LBB2_1:
0x14: {  	s22 =	rddreg [dreg:$0x3];
	s0 =	simm.s32 $0x5  }
0x15: {  	[tilespmem:s3], [sflag:$0x5] =	stream.linear.gather [hbm4b:s22+s3], $0x80, $0x38;
	[tilespmem:$0x10080] =	vst v63  }
0x16: {  	_ =	swait.ge [sflag:s0], $0x80  }
0x17: {  	[sflag:s0] =	ssyncset.done $0x0  }
0x18: {  	[sflag:s0] =	ssyncadd.s32 $0xFFFFFF80  }
0x19: {  	v3 =	vld [tilespmem:$0x0];
	_ =	sdelay $0x4  }
0x1a: {  	v4 =	vshll.u32 v3, $0x3  }
0x1b: {  	v3 =	vand.u32 $0x7, v3;
	v4 =	vand.u32 $0xFFFFFFC0, v4  }
0x1c: {  	v3 =	vor.u32 v3, v4  }
0x1d: {  	v4 =	vperm.xlane v3, v0;
	_ =	sdelay $0x1  }
0x1e: {  	v4 =	vadd.s32 v1, v4;
	_ =	sdelay $0x4  }
0x1f: {  	[tilespmem:s25], [sflag:$0x1] =	stream.indirect_vreg.gather [hbm4b:s2+s3], $0x80, v4, vm0, $0xb8;
	[tilespmem:$0x10080] =	vst v63  }
0x20: {  	v3 =	vperm.xlane v3, v2  }
0x21: {  	[tilespmem:s23], [sflag:$0x1] =	stream.indirect_vreg.gather [hbm4b:s4+s3], $0x80, v4, vm0, $0xb8;
	[tilespmem:$0x10080] =	vst v63  }
0x22: {  	v3 =	vadd.s32 v1, v3  }
0x23: {  	[tilespmem:s24], [sflag:$0x1] =	stream.indirect_vreg.gather [hbm4b:s5+s3], $0x80, v4, vm0, $0xb8;
	[tilespmem:$0x10080] =	vst v63  }
0x24: {  	_ = 	snop  }
0x25: {  	[tilespmem:s26], [sflag:$0x1] =	stream.indirect_vreg.gather [hbm4b:s6+s3], $0x80, v4, vm0, $0xb8;
	[tilespmem:$0x10080] =	vst v63  }
0x26: {  	_ = 	snop  }
0x27: {  	[tilespmem:s28], [sflag:$0x1] =	stream.indirect_vreg.gather [hbm4b:s2+s3], $0x80, v3, vm0, $0xb8;
	[tilespmem:$0x10080] =	vst v63  }
0x28: {  	_ = 	snop  }
0x29: {  	[tilespmem:s29], [sflag:$0x1] =	stream.indirect_vreg.gather [hbm4b:s4+s3], $0x80, v3, vm0, $0xb8;
	[tilespmem:$0x10080] =	vst v63  }
0x2a: {  	_ = 	snop  }
0x2b: {  	[tilespmem:s30], [sflag:$0x1] =	stream.indirect_vreg.gather [hbm4b:s5+s3], $0x80, v3, vm0, $0xb8;
	[tilespmem:$0x10080] =	vst v63  }
0x2c: {  	_ = 	snop  }
0x2d: {  	[tilespmem:s31], [sflag:$0x1] =	stream.indirect_vreg.gather [hbm4b:s6+s3], $0x80, v3, vm0, $0xb8;
	[tilespmem:$0x10080] =	vst v63  }
0x2e: {  	v3 =	vld [tilespmem:$0x10];
	_ =	sdelay $0x4  }
0x2f: {  	v57 =	vshll.u32 v3, $0x3  }
0x30: {  	v3 =	vand.u32 $0x7, v3;
	v4 =	vand.u32 $0xFFFFFFC0, v57  }
0x31: {  	v3 =	vor.u32 v3, v4  }
0x32: {  	v4 =	vperm.xlane v3, v0;
	_ =	sdelay $0x1  }
0x33: {  	v4 =	vadd.s32 v1, v4;
	_ =	sdelay $0x3  }
0x34: {  	s0 =	simm.s32 $0x4080  }
0x35: {  	[tilespmem:s0], [sflag:$0x1] =	stream.indirect_vreg.gather [hbm4b:s2+s3], $0x80, v4, vm0, $0xb8;
	[tilespmem:$0x10080] =	vst v63  }
0x36: {  	v3 =	vperm.xlane v3, v2  }
0x37: {  	[tilespmem:s1], [sflag:$0x1] =	stream.indirect_vreg.gather [hbm4b:s4+s3], $0x80, v4, vm0, $0xb8;
	[tilespmem:$0x10080] =	vst v63  }
0x38: {  	v3 =	vadd.s32 v1, v3  }
0x39: {  	[tilespmem:s10], [sflag:$0x1] =	stream.indirect_vreg.gather [hbm4b:s5+s3], $0x80, v4, vm0, $0xb8;
	[tilespmem:$0x10080] =	vst v63  }
0x3a: {  	_ = 	snop  }
0x3b: {  	[tilespmem:s11], [sflag:$0x1] =	stream.indirect_vreg.gather [hbm4b:s6+s3], $0x80, v4, vm0, $0xb8;
	[tilespmem:$0x10080] =	vst v63  }
0x3c: {  	_ = 	snop  }
0x3d: {  	[tilespmem:s12], [sflag:$0x1] =	stream.indirect_vreg.gather [hbm4b:s2+s3], $0x80, v3, vm0, $0xb8;
	[tilespmem:$0x10080] =	vst v63  }
0x3e: {  	_ = 	snop  }
0x3f: {  	[tilespmem:s13], [sflag:$0x1] =	stream.indirect_vreg.gather [hbm4b:s4+s3], $0x80, v3, vm0, $0xb8;
	[tilespmem:$0x10080] =	vst v63  }
0x40: {  	_ = 	snop  }
0x41: {  	[tilespmem:s14], [sflag:$0x1] =	stream.indirect_vreg.gather [hbm4b:s5+s3], $0x80, v3, vm0, $0xb8;
	[tilespmem:$0x10080] =	vst v63  }
0x42: {  	_ = 	snop  }
0x43: {  	[tilespmem:s15], [sflag:$0x1] =	stream.indirect_vreg.gather [hbm4b:s6+s3], $0x80, v3, vm0, $0xb8;
	[tilespmem:$0x10080] =	vst v63  }
0x44: {  	v3 =	vld [tilespmem:$0x20];
	_ =	sdelay $0x4  }
0x45: {  	v58 =	vshll.u32 v3, $0x3  }
0x46: {  	v3 =	vand.u32 $0x7, v3;
	v4 =	vand.u32 $0xFFFFFFC0, v58  }
0x47: {  	v3 =	vor.u32 v3, v4  }
0x48: {  	v4 =	vperm.xlane v3, v0;
	_ =	sdelay $0x1  }
0x49: {  	v4 =	vadd.s32 v1, v4;
	_ =	sdelay $0x4  }
0x4a: {  	[tilespmem:s18], [sflag:$0x2] =	stream.indirect_vreg.gather [hbm4b:s2+s3], $0x80, v4, vm0, $0xb8;
	[tilespmem:$0x10080] =	vst v63  }
0x4b: {  	v3 =	vperm.xlane v3, v2  }
0x4c: {  	[tilespmem:s16], [sflag:$0x2] =	stream.indirect_vreg.gather [hbm4b:s4+s3], $0x80, v4, vm0, $0xb8;
	[tilespmem:$0x10080] =	vst v63  }
0x4d: {  	v3 =	vadd.s32 v1, v3  }
0x4e: {  	[tilespmem:s17], [sflag:$0x2] =	stream.indirect_vreg.gather [hbm4b:s5+s3], $0x80, v4, vm0, $0xb8;
	[tilespmem:$0x10080] =	vst v63  }
0x4f: {  	s9 =	simm.s32 $0x9880  }
0x50: {  	[tilespmem:s9], [sflag:$0x2] =	stream.indirect_vreg.gather [hbm4b:s6+s3], $0x80, v4, vm0, $0xb8;
	[tilespmem:$0x10080] =	vst v63  }
0x51: {  	s9 =	simm.s32 $0xA080  }
0x52: {  	[tilespmem:s9], [sflag:$0x2] =	stream.indirect_vreg.gather [hbm4b:s2+s3], $0x80, v3, vm0, $0xb8;
	[tilespmem:$0x10080] =	vst v63  }
0x53: {  	s22 =	simm.s32 $0xA880  }
0x54: {  	[tilespmem:s22], [sflag:$0x2] =	stream.indirect_vreg.gather [hbm4b:s4+s3], $0x80, v3, vm0, $0xb8;
	[tilespmem:$0x10080] =	vst v63  }
0x55: {  	s22 =	simm.s32 $0xB080  }
0x56: {  	[tilespmem:s22], [sflag:$0x2] =	stream.indirect_vreg.gather [hbm4b:s5+s3], $0x80, v3, vm0, $0xb8;
	[tilespmem:$0x10080] =	vst v63  }
0x57: {  	s22 =	simm.s32 $0xB880  }
0x58: {  	[tilespmem:s22], [sflag:$0x2] =	stream.indirect_vreg.gather [hbm4b:s6+s3], $0x80, v3, vm0, $0xb8;
	[tilespmem:$0x10080] =	vst v63  }
0x59: {  	v3 =	vld [tilespmem:$0x30];
	_ =	sdelay $0x4  }
0x5a: {  	v59 =	vshll.u32 v3, $0x3  }
0x5b: {  	v3 =	vand.u32 $0x7, v3;
	v4 =	vand.u32 $0xFFFFFFC0, v59  }
0x5c: {  	v3 =	vor.u32 v3, v4  }
0x5d: {  	v4 =	vperm.xlane v3, v0;
	_ =	sdelay $0x1  }
0x5e: {  	v4 =	vadd.s32 v1, v4;
	_ =	sdelay $0x3  }
0x5f: {  	s22 =	simm.s32 $0xC080  }
0x60: {  	[tilespmem:s22], [sflag:$0x2] =	stream.indirect_vreg.gather [hbm4b:s2+s3], $0x80, v4, vm0, $0xb8;
	[tilespmem:$0x10080] =	vst v63  }
0x61: {  	v3 =	vperm.xlane v3, v2;
	s22 =	simm.s32 $0xC880  }
0x62: {  	[tilespmem:s22], [sflag:$0x2] =	stream.indirect_vreg.gather [hbm4b:s4+s3], $0x80, v4, vm0, $0xb8;
	[tilespmem:$0x10080] =	vst v63  }
0x63: {  	v3 =	vadd.s32 v1, v3;
	s22 =	simm.s32 $0xD080  }
0x64: {  	[tilespmem:s22], [sflag:$0x2] =	stream.indirect_vreg.gather [hbm4b:s5+s3], $0x80, v4, vm0, $0xb8;
	[tilespmem:$0x10080] =	vst v63  }
0x65: {  	s22 =	simm.s32 $0xD880  }
0x66: {  	[tilespmem:s22], [sflag:$0x2] =	stream.indirect_vreg.gather [hbm4b:s6+s3], $0x80, v4, vm0, $0xb8;
	[tilespmem:$0x10080] =	vst v63  }
0x67: {  	s22 =	simm.s32 $0xE080  }
0x68: {  	[tilespmem:s22], [sflag:$0x2] =	stream.indirect_vreg.gather [hbm4b:s2+s3], $0x80, v3, vm0, $0xb8;
	[tilespmem:$0x10080] =	vst v63  }
0x69: {  	s22 =	simm.s32 $0xE880  }
0x6a: {  	[tilespmem:s22], [sflag:$0x2] =	stream.indirect_vreg.gather [hbm4b:s4+s3], $0x80, v3, vm0, $0xb8;
	[tilespmem:$0x10080] =	vst v63  }
0x6b: {  	s22 =	simm.s32 $0xF080  }
0x6c: {  	[tilespmem:s22], [sflag:$0x2] =	stream.indirect_vreg.gather [hbm4b:s5+s3], $0x80, v3, vm0, $0xb8;
	[tilespmem:$0x10080] =	vst v63  }
0x6d: {  	s22 =	simm.s32 $0xF880  }
0x6e: {  	[tilespmem:s22], [sflag:$0x2] =	stream.indirect_vreg.gather [hbm4b:s6+s3], $0x80, v3, vm0, $0xb8;
	[tilespmem:$0x10080] =	vst v63  }
0x6f: {  	_ =	swait.ge [sflag:s8], $0x8000  }
0x70: {  	[sflag:s8] =	ssyncset.done $0x0  }
0x71: {  	s22 =	rddreg [dreg:$0x4];
	[sflag:s8] =	ssyncadd.s32 $0xFFFF8000  }
0x72: {  	[hbm4b:s22+s3] =	stream.linear.scatter [tilespmem:s25], [sflag:$0x3], $0x8000, $0x38;
	[tilespmem:$0x10080] =	vst v63  }
0x73: {  	_ =	swait.ge [sflag:s19], $0x8000  }
0x74: {  	[sflag:s19] =	ssyncset.done $0x0  }
0x75: {  	[sflag:s19] =	ssyncadd.s32 $0xFFFF8000  }
0x76: {  	v3 =	vld [tilespmem:$0x40];
	_ =	sdelay $0x4  }
0x77: {  	v60 =	vshll.u32 v3, $0x3  }
0x78: {  	v3 =	vand.u32 $0x7, v3;
	v4 =	vand.u32 $0xFFFFFFC0, v60  }
0x79: {  	v3 =	vor.u32 v3, v4  }
0x7a: {  	v4 =	vperm.xlane v3, v0;
	_ =	sdelay $0x1  }
0x7b: {  	v4 =	vadd.s32 v1, v4;
	_ =	sdelay $0x4  }
0x7c: {  	[tilespmem:s25], [sflag:$0x1] =	stream.indirect_vreg.gather [hbm4b:s2+s3], $0x80, v4, vm0, $0xb8;
	[tilespmem:$0x10080] =	vst v63  }
0x7d: {  	v3 =	vperm.xlane v3, v2  }
0x7e: {  	[tilespmem:s23], [sflag:$0x1] =	stream.indirect_vreg.gather [hbm4b:s4+s3], $0x80, v4, vm0, $0xb8;
	[tilespmem:$0x10080] =	vst v63  }
0x7f: {  	v3 =	vadd.s32 v1, v3  }
0x80: {  	[tilespmem:s24], [sflag:$0x1] =	stream.indirect_vreg.gather [hbm4b:s5+s3], $0x80, v4, vm0, $0xb8;
	[tilespmem:$0x10080] =	vst v63  }
0x81: {  	_ = 	snop  }
0x82: {  	[tilespmem:s26], [sflag:$0x1] =	stream.indirect_vreg.gather [hbm4b:s6+s3], $0x80, v4, vm0, $0xb8;
	[tilespmem:$0x10080] =	vst v63  }
0x83: {  	_ = 	snop  }
0x84: {  	[tilespmem:s28], [sflag:$0x1] =	stream.indirect_vreg.gather [hbm4b:s2+s3], $0x80, v3, vm0, $0xb8;
	[tilespmem:$0x10080] =	vst v63  }
0x85: {  	_ = 	snop  }
0x86: {  	[tilespmem:s29], [sflag:$0x1] =	stream.indirect_vreg.gather [hbm4b:s4+s3], $0x80, v3, vm0, $0xb8;
	[tilespmem:$0x10080] =	vst v63  }
0x87: {  	_ = 	snop  }
0x88: {  	[tilespmem:s30], [sflag:$0x1] =	stream.indirect_vreg.gather [hbm4b:s5+s3], $0x80, v3, vm0, $0xb8;
	[tilespmem:$0x10080] =	vst v63  }
0x89: {  	_ = 	snop  }
0x8a: {  	[tilespmem:s31], [sflag:$0x1] =	stream.indirect_vreg.gather [hbm4b:s6+s3], $0x80, v3, vm0, $0xb8;
	[tilespmem:$0x10080] =	vst v63  }
0x8b: {  	v3 =	vld [tilespmem:$0x50];
	_ =	sdelay $0x4  }
0x8c: {  	v61 =	vshll.u32 v3, $0x3  }
0x8d: {  	v3 =	vand.u32 $0x7, v3;
	v4 =	vand.u32 $0xFFFFFFC0, v61  }
0x8e: {  	v3 =	vor.u32 v3, v4  }
0x8f: {  	v4 =	vperm.xlane v3, v0;
	_ =	sdelay $0x1  }
0x90: {  	v4 =	vadd.s32 v1, v4;
	_ =	sdelay $0x4  }
0x91: {  	[tilespmem:s0], [sflag:$0x1] =	stream.indirect_vreg.gather [hbm4b:s2+s3], $0x80, v4, vm0, $0xb8;
	[tilespmem:$0x10080] =	vst v63  }
0x92: {  	v3 =	vperm.xlane v3, v2  }
0x93: {  	[tilespmem:s1], [sflag:$0x1] =	stream.indirect_vreg.gather [hbm4b:s4+s3], $0x80, v4, vm0, $0xb8;
	[tilespmem:$0x10080] =	vst v63  }
0x94: {  	v3 =	vadd.s32 v1, v3  }
0x95: {  	[tilespmem:s10], [sflag:$0x1] =	stream.indirect_vreg.gather [hbm4b:s5+s3], $0x80, v4, vm0, $0xb8;
	[tilespmem:$0x10080] =	vst v63  }
0x96: {  	_ = 	snop  }
0x97: {  	[tilespmem:s11], [sflag:$0x1] =	stream.indirect_vreg.gather [hbm4b:s6+s3], $0x80, v4, vm0, $0xb8;
	[tilespmem:$0x10080] =	vst v63  }
0x98: {  	_ = 	snop  }
0x99: {  	[tilespmem:s12], [sflag:$0x1] =	stream.indirect_vreg.gather [hbm4b:s2+s3], $0x80, v3, vm0, $0xb8;
	[tilespmem:$0x10080] =	vst v63  }
0x9a: {  	_ = 	snop  }
0x9b: {  	[tilespmem:s13], [sflag:$0x1] =	stream.indirect_vreg.gather [hbm4b:s4+s3], $0x80, v3, vm0, $0xb8;
	[tilespmem:$0x10080] =	vst v63  }
0x9c: {  	_ = 	snop  }
0x9d: {  	[tilespmem:s14], [sflag:$0x1] =	stream.indirect_vreg.gather [hbm4b:s5+s3], $0x80, v3, vm0, $0xb8;
	[tilespmem:$0x10080] =	vst v63  }
0x9e: {  	_ = 	snop  }
0x9f: {  	[tilespmem:s15], [sflag:$0x1] =	stream.indirect_vreg.gather [hbm4b:s6+s3], $0x80, v3, vm0, $0xb8;
	[tilespmem:$0x10080] =	vst v63  }
0xa0: {  	_ =	swait.ge [sflag:s20], $0x8000  }
0xa1: {  	[sflag:s20] =	ssyncset.done $0x0  }
0xa2: {  	s0 =	rddreg [dreg:$0x5];
	[sflag:s20] =	ssyncadd.s32 $0xFFFF8000  }
0xa3: {  	[hbm4b:s0+s3] =	stream.linear.scatter [tilespmem:s18], [sflag:$0x4], $0x8000, $0x38;
	[tilespmem:$0x10080] =	vst v63  }
0xa4: {  	_ =	swait.ge [sflag:s21], $0x8000  }
0xa5: {  	[sflag:s21] =	ssyncset.done $0x0  }
0xa6: {  	[sflag:s21] =	ssyncadd.s32 $0xFFFF8000  }
0xa7: {  	v3 =	vld [tilespmem:$0x60];
	_ =	sdelay $0x4  }
0xa8: {  	v62 =	vshll.u32 v3, $0x3  }
0xa9: {  	v3 =	vand.u32 $0x7, v3;
	v4 =	vand.u32 $0xFFFFFFC0, v62  }
0xaa: {  	v3 =	vor.u32 v3, v4  }
0xab: {  	v4 =	vperm.xlane v3, v0;
	_ =	sdelay $0x1  }
0xac: {  	v4 =	vadd.s32 v1, v4;
	_ =	sdelay $0x4  }
0xad: {  	[tilespmem:s18], [sflag:$0x2] =	stream.indirect_vreg.gather [hbm4b:s2+s3], $0x80, v4, vm0, $0xb8;
	[tilespmem:$0x10080] =	vst v63  }
0xae: {  	v3 =	vperm.xlane v3, v2  }
0xaf: {  	[tilespmem:s16], [sflag:$0x2] =	stream.indirect_vreg.gather [hbm4b:s4+s3], $0x80, v4, vm0, $0xb8;
	[tilespmem:$0x10080] =	vst v63  }
0xb0: {  	v3 =	vadd.s32 v1, v3  }
0xb1: {  	[tilespmem:s17], [sflag:$0x2] =	stream.indirect_vreg.gather [hbm4b:s5+s3], $0x80, v4, vm0, $0xb8;
	[tilespmem:$0x10080] =	vst v63  }
0xb2: {  	s22 =	simm.s32 $0x9880  }
0xb3: {  	[tilespmem:s22], [sflag:$0x2] =	stream.indirect_vreg.gather [hbm4b:s6+s3], $0x80, v4, vm0, $0xb8;
	[tilespmem:$0x10080] =	vst v63  }
0xb4: {  	_ = 	snop  }
0xb5: {  	[tilespmem:s9], [sflag:$0x2] =	stream.indirect_vreg.gather [hbm4b:s2+s3], $0x80, v3, vm0, $0xb8;
	[tilespmem:$0x10080] =	vst v63  }
0xb6: {  	s22 =	simm.s32 $0xA880  }
0xb7: {  	[tilespmem:s22], [sflag:$0x2] =	stream.indirect_vreg.gather [hbm4b:s4+s3], $0x80, v3, vm0, $0xb8;
	[tilespmem:$0x10080] =	vst v63  }
0xb8: {  	s9 =	simm.s32 $0xB080  }
0xb9: {  	[tilespmem:s9], [sflag:$0x2] =	stream.indirect_vreg.gather [hbm4b:s5+s3], $0x80, v3, vm0, $0xb8;
	[tilespmem:$0x10080] =	vst v63  }
0xba: {  	s22 =	simm.s32 $0xB880  }
0xbb: {  	[tilespmem:s22], [sflag:$0x2] =	stream.indirect_vreg.gather [hbm4b:s6+s3], $0x80, v3, vm0, $0xb8;
	[tilespmem:$0x10080] =	vst v63  }
0xbc: {  	v3 =	vld [tilespmem:$0x70];
	_ =	sdelay $0x4  }
0xbd: {  	v63 =	vshll.u32 v3, $0x3  }
0xbe: {  	v3 =	vand.u32 $0x7, v3;
	v4 =	vand.u32 $0xFFFFFFC0, v63  }
0xbf: {  	v3 =	vor.u32 v3, v4  }
0xc0: {  	v4 =	vperm.xlane v3, v0;
	_ =	sdelay $0x1  }
0xc1: {  	v4 =	vadd.s32 v1, v4;
	_ =	sdelay $0x3  }
0xc2: {  	s9 =	simm.s32 $0xC080  }
0xc3: {  	[tilespmem:s9], [sflag:$0x2] =	stream.indirect_vreg.gather [hbm4b:s2+s3], $0x80, v4, vm0, $0xb8;
	[tilespmem:$0x10080] =	vst v63  }
0xc4: {  	s22 =	simm.s32 $0xC880;
	v3 =	vperm.xlane v3, v2  }
0xc5: {  	[tilespmem:s22], [sflag:$0x2] =	stream.indirect_vreg.gather [hbm4b:s4+s3], $0x80, v4, vm0, $0xb8;
	[tilespmem:$0x10080] =	vst v63  }
0xc6: {  	v3 =	vadd.s32 v1, v3;
	s9 =	simm.s32 $0xD080  }
0xc7: {  	[tilespmem:s9], [sflag:$0x2] =	stream.indirect_vreg.gather [hbm4b:s5+s3], $0x80, v4, vm0, $0xb8;
	[tilespmem:$0x10080] =	vst v63  }
0xc8: {  	s22 =	simm.s32 $0xD880  }
0xc9: {  	[tilespmem:s22], [sflag:$0x2] =	stream.indirect_vreg.gather [hbm4b:s6+s3], $0x80, v4, vm0, $0xb8;
	[tilespmem:$0x10080] =	vst v63  }
0xca: {  	s9 =	simm.s32 $0xE080  }
0xcb: {  	[tilespmem:s9], [sflag:$0x2] =	stream.indirect_vreg.gather [hbm4b:s2+s3], $0x80, v3, vm0, $0xb8;
	[tilespmem:$0x10080] =	vst v63  }
0xcc: {  	s22 =	simm.s32 $0xE880  }
0xcd: {  	[tilespmem:s22], [sflag:$0x2] =	stream.indirect_vreg.gather [hbm4b:s4+s3], $0x80, v3, vm0, $0xb8;
	[tilespmem:$0x10080] =	vst v63  }
0xce: {  	s9 =	simm.s32 $0xF080  }
0xcf: {  	[tilespmem:s9], [sflag:$0x2] =	stream.indirect_vreg.gather [hbm4b:s5+s3], $0x80, v3, vm0, $0xb8;
	[tilespmem:$0x10080] =	vst v63  }
0xd0: {  	s22 =	simm.s32 $0xF880  }
0xd1: {  	[tilespmem:s22], [sflag:$0x2] =	stream.indirect_vreg.gather [hbm4b:s6+s3], $0x80, v3, vm0, $0xb8;
	[tilespmem:$0x10080] =	vst v63  }
0xd2: {  	_ =	swait.ge [sflag:s8], $0x8000  }
0xd3: {  	[sflag:s8] =	ssyncset.done $0x0  }
0xd4: {  	s0 =	rddreg [dreg:$0x6];
	[sflag:s8] =	ssyncadd.s32 $0xFFFF8000  }
0xd5: {  	[hbm4b:s0+s3] =	stream.linear.scatter [tilespmem:s25], [sflag:$0x3], $0x8000, $0x38;
	[tilespmem:$0x10080] =	vst v63  }
0xd6: {  	_ =	swait.ge [sflag:s20], $0x8000  }
0xd7: {  	[sflag:s20] =	ssyncset.done $0x0  }
0xd8: {  	s9 =	rddreg [dreg:$0x7];
	[sflag:s20] =	ssyncadd.s32 $0xFFFF8000  }
0xd9: {  	[hbm4b:s9+s3] =	stream.linear.scatter [tilespmem:s18], [sflag:$0x4], $0x8000, $0x38;
	[tilespmem:$0x10080] =	vst v63  }
0xda: {  	p0 =	sne.s32 s7, $0x1;
	_ =	swait.ge [sflag:s19], $0x8000  }
.Ltmp0:
0xdb: {  	[sflag:s19] =	ssyncset.done $0x0;
	(pc) =	sbr.rel @p0 .LBB2_1-.Ltmp0, $4  }
0xdc: {  	[sflag:s19] =	ssyncadd.s32 $0xFFFF8000  }
0xdd: {  	_ =	swait.ge [sflag:s21], $0x8000  }
0xde: {  	[sflag:s21] =	ssyncset.done $0x0  }
0xdf: {  	s7 =	sadd.s32 $0xFFFFFFFF, s7;
	[sflag:s21] =	ssyncadd.s32 $0xFFFF8000  }
0xe0: {  	_ =	sfence.sel $0x180000  }
0xe1: {  	[bflag:$0x0] =	sbarrier.arrive $0xFFFF  }
0xe2: {  	_ =	strace $0x9000004A  }
0xe3: {  	s0 =	stileid.u32;
	[bflag:$0x2] =	sbarrier.arrive $0xFFFF  }
0xe4: {  	p0 =	sne.s32 s0, $0x0;
	s0 =	rddreg [dreg:$0x2]  }
0xe5: {  	s0 =	sadd.s32 @!p0 $0x100000, s0  }
0xe6: {  	[sflag:s0] =	ssyncadd.tile.s32 @!p0 $0x1;
	_ =	shalt  }
.Lfunc_end2:
_tile_overlayer_lowered:
.L_overlay_start_2:
0xe7: {  	(tag) =	ssettag $0x2  }
0xe8: {  	s0 =	rddreg [dreg:$0x0];
	s2 =	stileid.u32  }
0xe9: {  	s1 =	rddreg [dreg:$0x1];
	p0 =	sne.s32 s2, $0x0  }
0xea: {  	s3 =	rddreg [dreg:$0x2];
	[bflag:$0x3] =	sbarrier.arrive $0xFFFF;
	s2 =	simm.s32 @!p0 $0x1C05  }
0xeb: {  	[timem:s3], [sflag:s2] =	dma.local @!p0 [hbm:s0], s1  }
0xec: {  	s0 =	simm.s32 @!p0 $0x5  }
0xed: {  	_ =	swait.ge @!p0 [sflag:s0], s1  }
0xee: {  	s1 =	ssub.s32 @!p0 $0x0, s1;
	[sflag:s0] =	ssyncset.done @!p0 $0x0  }
0xef: {  	[sflag:s0] =	ssyncadd.s32 @!p0 s1  }
0xf0: {  	[bflag:$0x3] =	sbarrier.arrive $0xFFFF  }
0xf1: {  	_ =	shalt  }

// kernel: kernel.13.cloned.1.call-start
scs
__scs_entry_jumppad:
0x0: {  	(pc) =	sbr.rel $0x88, $3  }
0x1: {  	(tag) =	ssettag $0x0;
	lr =	simm.s32 $0x1  }
0x2: {  	[smem:$0x3F95] =	sst lr;
	_ =	strace $0xD0000000  }
0x3: {  	_ = 	snop  }
0x4: {  	_ = 	snop  }
0x5: {  	_ = 	snop  }
0x6: {  	_ = 	snop  }
0x7: {  	_ = 	snop  }
__scs_overlays_trampoline_lowered:
0x8: {  	[smem:$0x3FA4] =	sst s0  }
0x9: {  	[smem:$0x3FA5] =	sst s1  }
0xa: {  	[smem:$0x3FA6] =	sst s2  }
0xb: {  	[smem:$0x3FA7] =	sst s3  }
0xc: {  	[smem:$0x3FA8] =	sst s4  }
0xd: {  	[smem:$0x3FA9] =	sst s5  }
0xe: {  	[smem:$0x3FAA] =	sst s6  }
0xf: {  	[smem:$0x3FAB] =	sst s7  }
0x10: {  	[smem:$0x3FAC] =	sst s8  }
0x11: {  	[smem:$0x3FAD] =	sst s9;
	s0 =	simm.s32 @!p0 $0x0  }
0x12: {  	s1 =	sld [smem:$0x3F93];
	s0 =	simm.s32 @p0 $0x1  }
0x13: {  	[smem:$0x3FAE] =	sst s0;
	s0 =	simm.s32 @!p1 $0x0  }
0x14: {  	s2 =	sld [smem:$0x3F92];
	s0 =	simm.s32 @p1 $0x1  }
0x15: {  	[smem:$0x3FAF] =	sst s0;
	s0 =	simm.s32 @!p2 $0x0  }
0x16: {  	s3 =	sld [smem:$0x3FDB];
	s0 =	simm.s32 @p2 $0x1  }
0x17: {  	s4 =	simm.s32 $0x1BF5;
	[smem:$0x3FB1] =	sst s0  }
0x18: {  	s0 =	sld [smem:$0x3F94];
	_ =	swait.ge [sflag:s4], $0x0  }
0x19: {  	s7 =	sld [smem:$0x3F95]  }
0x1a: {  	s8 =	sadd.s32 $0xFFFFE003, lr  }
0x1b: {  	s9 =	sadd.s32 $0xFFFFFEF7, lr;
	s5 =	simm.s32 $0xFFFFFFFF;
	p2 =	slt.u32 s8, $0xFFFFF086  }
0x1c: {  	p1 =	slt.u32 s9, $0xF7A;
	s5 =	simm.s32 @!p2 $0x0  }
0x1d: {  	s5 =	simm.s32 @p1 $0x1;
	p0 =	seq.s32 s7, s2  }
0x1e: {  	s7 =	smul.u32 @!p0 $0xF7A, s2;
	p2 =	seq.s32 @!p0 s5, $0x0  }
0x1f: {  	s9 =	smul.u32 $0xF7A, s1;
	s8 =	simm.s32 @!p0 $0x1BF5;
	p2 =	por !p2, p0  }
0x20: {  	[sflag:s8] =	ssyncset.s32 @!p0 $0xFFFFF086;
	s6 =	sadd.s32 @!p0 s3, s7;
	s7 =	simm.s32 @!p0 $0x108  }
0x21: {  	s3 =	sadd.s32 s3, s9;
	s6 =	sadd.s32 @!p0 $0x88, s6;
	s7 =	simm.s32 @p2 $0x1082  }
0x22: {  	[simem:s7], [sflag:s8] =	dma.local @!p0 [hbm:s6], $0xF7A  }
0x23: {  	s9 =	sor.u32 $0xD0000000, s2;
	s6 =	simm.s32 $0x108;
	_ =	swait.ge @!p0 [sflag:s8], $0x0  }
0x24: {  	s3 =	sadd.s32 $0x88, s3;
	s6 =	simm.s32 @!p1 $0x1082;
	[sflag:s4] =	ssyncset.s32 $0xFFFFF086  }
0x25: {  	[simem:s6], [sflag:s4] =	dma.local [hbm:s3], $0xF7A  }
0x26: {  	[smem:$0x3F95] =	sst s1;
	(tag) =	ssettag s2;
	_ =	strace s9  }
0x27: {  	s1 =	sld [smem:$0x3FA5]  }
0x28: {  	s2 =	sld [smem:$0x3FA6]  }
0x29: {  	s4 =	sld [smem:$0x3FA8]  }
0x2a: {  	p0 =	seq.s32 s5, $0x0;
	s5 =	sld [smem:$0x3FA9]  }
0x2b: {  	s6 =	sld [smem:$0x3FAA]  }
0x2c: {  	s7 =	sld [smem:$0x3FAB]  }
0x2d: {  	s3 =	simm.s32 $0x108;
	s8 =	sld [smem:$0x3FAC]  }
0x2e: {  	s3 =	simm.s32 @!p0 $0x1082;
	s9 =	sld [smem:$0x3FAD]  }
0x2f: {  	lr =	sadd.s32 s0, s3;
	s0 =	sld [smem:$0x3FA4]  }
0x30: {  	s3 =	sld [smem:$0x3FA7]  }
0x31: {  	[smem:$0x3FB0] =	sst s10  }
0x32: {  	s10 =	sld [smem:$0x3FAE];
	_ =	sdelay $0x3  }
0x33: {  	p0 =	seq.s32 s10, $0x1;
	s10 =	sld [smem:$0x3FB0];
	_ =	sdelay $0x3  }
0x34: {  	[smem:$0x3FB0] =	sst s10  }
0x35: {  	s10 =	sld [smem:$0x3FAF];
	_ =	sdelay $0x3  }
0x36: {  	p1 =	seq.s32 s10, $0x1;
	s10 =	sld [smem:$0x3FB0];
	_ =	sdelay $0x3  }
0x37: {  	[smem:$0x3FB0] =	sst s10  }
0x38: {  	s10 =	sld [smem:$0x3FB1]  }
0x39: {  	_ = 	snop;
	(pc) =	sbr.ind lr, $3  }
0x3a: {  	_ = 	snop  }
0x3b: {  	_ = 	snop  }
0x3c: {  	p2 =	seq.s32 s10, $0x1;
	s10 =	sld [smem:$0x3FB0]  }
0x3d: {  	_ =	shalt  }
0x3e: {  	_ =	shalt  }
0x3f: {  	_ =	shalt  }
0x40: {  	_ =	shalt  }
0x41: {  	_ =	shalt  }
0x42: {  	_ =	shalt  }
0x43: {  	_ =	shalt  }
0x44: {  	_ =	shalt  }
0x45: {  	_ =	shalt  }
0x46: {  	_ =	shalt  }
0x47: {  	_ =	shalt  }
0x48: {  	_ =	shalt  }
0x49: {  	_ =	shalt  }
0x4a: {  	_ =	shalt  }
0x4b: {  	_ =	shalt  }
0x4c: {  	_ =	shalt  }
0x4d: {  	_ =	shalt  }
0x4e: {  	_ =	shalt  }
0x4f: {  	_ =	shalt  }
0x50: {  	_ =	shalt  }
0x51: {  	_ =	shalt  }
0x52: {  	_ =	shalt  }
0x53: {  	_ =	shalt  }
0x54: {  	_ =	shalt  }
0x55: {  	_ =	shalt  }
0x56: {  	_ =	shalt  }
0x57: {  	_ =	shalt  }
0x58: {  	_ =	shalt  }
0x59: {  	_ =	shalt  }
0x5a: {  	_ =	shalt  }
0x5b: {  	_ =	shalt  }
0x5c: {  	_ =	shalt  }
0x5d: {  	_ =	shalt  }
0x5e: {  	_ =	shalt  }
0x5f: {  	_ =	shalt  }
0x60: {  	_ =	shalt  }
0x61: {  	_ =	shalt  }
0x62: {  	_ =	shalt  }
0x63: {  	_ =	shalt  }
0x64: {  	_ =	shalt  }
0x65: {  	_ =	shalt  }
0x66: {  	_ =	shalt  }
0x67: {  	_ =	shalt  }
0x68: {  	_ =	shalt  }
0x69: {  	_ =	shalt  }
0x6a: {  	_ =	shalt  }
0x6b: {  	_ =	shalt  }
0x6c: {  	_ =	shalt  }
0x6d: {  	_ =	shalt  }
0x6e: {  	_ =	shalt  }
0x6f: {  	_ =	shalt  }
0x70: {  	_ =	shalt  }
0x71: {  	_ =	shalt  }
0x72: {  	_ =	shalt  }
0x73: {  	_ =	shalt  }
0x74: {  	_ =	shalt  }
0x75: {  	_ =	shalt  }
0x76: {  	_ =	shalt  }
0x77: {  	_ =	shalt  }
0x78: {  	_ =	shalt  }
0x79: {  	_ =	shalt  }
0x7a: {  	_ =	shalt  }
0x7b: {  	_ =	shalt  }
0x7c: {  	_ =	shalt  }
0x7d: {  	_ =	shalt  }
0x7e: {  	_ =	shalt  }
0x7f: {  	_ =	shalt  }
0x80: {  	_ =	shalt  }
0x81: {  	_ =	shalt  }
0x82: {  	_ =	shalt  }
0x83: {  	_ =	shalt  }
0x84: {  	_ =	shalt  }
0x85: {  	_ =	shalt  }
0x86: {  	_ =	shalt  }
0x87: {  	_ =	shalt  }
.Lfunc_end0:
.L_simem_size_0:
called_computation.2_lowered:
.L_overlay_start_0:
0x88: {  	s2 =	sld [smem:$0x3FD9]  }
0x89: {  	s3 =	sld [smem:$0x3FFE];
	_ =	sdelay $0x1  }
0x8a: {  	s1 =	srdreg.scid  }
0x8b: {  	s0 =	sand.u32 $0x1, s1  }
0x8c: {  	s17 =	sshll.u32 s0, $0xA;
	s2 =	sadd.s32 s3, s2  }
0x8d: {  	s2 =	sadd.s32 s2, s17  }
0x8e: {  	[smem:$0x3FBC] =	sst s2  }
0x8f: {  	_ = 	snop  }
0x90: {  	s2 =	sld [smem:$0x3FD0];
	(tm) =	ssettm $0x1  }
0x91: {  	s18 =	sld [smem:$0x3FFB];
	_ =	sdelay $0x3  }
0x92: {  	_ =	strace s18  }
0x93: {  	s3 =	sld [smem:$0x3FFC];
	_ =	sdelay $0x3  }
0x94: {  	_ =	strace s3  }
0x95: {  	s3 =	sld [smem:$0x3FFD];
	_ =	sdelay $0x3  }
0x96: {  	_ =	strace s3  }
0x97: {  	_ =	strace $0x8FFFFFFF  }
0x98: {  	s19 =	sld [smem:$0x3FDB];
	_ =	sdelay $0x1  }
0x99: {  	s4 =	simm.s32 $_scs_section_size  }
0x9a: {  	s5 =	simm.s32 $_size__tile_overlayer_lowered;
	s6 =	simm.s32 $_tile_overlayer_lowered  }
0x9b: {  	s22 =	simm.s32 $0x1BFF;
	s21 =	sshll.u32 s6, $0x1;
	s3 =	sadd.s32 s4, s19  }
0x9c: {  	s7 =	simm.s32 $0x0;
	s20 =	sshll.u32 s5, $0x1;
	s5 =	sadd.s32 s21, s3  }
0x9d: {  	[timem:s7], [sflag:s22] =	dma.local [hbm:s5], s20  }
0x9e: {  	_ =	swait.ge [sflag:s22], s20  }
0x9f: {  	s4 =	ssub.s32 $0x0, s20;
	[sflag:s22] =	ssyncset.done $0x0  }
0xa0: {  	[sflag:s22] =	ssyncadd.s32 s4;
	_ =	sdelay $0x1  }
0xa1: {  	s23 =	simm.s32 $0x1B8B  }
0xa2: {  	_ =	swait.ge [sflag:s23], $0x1  }
0xa3: {  	[sflag:s23] =	ssyncset.done $0x0  }
0xa4: {  	s25 =	simm.s32 $0x1B8E;
	s24 =	sld [smem:$0x3FFE];
	[sflag:s23] =	ssyncadd.s32 $0xFFFFFFFF  }
0xa5: {  	s26 =	simm.s32 $execute0_lowered;
	[smem:$0x3FD2] =	sst s25  }
0xa6: {  	s5 =	sshll.u32 s26, $0x1;
	_ =	strace $0x8000004C;
	[dreg:$0x1] =	wrdreg $0xFFFFFFFF  }
0xa7: {  	s28 =	simm.s32 $_size_execute0_lowered;
	s3 =	sadd.s32 s3, s5;
	[dreg:$0x0] =	wrdreg $0x0  }
0xa8: {  	s5 =	sshll.u32 s28, $0x1;
	[dreg:$0x2] =	wrdreg s3  }
0xa9: {  	[dreg:$0x3] =	wrdreg s5  }
0xaa: {  	[dreg:$0x4] =	wrdreg $0xC0  }
0xab: {  	_ =	task [dreg:s7], $0x5FFFF  }
0xac: {  	[dreg:$0x1] =	wrdreg $0xFFFFFFFF  }
0xad: {  	[dreg:$0x0] =	wrdreg $0x60  }
0xae: {  	[dreg:$0x2] =	wrdreg s2  }
0xaf: {  	[dreg:$0x3] =	wrdreg s24  }
0xb0: {  	[dreg:$0x4] =	wrdreg $0x9  }
0xb1: {  	_ =	task.clear_ibuf [dreg:s7], $0x5FFFF;
	_ =	strace $0x9000004C  }
0xb2: {  	s29 =	simm.s32 $0x9;
	_ =	strace $0x8000004E  }
0xb3: {  	_ =	swait.ge [sflag:s29], $0x1  }
0xb4: {  	[sflag:s29] =	ssyncadd.s32 $0xFFFFFFFF  }
0xb5: {  	_ =	strace $0x9000004E  }
0xb6: {  	_ =	sfence  }
0xb7: {  	s30 =	sld [smem:$0x0];
	_ =	sdelay $0x2  }
0xb8: {  	s31 =	sshll.u32 s1, $0xD;
	s1 =	sshrl.u32 s1, $0x2  }
0xb9: {  	s3 =	sand.u32 $0x4000, s31;
	s1 =	sadd.s32 s1, s30  }
0xba: {  	s0 =	sor.u32 s3, s0;
	s1 =	sshll.u32 s1, $0x11  }
0xbb: {  	s0 =	sor.u32 s1, s0  }
0xbc: {  	s0 =	sadd.s32 $0x8F2B, s0  }
0xbd: {  	[sflag:s0] =	ssyncadd.remote.s32 $0x1  }
0xbe: {  	_ =	sfence.sel $0xFFFF  }
0xbf: {  	[dreg:$0x0] =	wrdreg $0xFFFFFFFF;
	(pc) =	sbr.abs _section_cstart, $3  }
0xc0: {  	[dreg:$0x1] =	wrdreg $0xFFFFFFFF  }
0xc1: {  	_ =	task.clear_ibuf [dreg:s7], $0x2FFFF;
	_ =	strace $0x9FFFFFFF  }
0xc2: {  	(tm) =	ssettm $0x7FFFFFFF  }
0xc3: {  	_ =	shalt  }
tec
execute0_lowered:
.L_overlay_start_1:
0x0: {  	(tag) =	ssettag $0x1  }
0x1: {  	s1 =	rddreg [dreg:$0x0]  }
0x2: {  	s0 =	rddreg [dreg:$0x1];
	s3 =	simm.s32 $0x0  }
0x3: {  	s2 =	srdreg.scid;
	s5 =	stileid.u32;
	s30 =	simm.s32 $0x800  }
0x4: {  	s31 =	simm.s32 $0x1000;
	s28 =	simm.s32 $0x9080;
	[smem:$0x7FF] =	sst s3  }
0x5: {  	s2 =	sand.u32 $0x1, s2;
	s5 =	sshll.u32 s5, $0x8;
	s8 =	sadd.s32 $0x82A00, s0  }
0x6: {  	s0 =	sadd.s32 $0x2800, s0;
	s4 =	ssub.s32 $0x2, s2;
	s2 =	sshll.u32 s2, $0x7  }
0x7: {  	s7 =	sadd.s32 $0x300, s1;
	s6 =	sshrl.u32 s4, $0x1;
	s2 =	sor.u32 s2, s5  }
0x8: {  	_ =	strace $0x8000004D;
	s4 =	ssub.s32 s4, s6;
	s5 =	sshrl.u32 s2, $0x3  }
0x9: {  	s6 =	sadd.s32 $0x200, s1;
	s9 =	sshll.u32 s2, $0x7;
	s10 =	sor.u32 $0x10, s2  }
0xa: {  	s13 =	sor.u32 $0x20, s2;
	s17 =	sor.u32 $0x40, s2;
	s20 =	sor.u32 $0x50, s2  }
0xb: {  	s22 =	sor.u32 $0x60, s2;
	s5 =	sadd.s32 s0, s5;
	s9 =	sadd.s32 s8, s9  }
0xc: {  	s11 =	sshrl.u32 s10, $0x3;
	s10 =	sshll.u32 s10, $0x7;
	s14 =	sshrl.u32 s13, $0x3  }
0xd: {  	s18 =	sshrl.u32 s17, $0x3;
	s21 =	sshrl.u32 s20, $0x3;
	s23 =	sshrl.u32 s22, $0x3  }
0xe: {  	s24 =	sshll.u32 s22, $0x7;
	s29 =	smax.u32 s4, $0x1;
	[dreg:$0x3] =	wrdreg s5  }
0xf: {  	s22 =	simm.s32 $0x5;
	s5 =	sadd.s32 $0x100, s1;
	[dreg:$0x4] =	wrdreg s9  }
0x10: {  	s9 =	sadd.s32 s0, s11;
	s12 =	sadd.s32 s8, s10;
	[dreg:$0x13] =	wrdreg s29  }
0x11: {  	s11 =	sor.u32 $0x30, s2;
	s10 =	sadd.s32 s0, s14;
	[dreg:$0x5] =	wrdreg s9  }
0x12: {  	s2 =	sor.u32 $0x70, s2;
	s14 =	simm.s32 $0xA880;
	[dreg:$0x6] =	wrdreg s12  }
0x13: {  	s9 =	sshll.u32 s13, $0x7;
	[dreg:$0x7] =	wrdreg s10;
	s15 =	sshrl.u32 s11, $0x3  }
0x14: {  	s16 =	sshll.u32 s11, $0x7;
	s10 =	sshll.u32 s17, $0x7;
	s25 =	sshrl.u32 s2, $0x3  }
0x15: {  	s2 =	sshll.u32 s2, $0x7;
	s11 =	simm.s32 $0x3800;
	s17 =	simm.s32 $0x8080  }
0x16: {  	s12 =	simm.s32 $0x9880;
	s13 =	simm.s32 $0xA080;
	s9 =	sadd.s32 s8, s9  }
0x17: {  	s19 =	sadd.s32 s8, s10;
	s10 =	sadd.s32 s0, s21;
	[dreg:$0x8] =	wrdreg s9  }
0x18: {  	s26 =	sadd.s32 s8, s2;
	s2 =	simm.s32 $0x2000;
	[dreg:$0xc] =	wrdreg s19  }
0x19: {  	s21 =	simm.s32 $0x4;
	s9 =	sadd.s32 s0, s15;
	[dreg:$0xd] =	wrdreg s10  }
0x1a: {  	[dreg:$0x12] =	wrdreg s26;
	s10 =	simm.s32 $0x3000;
	s26 =	simm.s32 $0x8880  }
0x1b: {  	s15 =	simm.s32 $0xB080;
	[dreg:$0x9] =	wrdreg s9;
	s9 =	sadd.s32 s8, s16  }
0x1c: {  	s19 =	simm.s32 $0x2;
	[dreg:$0xa] =	wrdreg s9;
	s9 =	sadd.s32 s0, s18  }
0x1d: {  	s16 =	simm.s32 $0xB880;
	[dreg:$0xb] =	wrdreg s9;
	s9 =	sshll.u32 s20, $0x7  }
0x1e: {  	s18 =	simm.s32 $0x1;
	s20 =	simm.s32 $0x3;
	s9 =	sadd.s32 s8, s9  }
0x1f: {  	[dreg:$0xe] =	wrdreg s9;
	s9 =	sadd.s32 s0, s23;
	s0 =	sadd.s32 s0, s25  }
0x20: {  	v2 =	vlaneseq.u32;
	s25 =	simm.s32 $0x7;
	s23 =	simm.s32 $0x6;
	[dreg:$0xf] =	wrdreg s9  }
0x21: {  	vm0 =	vmmov $0xffff;
	v1 =	vshrl.u32 v2, $0x3;
	s9 =	sadd.s32 s8, s24;
	[dreg:$0x11] =	wrdreg s0;
	s0 =	simm.s32 $0x1800  }
0x22: {  	v0 =	vand.u32 $0x7, v2;
	v2 =	vor.u32 $0x8, v2;
	v1 =	vmul.u32 $0x8, v1;
	s24 =	simm.s32 $0x0;
	[dreg:$0x10] =	wrdreg s9;
	s9 =	simm.s32 $0x2800  }
.LBB2_1:
0x23: {  	s4 =	rddreg [dreg:$0x3];
	s8 =	simm.s32 $0x8000  }
0x24: {  	[tilespmem:s8], [sflag:$0x7] =	stream.linear.gather [hbm4b:s4+s3], $0x10, $0x38;
	[tilespmem:$0x10100] =	vst v63  }
0x25: {  	_ =	swait.ge [sflag:s25], $0x10  }
0x26: {  	[sflag:s25] =	ssyncset.done $0x0  }
0x27: {  	[sflag:s25] =	ssyncadd.s32 $0xFFFFFFF0  }
0x28: {  	v3 =	vld [tilespmem:$0x8000];
	_ =	sdelay $0x4  }
0x29: {  	v4 =	vshll.u32 v3, $0x3  }
0x2a: {  	v3 =	vand.u32 $0x7, v3;
	v4 =	vand.u32 $0xFFFFFFC0, v4  }
0x2b: {  	v3 =	vor.u32 v3, v4  }
0x2c: {  	v4 =	vperm.xlane v3, v0;
	_ =	sdelay $0x1  }
0x2d: {  	v4 =	vadd.s32 v1, v4;
	_ =	sdelay $0x4  }
0x2e: {  	[tilespmem:s3], [sflag:$0x1] =	stream.indirect_vreg.gather [hbm4b:s1+s3], $0x80, v4, vm0, $0xb8;
	[tilespmem:$0x10100] =	vst v63  }
0x2f: {  	v3 =	vperm.xlane v3, v2  }
0x30: {  	[tilespmem:s30], [sflag:$0x1] =	stream.indirect_vreg.gather [hbm4b:s5+s3], $0x80, v4, vm0, $0xb8;
	[tilespmem:$0x10100] =	vst v63  }
0x31: {  	v3 =	vadd.s32 v1, v3  }
0x32: {  	[tilespmem:s31], [sflag:$0x1] =	stream.indirect_vreg.gather [hbm4b:s6+s3], $0x80, v4, vm0, $0xb8;
	[tilespmem:$0x10100] =	vst v63  }
0x33: {  	_ = 	snop  }
0x34: {  	[tilespmem:s0], [sflag:$0x1] =	stream.indirect_vreg.gather [hbm4b:s7+s3], $0x80, v4, vm0, $0xb8;
	[tilespmem:$0x10100] =	vst v63  }
0x35: {  	_ = 	snop  }
0x36: {  	[tilespmem:s2], [sflag:$0x1] =	stream.indirect_vreg.gather [hbm4b:s1+s3], $0x80, v3, vm0, $0xb8;
	[tilespmem:$0x10100] =	vst v63  }
0x37: {  	_ = 	snop  }
0x38: {  	[tilespmem:s9], [sflag:$0x1] =	stream.indirect_vreg.gather [hbm4b:s5+s3], $0x80, v3, vm0, $0xb8;
	[tilespmem:$0x10100] =	vst v63  }
0x39: {  	_ = 	snop  }
0x3a: {  	[tilespmem:s10], [sflag:$0x1] =	stream.indirect_vreg.gather [hbm4b:s6+s3], $0x80, v3, vm0, $0xb8;
	[tilespmem:$0x10100] =	vst v63  }
0x3b: {  	_ = 	snop  }
0x3c: {  	[tilespmem:s11], [sflag:$0x1] =	stream.indirect_vreg.gather [hbm4b:s7+s3], $0x80, v3, vm0, $0xb8;
	[tilespmem:$0x10100] =	vst v63  }
0x3d: {  	s29 =	simm.s32 $0x4000;
	s10 =	rddreg [dreg:$0x4]  }
0x3e: {  	[tilespmem:s29], [sflag:$0x2] =	stream.linear.gather [hbm4b:s10+s3], $0x4000, $0x38;
	[tilespmem:$0x10100] =	vst v63  }
0x3f: {  	s0 =	rddreg [dreg:$0x5];
	s2 =	simm.s32 $0x10080  }
0x40: {  	[tilespmem:s2], [sflag:$0x7] =	stream.linear.gather [hbm4b:s0+s3], $0x10, $0x38;
	[tilespmem:$0x10100] =	vst v63  }
0x41: {  	_ =	swait.ge [sflag:s25], $0x10  }
0x42: {  	[sflag:s25] =	ssyncset.done $0x0  }
0x43: {  	[sflag:s25] =	ssyncadd.s32 $0xFFFFFFF0  }
0x44: {  	v3 =	vld [tilespmem:$0x10080];
	_ =	sdelay $0x4  }
0x45: {  	v4 =	vshll.u32 v3, $0x3  }
0x46: {  	v3 =	vand.u32 $0x7, v3;
	v4 =	vand.u32 $0xFFFFFFC0, v4  }
0x47: {  	v3 =	vor.u32 v3, v4  }
0x48: {  	v4 =	vperm.xlane v3, v0;
	_ =	sdelay $0x1  }
0x49: {  	v4 =	vadd.s32 v1, v4;
	_ =	sdelay $0x4  }
0x4a: {  	[tilespmem:s17], [sflag:$0x4] =	stream.indirect_vreg.gather [hbm4b:s1+s3], $0x80, v4, vm0, $0xb8;
	[tilespmem:$0x10100] =	vst v63  }
0x4b: {  	v3 =	vperm.xlane v3, v2  }
0x4c: {  	[tilespmem:s26], [sflag:$0x4] =	stream.indirect_vreg.gather [hbm4b:s5+s3], $0x80, v4, vm0, $0xb8;
	[tilespmem:$0x10100] =	vst v63  }
0x4d: {  	v3 =	vadd.s32 v1, v3  }
0x4e: {  	[tilespmem:s28], [sflag:$0x4] =	stream.indirect_vreg.gather [hbm4b:s6+s3], $0x80, v4, vm0, $0xb8;
	[tilespmem:$0x10100] =	vst v63  }
0x4f: {  	_ = 	snop  }
0x50: {  	[tilespmem:s12], [sflag:$0x4] =	stream.indirect_vreg.gather [hbm4b:s7+s3], $0x80, v4, vm0, $0xb8;
	[tilespmem:$0x10100] =	vst v63  }
0x51: {  	_ = 	snop  }
0x52: {  	[tilespmem:s13], [sflag:$0x4] =	stream.indirect_vreg.gather [hbm4b:s1+s3], $0x80, v3, vm0, $0xb8;
	[tilespmem:$0x10100] =	vst v63  }
0x53: {  	_ = 	snop  }
0x54: {  	[tilespmem:s14], [sflag:$0x4] =	stream.indirect_vreg.gather [hbm4b:s5+s3], $0x80, v3, vm0, $0xb8;
	[tilespmem:$0x10100] =	vst v63  }
0x55: {  	_ = 	snop  }
0x56: {  	[tilespmem:s15], [sflag:$0x4] =	stream.indirect_vreg.gather [hbm4b:s6+s3], $0x80, v3, vm0, $0xb8;
	[tilespmem:$0x10100] =	vst v63  }
0x57: {  	_ = 	snop  }
0x58: {  	[tilespmem:s16], [sflag:$0x4] =	stream.indirect_vreg.gather [hbm4b:s7+s3], $0x80, v3, vm0, $0xb8;
	[tilespmem:$0x10100] =	vst v63  }
0x59: {  	s10 =	simm.s32 $0xC080;
	s8 =	rddreg [dreg:$0x6]  }
0x5a: {  	[tilespmem:s10], [sflag:$0x5] =	stream.linear.gather [hbm4b:s8+s3], $0x4000, $0x38;
	[tilespmem:$0x10100] =	vst v63  }
0x5b: {  	_ =	swait.ge [sflag:s18], $0x4000  }
0x5c: {  	s17 =	simm.s32 $0x0;
	[sflag:s18] =	ssyncset.done $0x0  }
0x5d: {  	s4 =	sand.u32 $0x2000, s17;
	[sflag:s18] =	ssyncadd.s32 $0xFFFFC000  }
0x5e: {  	s26 =	sand.u32 $0x1C00, s3;
	s28 =	simm.s32 $0x0;
	_ =	swait.ge [sflag:s19], $0x4000  }
0x5f: {  	s4 =	sor.u32 s26, s4;
	s29 =	sand.u32 $0x380, s28;
	[sflag:s19] =	ssyncset.done $0x0  }
0x60: {  	s4 =	sor.u32 s29, s4;
	[sflag:s19] =	ssyncadd.s32 $0xFFFFC000  }
0x61: {  	v10 =	vld [tilespmem:s4+$0x4000]  }
0x62: {  	v9 =	vld [tilespmem:s4+$0x4010]  }
0x63: {  	v8 =	vld [tilespmem:s4+$0x4020]  }
0x64: {  	v7 =	vld [tilespmem:s4+$0x4030]  }
0x65: {  	v6 =	vld [tilespmem:s4+$0x4040]  }
0x66: {  	v5 =	vld [tilespmem:s4+$0x4050]  }
0x67: {  	v4 =	vld [tilespmem:s4+$0x4060]  }
0x68: {  	v3 =	vld [tilespmem:s4+$0x4070]  }
0x69: {  	v13 =	vld [tilespmem:s4+$0x0]  }
0x6a: {  	s30 =	simm.s32 $0x8080;
	v12 =	vld [tilespmem:s4+$0x10]  }
0x6b: {  	s31 =	simm.s32 $0x8880;
	s17 =	simm.s32 $0x0;
	s8 =	simm.s32 $0x0;
	v11 =	vld [tilespmem:s4+$0x20]  }
.LBB2_2:
0x6c: {  	s8 =	sadd.s32 $0x8, s8;
	v14 =	vld [tilespmem:s4+$0x30]  }
0x6d: {  	s17 =	sadd.s32 $0x400, s17;
	s26 =	sshll.u32 s8, $0x4;
	p0 =	slt.u32 s8, $0x3F8;
	v15 =	vld [tilespmem:s4+$0x40]  }
0x6e: {  	s28 =	sand.u32 $0x1C00, s17;
	s29 =	sshll.u32 s8, $0x1;
	s26 =	sand.u32 $0x2000, s26;
	v10 =	vadd.f32 v10, v13;
	v13 =	vld [tilespmem:s4+$0x50]  }
0x6f: {  	s26 =	sor.u32 s28, s26;
	s28 =	sand.u32 $0x380, s29;
	v9 =	vadd.f32 v9, v12;
	v12 =	vld [tilespmem:s4+$0x60]  }
0x70: {  	s26 =	sor.u32 s28, s26;
	[tilespmem:s4+$0x0] =	vst v10;
	v8 =	vadd.f32 v8, v11;
	v11 =	vld [tilespmem:s4+$0x70]  }
0x71: {  	v10 =	vld [tilespmem:s26+$0x4000];
	[tilespmem:s4+$0x10] =	vst v9;
	v7 =	vadd.f32 v7, v14  }
0x72: {  	v9 =	vld [tilespmem:s26+$0x4010];
	[tilespmem:s4+$0x20] =	vst v8;
	v6 =	vadd.f32 v6, v15  }
0x73: {  	v8 =	vld [tilespmem:s26+$0x4020];
	[tilespmem:s4+$0x30] =	vst v7;
	v5 =	vadd.f32 v5, v13  }
0x74: {  	v7 =	vld [tilespmem:s26+$0x4030];
	[tilespmem:s4+$0x40] =	vst v6;
	v4 =	vadd.f32 v4, v12  }
0x75: {  	v6 =	vld [tilespmem:s26+$0x4040];
	[tilespmem:s4+$0x50] =	vst v5;
	v3 =	vadd.f32 v3, v11  }
0x76: {  	v5 =	vld [tilespmem:s26+$0x4050];
	[tilespmem:s4+$0x60] =	vst v4  }
.Ltmp0:
0x77: {  	v4 =	vld [tilespmem:s26+$0x4060];
	[tilespmem:s4+$0x70] =	vst v3;
	s4 =	smov.u32 s26;
	(pc) =	sbr.rel @p0 .LBB2_2-.Ltmp0, $4  }
0x78: {  	v3 =	vld [tilespmem:s4+$0x4070]  }
0x79: {  	v13 =	vld [tilespmem:s4+$0x0]  }
0x7a: {  	v12 =	vld [tilespmem:s4+$0x10]  }
0x7b: {  	v11 =	vld [tilespmem:s4+$0x20]  }
0x7c: {  	v14 =	vld [tilespmem:s4+$0x30]  }
0x7d: {  	v15 =	vld [tilespmem:s4+$0x40]  }
0x7e: {  	v10 =	vadd.f32 v10, v13;
	v13 =	vld [tilespmem:s4+$0x50]  }
0x7f: {  	v9 =	vadd.f32 v9, v12;
	v12 =	vld [tilespmem:s4+$0x60]  }
0x80: {  	[tilespmem:s4+$0x0] =	vst v10;
	v8 =	vadd.f32 v8, v11;
	v10 =	vld [tilespmem:s4+$0x70]  }
0x81: {  	[tilespmem:s4+$0x10] =	vst v9;
	v7 =	vadd.f32 v7, v14  }
0x82: {  	v6 =	vadd.f32 v6, v15;
	[tilespmem:s4+$0x20] =	vst v8  }
0x83: {  	[tilespmem:s4+$0x30] =	vst v7;
	v5 =	vadd.f32 v5, v13  }
0x84: {  	[tilespmem:s4+$0x40] =	vst v6;
	v4 =	vadd.f32 v4, v12  }
0x85: {  	[tilespmem:s4+$0x50] =	vst v5;
	v3 =	vadd.f32 v3, v10  }
0x86: {  	[tilespmem:s4+$0x60] =	vst v4  }
0x87: {  	[tilespmem:s4+$0x70] =	vst v3  }
0x88: {  	v3 =	vld [tilespmem:$0x8000];
	_ =	sdelay $0x4  }
0x89: {  	v4 =	vshll.u32 v3, $0x3  }
0x8a: {  	v3 =	vand.u32 $0x7, v3;
	v4 =	vand.u32 $0xFFFFFFC0, v4  }
0x8b: {  	v3 =	vor.u32 v3, v4  }
0x8c: {  	v4 =	vperm.xlane v3, v0;
	_ =	sdelay $0x1  }
0x8d: {  	v4 =	vadd.s32 v1, v4;
	_ =	sdelay $0x3  }
0x8e: {  	s4 =	simm.s32 $0x0  }
0x8f: {  	[hbm4b:s1+s4] =	stream.indirect_vreg.scatter [tilespmem:s4], [sflag:$0x3], $0x80, v4, vm0, $0xb8;
	[tilespmem:$0x10100] =	vst v63  }
0x90: {  	s26 =	simm.s32 $0x800;
	v3 =	vperm.xlane v3, v2  }
0x91: {  	[hbm4b:s5+s4] =	stream.indirect_vreg.scatter [tilespmem:s26], [sflag:$0x3], $0x80, v4, vm0, $0xb8;
	[tilespmem:$0x10100] =	vst v63  }
0x92: {  	s28 =	simm.s32 $0x1000;
	v3 =	vadd.s32 v1, v3  }
0x93: {  	[hbm4b:s6+s4] =	stream.indirect_vreg.scatter [tilespmem:s28], [sflag:$0x3], $0x80, v4, vm0, $0xb8;
	[tilespmem:$0x10100] =	vst v63  }
0x94: {  	s0 =	simm.s32 $0x1800  }
0x95: {  	[hbm4b:s7+s4] =	stream.indirect_vreg.scatter [tilespmem:s0], [sflag:$0x3], $0x80, v4, vm0, $0xb8;
	[tilespmem:$0x10100] =	vst v63  }
0x96: {  	s2 =	simm.s32 $0x2000  }
0x97: {  	[hbm4b:s1+s4] =	stream.indirect_vreg.scatter [tilespmem:s2], [sflag:$0x3], $0x80, v3, vm0, $0xb8;
	[tilespmem:$0x10100] =	vst v63  }
0x98: {  	_ = 	snop  }
0x99: {  	[hbm4b:s5+s4] =	stream.indirect_vreg.scatter [tilespmem:s9], [sflag:$0x3], $0x80, v3, vm0, $0xb8;
	[tilespmem:$0x10100] =	vst v63  }
0x9a: {  	s10 =	simm.s32 $0x3000  }
0x9b: {  	[hbm4b:s6+s4] =	stream.indirect_vreg.scatter [tilespmem:s10], [sflag:$0x3], $0x80, v3, vm0, $0xb8;
	[tilespmem:$0x10100] =	vst v63  }
0x9c: {  	_ = 	snop  }
0x9d: {  	[hbm4b:s7+s4] =	stream.indirect_vreg.scatter [tilespmem:s11], [sflag:$0x3], $0x80, v3, vm0, $0xb8;
	[tilespmem:$0x10100] =	vst v63  }
0x9e: {  	_ =	swait.ge [sflag:s20], $0x4000  }
0x9f: {  	[sflag:s20] =	ssyncset.done $0x0  }
0xa0: {  	s17 =	simm.s32 $0x8000;
	s8 =	rddreg [dreg:$0x7];
	[sflag:s20] =	ssyncadd.s32 $0xFFFFC000  }
0xa1: {  	[tilespmem:s17], [sflag:$0x7] =	stream.linear.gather [hbm4b:s8+s4], $0x10, $0x38;
	[tilespmem:$0x10100] =	vst v63  }
0xa2: {  	_ =	swait.ge [sflag:s25], $0x10  }
0xa3: {  	[sflag:s25] =	ssyncset.done $0x0  }
0xa4: {  	[sflag:s25] =	ssyncadd.s32 $0xFFFFFFF0  }
0xa5: {  	v3 =	vld [tilespmem:$0x8000];
	_ =	sdelay $0x4  }
0xa6: {  	v4 =	vshll.u32 v3, $0x3  }
0xa7: {  	v3 =	vand.u32 $0x7, v3;
	v4 =	vand.u32 $0xFFFFFFC0, v4  }
0xa8: {  	v3 =	vor.u32 v3, v4  }
0xa9: {  	v4 =	vperm.xlane v3, v0;
	_ =	sdelay $0x1  }
0xaa: {  	v4 =	vadd.s32 v1, v4;
	_ =	sdelay $0x4  }
0xab: {  	[tilespmem:s4], [sflag:$0x1] =	stream.indirect_vreg.gather [hbm4b:s1+s4], $0x80, v4, vm0, $0xb8;
	[tilespmem:$0x10100] =	vst v63  }
0xac: {  	v3 =	vperm.xlane v3, v2  }
0xad: {  	[tilespmem:s26], [sflag:$0x1] =	stream.indirect_vreg.gather [hbm4b:s5+s4], $0x80, v4, vm0, $0xb8;
	[tilespmem:$0x10100] =	vst v63  }
0xae: {  	v3 =	vadd.s32 v1, v3  }
0xaf: {  	[tilespmem:s28], [sflag:$0x1] =	stream.indirect_vreg.gather [hbm4b:s6+s4], $0x80, v4, vm0, $0xb8;
	[tilespmem:$0x10100] =	vst v63  }
0xb0: {  	_ = 	snop  }
0xb1: {  	[tilespmem:s0], [sflag:$0x1] =	stream.indirect_vreg.gather [hbm4b:s7+s4], $0x80, v4, vm0, $0xb8;
	[tilespmem:$0x10100] =	vst v63  }
0xb2: {  	_ = 	snop  }
0xb3: {  	[tilespmem:s2], [sflag:$0x1] =	stream.indirect_vreg.gather [hbm4b:s1+s4], $0x80, v3, vm0, $0xb8;
	[tilespmem:$0x10100] =	vst v63  }
0xb4: {  	_ = 	snop  }
0xb5: {  	[tilespmem:s9], [sflag:$0x1] =	stream.indirect_vreg.gather [hbm4b:s5+s4], $0x80, v3, vm0, $0xb8;
	[tilespmem:$0x10100] =	vst v63  }
0xb6: {  	_ = 	snop  }
0xb7: {  	[tilespmem:s10], [sflag:$0x1] =	stream.indirect_vreg.gather [hbm4b:s6+s4], $0x80, v3, vm0, $0xb8;
	[tilespmem:$0x10100] =	vst v63  }
0xb8: {  	_ = 	snop  }
0xb9: {  	[tilespmem:s11], [sflag:$0x1] =	stream.indirect_vreg.gather [hbm4b:s7+s4], $0x80, v3, vm0, $0xb8;
	[tilespmem:$0x10100] =	vst v63  }
0xba: {  	s2 =	rddreg [dreg:$0x8];
	s10 =	simm.s32 $0x4000  }
0xbb: {  	[tilespmem:s10], [sflag:$0x2] =	stream.linear.gather [hbm4b:s2+s4], $0x4000, $0x38;
	[tilespmem:$0x10100] =	vst v63  }
0xbc: {  	_ =	swait.ge [sflag:s21], $0x4000  }
0xbd: {  	s17 =	simm.s32 $0x0;
	[sflag:s21] =	ssyncset.done $0x0  }
0xbe: {  	s8 =	sand.u32 $0x2000, s17;
	[sflag:s21] =	ssyncadd.s32 $0xFFFFC000  }
0xbf: {  	s26 =	sand.u32 $0x1C00, s4;
	s28 =	simm.s32 $0x0;
	_ =	swait.ge [sflag:s22], $0x4000  }
0xc0: {  	s8 =	sor.u32 s26, s8;
	s29 =	sand.u32 $0x380, s28;
	[sflag:s22] =	ssyncset.done $0x0  }
0xc1: {  	s8 =	sor.u32 s29, s8;
	[sflag:s22] =	ssyncadd.s32 $0xFFFFC000  }
0xc2: {  	v10 =	vld [tilespmem:s8+$0xC080]  }
0xc3: {  	v9 =	vld [tilespmem:s8+$0xC090]  }
0xc4: {  	v8 =	vld [tilespmem:s8+$0xC0A0]  }
0xc5: {  	v7 =	vld [tilespmem:s8+$0xC0B0]  }
0xc6: {  	v6 =	vld [tilespmem:s8+$0xC0C0]  }
0xc7: {  	v5 =	vld [tilespmem:s8+$0xC0D0]  }
0xc8: {  	v4 =	vld [tilespmem:s8+$0xC0E0]  }
0xc9: {  	v3 =	vld [tilespmem:s8+$0xC0F0]  }
0xca: {  	v13 =	vld [tilespmem:s8+$0x8080]  }
0xcb: {  	v12 =	vld [tilespmem:s8+$0x8090]  }
0xcc: {  	s17 =	simm.s32 $0x0;
	v11 =	vld [tilespmem:s8+$0x80A0]  }
.LBB2_4:
0xcd: {  	s17 =	sadd.s32 $0x8, s17;
	v14 =	vld [tilespmem:s8+$0x80B0]  }
0xce: {  	s4 =	sadd.s32 $0x400, s4;
	s26 =	sshll.u32 s17, $0x4;
	p0 =	slt.u32 s17, $0x3F8;
	v15 =	vld [tilespmem:s8+$0x80C0]  }
0xcf: {  	s28 =	sand.u32 $0x1C00, s4;
	s29 =	sshll.u32 s17, $0x1;
	s26 =	sand.u32 $0x2000, s26;
	v10 =	vadd.f32 v10, v13;
	v13 =	vld [tilespmem:s8+$0x80D0]  }
0xd0: {  	s26 =	sor.u32 s28, s26;
	s28 =	sand.u32 $0x380, s29;
	v9 =	vadd.f32 v9, v12;
	v12 =	vld [tilespmem:s8+$0x80E0]  }
0xd1: {  	s26 =	sor.u32 s28, s26;
	[tilespmem:s8+$0x8080] =	vst v10;
	v8 =	vadd.f32 v8, v11;
	v11 =	vld [tilespmem:s8+$0x80F0]  }
0xd2: {  	v10 =	vld [tilespmem:s26+$0xC080];
	[tilespmem:s8+$0x8090] =	vst v9;
	v7 =	vadd.f32 v7, v14  }
0xd3: {  	v9 =	vld [tilespmem:s26+$0xC090];
	[tilespmem:s8+$0x80A0] =	vst v8;
	v6 =	vadd.f32 v6, v15  }
0xd4: {  	v8 =	vld [tilespmem:s26+$0xC0A0];
	[tilespmem:s8+$0x80B0] =	vst v7;
	v5 =	vadd.f32 v5, v13  }
0xd5: {  	v7 =	vld [tilespmem:s26+$0xC0B0];
	[tilespmem:s8+$0x80C0] =	vst v6;
	v4 =	vadd.f32 v4, v12  }
0xd6: {  	v6 =	vld [tilespmem:s26+$0xC0C0];
	[tilespmem:s8+$0x80D0] =	vst v5;
	v3 =	vadd.f32 v3, v11  }
0xd7: {  	v5 =	vld [tilespmem:s26+$0xC0D0];
	[tilespmem:s8+$0x80E0] =	vst v4  }
.Ltmp1:
0xd8: {  	v4 =	vld [tilespmem:s26+$0xC0E0];
	[tilespmem:s8+$0x80F0] =	vst v3;
	s8 =	smov.u32 s26;
	(pc) =	sbr.rel @p0 .LBB2_4-.Ltmp1, $4  }
0xd9: {  	v3 =	vld [tilespmem:s8+$0xC0F0]  }
0xda: {  	v13 =	vld [tilespmem:s8+$0x8080]  }
0xdb: {  	v12 =	vld [tilespmem:s8+$0x8090]  }
0xdc: {  	v11 =	vld [tilespmem:s8+$0x80A0]  }
0xdd: {  	v14 =	vld [tilespmem:s8+$0x80B0]  }
0xde: {  	v15 =	vld [tilespmem:s8+$0x80C0]  }
0xdf: {  	v10 =	vadd.f32 v10, v13;
	v13 =	vld [tilespmem:s8+$0x80D0]  }
0xe0: {  	v9 =	vadd.f32 v9, v12;
	v12 =	vld [tilespmem:s8+$0x80E0]  }
0xe1: {  	[tilespmem:s8+$0x8080] =	vst v10;
	v8 =	vadd.f32 v8, v11;
	v10 =	vld [tilespmem:s8+$0x80F0]  }
0xe2: {  	[tilespmem:s8+$0x8090] =	vst v9;
	v7 =	vadd.f32 v7, v14  }
0xe3: {  	v6 =	vadd.f32 v6, v15;
	[tilespmem:s8+$0x80A0] =	vst v8  }
0xe4: {  	[tilespmem:s8+$0x80B0] =	vst v7;
	v5 =	vadd.f32 v5, v13  }
0xe5: {  	[tilespmem:s8+$0x80C0] =	vst v6;
	v4 =	vadd.f32 v4, v12  }
0xe6: {  	[tilespmem:s8+$0x80D0] =	vst v5;
	v3 =	vadd.f32 v3, v10  }
0xe7: {  	[tilespmem:s8+$0x80E0] =	vst v4  }
0xe8: {  	[tilespmem:s8+$0x80F0] =	vst v3  }
0xe9: {  	v3 =	vld [tilespmem:$0x10080];
	_ =	sdelay $0x4  }
0xea: {  	v4 =	vshll.u32 v3, $0x3  }
0xeb: {  	v3 =	vand.u32 $0x7, v3;
	v4 =	vand.u32 $0xFFFFFFC0, v4  }
0xec: {  	v3 =	vor.u32 v3, v4  }
0xed: {  	v4 =	vperm.xlane v3, v0;
	_ =	sdelay $0x1  }
0xee: {  	v4 =	vadd.s32 v1, v4;
	_ =	sdelay $0x3  }
0xef: {  	s4 =	simm.s32 $0x0  }
0xf0: {  	[hbm4b:s1+s4] =	stream.indirect_vreg.scatter [tilespmem:s30], [sflag:$0x6], $0x80, v4, vm0, $0xb8;
	[tilespmem:$0x10100] =	vst v63  }
0xf1: {  	v3 =	vperm.xlane v3, v2  }
0xf2: {  	[hbm4b:s5+s4] =	stream.indirect_vreg.scatter [tilespmem:s31], [sflag:$0x6], $0x80, v4, vm0, $0xb8;
	[tilespmem:$0x10100] =	vst v63  }
0xf3: {  	s2 =	simm.s32 $0x9080;
	v3 =	vadd.s32 v1, v3  }
0xf4: {  	[hbm4b:s6+s4] =	stream.indirect_vreg.scatter [tilespmem:s2], [sflag:$0x6], $0x80, v4, vm0, $0xb8;
	[tilespmem:$0x10100] =	vst v63  }
0xf5: {  	_ = 	snop  }
0xf6: {  	[hbm4b:s7+s4] =	stream.indirect_vreg.scatter [tilespmem:s12], [sflag:$0x6], $0x80, v4, vm0, $0xb8;
	[tilespmem:$0x10100] =	vst v63  }
0xf7: {  	_ = 	snop  }
0xf8: {  	[hbm4b:s1+s4] =	stream.indirect_vreg.scatter [tilespmem:s13], [sflag:$0x6], $0x80, v3, vm0, $0xb8;
	[tilespmem:$0x10100] =	vst v63  }
0xf9: {  	_ = 	snop  }
0xfa: {  	[hbm4b:s5+s4] =	stream.indirect_vreg.scatter [tilespmem:s14], [sflag:$0x6], $0x80, v3, vm0, $0xb8;
	[tilespmem:$0x10100] =	vst v63  }
0xfb: {  	_ = 	snop  }
0xfc: {  	[hbm4b:s6+s4] =	stream.indirect_vreg.scatter [tilespmem:s15], [sflag:$0x6], $0x80, v3, vm0, $0xb8;
	[tilespmem:$0x10100] =	vst v63  }
0xfd: {  	_ = 	snop  }
0xfe: {  	[hbm4b:s7+s4] =	stream.indirect_vreg.scatter [tilespmem:s16], [sflag:$0x6], $0x80, v3, vm0, $0xb8;
	[tilespmem:$0x10100] =	vst v63  }
0xff: {  	_ =	swait.ge [sflag:s23], $0x4000  }
0x100: {  	[sflag:s23] =	ssyncset.done $0x0  }
0x101: {  	s0 =	simm.s32 $0x10080;
	s10 =	rddreg [dreg:$0x9];
	[sflag:s23] =	ssyncadd.s32 $0xFFFFC000  }
0x102: {  	[tilespmem:s0], [sflag:$0x7] =	stream.linear.gather [hbm4b:s10+s4], $0x10, $0x38;
	[tilespmem:$0x10100] =	vst v63  }
0x103: {  	_ =	swait.ge [sflag:s25], $0x10  }
0x104: {  	[sflag:s25] =	ssyncset.done $0x0  }
0x105: {  	[sflag:s25] =	ssyncadd.s32 $0xFFFFFFF0  }
0x106: {  	v3 =	vld [tilespmem:$0x10080];
	_ =	sdelay $0x4  }
0x107: {  	v4 =	vshll.u32 v3, $0x3  }
0x108: {  	v3 =	vand.u32 $0x7, v3;
	v4 =	vand.u32 $0xFFFFFFC0, v4  }
0x109: {  	v3 =	vor.u32 v3, v4  }
0x10a: {  	v4 =	vperm.xlane v3, v0;
	_ =	sdelay $0x1  }
0x10b: {  	v4 =	vadd.s32 v1, v4;
	_ =	sdelay $0x4  }
0x10c: {  	[tilespmem:s30], [sflag:$0x4] =	stream.indirect_vreg.gather [hbm4b:s1+s4], $0x80, v4, vm0, $0xb8;
	[tilespmem:$0x10100] =	vst v63  }
0x10d: {  	v3 =	vperm.xlane v3, v2  }
0x10e: {  	[tilespmem:s31], [sflag:$0x4] =	stream.indirect_vreg.gather [hbm4b:s5+s4], $0x80, v4, vm0, $0xb8;
	[tilespmem:$0x10100] =	vst v63  }
0x10f: {  	v3 =	vadd.s32 v1, v3  }
0x110: {  	[tilespmem:s2], [sflag:$0x4] =	stream.indirect_vreg.gather [hbm4b:s6+s4], $0x80, v4, vm0, $0xb8;
	[tilespmem:$0x10100] =	vst v63  }
0x111: {  	_ = 	snop  }
0x112: {  	[tilespmem:s12], [sflag:$0x4] =	stream.indirect_vreg.gather [hbm4b:s7+s4], $0x80, v4, vm0, $0xb8;
	[tilespmem:$0x10100] =	vst v63  }
0x113: {  	_ = 	snop  }
0x114: {  	[tilespmem:s13], [sflag:$0x4] =	stream.indirect_vreg.gather [hbm4b:s1+s4], $0x80, v3, vm0, $0xb8;
	[tilespmem:$0x10100] =	vst v63  }
0x115: {  	_ = 	snop  }
0x116: {  	[tilespmem:s14], [sflag:$0x4] =	stream.indirect_vreg.gather [hbm4b:s5+s4], $0x80, v3, vm0, $0xb8;
	[tilespmem:$0x10100] =	vst v63  }
0x117: {  	_ = 	snop  }
0x118: {  	[tilespmem:s15], [sflag:$0x4] =	stream.indirect_vreg.gather [hbm4b:s6+s4], $0x80, v3, vm0, $0xb8;
	[tilespmem:$0x10100] =	vst v63  }
0x119: {  	_ = 	snop  }
0x11a: {  	[tilespmem:s16], [sflag:$0x4] =	stream.indirect_vreg.gather [hbm4b:s7+s4], $0x80, v3, vm0, $0xb8;
	[tilespmem:$0x10100] =	vst v63  }
0x11b: {  	s26 =	simm.s32 $0xC080;
	s17 =	rddreg [dreg:$0xa]  }
0x11c: {  	[tilespmem:s26], [sflag:$0x5] =	stream.linear.gather [hbm4b:s17+s4], $0x4000, $0x38;
	[tilespmem:$0x10100] =	vst v63  }
0x11d: {  	_ =	swait.ge [sflag:s18], $0x4000  }
0x11e: {  	s28 =	simm.s32 $0x0;
	[sflag:s18] =	ssyncset.done $0x0  }
0x11f: {  	s8 =	sand.u32 $0x2000, s28;
	[sflag:s18] =	ssyncadd.s32 $0xFFFFC000  }
0x120: {  	s17 =	sand.u32 $0x1C00, s4;
	s26 =	simm.s32 $0x0;
	_ =	swait.ge [sflag:s19], $0x4000  }
0x121: {  	s8 =	sor.u32 s17, s8;
	s29 =	sand.u32 $0x380, s26;
	[sflag:s19] =	ssyncset.done $0x0  }
0x122: {  	s8 =	sor.u32 s29, s8;
	[sflag:s19] =	ssyncadd.s32 $0xFFFFC000  }
0x123: {  	v10 =	vld [tilespmem:s8+$0x4000]  }
0x124: {  	v9 =	vld [tilespmem:s8+$0x4010]  }
0x125: {  	v8 =	vld [tilespmem:s8+$0x4020]  }
0x126: {  	v7 =	vld [tilespmem:s8+$0x4030]  }
0x127: {  	v6 =	vld [tilespmem:s8+$0x4040]  }
0x128: {  	v5 =	vld [tilespmem:s8+$0x4050]  }
0x129: {  	v4 =	vld [tilespmem:s8+$0x4060]  }
0x12a: {  	v3 =	vld [tilespmem:s8+$0x4070]  }
0x12b: {  	v13 =	vld [tilespmem:s8+$0x0]  }
0x12c: {  	v12 =	vld [tilespmem:s8+$0x10]  }
0x12d: {  	s17 =	simm.s32 $0x0;
	v11 =	vld [tilespmem:s8+$0x20]  }
.LBB2_6:
0x12e: {  	s17 =	sadd.s32 $0x8, s17;
	v14 =	vld [tilespmem:s8+$0x30]  }
0x12f: {  	s4 =	sadd.s32 $0x400, s4;
	s26 =	sshll.u32 s17, $0x4;
	p0 =	slt.u32 s17, $0x3F8;
	v15 =	vld [tilespmem:s8+$0x40]  }
0x130: {  	s28 =	sand.u32 $0x1C00, s4;
	s29 =	sshll.u32 s17, $0x1;
	s26 =	sand.u32 $0x2000, s26;
	v10 =	vadd.f32 v10, v13;
	v13 =	vld [tilespmem:s8+$0x50]  }
0x131: {  	s26 =	sor.u32 s28, s26;
	s28 =	sand.u32 $0x380, s29;
	v9 =	vadd.f32 v9, v12;
	v12 =	vld [tilespmem:s8+$0x60]  }
0x132: {  	s26 =	sor.u32 s28, s26;
	[tilespmem:s8+$0x0] =	vst v10;
	v8 =	vadd.f32 v8, v11;
	v11 =	vld [tilespmem:s8+$0x70]  }
0x133: {  	v10 =	vld [tilespmem:s26+$0x4000];
	[tilespmem:s8+$0x10] =	vst v9;
	v7 =	vadd.f32 v7, v14  }
0x134: {  	v9 =	vld [tilespmem:s26+$0x4010];
	[tilespmem:s8+$0x20] =	vst v8;
	v6 =	vadd.f32 v6, v15  }
0x135: {  	v8 =	vld [tilespmem:s26+$0x4020];
	[tilespmem:s8+$0x30] =	vst v7;
	v5 =	vadd.f32 v5, v13  }
0x136: {  	v7 =	vld [tilespmem:s26+$0x4030];
	[tilespmem:s8+$0x40] =	vst v6;
	v4 =	vadd.f32 v4, v12  }
0x137: {  	v6 =	vld [tilespmem:s26+$0x4040];
	[tilespmem:s8+$0x50] =	vst v5;
	v3 =	vadd.f32 v3, v11  }
0x138: {  	v5 =	vld [tilespmem:s26+$0x4050];
	[tilespmem:s8+$0x60] =	vst v4  }
.Ltmp2:
0x139: {  	v4 =	vld [tilespmem:s26+$0x4060];
	[tilespmem:s8+$0x70] =	vst v3;
	s8 =	smov.u32 s26;
	(pc) =	sbr.rel @p0 .LBB2_6-.Ltmp2, $4  }
0x13a: {  	v3 =	vld [tilespmem:s8+$0x4070]  }
0x13b: {  	v13 =	vld [tilespmem:s8+$0x0]  }
0x13c: {  	v12 =	vld [tilespmem:s8+$0x10]  }
0x13d: {  	v11 =	vld [tilespmem:s8+$0x20]  }
0x13e: {  	v14 =	vld [tilespmem:s8+$0x30]  }
0x13f: {  	v15 =	vld [tilespmem:s8+$0x40]  }
0x140: {  	v10 =	vadd.f32 v10, v13;
	v13 =	vld [tilespmem:s8+$0x50]  }
0x141: {  	v9 =	vadd.f32 v9, v12;
	v12 =	vld [tilespmem:s8+$0x60]  }
0x142: {  	[tilespmem:s8+$0x0] =	vst v10;
	v8 =	vadd.f32 v8, v11;
	v10 =	vld [tilespmem:s8+$0x70]  }
0x143: {  	[tilespmem:s8+$0x10] =	vst v9;
	v7 =	vadd.f32 v7, v14  }
0x144: {  	v6 =	vadd.f32 v6, v15;
	[tilespmem:s8+$0x20] =	vst v8  }
0x145: {  	[tilespmem:s8+$0x30] =	vst v7;
	v5 =	vadd.f32 v5, v13  }
0x146: {  	[tilespmem:s8+$0x40] =	vst v6;
	v4 =	vadd.f32 v4, v12  }
0x147: {  	[tilespmem:s8+$0x50] =	vst v5;
	v3 =	vadd.f32 v3, v10  }
0x148: {  	[tilespmem:s8+$0x60] =	vst v4  }
0x149: {  	[tilespmem:s8+$0x70] =	vst v3  }
0x14a: {  	v3 =	vld [tilespmem:$0x8000];
	_ =	sdelay $0x4  }
0x14b: {  	v4 =	vshll.u32 v3, $0x3  }
0x14c: {  	v3 =	vand.u32 $0x7, v3;
	v4 =	vand.u32 $0xFFFFFFC0, v4  }
0x14d: {  	v3 =	vor.u32 v3, v4  }
0x14e: {  	v4 =	vperm.xlane v3, v0;
	_ =	sdelay $0x1  }
0x14f: {  	v4 =	vadd.s32 v1, v4;
	_ =	sdelay $0x3  }
0x150: {  	s4 =	simm.s32 $0x0  }
0x151: {  	[hbm4b:s1+s4] =	stream.indirect_vreg.scatter [tilespmem:s4], [sflag:$0x3], $0x80, v4, vm0, $0xb8;
	[tilespmem:$0x10100] =	vst v63  }
0x152: {  	s26 =	simm.s32 $0x800;
	v3 =	vperm.xlane v3, v2  }
0x153: {  	[hbm4b:s5+s4] =	stream.indirect_vreg.scatter [tilespmem:s26], [sflag:$0x3], $0x80, v4, vm0, $0xb8;
	[tilespmem:$0x10100] =	vst v63  }
0x154: {  	s28 =	simm.s32 $0x1000;
	v3 =	vadd.s32 v1, v3  }
0x155: {  	[hbm4b:s6+s4] =	stream.indirect_vreg.scatter [tilespmem:s28], [sflag:$0x3], $0x80, v4, vm0, $0xb8;
	[tilespmem:$0x10100] =	vst v63  }
0x156: {  	s0 =	simm.s32 $0x1800  }
0x157: {  	[hbm4b:s7+s4] =	stream.indirect_vreg.scatter [tilespmem:s0], [sflag:$0x3], $0x80, v4, vm0, $0xb8;
	[tilespmem:$0x10100] =	vst v63  }
0x158: {  	s2 =	simm.s32 $0x2000  }
0x159: {  	[hbm4b:s1+s4] =	stream.indirect_vreg.scatter [tilespmem:s2], [sflag:$0x3], $0x80, v3, vm0, $0xb8;
	[tilespmem:$0x10100] =	vst v63  }
0x15a: {  	_ = 	snop  }
0x15b: {  	[hbm4b:s5+s4] =	stream.indirect_vreg.scatter [tilespmem:s9], [sflag:$0x3], $0x80, v3, vm0, $0xb8;
	[tilespmem:$0x10100] =	vst v63  }
0x15c: {  	s10 =	simm.s32 $0x3000  }
0x15d: {  	[hbm4b:s6+s4] =	stream.indirect_vreg.scatter [tilespmem:s10], [sflag:$0x3], $0x80, v3, vm0, $0xb8;
	[tilespmem:$0x10100] =	vst v63  }
0x15e: {  	_ = 	snop  }
0x15f: {  	[hbm4b:s7+s4] =	stream.indirect_vreg.scatter [tilespmem:s11], [sflag:$0x3], $0x80, v3, vm0, $0xb8;
	[tilespmem:$0x10100] =	vst v63  }
0x160: {  	_ =	swait.ge [sflag:s20], $0x4000  }
0x161: {  	[sflag:s20] =	ssyncset.done $0x0  }
0x162: {  	s17 =	simm.s32 $0x8000;
	s29 =	rddreg [dreg:$0xb];
	[sflag:s20] =	ssyncadd.s32 $0xFFFFC000  }
0x163: {  	[tilespmem:s17], [sflag:$0x7] =	stream.linear.gather [hbm4b:s29+s4], $0x10, $0x38;
	[tilespmem:$0x10100] =	vst v63  }
0x164: {  	_ =	swait.ge [sflag:s25], $0x10  }
0x165: {  	[sflag:s25] =	ssyncset.done $0x0  }
0x166: {  	[sflag:s25] =	ssyncadd.s32 $0xFFFFFFF0  }
0x167: {  	v3 =	vld [tilespmem:$0x8000];
	_ =	sdelay $0x4  }
0x168: {  	v4 =	vshll.u32 v3, $0x3  }
0x169: {  	v3 =	vand.u32 $0x7, v3;
	v4 =	vand.u32 $0xFFFFFFC0, v4  }
0x16a: {  	v3 =	vor.u32 v3, v4  }
0x16b: {  	v4 =	vperm.xlane v3, v0;
	_ =	sdelay $0x1  }
0x16c: {  	v4 =	vadd.s32 v1, v4;
	_ =	sdelay $0x4  }
0x16d: {  	[tilespmem:s4], [sflag:$0x1] =	stream.indirect_vreg.gather [hbm4b:s1+s4], $0x80, v4, vm0, $0xb8;
	[tilespmem:$0x10100] =	vst v63  }
0x16e: {  	v3 =	vperm.xlane v3, v2  }
0x16f: {  	[tilespmem:s26], [sflag:$0x1] =	stream.indirect_vreg.gather [hbm4b:s5+s4], $0x80, v4, vm0, $0xb8;
	[tilespmem:$0x10100] =	vst v63  }
0x170: {  	v3 =	vadd.s32 v1, v3  }
0x171: {  	[tilespmem:s28], [sflag:$0x1] =	stream.indirect_vreg.gather [hbm4b:s6+s4], $0x80, v4, vm0, $0xb8;
	[tilespmem:$0x10100] =	vst v63  }
0x172: {  	_ = 	snop  }
0x173: {  	[tilespmem:s0], [sflag:$0x1] =	stream.indirect_vreg.gather [hbm4b:s7+s4], $0x80, v4, vm0, $0xb8;
	[tilespmem:$0x10100] =	vst v63  }
0x174: {  	_ = 	snop  }
0x175: {  	[tilespmem:s2], [sflag:$0x1] =	stream.indirect_vreg.gather [hbm4b:s1+s4], $0x80, v3, vm0, $0xb8;
	[tilespmem:$0x10100] =	vst v63  }
0x176: {  	_ = 	snop  }
0x177: {  	[tilespmem:s9], [sflag:$0x1] =	stream.indirect_vreg.gather [hbm4b:s5+s4], $0x80, v3, vm0, $0xb8;
	[tilespmem:$0x10100] =	vst v63  }
0x178: {  	_ = 	snop  }
0x179: {  	[tilespmem:s10], [sflag:$0x1] =	stream.indirect_vreg.gather [hbm4b:s6+s4], $0x80, v3, vm0, $0xb8;
	[tilespmem:$0x10100] =	vst v63  }
0x17a: {  	_ = 	snop  }
0x17b: {  	[tilespmem:s11], [sflag:$0x1] =	stream.indirect_vreg.gather [hbm4b:s7+s4], $0x80, v3, vm0, $0xb8;
	[tilespmem:$0x10100] =	vst v63  }
0x17c: {  	s10 =	rddreg [dreg:$0xc];
	s11 =	simm.s32 $0x4000  }
0x17d: {  	[tilespmem:s11], [sflag:$0x2] =	stream.linear.gather [hbm4b:s10+s4], $0x4000, $0x38;
	[tilespmem:$0x10100] =	vst v63  }
0x17e: {  	_ =	swait.ge [sflag:s21], $0x4000  }
0x17f: {  	s17 =	simm.s32 $0x0;
	[sflag:s21] =	ssyncset.done $0x0  }
0x180: {  	s8 =	sand.u32 $0x2000, s17;
	[sflag:s21] =	ssyncadd.s32 $0xFFFFC000  }
0x181: {  	s26 =	sand.u32 $0x1C00, s4;
	s28 =	simm.s32 $0x0;
	_ =	swait.ge [sflag:s22], $0x4000  }
0x182: {  	s8 =	sor.u32 s26, s8;
	s29 =	sand.u32 $0x380, s28;
	[sflag:s22] =	ssyncset.done $0x0  }
0x183: {  	s8 =	sor.u32 s29, s8;
	[sflag:s22] =	ssyncadd.s32 $0xFFFFC000  }
0x184: {  	v10 =	vld [tilespmem:s8+$0xC080]  }
0x185: {  	v9 =	vld [tilespmem:s8+$0xC090]  }
0x186: {  	v8 =	vld [tilespmem:s8+$0xC0A0]  }
0x187: {  	v7 =	vld [tilespmem:s8+$0xC0B0]  }
0x188: {  	v6 =	vld [tilespmem:s8+$0xC0C0]  }
0x189: {  	v5 =	vld [tilespmem:s8+$0xC0D0]  }
0x18a: {  	v4 =	vld [tilespmem:s8+$0xC0E0]  }
0x18b: {  	v3 =	vld [tilespmem:s8+$0xC0F0]  }
0x18c: {  	v13 =	vld [tilespmem:s8+$0x8080]  }
0x18d: {  	v12 =	vld [tilespmem:s8+$0x8090]  }
0x18e: {  	s17 =	simm.s32 $0x0;
	v11 =	vld [tilespmem:s8+$0x80A0]  }
.LBB2_8:
0x18f: {  	s17 =	sadd.s32 $0x8, s17;
	v14 =	vld [tilespmem:s8+$0x80B0]  }
0x190: {  	s4 =	sadd.s32 $0x400, s4;
	s26 =	sshll.u32 s17, $0x4;
	p0 =	slt.u32 s17, $0x3F8;
	v15 =	vld [tilespmem:s8+$0x80C0]  }
0x191: {  	s28 =	sand.u32 $0x1C00, s4;
	s29 =	sshll.u32 s17, $0x1;
	s26 =	sand.u32 $0x2000, s26;
	v10 =	vadd.f32 v10, v13;
	v13 =	vld [tilespmem:s8+$0x80D0]  }
0x192: {  	s26 =	sor.u32 s28, s26;
	s28 =	sand.u32 $0x380, s29;
	v9 =	vadd.f32 v9, v12;
	v12 =	vld [tilespmem:s8+$0x80E0]  }
0x193: {  	s26 =	sor.u32 s28, s26;
	[tilespmem:s8+$0x8080] =	vst v10;
	v8 =	vadd.f32 v8, v11;
	v11 =	vld [tilespmem:s8+$0x80F0]  }
0x194: {  	v10 =	vld [tilespmem:s26+$0xC080];
	[tilespmem:s8+$0x8090] =	vst v9;
	v7 =	vadd.f32 v7, v14  }
0x195: {  	v9 =	vld [tilespmem:s26+$0xC090];
	[tilespmem:s8+$0x80A0] =	vst v8;
	v6 =	vadd.f32 v6, v15  }
0x196: {  	v8 =	vld [tilespmem:s26+$0xC0A0];
	[tilespmem:s8+$0x80B0] =	vst v7;
	v5 =	vadd.f32 v5, v13  }
0x197: {  	v7 =	vld [tilespmem:s26+$0xC0B0];
	[tilespmem:s8+$0x80C0] =	vst v6;
	v4 =	vadd.f32 v4, v12  }
0x198: {  	v6 =	vld [tilespmem:s26+$0xC0C0];
	[tilespmem:s8+$0x80D0] =	vst v5;
	v3 =	vadd.f32 v3, v11  }
0x199: {  	v5 =	vld [tilespmem:s26+$0xC0D0];
	[tilespmem:s8+$0x80E0] =	vst v4  }
.Ltmp3:
0x19a: {  	v4 =	vld [tilespmem:s26+$0xC0E0];
	[tilespmem:s8+$0x80F0] =	vst v3;
	s8 =	smov.u32 s26;
	(pc) =	sbr.rel @p0 .LBB2_8-.Ltmp3, $4  }
0x19b: {  	v3 =	vld [tilespmem:s8+$0xC0F0]  }
0x19c: {  	v13 =	vld [tilespmem:s8+$0x8080]  }
0x19d: {  	v12 =	vld [tilespmem:s8+$0x8090]  }
0x19e: {  	v11 =	vld [tilespmem:s8+$0x80A0]  }
0x19f: {  	v14 =	vld [tilespmem:s8+$0x80B0]  }
0x1a0: {  	v15 =	vld [tilespmem:s8+$0x80C0]  }
0x1a1: {  	v10 =	vadd.f32 v10, v13;
	v13 =	vld [tilespmem:s8+$0x80D0]  }
0x1a2: {  	v9 =	vadd.f32 v9, v12;
	v12 =	vld [tilespmem:s8+$0x80E0]  }
0x1a3: {  	[tilespmem:s8+$0x8080] =	vst v10;
	v8 =	vadd.f32 v8, v11;
	v10 =	vld [tilespmem:s8+$0x80F0]  }
0x1a4: {  	[tilespmem:s8+$0x8090] =	vst v9;
	v7 =	vadd.f32 v7, v14  }
0x1a5: {  	v6 =	vadd.f32 v6, v15;
	[tilespmem:s8+$0x80A0] =	vst v8  }
0x1a6: {  	[tilespmem:s8+$0x80B0] =	vst v7;
	v5 =	vadd.f32 v5, v13  }
0x1a7: {  	[tilespmem:s8+$0x80C0] =	vst v6;
	v4 =	vadd.f32 v4, v12  }
0x1a8: {  	[tilespmem:s8+$0x80D0] =	vst v5;
	v3 =	vadd.f32 v3, v10  }
0x1a9: {  	[tilespmem:s8+$0x80E0] =	vst v4  }
0x1aa: {  	[tilespmem:s8+$0x80F0] =	vst v3  }
0x1ab: {  	v3 =	vld [tilespmem:$0x10080];
	_ =	sdelay $0x4  }
0x1ac: {  	v4 =	vshll.u32 v3, $0x3  }
0x1ad: {  	v3 =	vand.u32 $0x7, v3;
	v4 =	vand.u32 $0xFFFFFFC0, v4  }
0x1ae: {  	v3 =	vor.u32 v3, v4  }
0x1af: {  	v4 =	vperm.xlane v3, v0;
	_ =	sdelay $0x1  }
0x1b0: {  	v4 =	vadd.s32 v1, v4;
	_ =	sdelay $0x3  }
0x1b1: {  	s4 =	simm.s32 $0x0  }
0x1b2: {  	[hbm4b:s1+s4] =	stream.indirect_vreg.scatter [tilespmem:s30], [sflag:$0x6], $0x80, v4, vm0, $0xb8;
	[tilespmem:$0x10100] =	vst v63  }
0x1b3: {  	v3 =	vperm.xlane v3, v2  }
0x1b4: {  	[hbm4b:s5+s4] =	stream.indirect_vreg.scatter [tilespmem:s31], [sflag:$0x6], $0x80, v4, vm0, $0xb8;
	[tilespmem:$0x10100] =	vst v63  }
0x1b5: {  	s2 =	simm.s32 $0x9080;
	v3 =	vadd.s32 v1, v3  }
0x1b6: {  	[hbm4b:s6+s4] =	stream.indirect_vreg.scatter [tilespmem:s2], [sflag:$0x6], $0x80, v4, vm0, $0xb8;
	[tilespmem:$0x10100] =	vst v63  }
0x1b7: {  	_ = 	snop  }
0x1b8: {  	[hbm4b:s7+s4] =	stream.indirect_vreg.scatter [tilespmem:s12], [sflag:$0x6], $0x80, v4, vm0, $0xb8;
	[tilespmem:$0x10100] =	vst v63  }
0x1b9: {  	_ = 	snop  }
0x1ba: {  	[hbm4b:s1+s4] =	stream.indirect_vreg.scatter [tilespmem:s13], [sflag:$0x6], $0x80, v3, vm0, $0xb8;
	[tilespmem:$0x10100] =	vst v63  }
0x1bb: {  	_ = 	snop  }
0x1bc: {  	[hbm4b:s5+s4] =	stream.indirect_vreg.scatter [tilespmem:s14], [sflag:$0x6], $0x80, v3, vm0, $0xb8;
	[tilespmem:$0x10100] =	vst v63  }
0x1bd: {  	_ = 	snop  }
0x1be: {  	[hbm4b:s6+s4] =	stream.indirect_vreg.scatter [tilespmem:s15], [sflag:$0x6], $0x80, v3, vm0, $0xb8;
	[tilespmem:$0x10100] =	vst v63  }
0x1bf: {  	_ = 	snop  }
0x1c0: {  	[hbm4b:s7+s4] =	stream.indirect_vreg.scatter [tilespmem:s16], [sflag:$0x6], $0x80, v3, vm0, $0xb8;
	[tilespmem:$0x10100] =	vst v63  }
0x1c1: {  	_ =	swait.ge [sflag:s23], $0x4000  }
0x1c2: {  	[sflag:s23] =	ssyncset.done $0x0  }
0x1c3: {  	s0 =	simm.s32 $0x10080;
	s26 =	rddreg [dreg:$0xd];
	[sflag:s23] =	ssyncadd.s32 $0xFFFFC000  }
0x1c4: {  	[tilespmem:s0], [sflag:$0x7] =	stream.linear.gather [hbm4b:s26+s4], $0x10, $0x38;
	[tilespmem:$0x10100] =	vst v63  }
0x1c5: {  	_ =	swait.ge [sflag:s25], $0x10  }
0x1c6: {  	[sflag:s25] =	ssyncset.done $0x0  }
0x1c7: {  	[sflag:s25] =	ssyncadd.s32 $0xFFFFFFF0  }
0x1c8: {  	v3 =	vld [tilespmem:$0x10080];
	_ =	sdelay $0x4  }
0x1c9: {  	v4 =	vshll.u32 v3, $0x3  }
0x1ca: {  	v3 =	vand.u32 $0x7, v3;
	v4 =	vand.u32 $0xFFFFFFC0, v4  }
0x1cb: {  	v3 =	vor.u32 v3, v4  }
0x1cc: {  	v4 =	vperm.xlane v3, v0;
	_ =	sdelay $0x1  }
0x1cd: {  	v4 =	vadd.s32 v1, v4;
	_ =	sdelay $0x4  }
0x1ce: {  	[tilespmem:s30], [sflag:$0x4] =	stream.indirect_vreg.gather [hbm4b:s1+s4], $0x80, v4, vm0, $0xb8;
	[tilespmem:$0x10100] =	vst v63  }
0x1cf: {  	v3 =	vperm.xlane v3, v2  }
0x1d0: {  	[tilespmem:s31], [sflag:$0x4] =	stream.indirect_vreg.gather [hbm4b:s5+s4], $0x80, v4, vm0, $0xb8;
	[tilespmem:$0x10100] =	vst v63  }
0x1d1: {  	v3 =	vadd.s32 v1, v3  }
0x1d2: {  	[tilespmem:s2], [sflag:$0x4] =	stream.indirect_vreg.gather [hbm4b:s6+s4], $0x80, v4, vm0, $0xb8;
	[tilespmem:$0x10100] =	vst v63  }
0x1d3: {  	_ = 	snop  }
0x1d4: {  	[tilespmem:s12], [sflag:$0x4] =	stream.indirect_vreg.gather [hbm4b:s7+s4], $0x80, v4, vm0, $0xb8;
	[tilespmem:$0x10100] =	vst v63  }
0x1d5: {  	_ = 	snop  }
0x1d6: {  	[tilespmem:s13], [sflag:$0x4] =	stream.indirect_vreg.gather [hbm4b:s1+s4], $0x80, v3, vm0, $0xb8;
	[tilespmem:$0x10100] =	vst v63  }
0x1d7: {  	_ = 	snop  }
0x1d8: {  	[tilespmem:s14], [sflag:$0x4] =	stream.indirect_vreg.gather [hbm4b:s5+s4], $0x80, v3, vm0, $0xb8;
	[tilespmem:$0x10100] =	vst v63  }
0x1d9: {  	_ = 	snop  }
0x1da: {  	[tilespmem:s15], [sflag:$0x4] =	stream.indirect_vreg.gather [hbm4b:s6+s4], $0x80, v3, vm0, $0xb8;
	[tilespmem:$0x10100] =	vst v63  }
0x1db: {  	_ = 	snop  }
0x1dc: {  	[tilespmem:s16], [sflag:$0x4] =	stream.indirect_vreg.gather [hbm4b:s7+s4], $0x80, v3, vm0, $0xb8;
	[tilespmem:$0x10100] =	vst v63  }
0x1dd: {  	s29 =	simm.s32 $0xC080;
	s28 =	rddreg [dreg:$0xe]  }
0x1de: {  	[tilespmem:s29], [sflag:$0x5] =	stream.linear.gather [hbm4b:s28+s4], $0x4000, $0x38;
	[tilespmem:$0x10100] =	vst v63  }
0x1df: {  	_ =	swait.ge [sflag:s18], $0x4000  }
0x1e0: {  	[sflag:s18] =	ssyncset.done $0x0  }
0x1e1: {  	s17 =	sand.u32 $0x1C00, s4;
	s30 =	simm.s32 $0x0;
	[sflag:s18] =	ssyncadd.s32 $0xFFFFC000  }
0x1e2: {  	s26 =	simm.s32 $0x0;
	s8 =	sand.u32 $0x2000, s30;
	_ =	swait.ge [sflag:s19], $0x4000  }
0x1e3: {  	s8 =	sor.u32 s17, s8;
	s31 =	sand.u32 $0x380, s26;
	[sflag:s19] =	ssyncset.done $0x0  }
0x1e4: {  	s8 =	sor.u32 s31, s8;
	[sflag:s19] =	ssyncadd.s32 $0xFFFFC000  }
0x1e5: {  	v10 =	vld [tilespmem:s8+$0x4000]  }
0x1e6: {  	v9 =	vld [tilespmem:s8+$0x4010]  }
0x1e7: {  	v8 =	vld [tilespmem:s8+$0x4020]  }
0x1e8: {  	v7 =	vld [tilespmem:s8+$0x4030]  }
0x1e9: {  	v6 =	vld [tilespmem:s8+$0x4040]  }
0x1ea: {  	v5 =	vld [tilespmem:s8+$0x4050]  }
0x1eb: {  	v4 =	vld [tilespmem:s8+$0x4060]  }
0x1ec: {  	v3 =	vld [tilespmem:s8+$0x4070]  }
0x1ed: {  	v13 =	vld [tilespmem:s8+$0x0]  }
0x1ee: {  	v12 =	vld [tilespmem:s8+$0x10]  }
0x1ef: {  	s17 =	simm.s32 $0x0;
	v11 =	vld [tilespmem:s8+$0x20]  }
.LBB2_10:
0x1f0: {  	s17 =	sadd.s32 $0x8, s17;
	v14 =	vld [tilespmem:s8+$0x30]  }
0x1f1: {  	s4 =	sadd.s32 $0x400, s4;
	s26 =	sshll.u32 s17, $0x4;
	p0 =	slt.u32 s17, $0x3F8;
	v15 =	vld [tilespmem:s8+$0x40]  }
0x1f2: {  	s28 =	sand.u32 $0x1C00, s4;
	s29 =	sshll.u32 s17, $0x1;
	s26 =	sand.u32 $0x2000, s26;
	v10 =	vadd.f32 v10, v13;
	v13 =	vld [tilespmem:s8+$0x50]  }
0x1f3: {  	s26 =	sor.u32 s28, s26;
	s28 =	sand.u32 $0x380, s29;
	v9 =	vadd.f32 v9, v12;
	v12 =	vld [tilespmem:s8+$0x60]  }
0x1f4: {  	s26 =	sor.u32 s28, s26;
	[tilespmem:s8+$0x0] =	vst v10;
	v8 =	vadd.f32 v8, v11;
	v11 =	vld [tilespmem:s8+$0x70]  }
0x1f5: {  	v10 =	vld [tilespmem:s26+$0x4000];
	[tilespmem:s8+$0x10] =	vst v9;
	v7 =	vadd.f32 v7, v14  }
0x1f6: {  	v9 =	vld [tilespmem:s26+$0x4010];
	[tilespmem:s8+$0x20] =	vst v8;
	v6 =	vadd.f32 v6, v15  }
0x1f7: {  	v8 =	vld [tilespmem:s26+$0x4020];
	[tilespmem:s8+$0x30] =	vst v7;
	v5 =	vadd.f32 v5, v13  }
0x1f8: {  	v7 =	vld [tilespmem:s26+$0x4030];
	[tilespmem:s8+$0x40] =	vst v6;
	v4 =	vadd.f32 v4, v12  }
0x1f9: {  	v6 =	vld [tilespmem:s26+$0x4040];
	[tilespmem:s8+$0x50] =	vst v5;
	v3 =	vadd.f32 v3, v11  }
0x1fa: {  	v5 =	vld [tilespmem:s26+$0x4050];
	[tilespmem:s8+$0x60] =	vst v4  }
.Ltmp4:
0x1fb: {  	v4 =	vld [tilespmem:s26+$0x4060];
	[tilespmem:s8+$0x70] =	vst v3;
	s8 =	smov.u32 s26;
	(pc) =	sbr.rel @p0 .LBB2_10-.Ltmp4, $4  }
0x1fc: {  	v3 =	vld [tilespmem:s8+$0x4070]  }
0x1fd: {  	v13 =	vld [tilespmem:s8+$0x0]  }
0x1fe: {  	v12 =	vld [tilespmem:s8+$0x10]  }
0x1ff: {  	v11 =	vld [tilespmem:s8+$0x20]  }
0x200: {  	v14 =	vld [tilespmem:s8+$0x30]  }
0x201: {  	v15 =	vld [tilespmem:s8+$0x40]  }
0x202: {  	v10 =	vadd.f32 v10, v13;
	v13 =	vld [tilespmem:s8+$0x50]  }
0x203: {  	v9 =	vadd.f32 v9, v12;
	v12 =	vld [tilespmem:s8+$0x60]  }
0x204: {  	[tilespmem:s8+$0x0] =	vst v10;
	v8 =	vadd.f32 v8, v11;
	v10 =	vld [tilespmem:s8+$0x70]  }
0x205: {  	[tilespmem:s8+$0x10] =	vst v9;
	v7 =	vadd.f32 v7, v14  }
0x206: {  	v6 =	vadd.f32 v6, v15;
	[tilespmem:s8+$0x20] =	vst v8  }
0x207: {  	[tilespmem:s8+$0x30] =	vst v7;
	v5 =	vadd.f32 v5, v13  }
0x208: {  	[tilespmem:s8+$0x40] =	vst v6;
	v4 =	vadd.f32 v4, v12  }
0x209: {  	[tilespmem:s8+$0x50] =	vst v5;
	v3 =	vadd.f32 v3, v10  }
0x20a: {  	[tilespmem:s8+$0x60] =	vst v4  }
0x20b: {  	[tilespmem:s8+$0x70] =	vst v3  }
0x20c: {  	v3 =	vld [tilespmem:$0x8000];
	_ =	sdelay $0x4  }
0x20d: {  	v4 =	vshll.u32 v3, $0x3  }
0x20e: {  	v3 =	vand.u32 $0x7, v3;
	v4 =	vand.u32 $0xFFFFFFC0, v4  }
0x20f: {  	v3 =	vor.u32 v3, v4  }
0x210: {  	v4 =	vperm.xlane v3, v0;
	_ =	sdelay $0x1  }
0x211: {  	v4 =	vadd.s32 v1, v4;
	_ =	sdelay $0x3  }
0x212: {  	s4 =	simm.s32 $0x0  }
0x213: {  	[hbm4b:s1+s4] =	stream.indirect_vreg.scatter [tilespmem:s4], [sflag:$0x3], $0x80, v4, vm0, $0xb8;
	[tilespmem:$0x10100] =	vst v63  }
0x214: {  	s26 =	simm.s32 $0x800;
	v3 =	vperm.xlane v3, v2  }
0x215: {  	[hbm4b:s5+s4] =	stream.indirect_vreg.scatter [tilespmem:s26], [sflag:$0x3], $0x80, v4, vm0, $0xb8;
	[tilespmem:$0x10100] =	vst v63  }
0x216: {  	s28 =	simm.s32 $0x1000;
	v3 =	vadd.s32 v1, v3  }
0x217: {  	[hbm4b:s6+s4] =	stream.indirect_vreg.scatter [tilespmem:s28], [sflag:$0x3], $0x80, v4, vm0, $0xb8;
	[tilespmem:$0x10100] =	vst v63  }
0x218: {  	s29 =	simm.s32 $0x1800  }
0x219: {  	[hbm4b:s7+s4] =	stream.indirect_vreg.scatter [tilespmem:s29], [sflag:$0x3], $0x80, v4, vm0, $0xb8;
	[tilespmem:$0x10100] =	vst v63  }
0x21a: {  	s9 =	simm.s32 $0x2000  }
0x21b: {  	[hbm4b:s1+s4] =	stream.indirect_vreg.scatter [tilespmem:s9], [sflag:$0x3], $0x80, v3, vm0, $0xb8;
	[tilespmem:$0x10100] =	vst v63  }
0x21c: {  	s0 =	simm.s32 $0x2800  }
0x21d: {  	[hbm4b:s5+s4] =	stream.indirect_vreg.scatter [tilespmem:s0], [sflag:$0x3], $0x80, v3, vm0, $0xb8;
	[tilespmem:$0x10100] =	vst v63  }
0x21e: {  	s11 =	simm.s32 $0x3000  }
0x21f: {  	[hbm4b:s6+s4] =	stream.indirect_vreg.scatter [tilespmem:s11], [sflag:$0x3], $0x80, v3, vm0, $0xb8;
	[tilespmem:$0x10100] =	vst v63  }
0x220: {  	s8 =	simm.s32 $0x3800  }
0x221: {  	[hbm4b:s7+s4] =	stream.indirect_vreg.scatter [tilespmem:s8], [sflag:$0x3], $0x80, v3, vm0, $0xb8;
	[tilespmem:$0x10100] =	vst v63  }
0x222: {  	_ =	swait.ge [sflag:s20], $0x4000  }
0x223: {  	[sflag:s20] =	ssyncset.done $0x0  }
0x224: {  	s17 =	simm.s32 $0x8000;
	s10 =	rddreg [dreg:$0xf];
	[sflag:s20] =	ssyncadd.s32 $0xFFFFC000  }
0x225: {  	[tilespmem:s17], [sflag:$0x7] =	stream.linear.gather [hbm4b:s10+s4], $0x10, $0x38;
	[tilespmem:$0x10100] =	vst v63  }
0x226: {  	_ =	swait.ge [sflag:s25], $0x10  }
0x227: {  	[sflag:s25] =	ssyncset.done $0x0  }
0x228: {  	[sflag:s25] =	ssyncadd.s32 $0xFFFFFFF0  }
0x229: {  	v3 =	vld [tilespmem:$0x8000];
	_ =	sdelay $0x4  }
0x22a: {  	v4 =	vshll.u32 v3, $0x3  }
0x22b: {  	v3 =	vand.u32 $0x7, v3;
	v4 =	vand.u32 $0xFFFFFFC0, v4  }
0x22c: {  	v3 =	vor.u32 v3, v4  }
0x22d: {  	v4 =	vperm.xlane v3, v0;
	_ =	sdelay $0x1  }
0x22e: {  	v4 =	vadd.s32 v1, v4;
	_ =	sdelay $0x4  }
0x22f: {  	[tilespmem:s4], [sflag:$0x1] =	stream.indirect_vreg.gather [hbm4b:s1+s4], $0x80, v4, vm0, $0xb8;
	[tilespmem:$0x10100] =	vst v63  }
0x230: {  	v3 =	vperm.xlane v3, v2  }
0x231: {  	[tilespmem:s26], [sflag:$0x1] =	stream.indirect_vreg.gather [hbm4b:s5+s4], $0x80, v4, vm0, $0xb8;
	[tilespmem:$0x10100] =	vst v63  }
0x232: {  	v3 =	vadd.s32 v1, v3  }
0x233: {  	[tilespmem:s28], [sflag:$0x1] =	stream.indirect_vreg.gather [hbm4b:s6+s4], $0x80, v4, vm0, $0xb8;
	[tilespmem:$0x10100] =	vst v63  }
0x234: {  	_ = 	snop  }
0x235: {  	[tilespmem:s29], [sflag:$0x1] =	stream.indirect_vreg.gather [hbm4b:s7+s4], $0x80, v4, vm0, $0xb8;
	[tilespmem:$0x10100] =	vst v63  }
0x236: {  	_ = 	snop  }
0x237: {  	[tilespmem:s9], [sflag:$0x1] =	stream.indirect_vreg.gather [hbm4b:s1+s4], $0x80, v3, vm0, $0xb8;
	[tilespmem:$0x10100] =	vst v63  }
0x238: {  	s9 =	simm.s32 $0x2800  }
0x239: {  	[tilespmem:s9], [sflag:$0x1] =	stream.indirect_vreg.gather [hbm4b:s5+s4], $0x80, v3, vm0, $0xb8;
	[tilespmem:$0x10100] =	vst v63  }
0x23a: {  	_ = 	snop  }
0x23b: {  	[tilespmem:s11], [sflag:$0x1] =	stream.indirect_vreg.gather [hbm4b:s6+s4], $0x80, v3, vm0, $0xb8;
	[tilespmem:$0x10100] =	vst v63  }
0x23c: {  	s11 =	simm.s32 $0x3800  }
0x23d: {  	[tilespmem:s11], [sflag:$0x1] =	stream.indirect_vreg.gather [hbm4b:s7+s4], $0x80, v3, vm0, $0xb8;
	[tilespmem:$0x10100] =	vst v63  }
0x23e: {  	s28 =	rddreg [dreg:$0x10];
	s29 =	simm.s32 $0x4000  }
0x23f: {  	[tilespmem:s29], [sflag:$0x2] =	stream.linear.gather [hbm4b:s28+s4], $0x4000, $0x38;
	[tilespmem:$0x10100] =	vst v63  }
0x240: {  	_ =	swait.ge [sflag:s21], $0x4000  }
0x241: {  	s17 =	simm.s32 $0x0;
	[sflag:s21] =	ssyncset.done $0x0  }
0x242: {  	s8 =	sand.u32 $0x2000, s17;
	[sflag:s21] =	ssyncadd.s32 $0xFFFFC000  }
0x243: {  	s26 =	sand.u32 $0x1C00, s4;
	s28 =	simm.s32 $0x0;
	_ =	swait.ge [sflag:s22], $0x4000  }
0x244: {  	s8 =	sor.u32 s26, s8;
	s29 =	sand.u32 $0x380, s28;
	[sflag:s22] =	ssyncset.done $0x0  }
0x245: {  	s8 =	sor.u32 s29, s8;
	[sflag:s22] =	ssyncadd.s32 $0xFFFFC000  }
0x246: {  	v10 =	vld [tilespmem:s8+$0xC080]  }
0x247: {  	v9 =	vld [tilespmem:s8+$0xC090]  }
0x248: {  	v8 =	vld [tilespmem:s8+$0xC0A0]  }
0x249: {  	v7 =	vld [tilespmem:s8+$0xC0B0]  }
0x24a: {  	v6 =	vld [tilespmem:s8+$0xC0C0]  }
0x24b: {  	v5 =	vld [tilespmem:s8+$0xC0D0]  }
0x24c: {  	v4 =	vld [tilespmem:s8+$0xC0E0]  }
0x24d: {  	v3 =	vld [tilespmem:s8+$0xC0F0]  }
0x24e: {  	v13 =	vld [tilespmem:s8+$0x8080]  }
0x24f: {  	s30 =	simm.s32 $0x800;
	s31 =	simm.s32 $0x1000;
	s2 =	simm.s32 $0x2000;
	v12 =	vld [tilespmem:s8+$0x8090]  }
0x250: {  	s0 =	simm.s32 $0x1800;
	s10 =	simm.s32 $0x3000;
	s17 =	simm.s32 $0x0;
	v11 =	vld [tilespmem:s8+$0x80A0]  }
.LBB2_12:
0x251: {  	s17 =	sadd.s32 $0x8, s17;
	v14 =	vld [tilespmem:s8+$0x80B0]  }
0x252: {  	s4 =	sadd.s32 $0x400, s4;
	s26 =	sshll.u32 s17, $0x4;
	p0 =	slt.u32 s17, $0x3F8;
	v15 =	vld [tilespmem:s8+$0x80C0]  }
0x253: {  	s28 =	sand.u32 $0x1C00, s4;
	s29 =	sshll.u32 s17, $0x1;
	s26 =	sand.u32 $0x2000, s26;
	v10 =	vadd.f32 v10, v13;
	v13 =	vld [tilespmem:s8+$0x80D0]  }
0x254: {  	s26 =	sor.u32 s28, s26;
	s28 =	sand.u32 $0x380, s29;
	v9 =	vadd.f32 v9, v12;
	v12 =	vld [tilespmem:s8+$0x80E0]  }
0x255: {  	s26 =	sor.u32 s28, s26;
	[tilespmem:s8+$0x8080] =	vst v10;
	v8 =	vadd.f32 v8, v11;
	v11 =	vld [tilespmem:s8+$0x80F0]  }
0x256: {  	v10 =	vld [tilespmem:s26+$0xC080];
	[tilespmem:s8+$0x8090] =	vst v9;
	v7 =	vadd.f32 v7, v14  }
0x257: {  	v9 =	vld [tilespmem:s26+$0xC090];
	[tilespmem:s8+$0x80A0] =	vst v8;
	v6 =	vadd.f32 v6, v15  }
0x258: {  	v8 =	vld [tilespmem:s26+$0xC0A0];
	[tilespmem:s8+$0x80B0] =	vst v7;
	v5 =	vadd.f32 v5, v13  }
0x259: {  	v7 =	vld [tilespmem:s26+$0xC0B0];
	[tilespmem:s8+$0x80C0] =	vst v6;
	v4 =	vadd.f32 v4, v12  }
0x25a: {  	v6 =	vld [tilespmem:s26+$0xC0C0];
	[tilespmem:s8+$0x80D0] =	vst v5;
	v3 =	vadd.f32 v3, v11  }
0x25b: {  	v5 =	vld [tilespmem:s26+$0xC0D0];
	[tilespmem:s8+$0x80E0] =	vst v4  }
.Ltmp5:
0x25c: {  	v4 =	vld [tilespmem:s26+$0xC0E0];
	[tilespmem:s8+$0x80F0] =	vst v3;
	s8 =	smov.u32 s26;
	(pc) =	sbr.rel @p0 .LBB2_12-.Ltmp5, $4  }
0x25d: {  	v3 =	vld [tilespmem:s8+$0xC0F0]  }
0x25e: {  	v13 =	vld [tilespmem:s8+$0x8080]  }
0x25f: {  	v12 =	vld [tilespmem:s8+$0x8090]  }
0x260: {  	v11 =	vld [tilespmem:s8+$0x80A0]  }
0x261: {  	v14 =	vld [tilespmem:s8+$0x80B0]  }
0x262: {  	v15 =	vld [tilespmem:s8+$0x80C0]  }
0x263: {  	v10 =	vadd.f32 v10, v13;
	v13 =	vld [tilespmem:s8+$0x80D0]  }
0x264: {  	v9 =	vadd.f32 v9, v12;
	v12 =	vld [tilespmem:s8+$0x80E0]  }
0x265: {  	[tilespmem:s8+$0x8080] =	vst v10;
	v8 =	vadd.f32 v8, v11;
	v10 =	vld [tilespmem:s8+$0x80F0]  }
0x266: {  	[tilespmem:s8+$0x8090] =	vst v9;
	v7 =	vadd.f32 v7, v14  }
0x267: {  	v6 =	vadd.f32 v6, v15;
	[tilespmem:s8+$0x80A0] =	vst v8  }
0x268: {  	[tilespmem:s8+$0x80B0] =	vst v7;
	v5 =	vadd.f32 v5, v13  }
0x269: {  	[tilespmem:s8+$0x80C0] =	vst v6;
	v4 =	vadd.f32 v4, v12  }
0x26a: {  	[tilespmem:s8+$0x80D0] =	vst v5;
	v3 =	vadd.f32 v3, v10  }
0x26b: {  	[tilespmem:s8+$0x80E0] =	vst v4  }
0x26c: {  	[tilespmem:s8+$0x80F0] =	vst v3  }
0x26d: {  	v3 =	vld [tilespmem:$0x10080];
	_ =	sdelay $0x4  }
0x26e: {  	v4 =	vshll.u32 v3, $0x3  }
0x26f: {  	v3 =	vand.u32 $0x7, v3;
	v4 =	vand.u32 $0xFFFFFFC0, v4  }
0x270: {  	v3 =	vor.u32 v3, v4  }
0x271: {  	v4 =	vperm.xlane v3, v0;
	_ =	sdelay $0x1  }
0x272: {  	v4 =	vadd.s32 v1, v4;
	_ =	sdelay $0x3  }
0x273: {  	s4 =	simm.s32 $0x0;
	s26 =	simm.s32 $0x8080  }
0x274: {  	[hbm4b:s1+s4] =	stream.indirect_vreg.scatter [tilespmem:s26], [sflag:$0x6], $0x80, v4, vm0, $0xb8;
	[tilespmem:$0x10100] =	vst v63  }
0x275: {  	s28 =	simm.s32 $0x8880;
	v3 =	vperm.xlane v3, v2  }
0x276: {  	[hbm4b:s5+s4] =	stream.indirect_vreg.scatter [tilespmem:s28], [sflag:$0x6], $0x80, v4, vm0, $0xb8;
	[tilespmem:$0x10100] =	vst v63  }
0x277: {  	s29 =	simm.s32 $0x9080;
	v3 =	vadd.s32 v1, v3  }
0x278: {  	[hbm4b:s6+s4] =	stream.indirect_vreg.scatter [tilespmem:s29], [sflag:$0x6], $0x80, v4, vm0, $0xb8;
	[tilespmem:$0x10100] =	vst v63  }
0x279: {  	_ = 	snop  }
0x27a: {  	[hbm4b:s7+s4] =	stream.indirect_vreg.scatter [tilespmem:s12], [sflag:$0x6], $0x80, v4, vm0, $0xb8;
	[tilespmem:$0x10100] =	vst v63  }
0x27b: {  	_ = 	snop  }
0x27c: {  	[hbm4b:s1+s4] =	stream.indirect_vreg.scatter [tilespmem:s13], [sflag:$0x6], $0x80, v3, vm0, $0xb8;
	[tilespmem:$0x10100] =	vst v63  }
0x27d: {  	_ = 	snop  }
0x27e: {  	[hbm4b:s5+s4] =	stream.indirect_vreg.scatter [tilespmem:s14], [sflag:$0x6], $0x80, v3, vm0, $0xb8;
	[tilespmem:$0x10100] =	vst v63  }
0x27f: {  	_ = 	snop  }
0x280: {  	[hbm4b:s6+s4] =	stream.indirect_vreg.scatter [tilespmem:s15], [sflag:$0x6], $0x80, v3, vm0, $0xb8;
	[tilespmem:$0x10100] =	vst v63  }
0x281: {  	_ = 	snop  }
0x282: {  	[hbm4b:s7+s4] =	stream.indirect_vreg.scatter [tilespmem:s16], [sflag:$0x6], $0x80, v3, vm0, $0xb8;
	[tilespmem:$0x10100] =	vst v63  }
0x283: {  	_ =	swait.ge [sflag:s23], $0x4000  }
0x284: {  	[sflag:s23] =	ssyncset.done $0x0  }
0x285: {  	s17 =	simm.s32 $0x10080;
	s8 =	rddreg [dreg:$0x11];
	[sflag:s23] =	ssyncadd.s32 $0xFFFFC000  }
0x286: {  	[tilespmem:s17], [sflag:$0x7] =	stream.linear.gather [hbm4b:s8+s4], $0x10, $0x38;
	[tilespmem:$0x10100] =	vst v63  }
0x287: {  	_ =	swait.ge [sflag:s25], $0x10  }
0x288: {  	[sflag:s25] =	ssyncset.done $0x0  }
0x289: {  	[sflag:s25] =	ssyncadd.s32 $0xFFFFFFF0  }
0x28a: {  	v3 =	vld [tilespmem:$0x10080];
	_ =	sdelay $0x4  }
0x28b: {  	v4 =	vshll.u32 v3, $0x3  }
0x28c: {  	v3 =	vand.u32 $0x7, v3;
	v4 =	vand.u32 $0xFFFFFFC0, v4  }
0x28d: {  	v3 =	vor.u32 v3, v4  }
0x28e: {  	v4 =	vperm.xlane v3, v0;
	_ =	sdelay $0x1  }
0x28f: {  	v4 =	vadd.s32 v1, v4;
	_ =	sdelay $0x4  }
0x290: {  	[tilespmem:s26], [sflag:$0x4] =	stream.indirect_vreg.gather [hbm4b:s1+s4], $0x80, v4, vm0, $0xb8;
	[tilespmem:$0x10100] =	vst v63  }
0x291: {  	v3 =	vperm.xlane v3, v2  }
0x292: {  	[tilespmem:s28], [sflag:$0x4] =	stream.indirect_vreg.gather [hbm4b:s5+s4], $0x80, v4, vm0, $0xb8;
	[tilespmem:$0x10100] =	vst v63  }
0x293: {  	v3 =	vadd.s32 v1, v3  }
0x294: {  	[tilespmem:s29], [sflag:$0x4] =	stream.indirect_vreg.gather [hbm4b:s6+s4], $0x80, v4, vm0, $0xb8;
	[tilespmem:$0x10100] =	vst v63  }
0x295: {  	_ = 	snop  }
0x296: {  	[tilespmem:s12], [sflag:$0x4] =	stream.indirect_vreg.gather [hbm4b:s7+s4], $0x80, v4, vm0, $0xb8;
	[tilespmem:$0x10100] =	vst v63  }
0x297: {  	_ = 	snop  }
0x298: {  	[tilespmem:s13], [sflag:$0x4] =	stream.indirect_vreg.gather [hbm4b:s1+s4], $0x80, v3, vm0, $0xb8;
	[tilespmem:$0x10100] =	vst v63  }
0x299: {  	_ = 	snop  }
0x29a: {  	[tilespmem:s14], [sflag:$0x4] =	stream.indirect_vreg.gather [hbm4b:s5+s4], $0x80, v3, vm0, $0xb8;
	[tilespmem:$0x10100] =	vst v63  }
0x29b: {  	_ = 	snop  }
0x29c: {  	[tilespmem:s15], [sflag:$0x4] =	stream.indirect_vreg.gather [hbm4b:s6+s4], $0x80, v3, vm0, $0xb8;
	[tilespmem:$0x10100] =	vst v63  }
0x29d: {  	_ = 	snop  }
0x29e: {  	[tilespmem:s16], [sflag:$0x4] =	stream.indirect_vreg.gather [hbm4b:s7+s4], $0x80, v3, vm0, $0xb8;
	[tilespmem:$0x10100] =	vst v63  }
0x29f: {  	s28 =	rddreg [dreg:$0x12];
	s29 =	simm.s32 $0xC080  }
0x2a0: {  	[tilespmem:s29], [sflag:$0x5] =	stream.linear.gather [hbm4b:s28+s4], $0x4000, $0x38;
	[tilespmem:$0x10100] =	vst v63  }
0x2a1: {  	_ =	swait.ge [sflag:s18], $0x4000  }
0x2a2: {  	s17 =	simm.s32 $0x0;
	[sflag:s18] =	ssyncset.done $0x0  }
0x2a3: {  	s8 =	sand.u32 $0x2000, s17;
	[sflag:s18] =	ssyncadd.s32 $0xFFFFC000  }
0x2a4: {  	s26 =	sand.u32 $0x1C00, s4;
	s28 =	simm.s32 $0x0;
	_ =	swait.ge [sflag:s19], $0x4000  }
0x2a5: {  	s8 =	sor.u32 s26, s8;
	s29 =	sand.u32 $0x380, s28;
	[sflag:s19] =	ssyncset.done $0x0  }
0x2a6: {  	s8 =	sor.u32 s29, s8;
	[sflag:s19] =	ssyncadd.s32 $0xFFFFC000  }
0x2a7: {  	v10 =	vld [tilespmem:s8+$0x4000]  }
0x2a8: {  	v9 =	vld [tilespmem:s8+$0x4010]  }
0x2a9: {  	v8 =	vld [tilespmem:s8+$0x4020]  }
0x2aa: {  	v7 =	vld [tilespmem:s8+$0x4030]  }
0x2ab: {  	v6 =	vld [tilespmem:s8+$0x4040]  }
0x2ac: {  	v5 =	vld [tilespmem:s8+$0x4050]  }
0x2ad: {  	v4 =	vld [tilespmem:s8+$0x4060]  }
0x2ae: {  	v3 =	vld [tilespmem:s8+$0x4070]  }
0x2af: {  	v13 =	vld [tilespmem:s8+$0x0]  }
0x2b0: {  	v12 =	vld [tilespmem:s8+$0x10]  }
0x2b1: {  	s17 =	simm.s32 $0x0;
	v11 =	vld [tilespmem:s8+$0x20]  }
.LBB2_14:
0x2b2: {  	s17 =	sadd.s32 $0x8, s17;
	v14 =	vld [tilespmem:s8+$0x30]  }
0x2b3: {  	s4 =	sadd.s32 $0x400, s4;
	s26 =	sshll.u32 s17, $0x4;
	p0 =	slt.u32 s17, $0x3F8;
	v15 =	vld [tilespmem:s8+$0x40]  }
0x2b4: {  	s28 =	sand.u32 $0x1C00, s4;
	s29 =	sshll.u32 s17, $0x1;
	s26 =	sand.u32 $0x2000, s26;
	v10 =	vadd.f32 v10, v13;
	v13 =	vld [tilespmem:s8+$0x50]  }
0x2b5: {  	s26 =	sor.u32 s28, s26;
	s28 =	sand.u32 $0x380, s29;
	v9 =	vadd.f32 v9, v12;
	v12 =	vld [tilespmem:s8+$0x60]  }
0x2b6: {  	s26 =	sor.u32 s28, s26;
	[tilespmem:s8+$0x0] =	vst v10;
	v8 =	vadd.f32 v8, v11;
	v11 =	vld [tilespmem:s8+$0x70]  }
0x2b7: {  	v10 =	vld [tilespmem:s26+$0x4000];
	[tilespmem:s8+$0x10] =	vst v9;
	v7 =	vadd.f32 v7, v14  }
0x2b8: {  	v9 =	vld [tilespmem:s26+$0x4010];
	[tilespmem:s8+$0x20] =	vst v8;
	v6 =	vadd.f32 v6, v15  }
0x2b9: {  	v8 =	vld [tilespmem:s26+$0x4020];
	[tilespmem:s8+$0x30] =	vst v7;
	v5 =	vadd.f32 v5, v13  }
0x2ba: {  	v7 =	vld [tilespmem:s26+$0x4030];
	[tilespmem:s8+$0x40] =	vst v6;
	v4 =	vadd.f32 v4, v12  }
0x2bb: {  	v6 =	vld [tilespmem:s26+$0x4040];
	[tilespmem:s8+$0x50] =	vst v5;
	v3 =	vadd.f32 v3, v11  }
0x2bc: {  	v5 =	vld [tilespmem:s26+$0x4050];
	[tilespmem:s8+$0x60] =	vst v4  }
.Ltmp6:
0x2bd: {  	v4 =	vld [tilespmem:s26+$0x4060];
	[tilespmem:s8+$0x70] =	vst v3;
	s8 =	smov.u32 s26;
	(pc) =	sbr.rel @p0 .LBB2_14-.Ltmp6, $4  }
0x2be: {  	v3 =	vld [tilespmem:s8+$0x4070]  }
0x2bf: {  	v13 =	vld [tilespmem:s8+$0x0]  }
0x2c0: {  	v12 =	vld [tilespmem:s8+$0x10]  }
0x2c1: {  	v11 =	vld [tilespmem:s8+$0x20]  }
0x2c2: {  	v14 =	vld [tilespmem:s8+$0x30]  }
0x2c3: {  	v15 =	vld [tilespmem:s8+$0x40]  }
0x2c4: {  	v10 =	vadd.f32 v10, v13;
	v13 =	vld [tilespmem:s8+$0x50]  }
0x2c5: {  	v9 =	vadd.f32 v9, v12;
	v12 =	vld [tilespmem:s8+$0x60]  }
0x2c6: {  	[tilespmem:s8+$0x0] =	vst v10;
	v8 =	vadd.f32 v8, v11;
	v10 =	vld [tilespmem:s8+$0x70]  }
0x2c7: {  	[tilespmem:s8+$0x10] =	vst v9;
	v7 =	vadd.f32 v7, v14  }
0x2c8: {  	v6 =	vadd.f32 v6, v15;
	[tilespmem:s8+$0x20] =	vst v8  }
0x2c9: {  	[tilespmem:s8+$0x30] =	vst v7;
	v5 =	vadd.f32 v5, v13  }
0x2ca: {  	[tilespmem:s8+$0x40] =	vst v6;
	v4 =	vadd.f32 v4, v12  }
0x2cb: {  	[tilespmem:s8+$0x50] =	vst v5;
	v3 =	vadd.f32 v3, v10  }
0x2cc: {  	[tilespmem:s8+$0x60] =	vst v4  }
0x2cd: {  	[tilespmem:s8+$0x70] =	vst v3  }
0x2ce: {  	v3 =	vld [tilespmem:$0x8000];
	_ =	sdelay $0x4  }
0x2cf: {  	v4 =	vshll.u32 v3, $0x3  }
0x2d0: {  	v3 =	vand.u32 $0x7, v3;
	v4 =	vand.u32 $0xFFFFFFC0, v4  }
0x2d1: {  	v3 =	vor.u32 v3, v4  }
0x2d2: {  	v4 =	vperm.xlane v3, v0;
	_ =	sdelay $0x1  }
0x2d3: {  	v4 =	vadd.s32 v1, v4;
	_ =	sdelay $0x3  }
0x2d4: {  	s4 =	simm.s32 $0x0  }
0x2d5: {  	[hbm4b:s1+s4] =	stream.indirect_vreg.scatter [tilespmem:s4], [sflag:$0x3], $0x80, v4, vm0, $0xb8;
	[tilespmem:$0x10100] =	vst v63  }
0x2d6: {  	v3 =	vperm.xlane v3, v2  }
0x2d7: {  	[hbm4b:s5+s4] =	stream.indirect_vreg.scatter [tilespmem:s30], [sflag:$0x3], $0x80, v4, vm0, $0xb8;
	[tilespmem:$0x10100] =	vst v63  }
0x2d8: {  	v3 =	vadd.s32 v1, v3  }
0x2d9: {  	[hbm4b:s6+s4] =	stream.indirect_vreg.scatter [tilespmem:s31], [sflag:$0x3], $0x80, v4, vm0, $0xb8;
	[tilespmem:$0x10100] =	vst v63  }
0x2da: {  	_ = 	snop  }
0x2db: {  	[hbm4b:s7+s4] =	stream.indirect_vreg.scatter [tilespmem:s0], [sflag:$0x3], $0x80, v4, vm0, $0xb8;
	[tilespmem:$0x10100] =	vst v63  }
0x2dc: {  	_ = 	snop  }
0x2dd: {  	[hbm4b:s1+s4] =	stream.indirect_vreg.scatter [tilespmem:s2], [sflag:$0x3], $0x80, v3, vm0, $0xb8;
	[tilespmem:$0x10100] =	vst v63  }
0x2de: {  	_ = 	snop  }
0x2df: {  	[hbm4b:s5+s4] =	stream.indirect_vreg.scatter [tilespmem:s9], [sflag:$0x3], $0x80, v3, vm0, $0xb8;
	[tilespmem:$0x10100] =	vst v63  }
0x2e0: {  	_ = 	snop  }
0x2e1: {  	[hbm4b:s6+s4] =	stream.indirect_vreg.scatter [tilespmem:s10], [sflag:$0x3], $0x80, v3, vm0, $0xb8;
	[tilespmem:$0x10100] =	vst v63  }
0x2e2: {  	_ = 	snop  }
0x2e3: {  	[hbm4b:s7+s4] =	stream.indirect_vreg.scatter [tilespmem:s11], [sflag:$0x3], $0x80, v3, vm0, $0xb8;
	[tilespmem:$0x10100] =	vst v63  }
0x2e4: {  	_ =	swait.ge [sflag:s21], $0x4000  }
0x2e5: {  	[sflag:s21] =	ssyncset.done $0x0  }
0x2e6: {  	s28 =	simm.s32 $0x0;
	s26 =	simm.s32 $0x0;
	[sflag:s21] =	ssyncadd.s32 $0xFFFFC000  }
0x2e7: {  	s17 =	sand.u32 $0x1C00, s4;
	s8 =	sand.u32 $0x2000, s28;
	_ =	swait.ge [sflag:s22], $0x4000  }
0x2e8: {  	s29 =	sand.u32 $0x380, s26;
	s8 =	sor.u32 s17, s8;
	[sflag:s22] =	ssyncset.done $0x0  }
0x2e9: {  	s8 =	sor.u32 s29, s8;
	[sflag:s22] =	ssyncadd.s32 $0xFFFFC000  }
0x2ea: {  	v10 =	vld [tilespmem:s8+$0xC080]  }
0x2eb: {  	v9 =	vld [tilespmem:s8+$0xC090]  }
0x2ec: {  	v8 =	vld [tilespmem:s8+$0xC0A0]  }
0x2ed: {  	v7 =	vld [tilespmem:s8+$0xC0B0]  }
0x2ee: {  	v6 =	vld [tilespmem:s8+$0xC0C0]  }
0x2ef: {  	v5 =	vld [tilespmem:s8+$0xC0D0]  }
0x2f0: {  	v4 =	vld [tilespmem:s8+$0xC0E0]  }
0x2f1: {  	v3 =	vld [tilespmem:s8+$0xC0F0]  }
0x2f2: {  	v13 =	vld [tilespmem:s8+$0x8080]  }
0x2f3: {  	v12 =	vld [tilespmem:s8+$0x8090]  }
0x2f4: {  	s17 =	simm.s32 $0x0;
	v11 =	vld [tilespmem:s8+$0x80A0]  }
.LBB2_16:
0x2f5: {  	s17 =	sadd.s32 $0x8, s17;
	v14 =	vld [tilespmem:s8+$0x80B0]  }
0x2f6: {  	s4 =	sadd.s32 $0x400, s4;
	s26 =	sshll.u32 s17, $0x4;
	p0 =	slt.u32 s17, $0x3F8;
	v15 =	vld [tilespmem:s8+$0x80C0]  }
0x2f7: {  	s28 =	sand.u32 $0x1C00, s4;
	s29 =	sshll.u32 s17, $0x1;
	s26 =	sand.u32 $0x2000, s26;
	v10 =	vadd.f32 v10, v13;
	v13 =	vld [tilespmem:s8+$0x80D0]  }
0x2f8: {  	s26 =	sor.u32 s28, s26;
	s28 =	sand.u32 $0x380, s29;
	v9 =	vadd.f32 v9, v12;
	v12 =	vld [tilespmem:s8+$0x80E0]  }
0x2f9: {  	s26 =	sor.u32 s28, s26;
	[tilespmem:s8+$0x8080] =	vst v10;
	v8 =	vadd.f32 v8, v11;
	v11 =	vld [tilespmem:s8+$0x80F0]  }
0x2fa: {  	v10 =	vld [tilespmem:s26+$0xC080];
	[tilespmem:s8+$0x8090] =	vst v9;
	v7 =	vadd.f32 v7, v14  }
0x2fb: {  	v9 =	vld [tilespmem:s26+$0xC090];
	[tilespmem:s8+$0x80A0] =	vst v8;
	v6 =	vadd.f32 v6, v15  }
0x2fc: {  	v8 =	vld [tilespmem:s26+$0xC0A0];
	[tilespmem:s8+$0x80B0] =	vst v7;
	v5 =	vadd.f32 v5, v13  }
0x2fd: {  	v7 =	vld [tilespmem:s26+$0xC0B0];
	[tilespmem:s8+$0x80C0] =	vst v6;
	v4 =	vadd.f32 v4, v12  }
0x2fe: {  	v6 =	vld [tilespmem:s26+$0xC0C0];
	[tilespmem:s8+$0x80D0] =	vst v5;
	v3 =	vadd.f32 v3, v11  }
0x2ff: {  	v5 =	vld [tilespmem:s26+$0xC0D0];
	[tilespmem:s8+$0x80E0] =	vst v4  }
.Ltmp7:
0x300: {  	v4 =	vld [tilespmem:s26+$0xC0E0];
	[tilespmem:s8+$0x80F0] =	vst v3;
	s8 =	smov.u32 s26;
	(pc) =	sbr.rel @p0 .LBB2_16-.Ltmp7, $4  }
0x301: {  	v3 =	vld [tilespmem:s8+$0xC0F0]  }
0x302: {  	v13 =	vld [tilespmem:s8+$0x8080]  }
0x303: {  	v12 =	vld [tilespmem:s8+$0x8090]  }
0x304: {  	v11 =	vld [tilespmem:s8+$0x80A0]  }
0x305: {  	v14 =	vld [tilespmem:s8+$0x80B0]  }
0x306: {  	v15 =	vld [tilespmem:s8+$0x80C0]  }
0x307: {  	v60 =	vld [tilespmem:s8+$0x80D0];
	v10 =	vadd.f32 v10, v13  }
0x308: {  	v61 =	vld [tilespmem:s8+$0x80E0];
	v9 =	vadd.f32 v9, v12  }
0x309: {  	v62 =	vld [tilespmem:s8+$0x80F0];
	[tilespmem:s8+$0x8080] =	vst v10;
	v8 =	vadd.f32 v8, v11  }
0x30a: {  	[tilespmem:s8+$0x8090] =	vst v9;
	v7 =	vadd.f32 v7, v14  }
0x30b: {  	v6 =	vadd.f32 v6, v15;
	[tilespmem:s8+$0x80A0] =	vst v8  }
0x30c: {  	v5 =	vadd.f32 v5, v60;
	[tilespmem:s8+$0x80B0] =	vst v7  }
0x30d: {  	v4 =	vadd.f32 v4, v61;
	[tilespmem:s8+$0x80C0] =	vst v6  }
0x30e: {  	v3 =	vadd.f32 v3, v62;
	[tilespmem:s8+$0x80D0] =	vst v5  }
0x30f: {  	[tilespmem:s8+$0x80E0] =	vst v4  }
0x310: {  	[tilespmem:s8+$0x80F0] =	vst v3  }
0x311: {  	v3 =	vld [tilespmem:$0x10080];
	_ =	sdelay $0x4  }
0x312: {  	v63 =	vshll.u32 v3, $0x3  }
0x313: {  	v3 =	vand.u32 $0x7, v3;
	v4 =	vand.u32 $0xFFFFFFC0, v63  }
0x314: {  	v3 =	vor.u32 v3, v4  }
0x315: {  	v4 =	vperm.xlane v3, v0;
	_ =	sdelay $0x1  }
0x316: {  	v4 =	vadd.s32 v1, v4;
	_ =	sdelay $0x3  }
0x317: {  	s17 =	simm.s32 $0x8080  }
0x318: {  	[hbm4b:s1+s3] =	stream.indirect_vreg.scatter [tilespmem:s17], [sflag:$0x6], $0x80, v4, vm0, $0xb8;
	[tilespmem:$0x10100] =	vst v63  }
0x319: {  	s26 =	simm.s32 $0x8880;
	v3 =	vperm.xlane v3, v2  }
0x31a: {  	[hbm4b:s5+s3] =	stream.indirect_vreg.scatter [tilespmem:s26], [sflag:$0x6], $0x80, v4, vm0, $0xb8;
	[tilespmem:$0x10100] =	vst v63  }
0x31b: {  	s28 =	simm.s32 $0x9080;
	v3 =	vadd.s32 v1, v3  }
0x31c: {  	[hbm4b:s6+s3] =	stream.indirect_vreg.scatter [tilespmem:s28], [sflag:$0x6], $0x80, v4, vm0, $0xb8;
	[tilespmem:$0x10100] =	vst v63  }
0x31d: {  	_ = 	snop  }
0x31e: {  	[hbm4b:s7+s3] =	stream.indirect_vreg.scatter [tilespmem:s12], [sflag:$0x6], $0x80, v4, vm0, $0xb8;
	[tilespmem:$0x10100] =	vst v63  }
0x31f: {  	_ = 	snop  }
0x320: {  	[hbm4b:s1+s3] =	stream.indirect_vreg.scatter [tilespmem:s13], [sflag:$0x6], $0x80, v3, vm0, $0xb8;
	[tilespmem:$0x10100] =	vst v63  }
0x321: {  	_ = 	snop  }
0x322: {  	[hbm4b:s5+s3] =	stream.indirect_vreg.scatter [tilespmem:s14], [sflag:$0x6], $0x80, v3, vm0, $0xb8;
	[tilespmem:$0x10100] =	vst v63  }
0x323: {  	_ = 	snop  }
0x324: {  	[hbm4b:s6+s3] =	stream.indirect_vreg.scatter [tilespmem:s15], [sflag:$0x6], $0x80, v3, vm0, $0xb8;
	[tilespmem:$0x10100] =	vst v63  }
0x325: {  	_ = 	snop  }
0x326: {  	[hbm4b:s7+s3] =	stream.indirect_vreg.scatter [tilespmem:s16], [sflag:$0x6], $0x80, v3, vm0, $0xb8;
	[tilespmem:$0x10100] =	vst v63  }
0x327: {  	_ =	swait.ge [sflag:s20], $0x4000  }
0x328: {  	[sflag:s20] =	ssyncset.done $0x0  }
0x329: {  	[sflag:s20] =	ssyncadd.s32 $0xFFFFC000  }
0x32a: {  	_ =	swait.ge [sflag:s23], $0x4000  }
0x32b: {  	s24 =	sadd.s32 $0x1, s24;
	s4 =	rddreg [dreg:$0x13]  }
0x32c: {  	p0 =	sne.s32 s24, s4  }
.Ltmp8:
0x32d: {  	_ = 	snop;
	(pc) =	sbr.rel @p0 .LBB2_1-.Ltmp8, $3  }
0x32e: {  	_ =	sdelay $0x1  }
0x32f: {  	[sflag:s23] =	ssyncset.done $0x0  }
0x330: {  	[sflag:s23] =	ssyncadd.s32 $0xFFFFC000  }
0x331: {  	_ =	sfence.sel $0x180000  }
0x332: {  	[bflag:$0x0] =	sbarrier.arrive $0xFFFF  }
0x333: {  	_ =	strace $0x9000004D  }
0x334: {  	s0 =	stileid.u32;
	[bflag:$0x2] =	sbarrier.arrive $0xFFFF  }
0x335: {  	p0 =	sne.s32 s0, $0x0;
	s0 =	rddreg [dreg:$0x2]  }
0x336: {  	s0 =	sadd.s32 @!p0 $0x100000, s0  }
0x337: {  	[sflag:s0] =	ssyncadd.tile.s32 @!p0 $0x1;
	_ =	shalt  }
.Lfunc_end2:
_tile_overlayer_lowered:
.L_overlay_start_2:
0x338: {  	(tag) =	ssettag $0x2  }
0x339: {  	s0 =	rddreg [dreg:$0x0];
	s2 =	stileid.u32  }
0x33a: {  	s1 =	rddreg [dreg:$0x1];
	p0 =	sne.s32 s2, $0x0  }
0x33b: {  	s3 =	rddreg [dreg:$0x2];
	[bflag:$0x3] =	sbarrier.arrive $0xFFFF;
	s2 =	simm.s32 @!p0 $0x1C07  }
0x33c: {  	[timem:s3], [sflag:s2] =	dma.local @!p0 [hbm:s0], s1  }
0x33d: {  	s0 =	simm.s32 @!p0 $0x7  }
0x33e: {  	_ =	swait.ge @!p0 [sflag:s0], s1  }
0x33f: {  	s1 =	ssub.s32 @!p0 $0x0, s1;
	[sflag:s0] =	ssyncset.done @!p0 $0x0  }
0x340: {  	[sflag:s0] =	ssyncadd.s32 @!p0 s1  }
0x341: {  	[bflag:$0x3] =	sbarrier.arrive $0xFFFF  }
0x342: {  	_ =	shalt  }

// kernel: kernel.7.cloned.1.call-start
scs
__scs_entry_jumppad:
0x0: {  	(pc) =	sbr.rel $0x88, $3  }
0x1: {  	(tag) =	ssettag $0x0;
	lr =	simm.s32 $0x1  }
0x2: {  	[smem:$0x3F95] =	sst lr;
	_ =	strace $0xD0000000  }
0x3: {  	_ = 	snop  }
0x4: {  	_ = 	snop  }
0x5: {  	_ = 	snop  }
0x6: {  	_ = 	snop  }
0x7: {  	_ = 	snop  }
__scs_overlays_trampoline_lowered:
0x8: {  	[smem:$0x3FA4] =	sst s0  }
0x9: {  	[smem:$0x3FA5] =	sst s1  }
0xa: {  	[smem:$0x3FA6] =	sst s2  }
0xb: {  	[smem:$0x3FA7] =	sst s3  }
0xc: {  	[smem:$0x3FA8] =	sst s4  }
0xd: {  	[smem:$0x3FA9] =	sst s5  }
0xe: {  	[smem:$0x3FAA] =	sst s6  }
0xf: {  	[smem:$0x3FAB] =	sst s7  }
0x10: {  	[smem:$0x3FAC] =	sst s8  }
0x11: {  	[smem:$0x3FAD] =	sst s9;
	s0 =	simm.s32 @!p0 $0x0  }
0x12: {  	s1 =	sld [smem:$0x3F93];
	s0 =	simm.s32 @p0 $0x1  }
0x13: {  	[smem:$0x3FAE] =	sst s0;
	s0 =	simm.s32 @!p1 $0x0  }
0x14: {  	s2 =	sld [smem:$0x3F92];
	s0 =	simm.s32 @p1 $0x1  }
0x15: {  	[smem:$0x3FAF] =	sst s0;
	s0 =	simm.s32 @!p2 $0x0  }
0x16: {  	s3 =	sld [smem:$0x3FDB];
	s0 =	simm.s32 @p2 $0x1  }
0x17: {  	s4 =	simm.s32 $0x1BF5;
	[smem:$0x3FB1] =	sst s0  }
0x18: {  	s0 =	sld [smem:$0x3F94];
	_ =	swait.ge [sflag:s4], $0x0  }
0x19: {  	s7 =	sld [smem:$0x3F95]  }
0x1a: {  	s8 =	sadd.s32 $0xFFFFE003, lr  }
0x1b: {  	s9 =	sadd.s32 $0xFFFFFEF7, lr;
	s5 =	simm.s32 $0xFFFFFFFF;
	p2 =	slt.u32 s8, $0xFFFFF086  }
0x1c: {  	p1 =	slt.u32 s9, $0xF7A;
	s5 =	simm.s32 @!p2 $0x0  }
0x1d: {  	s5 =	simm.s32 @p1 $0x1;
	p0 =	seq.s32 s7, s2  }
0x1e: {  	s7 =	smul.u32 @!p0 $0xF7A, s2;
	p2 =	seq.s32 @!p0 s5, $0x0  }
0x1f: {  	s9 =	smul.u32 $0xF7A, s1;
	s8 =	simm.s32 @!p0 $0x1BF5;
	p2 =	por !p2, p0  }
0x20: {  	[sflag:s8] =	ssyncset.s32 @!p0 $0xFFFFF086;
	s6 =	sadd.s32 @!p0 s3, s7;
	s7 =	simm.s32 @!p0 $0x108  }
0x21: {  	s3 =	sadd.s32 s3, s9;
	s6 =	sadd.s32 @!p0 $0x88, s6;
	s7 =	simm.s32 @p2 $0x1082  }
0x22: {  	[simem:s7], [sflag:s8] =	dma.local @!p0 [hbm:s6], $0xF7A  }
0x23: {  	s9 =	sor.u32 $0xD0000000, s2;
	s6 =	simm.s32 $0x108;
	_ =	swait.ge @!p0 [sflag:s8], $0x0  }
0x24: {  	s3 =	sadd.s32 $0x88, s3;
	s6 =	simm.s32 @!p1 $0x1082;
	[sflag:s4] =	ssyncset.s32 $0xFFFFF086  }
0x25: {  	[simem:s6], [sflag:s4] =	dma.local [hbm:s3], $0xF7A  }
0x26: {  	[smem:$0x3F95] =	sst s1;
	(tag) =	ssettag s2;
	_ =	strace s9  }
0x27: {  	s1 =	sld [smem:$0x3FA5]  }
0x28: {  	s2 =	sld [smem:$0x3FA6]  }
0x29: {  	s4 =	sld [smem:$0x3FA8]  }
0x2a: {  	p0 =	seq.s32 s5, $0x0;
	s5 =	sld [smem:$0x3FA9]  }
0x2b: {  	s6 =	sld [smem:$0x3FAA]  }
0x2c: {  	s7 =	sld [smem:$0x3FAB]  }
0x2d: {  	s3 =	simm.s32 $0x108;
	s8 =	sld [smem:$0x3FAC]  }
0x2e: {  	s3 =	simm.s32 @!p0 $0x1082;
	s9 =	sld [smem:$0x3FAD]  }
0x2f: {  	lr =	sadd.s32 s0, s3;
	s0 =	sld [smem:$0x3FA4]  }
0x30: {  	s3 =	sld [smem:$0x3FA7]  }
0x31: {  	[smem:$0x3FB0] =	sst s10  }
0x32: {  	s10 =	sld [smem:$0x3FAE];
	_ =	sdelay $0x3  }
0x33: {  	p0 =	seq.s32 s10, $0x1;
	s10 =	sld [smem:$0x3FB0];
	_ =	sdelay $0x3  }
0x34: {  	[smem:$0x3FB0] =	sst s10  }
0x35: {  	s10 =	sld [smem:$0x3FAF];
	_ =	sdelay $0x3  }
0x36: {  	p1 =	seq.s32 s10, $0x1;
	s10 =	sld [smem:$0x3FB0];
	_ =	sdelay $0x3  }
0x37: {  	[smem:$0x3FB0] =	sst s10  }
0x38: {  	s10 =	sld [smem:$0x3FB1]  }
0x39: {  	_ = 	snop;
	(pc) =	sbr.ind lr, $3  }
0x3a: {  	_ = 	snop  }
0x3b: {  	_ = 	snop  }
0x3c: {  	p2 =	seq.s32 s10, $0x1;
	s10 =	sld [smem:$0x3FB0]  }
0x3d: {  	_ =	shalt  }
0x3e: {  	_ =	shalt  }
0x3f: {  	_ =	shalt  }
0x40: {  	_ =	shalt  }
0x41: {  	_ =	shalt  }
0x42: {  	_ =	shalt  }
0x43: {  	_ =	shalt  }
0x44: {  	_ =	shalt  }
0x45: {  	_ =	shalt  }
0x46: {  	_ =	shalt  }
0x47: {  	_ =	shalt  }
0x48: {  	_ =	shalt  }
0x49: {  	_ =	shalt  }
0x4a: {  	_ =	shalt  }
0x4b: {  	_ =	shalt  }
0x4c: {  	_ =	shalt  }
0x4d: {  	_ =	shalt  }
0x4e: {  	_ =	shalt  }
0x4f: {  	_ =	shalt  }
0x50: {  	_ =	shalt  }
0x51: {  	_ =	shalt  }
0x52: {  	_ =	shalt  }
0x53: {  	_ =	shalt  }
0x54: {  	_ =	shalt  }
0x55: {  	_ =	shalt  }
0x56: {  	_ =	shalt  }
0x57: {  	_ =	shalt  }
0x58: {  	_ =	shalt  }
0x59: {  	_ =	shalt  }
0x5a: {  	_ =	shalt  }
0x5b: {  	_ =	shalt  }
0x5c: {  	_ =	shalt  }
0x5d: {  	_ =	shalt  }
0x5e: {  	_ =	shalt  }
0x5f: {  	_ =	shalt  }
0x60: {  	_ =	shalt  }
0x61: {  	_ =	shalt  }
0x62: {  	_ =	shalt  }
0x63: {  	_ =	shalt  }
0x64: {  	_ =	shalt  }
0x65: {  	_ =	shalt  }
0x66: {  	_ =	shalt  }
0x67: {  	_ =	shalt  }
0x68: {  	_ =	shalt  }
0x69: {  	_ =	shalt  }
0x6a: {  	_ =	shalt  }
0x6b: {  	_ =	shalt  }
0x6c: {  	_ =	shalt  }
0x6d: {  	_ =	shalt  }
0x6e: {  	_ =	shalt  }
0x6f: {  	_ =	shalt  }
0x70: {  	_ =	shalt  }
0x71: {  	_ =	shalt  }
0x72: {  	_ =	shalt  }
0x73: {  	_ =	shalt  }
0x74: {  	_ =	shalt  }
0x75: {  	_ =	shalt  }
0x76: {  	_ =	shalt  }
0x77: {  	_ =	shalt  }
0x78: {  	_ =	shalt  }
0x79: {  	_ =	shalt  }
0x7a: {  	_ =	shalt  }
0x7b: {  	_ =	shalt  }
0x7c: {  	_ =	shalt  }
0x7d: {  	_ =	shalt  }
0x7e: {  	_ =	shalt  }
0x7f: {  	_ =	shalt  }
0x80: {  	_ =	shalt  }
0x81: {  	_ =	shalt  }
0x82: {  	_ =	shalt  }
0x83: {  	_ =	shalt  }
0x84: {  	_ =	shalt  }
0x85: {  	_ =	shalt  }
0x86: {  	_ =	shalt  }
0x87: {  	_ =	shalt  }
.Lfunc_end0:
.L_simem_size_0:
called_computation_lowered:
.L_overlay_start_0:
0x88: {  	s2 =	sld [smem:$0x3FD9]  }
0x89: {  	s3 =	sld [smem:$0x3FFE];
	_ =	sdelay $0x1  }
0x8a: {  	s1 =	srdreg.scid  }
0x8b: {  	s0 =	sand.u32 $0x1, s1  }
0x8c: {  	s16 =	sshll.u32 s0, $0xA;
	s2 =	sadd.s32 s3, s2  }
0x8d: {  	s2 =	sadd.s32 s2, s16  }
0x8e: {  	[smem:$0x3FBC] =	sst s2  }
0x8f: {  	_ = 	snop  }
0x90: {  	(tm) =	ssettm $0x1  }
0x91: {  	s17 =	sld [smem:$0x3FFB];
	_ =	sdelay $0x3  }
0x92: {  	_ =	strace s17  }
0x93: {  	s2 =	sld [smem:$0x3FFC];
	_ =	sdelay $0x3  }
0x94: {  	_ =	strace s2  }
0x95: {  	s2 =	sld [smem:$0x3FFD];
	_ =	sdelay $0x3  }
0x96: {  	_ =	strace s2  }
0x97: {  	_ =	strace $0x8FFFFFFF  }
0x98: {  	s18 =	sld [smem:$0x3FDB];
	_ =	sdelay $0x1  }
0x99: {  	s19 =	simm.s32 $_scs_section_size  }
0x9a: {  	s4 =	simm.s32 $_size__tile_overlayer_lowered;
	s5 =	simm.s32 $_tile_overlayer_lowered  }
0x9b: {  	s22 =	simm.s32 $0x1BFF;
	s21 =	sshll.u32 s5, $0x1;
	s2 =	sadd.s32 s19, s18  }
0x9c: {  	s6 =	simm.s32 $0x0;
	s20 =	sshll.u32 s4, $0x1;
	s4 =	sadd.s32 s21, s2  }
0x9d: {  	[timem:s6], [sflag:s22] =	dma.local [hbm:s4], s20  }
0x9e: {  	_ =	swait.ge [sflag:s22], s20  }
0x9f: {  	s3 =	ssub.s32 $0x0, s20;
	[sflag:s22] =	ssyncset.done $0x0  }
0xa0: {  	[sflag:s22] =	ssyncadd.s32 s3;
	_ =	sdelay $0x1  }
0xa1: {  	s23 =	simm.s32 $0x1B8B  }
0xa2: {  	_ =	swait.ge [sflag:s23], $0x1  }
0xa3: {  	[sflag:s23] =	ssyncset.done $0x0  }
0xa4: {  	s25 =	simm.s32 $0x1B8E;
	s24 =	sld [smem:$0x3FFE];
	[sflag:s23] =	ssyncadd.s32 $0xFFFFFFFF  }
0xa5: {  	s26 =	simm.s32 $execute0_lowered;
	[smem:$0x3FD2] =	sst s25  }
0xa6: {  	s4 =	sshll.u32 s26, $0x1;
	_ =	strace $0x80000046;
	[dreg:$0x1] =	wrdreg $0xFFFFFFFF  }
0xa7: {  	s28 =	simm.s32 $_size_execute0_lowered;
	s2 =	sadd.s32 s2, s4;
	[dreg:$0x0] =	wrdreg $0x0  }
0xa8: {  	s4 =	sshll.u32 s28, $0x1;
	[dreg:$0x2] =	wrdreg s2  }
0xa9: {  	[dreg:$0x3] =	wrdreg s4  }
0xaa: {  	[dreg:$0x4] =	wrdreg $0xC0  }
0xab: {  	_ =	task [dreg:s6], $0x5FFFF  }
0xac: {  	[dreg:$0x1] =	wrdreg $0xFFFFFFFF  }
0xad: {  	[dreg:$0x0] =	wrdreg $0x60  }
0xae: {  	[dreg:$0x2] =	wrdreg s24  }
0xaf: {  	[dreg:$0x3] =	wrdreg $0x9  }
0xb0: {  	_ =	task.clear_ibuf [dreg:s6], $0x4FFFF;
	_ =	strace $0x90000046  }
0xb1: {  	s29 =	simm.s32 $0x9;
	_ =	strace $0x80000048  }
0xb2: {  	_ =	swait.ge [sflag:s29], $0x1  }
0xb3: {  	[sflag:s29] =	ssyncadd.s32 $0xFFFFFFFF  }
0xb4: {  	_ =	strace $0x90000048  }
0xb5: {  	_ =	sfence  }
0xb6: {  	s30 =	sld [smem:$0x0];
	_ =	sdelay $0x2  }
0xb7: {  	s31 =	sshll.u32 s1, $0xD;
	s1 =	sshrl.u32 s1, $0x2  }
0xb8: {  	s3 =	sand.u32 $0x4000, s31;
	s1 =	sadd.s32 s1, s30  }
0xb9: {  	s0 =	sor.u32 s3, s0;
	s1 =	sshll.u32 s1, $0x11  }
0xba: {  	s0 =	sor.u32 s1, s0  }
0xbb: {  	s0 =	sadd.s32 $0x8F2B, s0  }
0xbc: {  	[sflag:s0] =	ssyncadd.remote.s32 $0x1  }
0xbd: {  	_ =	sfence.sel $0xFFFF  }
0xbe: {  	[dreg:$0x0] =	wrdreg $0xFFFFFFFF;
	(pc) =	sbr.abs _section_cstart, $3  }
0xbf: {  	[dreg:$0x1] =	wrdreg $0xFFFFFFFF  }
0xc0: {  	_ =	task.clear_ibuf [dreg:s6], $0x2FFFF;
	_ =	strace $0x9FFFFFFF  }
0xc1: {  	(tm) =	ssettm $0x7FFFFFFF  }
tec
execute0_lowered:
.L_overlay_start_1:
0x0: {  	(tag) =	ssettag $0x1  }
0x1: {  	s1 =	stileid.u32  }
0x2: {  	p0 =	sgt.u32 s1, $0x1  }
.Ltmp0:
0x3: {  	_ = 	snop;
	(pc) =	sbr.rel @p0 .LBB2_12-.Ltmp0, $4  }
0x4: {  	_ = 	snop  }
0x5: {  	s3 =	rddreg [dreg:$0x0];
	s2 =	simm.s32 $0x0  }
0x6: {  	[smem:$0x7FF] =	sst s2  }
0x7: {  	s0 =	rddreg [dreg:$0x1];
	_ =	strace $0x80000047  }
0x8: {  	s4 =	srdreg.scid  }
0x9: {  	s5 =	sshll.u32 s1, $0x1;
	s4 =	sand.u32 $0x1, s4  }
0xa: {  	s7 =	sadd.s32 $0x2000, s3;
	s5 =	sor.u32 s4, s5;
	s4 =	ssub.s32 $0x2, s4  }
0xb: {  	s9 =	simm.s32 $0x0;
	s6 =	sshll.u32 s5, $0x7;
	s8 =	sshrl.u32 s4, $0x1  }
0xc: {  	s6 =	sadd.s32 s6, s3;
	s3 =	sshll.u32 s5, $0xC;
	s5 =	sshll.u32 s5, $0x9  }
0xd: {  	s8 =	ssub.s32 s4, s8;
	s4 =	sadd.s32 $0x2800, s6;
	s5 =	sadd.s32 s7, s5  }
0xe: {  	v0 =	vimm.s32 $0x0;
	v1 =	vlaneseq.u32;
	s6 =	smax.u32 s8, $0x1;
	s7 =	simm.s32 $0x1;
	s8 =	simm.s32 $0x2000  }
.LBB2_2:
0xf: {  	[tilespmem:s2], [sflag:$0x1] =	stream.linear.gather [hbm4b:s5+s2], $0x1000, $0x38;
	[tilespmem:$0x2400] =	vst v63  }
0x10: {  	_ =	swait.ge [sflag:s7], $0x1000  }
0x11: {  	[sflag:s7] =	ssyncset.done $0x0  }
0x12: {  	s10 =	simm.s32 $0x20;
	[sflag:s7] =	ssyncadd.s32 $0xFFFFF000  }
0x13: {  	v2 =	vld [tilespmem:s10+$0xFFFFFFE0];
	_ =	sdelay $0x4  }
0x14: {  	v3 =	vxor.u32 $0xFFFFFFFF, v2;
	v4 =	vor.u32 $0x80000000, v2;
	vm0 =	vlt.s32 v2, $0x0  }
0x15: {  	s11 =	simm.s32 $0x1020;
	v2 =	vsel vm0, v3, v4  }
0x16: {  	[tilespmem:s11+$0xFFFFFFE0] =	vst v2  }
0x17: {  	v2 =	vld [tilespmem:s10+$0xFFFFFFF0];
	_ =	sdelay $0x4  }
0x18: {  	v3 =	vxor.u32 $0xFFFFFFFF, v2;
	v4 =	vor.u32 $0x80000000, v2;
	vm13 =	vlt.s32 v2, $0x0  }
0x19: {  	v2 =	vsel vm13, v3, v4  }
0x1a: {  	[tilespmem:s11+$0xFFFFFFF0] =	vst v2  }
0x1b: {  	v2 =	vld [tilespmem:s10+$0x0];
	_ =	sdelay $0x4  }
0x1c: {  	v3 =	vxor.u32 $0xFFFFFFFF, v2;
	v4 =	vor.u32 $0x80000000, v2;
	vm14 =	vlt.s32 v2, $0x0  }
0x1d: {  	v2 =	vsel vm14, v3, v4  }
0x1e: {  	[tilespmem:s11+$0x0] =	vst v2  }
0x1f: {  	v2 =	vld [tilespmem:s10+$0x10];
	_ =	sdelay $0x4  }
0x20: {  	v3 =	vxor.u32 $0xFFFFFFFF, v2;
	v4 =	vor.u32 $0x80000000, v2;
	vm15 =	vlt.s32 v2, $0x0  }
0x21: {  	v2 =	vsel vm15, v3, v4  }
0x22: {  	s12 =	simm.s32 $0x0;
	s13 =	simm.s32 $0x60;
	v3 =	vimm.s32 $0x80000000;
	[tilespmem:s11+$0x10] =	vst v2  }
.LBB2_3:
0x23: {  	v2 =	vld [tilespmem:s13+$0xFFFFFFE0];
	s12 =	sadd.s32 $0x4, s12  }
0x24: {  	p0 =	slt.u32 s12, $0xFC;
	_ =	sdelay $0x3  }
0x25: {  	v4 =	vxor.u32 $0xFFFFFFFF, v2;
	v5 =	vor.u32 $0x80000000, v2;
	vm0 =	vlt.s32 v2, $0x0  }
0x26: {  	s11 =	sadd.s32 $0x40, s11;
	v2 =	vsel vm0, v4, v5  }
0x27: {  	[tilespmem:s11+$0xFFFFFFE0] =	vst v2  }
0x28: {  	v2 =	vld [tilespmem:s13+$0xFFFFFFF0];
	_ =	sdelay $0x4  }
0x29: {  	v4 =	vxor.u32 $0xFFFFFFFF, v2;
	v5 =	vor.u32 $0x80000000, v2;
	vm0 =	vlt.s32 v2, $0x0  }
0x2a: {  	v2 =	vsel vm0, v4, v5  }
0x2b: {  	[tilespmem:s11+$0xFFFFFFF0] =	vst v2  }
0x2c: {  	v2 =	vld [tilespmem:s13+$0x0];
	_ =	sdelay $0x4  }
0x2d: {  	v4 =	vxor.u32 $0xFFFFFFFF, v2;
	v5 =	vor.u32 $0x80000000, v2;
	vm0 =	vlt.s32 v2, $0x0  }
0x2e: {  	v2 =	vsel vm0, v4, v5  }
0x2f: {  	[tilespmem:s11+$0x0] =	vst v2  }
0x30: {  	v2 =	vld [tilespmem:s13+$0x10];
	_ =	sdelay $0x2  }
.Ltmp1:
0x31: {  	(pc) =	sbr.rel @p0 .LBB2_3-.Ltmp1, $4  }
0x32: {  	_ = 	snop  }
0x33: {  	v4 =	vxor.u32 $0xFFFFFFFF, v2;
	v5 =	vor.u32 $0x80000000, v2;
	vm0 =	vlt.s32 v2, $0x0  }
0x34: {  	v2 =	vsel vm0, v4, v5  }
0x35: {  	s10 =	simm.s32 $0x0;
	s13 =	sadd.s32 $0x40, s13;
	v4 =	vimm.s32 $0x0;
	[tilespmem:s11+$0x10] =	vst v2  }
0x36: {  	v2 =	vimm.s32 $0x0  }
.LBB2_5:
0x37: {  	s12 =	simm.s32 $0x1040  }
0x38: {  	v7 =	vld [tilespmem:s12+$0xFFFFFFC0]  }
0x39: {  	v8 =	vld [tilespmem:s12+$0xFFFFFFD0]  }
0x3a: {  	v10 =	vld [tilespmem:s12+$0xFFFFFFE0]  }
0x3b: {  	v9 =	vld [tilespmem:s12+$0xFFFFFFF0]  }
0x3c: {  	v5 =	vor.u32 v2, v3;
	v6 =	vld [tilespmem:s12+$0x0]  }
0x3d: {  	vm0 =	vge.u32 v7, v5;
	v7 =	vld [tilespmem:s12+$0x10]  }
0x3e: {  	v11 =	vsel vm0, $0x1, v0;
	vm0 =	vge.u32 v8, v5;
	v8 =	vld [tilespmem:s12+$0x20]  }
0x3f: {  	s11 =	simm.s32 $0x0;
	v11 =	vadd.s32 v11, v4;
	v12 =	vsel vm0, $0x1, v0;
	vm0 =	vge.u32 v10, v5;
	v10 =	vld [tilespmem:s12+$0x30];
	s12 =	simm.s32 $0x10C0  }
.LBB2_6:
0x40: {  	v13 =	vld [tilespmem:s12+$0xFFFFFFC0];
	s11 =	sadd.s32 $0x8, s11;
	v11 =	vadd.s32 v12, v11;
	v12 =	vsel vm0, $0x1, v0;
	vm0 =	vge.u32 v9, v5  }
0x41: {  	v14 =	vld [tilespmem:s12+$0xFFFFFFD0];
	p0 =	slt.u32 s11, $0xF8;
	v9 =	vadd.s32 v12, v11;
	v11 =	vsel vm0, $0x1, v0;
	vm0 =	vge.u32 v6, v5  }
0x42: {  	v15 =	vld [tilespmem:s12+$0xFFFFFFE0];
	v6 =	vadd.s32 v11, v9;
	v11 =	vsel vm0, $0x1, v0;
	vm0 =	vge.u32 v7, v5  }
.Ltmp2:
0x43: {  	v9 =	vld [tilespmem:s12+$0xFFFFFFF0];
	v7 =	vadd.s32 v11, v6;
	v11 =	vsel vm0, $0x1, v0;
	vm0 =	vge.u32 v8, v5;
	(pc) =	sbr.rel @p0 .LBB2_6-.Ltmp2, $4  }
0x44: {  	v6 =	vld [tilespmem:s12+$0x0];
	v8 =	vadd.s32 v11, v7;
	v11 =	vsel vm0, $0x1, v0;
	vm0 =	vge.u32 v10, v5  }
0x45: {  	vm1 =	vge.u32 v13, v5;
	v7 =	vld [tilespmem:s12+$0x10];
	v10 =	vadd.s32 v11, v8;
	v11 =	vsel vm0, $0x1, v0  }
0x46: {  	v12 =	vsel vm1, $0x1, v0;
	vm0 =	vge.u32 v14, v5;
	v8 =	vld [tilespmem:s12+$0x20];
	v10 =	vadd.s32 v11, v10  }
0x47: {  	v11 =	vadd.s32 v12, v10;
	v12 =	vsel vm0, $0x1, v0;
	vm0 =	vge.u32 v15, v5;
	v10 =	vld [tilespmem:s12+$0x30];
	s12 =	sadd.s32 $0x80, s12  }
0x48: {  	v11 =	vadd.s32 v12, v11;
	v60 =	vsel vm0, $0x1, v0;
	vm10 =	vge.u32 v9, v5  }
0x49: {  	v61 =	vadd.s32 v60, v11;
	v62 =	vsel vm10, $0x1, v0;
	vm11 =	vge.u32 v6, v5  }
0x4a: {  	v6 =	vadd.s32 v62, v61;
	v63 =	vsel vm11, $0x1, v0;
	vm12 =	vge.u32 v7, v5  }
0x4b: {  	v6 =	vadd.s32 v63, v6;
	v7 =	vsel vm12, $0x1, v0;
	vm13 =	vge.u32 v8, v5  }
0x4c: {  	v6 =	vadd.s32 v7, v6;
	v7 =	vsel vm13, $0x1, v0;
	vm14 =	vge.u32 v10, v5  }
0x4d: {  	v6 =	vadd.s32 v7, v6;
	v7 =	vsel vm14, $0x1, v0  }
0x4e: {  	v6 =	vadd.s32 v7, v6  }
0x4f: {  	(xrf0) =	vadd.scan.msk.s32 $0xffff, v6;
	_ =	sdelay $0x4  }
0x50: {  	s10 =	sadd.s32 $0x1, s10  }
0x51: {  	p0 =	sne.s32 s10, $0x20;
	v6, _, _ =	vpop (xrf0)  }
.Ltmp3:
0x52: {  	vm15 =	vgt.s32 v6, $0x3FF;
	(pc) =	sbr.rel @p0 .LBB2_5-.Ltmp3, $3  }
0x53: {  	v6 =	vmpcnt.ones.xlane vm15;
	_ =	sdelay $0x1  }
0x54: {  	vm0 =	vgt.s32 v6, $0x0  }
0x55: {  	v3 =	vshrl.u32 v3, $0x1;
	v2 =	vsel vm0, v5, v2  }
0x56: {  	s10 =	simm.s32 $0xFFFFFFFC;
	s11 =	simm.s32 $0x0;
	s12 =	simm.s32 $0x1020  }
0x57: {  	v3 =	vimm.s32 $0x0;
	s13 =	simm.s32 $0x1020;
	s14 =	simm.s32 $0x0;
	s15 =	simm.s32 $0xFFFFFFFC  }
.LBB2_9:
0x58: {  	v4 =	vld [tilespmem:s13+$0xFFFFFFE0];
	_ =	sdelay $0x4  }
0x59: {  	vm0 =	vgt.u32 v4, v2  }
0x5a: {  	v4 =	vsel vm0, $0x1, v0  }
0x5b: {  	(xrf0) =	vadd.scan.msk.s32 $0xffff, v4;
	_ =	sdelay $0x5  }
0x5c: {  	v4, _, _ =	vpop (xrf0)  }
0x5d: {  	v4 =	vadd.s32 v4, v3  }
0x5e: {  	v4 =	vadd.s32 $0xFFFFFFFF, v4;
	_ =	sdelay $0x2  }
0x5f: {  	s16 =	sor.u32 s3, s14  }
0x60: {  	v5 =	vor.u32 s16, v1  }
0x61: {  	[tilespmem:v4+s8+$0x0] =	vst.idx.msk vm0, v5  }
0x62: {  	v4 =	vld [tilespmem:s13+$0xFFFFFFF0];
	_ =	sdelay $0x4  }
0x63: {  	vm1 =	vgt.u32 v4, v2  }
0x64: {  	v4 =	vsel vm1, $0x1, v0  }
0x65: {  	(xrf0) =	vadd.scan.msk.s32 $0xffff, v4;
	_ =	sdelay $0x1  }
0x66: {  	v4 =	vmpcnt.ones.xlane vm0;
	_ =	sdelay $0x3  }
0x67: {  	v3 =	vadd.s32 v3, v4;
	v4, _, _ =	vpop (xrf0)  }
0x68: {  	v4 =	vadd.s32 v4, v3  }
0x69: {  	v4 =	vadd.s32 $0xFFFFFFFF, v4;
	_ =	sdelay $0x1  }
0x6a: {  	s29 =	sadd.s32 $0x10, s14  }
0x6b: {  	s16 =	sor.u32 s3, s29  }
0x6c: {  	v5 =	vor.u32 s16, v1  }
0x6d: {  	[tilespmem:v4+s8+$0x0] =	vst.idx.msk vm1, v5  }
0x6e: {  	v4 =	vld [tilespmem:s13+$0x0];
	_ =	sdelay $0x4  }
0x6f: {  	vm14 =	vgt.u32 v4, v2  }
0x70: {  	v4 =	vsel vm14, $0x1, v0  }
0x71: {  	(xrf0) =	vadd.scan.msk.s32 $0xffff, v4;
	_ =	sdelay $0x1  }
0x72: {  	v4 =	vmpcnt.ones.xlane vm1;
	_ =	sdelay $0x3  }
0x73: {  	v3 =	vadd.s32 v3, v4;
	v4, _, _ =	vpop (xrf0)  }
0x74: {  	v4 =	vadd.s32 v4, v3  }
0x75: {  	v4 =	vadd.s32 $0xFFFFFFFF, v4;
	_ =	sdelay $0x1  }
0x76: {  	s30 =	sadd.s32 $0x20, s14  }
0x77: {  	s16 =	sor.u32 s3, s30  }
0x78: {  	v5 =	vor.u32 s16, v1  }
0x79: {  	[tilespmem:v4+s8+$0x0] =	vst.idx.msk vm14, v5  }
0x7a: {  	v4 =	vld [tilespmem:s13+$0x10];
	_ =	sdelay $0x4  }
0x7b: {  	vm15 =	vgt.u32 v4, v2  }
0x7c: {  	v4 =	vsel vm15, $0x1, v0  }
0x7d: {  	(xrf0) =	vadd.scan.msk.s32 $0xffff, v4;
	_ =	sdelay $0x1  }
0x7e: {  	v4 =	vmpcnt.ones.xlane vm14;
	_ =	sdelay $0x3  }
0x7f: {  	v3 =	vadd.s32 v3, v4;
	v4, _, _ =	vpop (xrf0)  }
0x80: {  	s15 =	sadd.s32 $0x4, s15;
	v4 =	vadd.s32 v4, v3  }
0x81: {  	p0 =	slt.u32 s15, $0xFC;
	v4 =	vadd.s32 $0xFFFFFFFF, v4  }
.Ltmp4:
0x82: {  	_ = 	snop;
	(pc) =	sbr.rel @p0 .LBB2_9-.Ltmp4, $4  }
0x83: {  	s31 =	sadd.s32 $0x30, s14  }
0x84: {  	s16 =	sor.u32 s3, s31;
	v5 =	vmpcnt.ones.xlane vm15  }
0x85: {  	v6 =	vor.u32 s16, v1  }
0x86: {  	s14 =	sadd.s32 $0x40, s14;
	s13 =	sadd.s32 $0x40, s13;
	v3 =	vadd.s32 v3, v5;
	[tilespmem:v4+s8+$0x0] =	vst.idx.msk vm15, v6  }
.LBB2_10:
0x87: {  	v4 =	vld [tilespmem:s12+$0xFFFFFFE0];
	_ =	sdelay $0x4  }
0x88: {  	vm0 =	veq.s32 v4, v2  }
0x89: {  	v4 =	vsel vm0, $0x1, v0  }
0x8a: {  	(xrf0) =	vadd.scan.msk.s32 $0xffff, v4;
	_ =	sdelay $0x5  }
0x8b: {  	v4, _, _ =	vpop (xrf0)  }
0x8c: {  	v4 =	vadd.s32 v4, v3  }
0x8d: {  	v4 =	vadd.s32 $0xFFFFFFFF, v4  }
0x8e: {  	vm1 =	vlt.s32 v4, $0x400  }
0x8f: {  	vm1 =	vmand vm0, vm1;
	_ =	sdelay $0x3  }
0x90: {  	s13 =	sor.u32 s3, s11  }
0x91: {  	v5 =	vor.u32 s13, v1  }
0x92: {  	[tilespmem:v4+s8+$0x0] =	vst.idx.msk vm1, v5  }
0x93: {  	v4 =	vld [tilespmem:s12+$0xFFFFFFF0];
	_ =	sdelay $0x4  }
0x94: {  	vm10 =	veq.s32 v4, v2  }
0x95: {  	v4 =	vsel vm10, $0x1, v0  }
0x96: {  	(xrf0) =	vadd.scan.msk.s32 $0xffff, v4;
	_ =	sdelay $0x1  }
0x97: {  	v4 =	vmpcnt.ones.xlane vm0;
	_ =	sdelay $0x3  }
0x98: {  	v3 =	vadd.s32 v3, v4;
	v4, _, _ =	vpop (xrf0)  }
0x99: {  	v4 =	vadd.s32 v4, v3  }
0x9a: {  	v4 =	vadd.s32 $0xFFFFFFFF, v4  }
0x9b: {  	vm11 =	vlt.s32 v4, $0x400  }
0x9c: {  	vm0 =	vmand vm10, vm11;
	_ =	sdelay $0x2  }
0x9d: {  	s29 =	sadd.s32 $0x10, s11  }
0x9e: {  	s13 =	sor.u32 s3, s29  }
0x9f: {  	v5 =	vor.u32 s13, v1  }
0xa0: {  	[tilespmem:v4+s8+$0x0] =	vst.idx.msk vm0, v5  }
0xa1: {  	v4 =	vld [tilespmem:s12+$0x0];
	_ =	sdelay $0x4  }
0xa2: {  	vm12 =	veq.s32 v4, v2  }
0xa3: {  	v4 =	vsel vm12, $0x1, v0  }
0xa4: {  	(xrf0) =	vadd.scan.msk.s32 $0xffff, v4;
	_ =	sdelay $0x1  }
0xa5: {  	v4 =	vmpcnt.ones.xlane vm10;
	_ =	sdelay $0x3  }
0xa6: {  	v3 =	vadd.s32 v3, v4;
	v4, _, _ =	vpop (xrf0)  }
0xa7: {  	v4 =	vadd.s32 v4, v3  }
0xa8: {  	v4 =	vadd.s32 $0xFFFFFFFF, v4  }
0xa9: {  	vm13 =	vlt.s32 v4, $0x400  }
0xaa: {  	vm1 =	vmand vm12, vm13;
	_ =	sdelay $0x2  }
0xab: {  	s30 =	sadd.s32 $0x20, s11  }
0xac: {  	s13 =	sor.u32 s3, s30  }
0xad: {  	v5 =	vor.u32 s13, v1  }
0xae: {  	[tilespmem:v4+s8+$0x0] =	vst.idx.msk vm1, v5  }
0xaf: {  	v4 =	vld [tilespmem:s12+$0x10];
	_ =	sdelay $0x4  }
0xb0: {  	vm14 =	veq.s32 v4, v2  }
0xb1: {  	v4 =	vsel vm14, $0x1, v0  }
0xb2: {  	(xrf0) =	vadd.scan.msk.s32 $0xffff, v4;
	_ =	sdelay $0x1  }
0xb3: {  	v4 =	vmpcnt.ones.xlane vm12;
	_ =	sdelay $0x3  }
0xb4: {  	v3 =	vadd.s32 v3, v4;
	v4, _, _ =	vpop (xrf0)  }
0xb5: {  	v4 =	vadd.s32 v4, v3  }
0xb6: {  	v4 =	vadd.s32 $0xFFFFFFFF, v4  }
0xb7: {  	vm15 =	vlt.s32 v4, $0x400  }
0xb8: {  	s10 =	sadd.s32 $0x4, s10;
	vm0 =	vmand vm14, vm15  }
0xb9: {  	p0 =	slt.u32 s10, $0xFC  }
.Ltmp5:
0xba: {  	_ = 	snop;
	(pc) =	sbr.rel @p0 .LBB2_10-.Ltmp5, $4  }
0xbb: {  	s31 =	sadd.s32 $0x30, s11  }
0xbc: {  	s13 =	sor.u32 s3, s31;
	v5 =	vmpcnt.ones.xlane vm14  }
0xbd: {  	v6 =	vor.u32 s13, v1  }
0xbe: {  	s11 =	sadd.s32 $0x40, s11;
	s12 =	sadd.s32 $0x40, s12;
	v3 =	vadd.s32 v3, v5;
	[tilespmem:v4+s8+$0x0] =	vst.idx.msk vm0, v6  }
0xbf: {  	s9 =	sadd.s32 $0x1, s9  }
0xc0: {  	p0 =	sne.s32 s9, s6  }
.Ltmp6:
0xc1: {  	_ = 	snop;
	(pc) =	sbr.rel @p0 .LBB2_2-.Ltmp6, $4  }
0xc2: {  	[hbm4b:s4+s2] =	stream.linear.scatter [tilespmem:s8], [sflag:$0x1], $0x400, $0x38;
	[tilespmem:$0x2400] =	vst v63  }
0xc3: {  	_ =	swait.ge [sflag:s7], $0x400  }
0xc4: {  	[sflag:s7] =	ssyncset.done $0x0  }
0xc5: {  	[sflag:s7] =	ssyncadd.s32 $0xFFFFFC00  }
.LBB2_12:
0xc6: {  	_ =	sfence.sel $0x180000  }
0xc7: {  	[bflag:$0x0] =	sbarrier.arrive $0xFFFF  }
0xc8: {  	p0 =	sne.s32 s1, $0x0;
	_ =	strace $0x90000047  }
0xc9: {  	s0 =	sadd.s32 @!p0 $0x100000, s0;
	[bflag:$0x2] =	sbarrier.arrive $0xFFFF  }
0xca: {  	[sflag:s0] =	ssyncadd.tile.s32 @!p0 $0x1;
	_ =	shalt  }
.Lfunc_end2:
_tile_overlayer_lowered:
.L_overlay_start_2:
0xcb: {  	(tag) =	ssettag $0x2  }
0xcc: {  	s0 =	rddreg [dreg:$0x0];
	s2 =	stileid.u32  }
0xcd: {  	s1 =	rddreg [dreg:$0x1];
	p0 =	sne.s32 s2, $0x0  }
0xce: {  	s3 =	rddreg [dreg:$0x2];
	[bflag:$0x3] =	sbarrier.arrive $0xFFFF;
	s2 =	simm.s32 @!p0 $0x1C01  }
0xcf: {  	[timem:s3], [sflag:s2] =	dma.local @!p0 [hbm:s0], s1  }
0xd0: {  	s0 =	simm.s32 @!p0 $0x1  }
0xd1: {  	_ =	swait.ge @!p0 [sflag:s0], s1  }
0xd2: {  	s1 =	ssub.s32 @!p0 $0x0, s1;
	[sflag:s0] =	ssyncset.done @!p0 $0x0  }
0xd3: {  	[sflag:s0] =	ssyncadd.s32 @!p0 s1  }
0xd4: {  	[bflag:$0x3] =	sbarrier.arrive $0xFFFF  }
0xd5: {  	_ =	shalt  }

</sc_bundles>
